<compile_context>
chip_gen: v7x
topology: tpu7x:2x2x1
jax: 0.10.2.dev20260603
libtpu: 0.0.44.dev20260713+nightly
codegen_flags: <defaults>
</compile_context>

<pallas_src>
import functools

import jax
import jax.numpy as jnp
from jax import lax
from jax.experimental import pallas as pl
from jax.experimental.pallas import tpu as pltpu
from jax.experimental.pallas import tpu_sc as plsc

BETA = 0.2
GAMMA = 0.95

L = 16
NS = 16
QW = 32
CH = 400


def _zmax_body(z_ref, o_ref):
    o_ref[...] = jnp.max(z_ref[...], axis=1, keepdims=True)


def _final_body(z_ref, a_ref, b_ref, ac_ref, d0_ref, d1_ref, o_ref):
    zb = z_ref[...]
    q = a_ref[...] + b_ref[...]
    zn = BETA * zb + (1.0 - BETA) * q / (ac_ref[...] + 1e-6)
    deg = d0_ref[0, :, 0:1] + d1_ref[0, :, 0:1]
    o_ref[...] = jnp.where(deg > 0, zn, zb)


def _make_sc_kernel(N, E, D):
    EPT = E // NS
    NCHUNK = EPT // CH
    DPT = E // 2 // NS
    NDCH = DPT // CH
    RPT = N // NS

    mesh = plsc.VectorSubcoreMesh(core_axis_name="c", subcore_axis_name="s")

    @functools.partial(
        pl.kernel,
        out_type=(
            jax.ShapeDtypeStruct((N, D), jnp.float32),
            jax.ShapeDtypeStruct((N, D), jnp.float32),
            jax.ShapeDtypeStruct((N, D), jnp.float32),
            jax.ShapeDtypeStruct((2, N, QW), jnp.float32),
        ),
        mesh=mesh,
        compiler_params=pltpu.CompilerParams(use_tc_tiling_on_sc=False,
                                             needs_layout_passes=False),
        scratch_types=[
            pltpu.VMEM((N, 1), jnp.float32),
            pltpu.VMEM((CH, QW), jnp.float32),
            pltpu.VMEM((CH, QW), jnp.float32),
            pltpu.VMEM((CH,), jnp.int32),
            pltpu.VMEM((CH,), jnp.int32),
            pltpu.VMEM((CH,), jnp.int32),
            pltpu.VMEM((CH,), jnp.int32),
            pltpu.VMEM((CH,), jnp.float32),
            pltpu.VMEM_SHARED((N, QW), jnp.float32),
            pltpu.SemaphoreType.DMA,
            pltpu.SemaphoreType.DMA,
            pltpu.SemaphoreType.DMA,
            pltpu.SemaphoreType.DMA,
        ],
    )
    def sc_kernel(e2_hbm, src_hbm, dst_hbm, zmax_hbm, zrows_hbm,
                  a_out, b_out, ac_out, deg_out,
                  zmaxv, eb0, eb1, sb0, sb1, db0, db1, zsb, acc,
                  lsem0, lsem1, ssem0, ssem1):
        c = lax.axis_index("c")
        s = lax.axis_index("s")
        ebufs, sbufs, dbufs = [eb0, eb1], [sb0, sb1], [db0, db1]
        lsems, ssems = [lsem0, lsem1], [ssem0, ssem1]

        ones16 = jnp.ones((L,), jnp.float32)
        izeros16 = jnp.zeros((L,), jnp.int32)

        r0 = s * RPT
        rows = pl.ds(r0, RPT)
        pltpu.sync_copy(zrows_hbm, acc.at[rows])
        pltpu.sync_copy(zmax_hbm, zmaxv)
        plsc.subcore_barrier()

        def phase(ecol, out_ref, outcol, is_mul, rezero):
            def eslice(g):
                return e2_hbm.at[pl.ds(s * EPT + g * CH, CH), pl.ds(ecol, QW)]

            def islice(g):
                return pl.ds(s * EPT + g * CH, CH)

            def load(g, b):
                pltpu.async_copy(eslice(g), ebufs[b], lsems[b])
                pltpu.async_copy(dst_hbm.at[islice(g)], dbufs[b], lsems[b])
                if is_mul:
                    pltpu.async_copy(src_hbm.at[islice(g)], sbufs[b], lsems[b])

            def wait_load(g, b):
                pltpu.make_async_copy(eslice(g), ebufs[b], lsems[b]).wait()
                pltpu.make_async_copy(
                    dst_hbm.at[islice(g)], dbufs[b], lsems[b]).wait()
                if is_mul:
                    pltpu.make_async_copy(
                        src_hbm.at[islice(g)], sbufs[b], lsems[b]).wait()

            def scatter(b):
                pltpu.async_copy(ebufs[b], acc.at[dbufs[b]], ssems[b],
                                 add=True)

            def wait_scatter(b):
                pltpu.make_async_copy(
                    ebufs[b], acc.at[dbufs[b]], ssems[b]).wait()

            def compute(b):
                def gbody(i, _):
                    idxv = sbufs[b][pl.ds(i * L, L)]
                    zs16 = plsc.load_gather(zmaxv, [idxv, izeros16])
                    zsb[pl.ds(i * L, L)] = GAMMA * zs16
                    return 0
                lax.fori_loop(0, CH // L, gbody, 0)

                def ebody(i, _):
                    zsv = zsb[pl.ds(i * L, L)]
                    for t in range(L):
                        gz = zsv[t]
                        row = i * L + t
                        for j in range(QW // L):
                            cols = pl.ds(j * L, L)
                            ebufs[b][row, cols] = gz * ebufs[b][row, cols]
                    return 0
                lax.fori_loop(0, CH // L, ebody, 0)

            load(0, 0)

            def body(i, _):
                for b in range(2):
                    g = 2 * i + b
                    nb = 1 - b
                    wait_load(g, b)

                    @pl.when(g + 1 < NCHUNK)
                    def _():
                        @pl.when(g >= 1)
                        def _():
                            wait_scatter(nb)
                        load(g + 1, nb)
                    if is_mul:
                        compute(b)
                    scatter(b)
                return 0
            lax.fori_loop(0, NCHUNK // 2, body, 0)
            wait_scatter(0)
            wait_scatter(1)

            plsc.subcore_barrier()
            pltpu.sync_copy(acc.at[rows], out_ref.at[rows, pl.ds(outcol, QW)])
            if rezero:
                pltpu.sync_copy(zrows_hbm, acc.at[rows])
            plsc.subcore_barrier()

        for p in range(2):
            col = p * 2 * QW + c * QW
            phase(D + col, a_out, col, is_mul=True, rezero=True)
        for p in range(2):
            col = p * 2 * QW + c * QW
            phase(col, b_out, col, is_mul=False, rezero=True)
        for p in range(2):
            col = p * 2 * QW + c * QW
            phase(D + col, ac_out, col, is_mul=False, rezero=True)

        def fill_o(i, _):
            for j in range(QW // L):
                eb0[i, pl.ds(j * L, L)] = ones16
            return 0
        lax.fori_loop(0, CH, fill_o, 0)

        def dslice(g):
            return pl.ds(c * (E // 2) + s * DPT + g * CH, CH)

        def dload(g, b):
            pltpu.async_copy(dst_hbm.at[dslice(g)], dbufs[b], lsems[b])

        def dwait_load(g, b):
            pltpu.make_async_copy(dst_hbm.at[dslice(g)], dbufs[b],
                                  lsems[b]).wait()

        def dscatter(b):
            pltpu.async_copy(eb0, acc.at[dbufs[b]], ssems[b], add=True)

        def dwait_scatter(b):
            pltpu.make_async_copy(eb0, acc.at[dbufs[b]], ssems[b]).wait()

        dload(0, 0)

        def dbody(i, _):
            for b in range(2):
                g = 2 * i + b
                nb = 1 - b
                dwait_load(g, b)

                @pl.when(g + 1 < NDCH)
                def _():
                    @pl.when(g >= 1)
                    def _():
                        dwait_scatter(nb)
                    dload(g + 1, nb)
                dscatter(b)
            return 0
        lax.fori_loop(0, NDCH // 2, dbody, 0)
        if NDCH % 2:
            g = NDCH - 1
            dwait_load(g, 0)
            dscatter(0)
        dwait_scatter(0)
        dwait_scatter(1)
        plsc.subcore_barrier()
        pltpu.sync_copy(acc.at[rows], deg_out.at[c, rows])

    return sc_kernel


def kernel(z, edge_index, e):
    N, D = z.shape
    E = e.shape[0]
    src = edge_index[0].astype(jnp.int32)
    dst = edge_index[1].astype(jnp.int32)
    e2 = e.reshape(E, 2 * D)
    zrows = jnp.zeros((N // NS, QW), jnp.float32)

    zmax = pl.pallas_call(
        _zmax_body,
        out_shape=jax.ShapeDtypeStruct((N, 1), jnp.float32),
        grid=(10,),
        in_specs=[pl.BlockSpec((N // 10, D), lambda i: (i, 0))],
        out_specs=pl.BlockSpec((N // 10, 1), lambda i: (i, 0)),
    )(z)

    a_sum, b_sum, ac_sum, deg = _make_sc_kernel(N, E, D)(
        e2, src, dst, zmax, zrows)

    z_out = pl.pallas_call(
        _final_body,
        out_shape=jax.ShapeDtypeStruct((N, D), jnp.float32),
        grid=(10,),
        in_specs=[
            pl.BlockSpec((N // 10, D), lambda i: (i, 0)),
            pl.BlockSpec((N // 10, D), lambda i: (i, 0)),
            pl.BlockSpec((N // 10, D), lambda i: (i, 0)),
            pl.BlockSpec((N // 10, D), lambda i: (i, 0)),
            pl.BlockSpec((1, N // 10, QW), lambda i: (0, i, 0)),
            pl.BlockSpec((1, N // 10, QW), lambda i: (1, i, 0)),
        ],
        out_specs=pl.BlockSpec((N // 10, D), lambda i: (i, 0)),
    )(z, a_sum, b_sum, ac_sum, deg, deg)

    return z_out

# --- scband reference (transcript-rebuilt; emitter-appended) ---
"""Pipeline reference for scband-gnnlayer-1838246003221 (READ-ONLY COPY).

The authoritative reference and input builder live on the scoring server;
editing this copy changes nothing except your own understanding.
"""

import jax, jax.numpy as jnp
import numpy as np

BETA = 0.2
GAMMA = 0.95

def setup_inputs(seed: int = 0) -> dict:
    key = jax.random.key(seed)
    k1, k2, k3 = jax.random.split(key, 3)
    N = 10000
    E = 320000
    D = 128
    z = jax.random.normal(k1, (N, D), dtype=jnp.float32)
    edge_index = jax.random.randint(k2, (2, E), 0, N, dtype=jnp.int64)
    e = jax.random.uniform(k3, (E, 2, D), dtype=jnp.float32)
    return {"z": z, "edge_index": edge_index, "e": e}

def reference(z, edge_index, e):
    # Faithful translation of GNNLayer.bp (g.update_all(message_func, reduce_func))
    # followed by forward(g) which returns g.ndata['z'].
    src = edge_index[0]
    dst = edge_index[1]
    N = z.shape[0]
    E = src.shape[0]
    # message_func: per-edge
    z_src = jnp.take(z, src, axis=0)                       # gather [E, D]
    q = GAMMA * jnp.max(z_src, axis=-1, keepdims=True) * e[:, 1, :] + e[:, 0, :]
    ac = e[:, 1, :]
    # reduce_func: per-dst-node sum over mailbox
    sum_q = jax.ops.segment_sum(q, dst, num_segments=N)    # scatter-add [N, D]
    sum_ac = jax.ops.segment_sum(ac, dst, num_segments=N)
    z_new = BETA * z + (1.0 - BETA) * sum_q / (sum_ac + 1e-06)
    # DGL only applies reduce_func to nodes with incoming messages; zero in-degree
    # nodes keep their old z.
    deg = jax.ops.segment_sum(jnp.ones((E,), dtype=z.dtype), dst, num_segments=N)
    z_out = jnp.where(deg[:, None] > 0, z_new, z)
    return z_out

if __name__ == "__main__":
    import jax
    _d = setup_inputs()
    print(jax.jit(kernel)(*tuple(_d.values())))

</pallas_src>

<mosaic_0001>
#map = affine_map<(d0, d1) -> (0, 0)>
#map1 = affine_map<(d0, d1) -> (0)>
#map2 = affine_map<(d0, d1) -> (0, 0, 0)>
module attributes {stable_mosaic.version = 14 : i64} {
  func.func @sc_kernel(%arg0: i32, %arg1: i32, %arg2: memref<320000x256xf32, #tpu.memory_space<hbm>>, %arg3: memref<320000xi32, #tpu.memory_space<hbm>>, %arg4: memref<320000xi32, #tpu.memory_space<hbm>>, %arg5: memref<10000x1xf32, #tpu.memory_space<hbm>>, %arg6: memref<625x32xf32, #tpu.memory_space<hbm>>, %arg7: memref<10000x128xf32, #tpu.memory_space<hbm>>, %arg8: memref<10000x128xf32, #tpu.memory_space<hbm>>, %arg9: memref<10000x128xf32, #tpu.memory_space<hbm>>, %arg10: memref<2x10000x32xf32, #tpu.memory_space<hbm>>, %arg11: memref<10000x1xf32, #tpu.memory_space<vmem>>, %arg12: memref<400x32xf32, #tpu.memory_space<vmem>>, %arg13: memref<400x32xf32, #tpu.memory_space<vmem>>, %arg14: memref<400xi32, #tpu.memory_space<vmem>>, %arg15: memref<400xi32, #tpu.memory_space<vmem>>, %arg16: memref<400xi32, #tpu.memory_space<vmem>>, %arg17: memref<400xi32, #tpu.memory_space<vmem>>, %arg18: memref<400xf32, #tpu.memory_space<vmem>>, %arg19: memref<10000x32xf32, #tpu.memory_space<vmem_shared>>, %arg20: memref<!tpu.dma_semaphore, #tpu.memory_space<semaphore_mem>>, %arg21: memref<!tpu.dma_semaphore, #tpu.memory_space<semaphore_mem>>, %arg22: memref<!tpu.dma_semaphore, #tpu.memory_space<semaphore_mem>>, %arg23: memref<!tpu.dma_semaphore, #tpu.memory_space<semaphore_mem>>) attributes {dimension_semantics = [#tpu.dimension_semantics<core_parallel>, #tpu.dimension_semantics<subcore_parallel>], iteration_bounds = array<i64: 2, 16>, scalar_prefetch = 0 : i64, scratch_operands = 13 : i64, tpu.core_type = #tpu.core_type<sc_vector_subcore>, window_params = [{transform_indices = #map}, {transform_indices = #map1}, {transform_indices = #map1}, {transform_indices = #map}, {transform_indices = #map}, {transform_indices = #map}, {transform_indices = #map}, {transform_indices = #map}, {transform_indices = #map2}]} {
    %broadcast_in_dim3A = arith.constant 1.000000e+00 : f32
    %broadcast_in_dim3A_0 = vector.broadcast %broadcast_in_dim3A : f32 to vector<16xf32>
    %broadcast_in_dim3A_1 = arith.constant 0 : i32
    %broadcast_in_dim3A_2 = vector.broadcast %broadcast_in_dim3A_1 : i32 to vector<16xi32>
    %mul3A = arith.constant 625 : i32
    %mul3A_3 = arith.muli %arg1, %mul3A : i32
    "tpu.region"() ({
      %run_scoped3A = tpu.sem_alloc : memref<!tpu.dma_semaphore, #tpu.memory_space<semaphore_mem>>
      %dma_start3A_248 = arith.constant 0 : i32
      %dma_start3A_249 = tpu.memref_slice %arg19[%mul3A_3, %dma_start3A_248] : memref<10000x32xf32, #tpu.memory_space<vmem_shared>> -> memref<625x32xf32, #tpu.memory_space<vmem_shared>>
      tpu.enqueue_dma source(%arg6 : memref<625x32xf32, #tpu.memory_space<hbm>>) target(%dma_start3A_249 : memref<625x32xf32, #tpu.memory_space<vmem_shared>>) target_semaphore(%run_scoped3A : memref<!tpu.dma_semaphore, #tpu.memory_space<semaphore_mem>>)
      %dma_wait3A_250 = arith.constant 0 : i32
      %dma_wait3A_251 = tpu.memref_slice %arg19[%mul3A_3, %dma_wait3A_250] : memref<10000x32xf32, #tpu.memory_space<vmem_shared>> -> memref<625x32xf32, #tpu.memory_space<vmem_shared>>
      tpu.wait_dma2 semaphore(%run_scoped3A : memref<!tpu.dma_semaphore, #tpu.memory_space<semaphore_mem>>) src(%arg6 : memref<625x32xf32, #tpu.memory_space<hbm>>) dst(%dma_wait3A_251 : memref<625x32xf32, #tpu.memory_space<vmem_shared>>)
      tpu.yield
    }) : () -> ()
    "tpu.region"() ({
      %run_scoped3A = tpu.sem_alloc : memref<!tpu.dma_semaphore, #tpu.memory_space<semaphore_mem>>
      tpu.enqueue_dma source(%arg5 : memref<10000x1xf32, #tpu.memory_space<hbm>>) target(%arg11 : memref<10000x1xf32, #tpu.memory_space<vmem>>) target_semaphore(%run_scoped3A : memref<!tpu.dma_semaphore, #tpu.memory_space<semaphore_mem>>)
      tpu.wait_dma2 semaphore(%run_scoped3A : memref<!tpu.dma_semaphore, #tpu.memory_space<semaphore_mem>>) src(%arg5 : memref<10000x1xf32, #tpu.memory_space<hbm>>) dst(%arg11 : memref<10000x1xf32, #tpu.memory_space<vmem>>)
      tpu.yield
    }) : () -> ()
    %barrier3A = arith.constant 0 : index
    tpu.barrier barrier_id(%barrier3A)
    %mul3A_4 = arith.constant 32 : i32
    %mul3A_5 = arith.muli %arg0, %mul3A_4 : i32
    %add3A = arith.constant 0 : i32
    %add3A_6 = arith.addi %add3A, %mul3A_5 : i32
    %add3A_7 = arith.constant 128 : i32
    %add3A_8 = arith.addi %add3A_7, %add3A_6 : i32
    %mul3A_9 = arith.constant 20000 : i32
    %mul3A_10 = arith.muli %arg1, %mul3A_9 : i32
    %add3A_11 = arith.constant 0 : i32
    %add3A_12 = arith.addi %mul3A_10, %add3A_11 : i32
    %dma_start3A = tpu.memref_slice %arg2[%add3A_12, %add3A_8] : memref<320000x256xf32, #tpu.memory_space<hbm>> -> memref<400x32xf32, #tpu.memory_space<hbm>>
    %dma_start3A_13 = tpu.memref_slice %arg2[%add3A_12, %add3A_8] : memref<320000x256xf32, #tpu.memory_space<hbm>> -> memref<400x32xf32, #tpu.memory_space<hbm>>
    tpu.enqueue_dma source(%dma_start3A_13 : memref<400x32xf32, #tpu.memory_space<hbm>>) target(%arg12 : memref<400x32xf32, #tpu.memory_space<vmem>>) target_semaphore(%arg20 : memref<!tpu.dma_semaphore, #tpu.memory_space<semaphore_mem>>)
    %mul3A_14 = arith.constant 20000 : i32
    %mul3A_15 = arith.muli %arg1, %mul3A_14 : i32
    %add3A_16 = arith.constant 0 : i32
    %add3A_17 = arith.addi %mul3A_15, %add3A_16 : i32
    %dma_start3A_18 = tpu.memref_slice %arg4[%add3A_17] : memref<320000xi32, #tpu.memory_space<hbm>> -> memref<400xi32, #tpu.memory_space<hbm>>
    %dma_start3A_19 = tpu.memref_slice %arg4[%add3A_17] : memref<320000xi32, #tpu.memory_space<hbm>> -> memref<400xi32, #tpu.memory_space<hbm>>
    tpu.enqueue_dma source(%dma_start3A_19 : memref<400xi32, #tpu.memory_space<hbm>>) target(%arg16 : memref<400xi32, #tpu.memory_space<vmem>>) target_semaphore(%arg20 : memref<!tpu.dma_semaphore, #tpu.memory_space<semaphore_mem>>)
    %mul3A_20 = arith.constant 20000 : i32
    %mul3A_21 = arith.muli %arg1, %mul3A_20 : i32
    %add3A_22 = arith.constant 0 : i32
    %add3A_23 = arith.addi %mul3A_21, %add3A_22 : i32
    %dma_start3A_24 = tpu.memref_slice %arg3[%add3A_23] : memref<320000xi32, #tpu.memory_space<hbm>> -> memref<400xi32, #tpu.memory_space<hbm>>
    %dma_start3A_25 = tpu.memref_slice %arg3[%add3A_23] : memref<320000xi32, #tpu.memory_space<hbm>> -> memref<400xi32, #tpu.memory_space<hbm>>
    tpu.enqueue_dma source(%dma_start3A_25 : memref<400xi32, #tpu.memory_space<hbm>>) target(%arg14 : memref<400xi32, #tpu.memory_space<vmem>>) target_semaphore(%arg20 : memref<!tpu.dma_semaphore, #tpu.memory_space<semaphore_mem>>)
    %scan3A = arith.constant 0 : i32
    %scan3A_26 = arith.constant 0 : i32
    %scan3A_27 = arith.constant 25 : i32
    %scan3A_28 = arith.addi %scan3A_26, %scan3A_27 : i32
    %scan3A_29 = arith.constant 1 : i32
    %scan3A_30 = scf.for %scan3A_248 = %scan3A_26 to %scan3A_28 step %scan3A_29 iter_args(%scan3A_249 = %scan3A) -> (i32)  : i32 {
      %mul3A_250 = arith.constant 2 : i32
      %mul3A_251 = arith.muli %mul3A_250, %scan3A_248 : i32
      %add3A_252 = arith.constant 0 : i32
      %add3A_253 = arith.addi %mul3A_251, %add3A_252 : i32
      %mul3A_254 = arith.constant 20000 : i32
      %mul3A_255 = arith.muli %arg1, %mul3A_254 : i32
      %mul3A_256 = arith.constant 400 : i32
      %mul3A_257 = arith.muli %add3A_253, %mul3A_256 : i32
      %add3A_258 = arith.addi %mul3A_255, %mul3A_257 : i32
      %dma_wait3A_259 = tpu.memref_slice %arg2[%add3A_258, %add3A_8] : memref<320000x256xf32, #tpu.memory_space<hbm>> -> memref<400x32xf32, #tpu.memory_space<hbm>>
      %dma_wait3A_260 = tpu.memref_slice %arg2[%add3A_258, %add3A_8] : memref<320000x256xf32, #tpu.memory_space<hbm>> -> memref<400x32xf32, #tpu.memory_space<hbm>>
      tpu.wait_dma2 semaphore(%arg20 : memref<!tpu.dma_semaphore, #tpu.memory_space<semaphore_mem>>) src(%dma_wait3A_260 : memref<400x32xf32, #tpu.memory_space<hbm>>) dst(%arg12 : memref<400x32xf32, #tpu.memory_space<vmem>>)
      %mul3A_261 = arith.constant 20000 : i32
      %mul3A_262 = arith.muli %arg1, %mul3A_261 : i32
      %mul3A_263 = arith.constant 400 : i32
      %mul3A_264 = arith.muli %add3A_253, %mul3A_263 : i32
      %add3A_265 = arith.addi %mul3A_262, %mul3A_264 : i32
      %dma_wait3A_266 = tpu.memref_slice %arg4[%add3A_265] : memref<320000xi32, #tpu.memory_space<hbm>> -> memref<400xi32, #tpu.memory_space<hbm>>
      %dma_wait3A_267 = tpu.memref_slice %arg4[%add3A_265] : memref<320000xi32, #tpu.memory_space<hbm>> -> memref<400xi32, #tpu.memory_space<hbm>>
      tpu.wait_dma2 semaphore(%arg20 : memref<!tpu.dma_semaphore, #tpu.memory_space<semaphore_mem>>) src(%dma_wait3A_267 : memref<400xi32, #tpu.memory_space<hbm>>) dst(%arg16 : memref<400xi32, #tpu.memory_space<vmem>>)
      %mul3A_268 = arith.constant 20000 : i32
      %mul3A_269 = arith.muli %arg1, %mul3A_268 : i32
      %mul3A_270 = arith.constant 400 : i32
      %mul3A_271 = arith.muli %add3A_253, %mul3A_270 : i32
      %add3A_272 = arith.addi %mul3A_269, %mul3A_271 : i32
      %dma_wait3A_273 = tpu.memref_slice %arg3[%add3A_272] : memref<320000xi32, #tpu.memory_space<hbm>> -> memref<400xi32, #tpu.memory_space<hbm>>
      %dma_wait3A_274 = tpu.memref_slice %arg3[%add3A_272] : memref<320000xi32, #tpu.memory_space<hbm>> -> memref<400xi32, #tpu.memory_space<hbm>>
      tpu.wait_dma2 semaphore(%arg20 : memref<!tpu.dma_semaphore, #tpu.memory_space<semaphore_mem>>) src(%dma_wait3A_274 : memref<400xi32, #tpu.memory_space<hbm>>) dst(%arg14 : memref<400xi32, #tpu.memory_space<vmem>>)
      %add3A_275 = arith.constant 1 : i32
      %add3A_276 = arith.addi %add3A_253, %add3A_275 : i32
      %lt3A = arith.constant 50 : i32
      %lt3A_277 = arith.cmpi slt, %add3A_276, %lt3A : i32
      %convert_element_type3A = arith.extui %lt3A_277 : i1 to i32
      %cond3A = arith.constant 0 : i32
      %cond3A_278 = arith.cmpi ne, %convert_element_type3A, %cond3A : i32
      scf.if %cond3A_278 {
        %ge3A = arith.constant 1 : i32
        %ge3A_346 = arith.cmpi sge, %add3A_253, %ge3A : i32
        %convert_element_type3A_347 = arith.extui %ge3A_346 : i1 to i32
        %cond3A_348 = arith.constant 0 : i32
        %cond3A_349 = arith.cmpi ne, %convert_element_type3A_347, %cond3A_348 : i32
        scf.if %cond3A_349 {
          %dma_wait3A_373 = arith.constant 0 : i32
          %dma_wait3A_374 = arith.constant 0 : i32
          %dma_wait3A_375 = tpu.memref_slice %arg19[%dma_wait3A_373, %dma_wait3A_374] : memref<10000x32xf32, #tpu.memory_space<vmem_shared>> -> memref<10000x32xf32, #tpu.memory_space<vmem_shared>>
          tpu.wait_indirect_dma semaphore(%arg23 : memref<!tpu.dma_semaphore, #tpu.memory_space<semaphore_mem>>) src(%arg13 : memref<400x32xf32, #tpu.memory_space<vmem>>) dst(%dma_wait3A_375 : memref<10000x32xf32, #tpu.memory_space<vmem_shared>>)
        } else {
        }
        %add3A_350 = arith.constant 1 : i32
        %add3A_351 = arith.addi %add3A_253, %add3A_350 : i32
        %mul3A_352 = arith.constant 20000 : i32
        %mul3A_353 = arith.muli %arg1, %mul3A_352 : i32
        %mul3A_354 = arith.constant 400 : i32
        %mul3A_355 = arith.muli %add3A_351, %mul3A_354 : i32
        %add3A_356 = arith.addi %mul3A_353, %mul3A_355 : i32
        %dma_start3A_357 = tpu.memref_slice %arg2[%add3A_356, %add3A_8] : memref<320000x256xf32, #tpu.memory_space<hbm>> -> memref<400x32xf32, #tpu.memory_space<hbm>>
        %dma_start3A_358 = tpu.memref_slice %arg2[%add3A_356, %add3A_8] : memref<320000x256xf32, #tpu.memory_space<hbm>> -> memref<400x32xf32, #tpu.memory_space<hbm>>
        tpu.enqueue_dma source(%dma_start3A_358 : memref<400x32xf32, #tpu.memory_space<hbm>>) target(%arg13 : memref<400x32xf32, #tpu.memory_space<vmem>>) target_semaphore(%arg21 : memref<!tpu.dma_semaphore, #tpu.memory_space<semaphore_mem>>)
        %mul3A_359 = arith.constant 20000 : i32
        %mul3A_360 = arith.muli %arg1, %mul3A_359 : i32
        %mul3A_361 = arith.constant 400 : i32
        %mul3A_362 = arith.muli %add3A_351, %mul3A_361 : i32
        %add3A_363 = arith.addi %mul3A_360, %mul3A_362 : i32
        %dma_start3A_364 = tpu.memref_slice %arg4[%add3A_363] : memref<320000xi32, #tpu.memory_space<hbm>> -> memref<400xi32, #tpu.memory_space<hbm>>
        %dma_start3A_365 = tpu.memref_slice %arg4[%add3A_363] : memref<320000xi32, #tpu.memory_space<hbm>> -> memref<400xi32, #tpu.memory_space<hbm>>
        tpu.enqueue_dma source(%dma_start3A_365 : memref<400xi32, #tpu.memory_space<hbm>>) target(%arg17 : memref<400xi32, #tpu.memory_space<vmem>>) target_semaphore(%arg21 : memref<!tpu.dma_semaphore, #tpu.memory_space<semaphore_mem>>)
        %mul3A_366 = arith.constant 20000 : i32
        %mul3A_367 = arith.muli %arg1, %mul3A_366 : i32
        %mul3A_368 = arith.constant 400 : i32
        %mul3A_369 = arith.muli %add3A_351, %mul3A_368 : i32
        %add3A_370 = arith.addi %mul3A_367, %mul3A_369 : i32
        %dma_start3A_371 = tpu.memref_slice %arg3[%add3A_370] : memref<320000xi32, #tpu.memory_space<hbm>> -> memref<400xi32, #tpu.memory_space<hbm>>
        %dma_start3A_372 = tpu.memref_slice %arg3[%add3A_370] : memref<320000xi32, #tpu.memory_space<hbm>> -> memref<400xi32, #tpu.memory_space<hbm>>
        tpu.enqueue_dma source(%dma_start3A_372 : memref<400xi32, #tpu.memory_space<hbm>>) target(%arg15 : memref<400xi32, #tpu.memory_space<vmem>>) target_semaphore(%arg21 : memref<!tpu.dma_semaphore, #tpu.memory_space<semaphore_mem>>)
      } else {
      }
      %scan3A_279 = arith.constant 0 : i32
      %scan3A_280 = arith.constant 0 : i32
      %scan3A_281 = arith.constant 25 : i32
      %scan3A_282 = arith.addi %scan3A_280, %scan3A_281 : i32
      %scan3A_283 = arith.constant 1 : i32
      %scan3A_284 = scf.for %scan3A_346 = %scan3A_280 to %scan3A_282 step %scan3A_283 iter_args(%scan3A_347 = %scan3A_279) -> (i32)  : i32 {
        %mul3A_348 = arith.constant 16 : i32
        %mul3A_349 = arith.muli %scan3A_346, %mul3A_348 : i32
        %get3A = arith.index_cast %mul3A_349 : i32 to index
        %get3A_350 = tpu.vector_load %arg14[%get3A] {strides = array<i32>} : memref<400xi32, #tpu.memory_space<vmem>>, vector<16xi32>,
        %gather3A = tpu.vector_load_idx %arg11[%get3A_350, %broadcast_in_dim3A_2] : memref<10000x1xf32, #tpu.memory_space<vmem>>[vector<16xi32>, vector<16xi32>], vector<16xf32>,
        %mul3A_351 = arith.constant 0.949999988 : f32
        %mul3A_352 = vector.broadcast %mul3A_351 : f32 to vector<16xf32>
        %mul3A_353 = arith.mulf %mul3A_352, %gather3A : vector<16xf32>
        %mul3A_354 = arith.constant 16 : i32
        %mul3A_355 = arith.muli %scan3A_346, %mul3A_354 : i32
        %swap3A = arith.index_cast %mul3A_355 : i32 to index
        %swap3A_356 = tpu.vector_load %arg18[%swap3A] {strides = array<i32>} : memref<400xf32, #tpu.memory_space<vmem>>, vector<16xf32>,
        tpu.vector_store %arg18[%swap3A], %mul3A_353 {strides = array<i32>} : memref<400xf32, #tpu.memory_space<vmem>>, vector<16xf32>,
        %scan3A_357 = arith.constant 0 : i32
        scf.yield %scan3A_357 : i32
      }
      %scan3A_285 = arith.constant 25 : i32
      %scan3A_286 = arith.constant 0 : i32
      %scan3A_287 = arith.constant 0 : i32
      %scan3A_288 = arith.constant 25 : i32
      %scan3A_289 = arith.addi %scan3A_287, %scan3A_288 : i32
      %scan3A_290 = arith.constant 1 : i32
      %scan3A_291 = scf.for %scan3A_346 = %scan3A_287 to %scan3A_289 step %scan3A_290 iter_args(%scan3A_347 = %scan3A_286) -> (i32)  : i32 {
        %mul3A_348 = arith.constant 16 : i32
        %mul3A_349 = arith.muli %scan3A_346, %mul3A_348 : i32
        %get3A = arith.index_cast %mul3A_349 : i32 to index
        %get3A_350 = tpu.vector_load %arg18[%get3A] {strides = array<i32>} : memref<400xf32, #tpu.memory_space<vmem>>, vector<16xf32>,
        %slice3A = vector.extract_strided_slice %get3A_350 {offsets = [0], sizes = [1], strides = [1]} : vector<16xf32> to vector<1xf32>
        %squeeze3A = vector.extract %slice3A[0] : f32 from vector<1xf32>
        %mul3A_351 = arith.constant 16 : i32
        %mul3A_352 = arith.muli %scan3A_346, %mul3A_351 : i32
        %add3A_353 = arith.constant 0 : i32
        %add3A_354 = arith.addi %mul3A_352, %add3A_353 : i32
        %get3A_355 = arith.index_cast %add3A_354 : i32 to index
        %get3A_356 = arith.constant 0 : index
        %get3A_357 = tpu.vector_load %arg12[%get3A_355, %get3A_356] {strides = array<i32>} : memref<400x32xf32, #tpu.memory_space<vmem>>, vector<16xf32>,
        %mul3A_358 = vector.broadcast %squeeze3A : f32 to vector<16xf32>
        %mul3A_359 = arith.mulf %mul3A_358, %get3A_357 : vector<16xf32>
        %swap3A = arith.index_cast %add3A_354 : i32 to index
        %swap3A_360 = arith.constant 0 : index
        %swap3A_361 = tpu.vector_load %arg12[%swap3A, %swap3A_360] {strides = array<i32>} : memref<400x32xf32, #tpu.memory_space<vmem>>, vector<16xf32>,
        tpu.vector_store %arg12[%swap3A, %swap3A_360], %mul3A_359 {strides = array<i32>} : memref<400x32xf32, #tpu.memory_space<vmem>>, vector<16xf32>,
        %get3A_362 = arith.index_cast %add3A_354 : i32 to index
        %get3A_363 = arith.constant 16 : index
        %get3A_364 = tpu.vector_load %arg12[%get3A_362, %get3A_363] {strides = array<i32>} : memref<400x32xf32, #tpu.memory_space<vmem>>, vector<16xf32>,
        %mul3A_365 = vector.broadcast %squeeze3A : f32 to vector<16xf32>
        %mul3A_366 = arith.mulf %mul3A_365, %get3A_364 : vector<16xf32>
        %swap3A_367 = arith.index_cast %add3A_354 : i32 to index
        %swap3A_368 = arith.constant 16 : index
        %swap3A_369 = tpu.vector_load %arg12[%swap3A_367, %swap3A_368] {strides = array<i32>} : memref<400x32xf32, #tpu.memory_space<vmem>>, vector<16xf32>,
        tpu.vector_store %arg12[%swap3A_367, %swap3A_368], %mul3A_366 {strides = array<i32>} : memref<400x32xf32, #tpu.memory_space<vmem>>, vector<16xf32>,
        %slice3A_370 = vector.extract_strided_slice %get3A_350 {offsets = [1], sizes = [1], strides = [1]} : vector<16xf32> to vector<1xf32>
        %squeeze3A_371 = vector.extract %slice3A_370[0] : f32 from vector<1xf32>
        %mul3A_372 = arith.constant 16 : i32
        %mul3A_373 = arith.muli %scan3A_346, %mul3A_372 : i32
        %add3A_374 = arith.constant 1 : i32
        %add3A_375 = arith.addi %mul3A_373, %add3A_374 : i32
        %get3A_376 = arith.index_cast %add3A_375 : i32 to index
        %get3A_377 = arith.constant 0 : index
        %get3A_378 = tpu.vector_load %arg12[%get3A_376, %get3A_377] {strides = array<i32>} : memref<400x32xf32, #tpu.memory_space<vmem>>, vector<16xf32>,
        %mul3A_379 = vector.broadcast %squeeze3A_371 : f32 to vector<16xf32>
        %mul3A_380 = arith.mulf %mul3A_379, %get3A_378 : vector<16xf32>
        %swap3A_381 = arith.index_cast %add3A_375 : i32 to index
        %swap3A_382 = arith.constant 0 : index
        %swap3A_383 = tpu.vector_load %arg12[%swap3A_381, %swap3A_382] {strides = array<i32>} : memref<400x32xf32, #tpu.memory_space<vmem>>, vector<16xf32>,
        tpu.vector_store %arg12[%swap3A_381, %swap3A_382], %mul3A_380 {strides = array<i32>} : memref<400x32xf32, #tpu.memory_space<vmem>>, vector<16xf32>,
        %get3A_384 = arith.index_cast %add3A_375 : i32 to index
        %get3A_385 = arith.constant 16 : index
        %get3A_386 = tpu.vector_load %arg12[%get3A_384, %get3A_385] {strides = array<i32>} : memref<400x32xf32, #tpu.memory_space<vmem>>, vector<16xf32>,
        %mul3A_387 = vector.broadcast %squeeze3A_371 : f32 to vector<16xf32>
        %mul3A_388 = arith.mulf %mul3A_387, %get3A_386 : vector<16xf32>
        %swap3A_389 = arith.index_cast %add3A_375 : i32 to index
        %swap3A_390 = arith.constant 16 : index
        %swap3A_391 = tpu.vector_load %arg12[%swap3A_389, %swap3A_390] {strides = array<i32>} : memref<400x32xf32, #tpu.memory_space<vmem>>, vector<16xf32>,
        tpu.vector_store %arg12[%swap3A_389, %swap3A_390], %mul3A_388 {strides = array<i32>} : memref<400x32xf32, #tpu.memory_space<vmem>>, vector<16xf32>,
        %slice3A_392 = vector.extract_strided_slice %get3A_350 {offsets = [2], sizes = [1], strides = [1]} : vector<16xf32> to vector<1xf32>
        %squeeze3A_393 = vector.extract %slice3A_392[0] : f32 from vector<1xf32>
        %mul3A_394 = arith.constant 16 : i32
        %mul3A_395 = arith.muli %scan3A_346, %mul3A_394 : i32
        %add3A_396 = arith.constant 2 : i32
        %add3A_397 = arith.addi %mul3A_395, %add3A_396 : i32
        %get3A_398 = arith.index_cast %add3A_397 : i32 to index
        %get3A_399 = arith.constant 0 : index
        %get3A_400 = tpu.vector_load %arg12[%get3A_398, %get3A_399] {strides = array<i32>} : memref<400x32xf32, #tpu.memory_space<vmem>>, vector<16xf32>,
        %mul3A_401 = vector.broadcast %squeeze3A_393 : f32 to vector<16xf32>
        %mul3A_402 = arith.mulf %mul3A_401, %get3A_400 : vector<16xf32>
        %swap3A_403 = arith.index_cast %add3A_397 : i32 to index
        %swap3A_404 = arith.constant 0 : index
        %swap3A_405 = tpu.vector_load %arg12[%swap3A_403, %swap3A_404] {strides = array<i32>} : memref<400x32xf32, #tpu.memory_space<vmem>>, vector<16xf32>,
        tpu.vector_store %arg12[%swap3A_403, %swap3A_404], %mul3A_402 {strides = array<i32>} : memref<400x32xf32, #tpu.memory_space<vmem>>, vector<16xf32>,
        %get3A_406 = arith.index_cast %add3A_397 : i32 to index
        %get3A_407 = arith.constant 16 : index
        %get3A_408 = tpu.vector_load %arg12[%get3A_406, %get3A_407] {strides = array<i32>} : memref<400x32xf32, #tpu.memory_space<vmem>>, vector<16xf32>,
        %mul3A_409 = vector.broadcast %squeeze3A_393 : f32 to vector<16xf32>
        %mul3A_410 = arith.mulf %mul3A_409, %get3A_408 : vector<16xf32>
        %swap3A_411 = arith.index_cast %add3A_397 : i32 to index
        %swap3A_412 = arith.constant 16 : index
        %swap3A_413 = tpu.vector_load %arg12[%swap3A_411, %swap3A_412] {strides = array<i32>} : memref<400x32xf32, #tpu.memory_space<vmem>>, vector<16xf32>,
        tpu.vector_store %arg12[%swap3A_411, %swap3A_412], %mul3A_410 {strides = array<i32>} : memref<400x32xf32, #tpu.memory_space<vmem>>, vector<16xf32>,
        %slice3A_414 = vector.extract_strided_slice %get3A_350 {offsets = [3], sizes = [1], strides = [1]} : vector<16xf32> to vector<1xf32>
        %squeeze3A_415 = vector.extract %slice3A_414[0] : f32 from vector<1xf32>
        %mul3A_416 = arith.constant 16 : i32
        %mul3A_417 = arith.muli %scan3A_346, %mul3A_416 : i32
        %add3A_418 = arith.constant 3 : i32
        %add3A_419 = arith.addi %mul3A_417, %add3A_418 : i32
        %get3A_420 = arith.index_cast %add3A_419 : i32 to index
        %get3A_421 = arith.constant 0 : index
        %get3A_422 = tpu.vector_load %arg12[%get3A_420, %get3A_421] {strides = array<i32>} : memref<400x32xf32, #tpu.memory_space<vmem>>, vector<16xf32>,
        %mul3A_423 = vector.broadcast %squeeze3A_415 : f32 to vector<16xf32>
        %mul3A_424 = arith.mulf %mul3A_423, %get3A_422 : vector<16xf32>
        %swap3A_425 = arith.index_cast %add3A_419 : i32 to index
        %swap3A_426 = arith.constant 0 : index
        %swap3A_427 = tpu.vector_load %arg12[%swap3A_425, %swap3A_426] {strides = array<i32>} : memref<400x32xf32, #tpu.memory_space<vmem>>, vector<16xf32>,
        tpu.vector_store %arg12[%swap3A_425, %swap3A_426], %mul3A_424 {strides = array<i32>} : memref<400x32xf32, #tpu.memory_space<vmem>>, vector<16xf32>,
        %get3A_428 = arith.index_cast %add3A_419 : i32 to index
        %get3A_429 = arith.constant 16 : index
        %get3A_430 = tpu.vector_load %arg12[%get3A_428, %get3A_429] {strides = array<i32>} : memref<400x32xf32, #tpu.memory_space<vmem>>, vector<16xf32>,
        %mul3A_431 = vector.broadcast %squeeze3A_415 : f32 to vector<16xf32>
        %mul3A_432 = arith.mulf %mul3A_431, %get3A_430 : vector<16xf32>
        %swap3A_433 = arith.index_cast %add3A_419 : i32 to index
        %swap3A_434 = arith.constant 16 : index
        %swap3A_435 = tpu.vector_load %arg12[%swap3A_433, %swap3A_434] {strides = array<i32>} : memref<400x32xf32, #tpu.memory_space<vmem>>, vector<16xf32>,
        tpu.vector_store %arg12[%swap3A_433, %swap3A_434], %mul3A_432 {strides = array<i32>} : memref<400x32xf32, #tpu.memory_space<vmem>>, vector<16xf32>,
        %slice3A_436 = vector.extract_strided_slice %get3A_350 {offsets = [4], sizes = [1], strides = [1]} : vector<16xf32> to vector<1xf32>
        %squeeze3A_437 = vector.extract %slice3A_436[0] : f32 from vector<1xf32>
        %mul3A_438 = arith.constant 16 : i32
        %mul3A_439 = arith.muli %scan3A_346, %mul3A_438 : i32
        %add3A_440 = arith.constant 4 : i32
        %add3A_441 = arith.addi %mul3A_439, %add3A_440 : i32
        %get3A_442 = arith.index_cast %add3A_441 : i32 to index
        %get3A_443 = arith.constant 0 : index
        %get3A_444 = tpu.vector_load %arg12[%get3A_442, %get3A_443] {strides = array<i32>} : memref<400x32xf32, #tpu.memory_space<vmem>>, vector<16xf32>,
        %mul3A_445 = vector.broadcast %squeeze3A_437 : f32 to vector<16xf32>
        %mul3A_446 = arith.mulf %mul3A_445, %get3A_444 : vector<16xf32>
        %swap3A_447 = arith.index_cast %add3A_441 : i32 to index
        %swap3A_448 = arith.constant 0 : index
        %swap3A_449 = tpu.vector_load %arg12[%swap3A_447, %swap3A_448] {strides = array<i32>} : memref<400x32xf32, #tpu.memory_space<vmem>>, vector<16xf32>,
        tpu.vector_store %arg12[%swap3A_447, %swap3A_448], %mul3A_446 {strides = array<i32>} : memref<400x32xf32, #tpu.memory_space<vmem>>, vector<16xf32>,
        %get3A_450 = arith.index_cast %add3A_441 : i32 to index
        %get3A_451 = arith.constant 16 : index
        %get3A_452 = tpu.vector_load %arg12[%get3A_450, %get3A_451] {strides = array<i32>} : memref<400x32xf32, #tpu.memory_space<vmem>>, vector<16xf32>,
        %mul3A_453 = vector.broadcast %squeeze3A_437 : f32 to vector<16xf32>
        %mul3A_454 = arith.mulf %mul3A_453, %get3A_452 : vector<16xf32>
        %swap3A_455 = arith.index_cast %add3A_441 : i32 to index
        %swap3A_456 = arith.constant 16 : index
        %swap3A_457 = tpu.vector_load %arg12[%swap3A_455, %swap3A_456] {strides = array<i32>} : memref<400x32xf32, #tpu.memory_space<vmem>>, vector<16xf32>,
        tpu.vector_store %arg12[%swap3A_455, %swap3A_456], %mul3A_454 {strides = array<i32>} : memref<400x32xf32, #tpu.memory_space<vmem>>, vector<16xf32>,
        %slice3A_458 = vector.extract_strided_slice %get3A_350 {offsets = [5], sizes = [1], strides = [1]} : vector<16xf32> to vector<1xf32>
        %squeeze3A_459 = vector.extract %slice3A_458[0] : f32 from vector<1xf32>
        %mul3A_460 = arith.constant 16 : i32
        %mul3A_461 = arith.muli %scan3A_346, %mul3A_460 : i32
        %add3A_462 = arith.constant 5 : i32
        %add3A_463 = arith.addi %mul3A_461, %add3A_462 : i32
        %get3A_464 = arith.index_cast %add3A_463 : i32 to index
        %get3A_465 = arith.constant 0 : index
        %get3A_466 = tpu.vector_load %arg12[%get3A_464, %get3A_465] {strides = array<i32>} : memref<400x32xf32, #tpu.memory_space<vmem>>, vector<16xf32>,
        %mul3A_467 = vector.broadcast %squeeze3A_459 : f32 to vector<16xf32>
        %mul3A_468 = arith.mulf %mul3A_467, %get3A_466 : vector<16xf32>
        %swap3A_469 = arith.index_cast %add3A_463 : i32 to index
        %swap3A_470 = arith.constant 0 : index
        %swap3A_471 = tpu.vector_load %arg12[%swap3A_469, %swap3A_470] {strides = array<i32>} : memref<400x32xf32, #tpu.memory_space<vmem>>, vector<16xf32>,
        tpu.vector_store %arg12[%swap3A_469, %swap3A_470], %mul3A_468 {strides = array<i32>} : memref<400x32xf32, #tpu.memory_space<vmem>>, vector<16xf32>,
        %get3A_472 = arith.index_cast %add3A_463 : i32 to index
        %get3A_473 = arith.constant 16 : index
        %get3A_474 = tpu.vector_load %arg12[%get3A_472, %get3A_473] {strides = array<i32>} : memref<400x32xf32, #tpu.memory_space<vmem>>, vector<16xf32>,
        %mul3A_475 = vector.broadcast %squeeze3A_459 : f32 to vector<16xf32>
        %mul3A_476 = arith.mulf %mul3A_475, %get3A_474 : vector<16xf32>
        %swap3A_477 = arith.index_cast %add3A_463 : i32 to index
        %swap3A_478 = arith.constant 16 : index
        %swap3A_479 = tpu.vector_load %arg12[%swap3A_477, %swap3A_478] {strides = array<i32>} : memref<400x32xf32, #tpu.memory_space<vmem>>, vector<16xf32>,
        tpu.vector_store %arg12[%swap3A_477, %swap3A_478], %mul3A_476 {strides = array<i32>} : memref<400x32xf32, #tpu.memory_space<vmem>>, vector<16xf32>,
        %slice3A_480 = vector.extract_strided_slice %get3A_350 {offsets = [6], sizes = [1], strides = [1]} : vector<16xf32> to vector<1xf32>
        %squeeze3A_481 = vector.extract %slice3A_480[0] : f32 from vector<1xf32>
        %mul3A_482 = arith.constant 16 : i32
        %mul3A_483 = arith.muli %scan3A_346, %mul3A_482 : i32
        %add3A_484 = arith.constant 6 : i32
        %add3A_485 = arith.addi %mul3A_483, %add3A_484 : i32
        %get3A_486 = arith.index_cast %add3A_485 : i32 to index
        %get3A_487 = arith.constant 0 : index
        %get3A_488 = tpu.vector_load %arg12[%get3A_486, %get3A_487] {strides = array<i32>} : memref<400x32xf32, #tpu.memory_space<vmem>>, vector<16xf32>,
        %mul3A_489 = vector.broadcast %squeeze3A_481 : f32 to vector<16xf32>
        %mul3A_490 = arith.mulf %mul3A_489, %get3A_488 : vector<16xf32>
        %swap3A_491 = arith.index_cast %add3A_485 : i32 to index
        %swap3A_492 = arith.constant 0 : index
        %swap3A_493 = tpu.vector_load %arg12[%swap3A_491, %swap3A_492] {strides = array<i32>} : memref<400x32xf32, #tpu.memory_space<vmem>>, vector<16xf32>,
        tpu.vector_store %arg12[%swap3A_491, %swap3A_492], %mul3A_490 {strides = array<i32>} : memref<400x32xf32, #tpu.memory_space<vmem>>, vector<16xf32>,
        %get3A_494 = arith.index_cast %add3A_485 : i32 to index
        %get3A_495 = arith.constant 16 : index
        %get3A_496 = tpu.vector_load %arg12[%get3A_494, %get3A_495] {strides = array<i32>} : memref<400x32xf32, #tpu.memory_space<vmem>>, vector<16xf32>,
        %mul3A_497 = vector.broadcast %squeeze3A_481 : f32 to vector<16xf32>
        %mul3A_498 = arith.mulf %mul3A_497, %get3A_496 : vector<16xf32>
        %swap3A_499 = arith.index_cast %add3A_485 : i32 to index
        %swap3A_500 = arith.constant 16 : index
        %swap3A_501 = tpu.vector_load %arg12[%swap3A_499, %swap3A_500] {strides = array<i32>} : memref<400x32xf32, #tpu.memory_space<vmem>>, vector<16xf32>,
        tpu.vector_store %arg12[%swap3A_499, %swap3A_500], %mul3A_498 {strides = array<i32>} : memref<400x32xf32, #tpu.memory_space<vmem>>, vector<16xf32>,
        %slice3A_502 = vector.extract_strided_slice %get3A_350 {offsets = [7], sizes = [1], strides = [1]} : vector<16xf32> to vector<1xf32>
        %squeeze3A_503 = vector.extract %slice3A_502[0] : f32 from vector<1xf32>
        %mul3A_504 = arith.constant 16 : i32
        %mul3A_505 = arith.muli %scan3A_346, %mul3A_504 : i32
        %add3A_506 = arith.constant 7 : i32
        %add3A_507 = arith.addi %mul3A_505, %add3A_506 : i32
        %get3A_508 = arith.index_cast %add3A_507 : i32 to index
        %get3A_509 = arith.constant 0 : index
        %get3A_510 = tpu.vector_load %arg12[%get3A_508, %get3A_509] {strides = array<i32>} : memref<400x32xf32, #tpu.memory_space<vmem>>, vector<16xf32>,
        %mul3A_511 = vector.broadcast %squeeze3A_503 : f32 to vector<16xf32>
        %mul3A_512 = arith.mulf %mul3A_511, %get3A_510 : vector<16xf32>
        %swap3A_513 = arith.index_cast %add3A_507 : i32 to index
        %swap3A_514 = arith.constant 0 : index
        %swap3A_515 = tpu.vector_load %arg12[%swap3A_513, %swap3A_514] {strides = array<i32>} : memref<400x32xf32, #tpu.memory_space<vmem>>, vector<16xf32>,
        tpu.vector_store %arg12[%swap3A_513, %swap3A_514], %mul3A_512 {strides = array<i32>} : memref<400x32xf32, #tpu.memory_space<vmem>>, vector<16xf32>,
        %get3A_516 = arith.index_cast %add3A_507 : i32 to index
        %get3A_517 = arith.constant 16 : index
        %get3A_518 = tpu.vector_load %arg12[%get3A_516, %get3A_517] {strides = array<i32>} : memref<400x32xf32, #tpu.memory_space<vmem>>, vector<16xf32>,
        %mul3A_519 = vector.broadcast %squeeze3A_503 : f32 to vector<16xf32>
        %mul3A_520 = arith.mulf %mul3A_519, %get3A_518 : vector<16xf32>
        %swap3A_521 = arith.index_cast %add3A_507 : i32 to index
        %swap3A_522 = arith.constant 16 : index
        %swap3A_523 = tpu.vector_load %arg12[%swap3A_521, %swap3A_522] {strides = array<i32>} : memref<400x32xf32, #tpu.memory_space<vmem>>, vector<16xf32>,
        tpu.vector_store %arg12[%swap3A_521, %swap3A_522], %mul3A_520 {strides = array<i32>} : memref<400x32xf32, #tpu.memory_space<vmem>>, vector<16xf32>,
        %slice3A_524 = vector.extract_strided_slice %get3A_350 {offsets = [8], sizes = [1], strides = [1]} : vector<16xf32> to vector<1xf32>
        %squeeze3A_525 = vector.extract %slice3A_524[0] : f32 from vector<1xf32>
        %mul3A_526 = arith.constant 16 : i32
        %mul3A_527 = arith.muli %scan3A_346, %mul3A_526 : i32
        %add3A_528 = arith.constant 8 : i32
        %add3A_529 = arith.addi %mul3A_527, %add3A_528 : i32
        %get3A_530 = arith.index_cast %add3A_529 : i32 to index
        %get3A_531 = arith.constant 0 : index
        %get3A_532 = tpu.vector_load %arg12[%get3A_530, %get3A_531] {strides = array<i32>} : memref<400x32xf32, #tpu.memory_space<vmem>>, vector<16xf32>,
        %mul3A_533 = vector.broadcast %squeeze3A_525 : f32 to vector<16xf32>
        %mul3A_534 = arith.mulf %mul3A_533, %get3A_532 : vector<16xf32>
        %swap3A_535 = arith.index_cast %add3A_529 : i32 to index
        %swap3A_536 = arith.constant 0 : index
        %swap3A_537 = tpu.vector_load %arg12[%swap3A_535, %swap3A_536] {strides = array<i32>} : memref<400x32xf32, #tpu.memory_space<vmem>>, vector<16xf32>,
        tpu.vector_store %arg12[%swap3A_535, %swap3A_536], %mul3A_534 {strides = array<i32>} : memref<400x32xf32, #tpu.memory_space<vmem>>, vector<16xf32>,
        %get3A_538 = arith.index_cast %add3A_529 : i32 to index
        %get3A_539 = arith.constant 16 : index
        %get3A_540 = tpu.vector_load %arg12[%get3A_538, %get3A_539] {strides = array<i32>} : memref<400x32xf32, #tpu.memory_space<vmem>>, vector<16xf32>,
        %mul3A_541 = vector.broadcast %squeeze3A_525 : f32 to vector<16xf32>
        %mul3A_542 = arith.mulf %mul3A_541, %get3A_540 : vector<16xf32>
        %swap3A_543 = arith.index_cast %add3A_529 : i32 to index
        %swap3A_544 = arith.constant 16 : index
        %swap3A_545 = tpu.vector_load %arg12[%swap3A_543, %swap3A_544] {strides = array<i32>} : memref<400x32xf32, #tpu.memory_space<vmem>>, vector<16xf32>,
        tpu.vector_store %arg12[%swap3A_543, %swap3A_544], %mul3A_542 {strides = array<i32>} : memref<400x32xf32, #tpu.memory_space<vmem>>, vector<16xf32>,
        %slice3A_546 = vector.extract_strided_slice %get3A_350 {offsets = [9], sizes = [1], strides = [1]} : vector<16xf32> to vector<1xf32>
        %squeeze3A_547 = vector.extract %slice3A_546[0] : f32 from vector<1xf32>
        %mul3A_548 = arith.constant 16 : i32
        %mul3A_549 = arith.muli %scan3A_346, %mul3A_548 : i32
        %add3A_550 = arith.constant 9 : i32
        %add3A_551 = arith.addi %mul3A_549, %add3A_550 : i32
        %get3A_552 = arith.index_cast %add3A_551 : i32 to index
        %get3A_553 = arith.constant 0 : index
        %get3A_554 = tpu.vector_load %arg12[%get3A_552, %get3A_553] {strides = array<i32>} : memref<400x32xf32, #tpu.memory_space<vmem>>, vector<16xf32>,
        %mul3A_555 = vector.broadcast %squeeze3A_547 : f32 to vector<16xf32>
        %mul3A_556 = arith.mulf %mul3A_555, %get3A_554 : vector<16xf32>
        %swap3A_557 = arith.index_cast %add3A_551 : i32 to index
        %swap3A_558 = arith.constant 0 : index
        %swap3A_559 = tpu.vector_load %arg12[%swap3A_557, %swap3A_558] {strides = array<i32>} : memref<400x32xf32, #tpu.memory_space<vmem>>, vector<16xf32>,
        tpu.vector_store %arg12[%swap3A_557, %swap3A_558], %mul3A_556 {strides = array<i32>} : memref<400x32xf32, #tpu.memory_space<vmem>>, vector<16xf32>,
        %get3A_560 = arith.index_cast %add3A_551 : i32 to index
        %get3A_561 = arith.constant 16 : index
        %get3A_562 = tpu.vector_load %arg12[%get3A_560, %get3A_561] {strides = array<i32>} : memref<400x32xf32, #tpu.memory_space<vmem>>, vector<16xf32>,
        %mul3A_563 = vector.broadcast %squeeze3A_547 : f32 to vector<16xf32>
        %mul3A_564 = arith.mulf %mul3A_563, %get3A_562 : vector<16xf32>
        %swap3A_565 = arith.index_cast %add3A_551 : i32 to index
        %swap3A_566 = arith.constant 16 : index
        %swap3A_567 = tpu.vector_load %arg12[%swap3A_565, %swap3A_566] {strides = array<i32>} : memref<400x32xf32, #tpu.memory_space<vmem>>, vector<16xf32>,
        tpu.vector_store %arg12[%swap3A_565, %swap3A_566], %mul3A_564 {strides = array<i32>} : memref<400x32xf32, #tpu.memory_space<vmem>>, vector<16xf32>,
        %slice3A_568 = vector.extract_strided_slice %get3A_350 {offsets = [10], sizes = [1], strides = [1]} : vector<16xf32> to vector<1xf32>
        %squeeze3A_569 = vector.extract %slice3A_568[0] : f32 from vector<1xf32>
        %mul3A_570 = arith.constant 16 : i32
        %mul3A_571 = arith.muli %scan3A_346, %mul3A_570 : i32
        %add3A_572 = arith.constant 10 : i32
        %add3A_573 = arith.addi %mul3A_571, %add3A_572 : i32
        %get3A_574 = arith.index_cast %add3A_573 : i32 to index
        %get3A_575 = arith.constant 0 : index
        %get3A_576 = tpu.vector_load %arg12[%get3A_574, %get3A_575] {strides = array<i32>} : memref<400x32xf32, #tpu.memory_space<vmem>>, vector<16xf32>,
        %mul3A_577 = vector.broadcast %squeeze3A_569 : f32 to vector<16xf32>
        %mul3A_578 = arith.mulf %mul3A_577, %get3A_576 : vector<16xf32>
        %swap3A_579 = arith.index_cast %add3A_573 : i32 to index
        %swap3A_580 = arith.constant 0 : index
        %swap3A_581 = tpu.vector_load %arg12[%swap3A_579, %swap3A_580] {strides = array<i32>} : memref<400x32xf32, #tpu.memory_space<vmem>>, vector<16xf32>,
        tpu.vector_store %arg12[%swap3A_579, %swap3A_580], %mul3A_578 {strides = array<i32>} : memref<400x32xf32, #tpu.memory_space<vmem>>, vector<16xf32>,
        %get3A_582 = arith.index_cast %add3A_573 : i32 to index
        %get3A_583 = arith.constant 16 : index
        %get3A_584 = tpu.vector_load %arg12[%get3A_582, %get3A_583] {strides = array<i32>} : memref<400x32xf32, #tpu.memory_space<vmem>>, vector<16xf32>,
        %mul3A_585 = vector.broadcast %squeeze3A_569 : f32 to vector<16xf32>
        %mul3A_586 = arith.mulf %mul3A_585, %get3A_584 : vector<16xf32>
        %swap3A_587 = arith.index_cast %add3A_573 : i32 to index
        %swap3A_588 = arith.constant 16 : index
        %swap3A_589 = tpu.vector_load %arg12[%swap3A_587, %swap3A_588] {strides = array<i32>} : memref<400x32xf32, #tpu.memory_space<vmem>>, vector<16xf32>,
        tpu.vector_store %arg12[%swap3A_587, %swap3A_588], %mul3A_586 {strides = array<i32>} : memref<400x32xf32, #tpu.memory_space<vmem>>, vector<16xf32>,
        %slice3A_590 = vector.extract_strided_slice %get3A_350 {offsets = [11], sizes = [1], strides = [1]} : vector<16xf32> to vector<1xf32>
        %squeeze3A_591 = vector.extract %slice3A_590[0] : f32 from vector<1xf32>
        %mul3A_592 = arith.constant 16 : i32
        %mul3A_593 = arith.muli %scan3A_346, %mul3A_592 : i32
        %add3A_594 = arith.constant 11 : i32
        %add3A_595 = arith.addi %mul3A_593, %add3A_594 : i32
        %get3A_596 = arith.index_cast %add3A_595 : i32 to index
        %get3A_597 = arith.constant 0 : index
        %get3A_598 = tpu.vector_load %arg12[%get3A_596, %get3A_597] {strides = array<i32>} : memref<400x32xf32, #tpu.memory_space<vmem>>, vector<16xf32>,
        %mul3A_599 = vector.broadcast %squeeze3A_591 : f32 to vector<16xf32>
        %mul3A_600 = arith.mulf %mul3A_599, %get3A_598 : vector<16xf32>
        %swap3A_601 = arith.index_cast %add3A_595 : i32 to index
        %swap3A_602 = arith.constant 0 : index
        %swap3A_603 = tpu.vector_load %arg12[%swap3A_601, %swap3A_602] {strides = array<i32>} : memref<400x32xf32, #tpu.memory_space<vmem>>, vector<16xf32>,
        tpu.vector_store %arg12[%swap3A_601, %swap3A_602], %mul3A_600 {strides = array<i32>} : memref<400x32xf32, #tpu.memory_space<vmem>>, vector<16xf32>,
        %get3A_604 = arith.index_cast %add3A_595 : i32 to index
        %get3A_605 = arith.constant 16 : index
        %get3A_606 = tpu.vector_load %arg12[%get3A_604, %get3A_605] {strides = array<i32>} : memref<400x32xf32, #tpu.memory_space<vmem>>, vector<16xf32>,
        %mul3A_607 = vector.broadcast %squeeze3A_591 : f32 to vector<16xf32>
        %mul3A_608 = arith.mulf %mul3A_607, %get3A_606 : vector<16xf32>
        %swap3A_609 = arith.index_cast %add3A_595 : i32 to index
        %swap3A_610 = arith.constant 16 : index
        %swap3A_611 = tpu.vector_load %arg12[%swap3A_609, %swap3A_610] {strides = array<i32>} : memref<400x32xf32, #tpu.memory_space<vmem>>, vector<16xf32>,
        tpu.vector_store %arg12[%swap3A_609, %swap3A_610], %mul3A_608 {strides = array<i32>} : memref<400x32xf32, #tpu.memory_space<vmem>>, vector<16xf32>,
        %slice3A_612 = vector.extract_strided_slice %get3A_350 {offsets = [12], sizes = [1], strides = [1]} : vector<16xf32> to vector<1xf32>
        %squeeze3A_613 = vector.extract %slice3A_612[0] : f32 from vector<1xf32>
        %mul3A_614 = arith.constant 16 : i32
        %mul3A_615 = arith.muli %scan3A_346, %mul3A_614 : i32
        %add3A_616 = arith.constant 12 : i32
        %add3A_617 = arith.addi %mul3A_615, %add3A_616 : i32
        %get3A_618 = arith.index_cast %add3A_617 : i32 to index
        %get3A_619 = arith.constant 0 : index
        %get3A_620 = tpu.vector_load %arg12[%get3A_618, %get3A_619] {strides = array<i32>} : memref<400x32xf32, #tpu.memory_space<vmem>>, vector<16xf32>,
        %mul3A_621 = vector.broadcast %squeeze3A_613 : f32 to vector<16xf32>
        %mul3A_622 = arith.mulf %mul3A_621, %get3A_620 : vector<16xf32>
        %swap3A_623 = arith.index_cast %add3A_617 : i32 to index
        %swap3A_624 = arith.constant 0 : index
        %swap3A_625 = tpu.vector_load %arg12[%swap3A_623, %swap3A_624] {strides = array<i32>} : memref<400x32xf32, #tpu.memory_space<vmem>>, vector<16xf32>,
        tpu.vector_store %arg12[%swap3A_623, %swap3A_624], %mul3A_622 {strides = array<i32>} : memref<400x32xf32, #tpu.memory_space<vmem>>, vector<16xf32>,
        %get3A_626 = arith.index_cast %add3A_617 : i32 to index
        %get3A_627 = arith.constant 16 : index
        %get3A_628 = tpu.vector_load %arg12[%get3A_626, %get3A_627] {strides = array<i32>} : memref<400x32xf32, #tpu.memory_space<vmem>>, vector<16xf32>,
        %mul3A_629 = vector.broadcast %squeeze3A_613 : f32 to vector<16xf32>
        %mul3A_630 = arith.mulf %mul3A_629, %get3A_628 : vector<16xf32>
        %swap3A_631 = arith.index_cast %add3A_617 : i32 to index
        %swap3A_632 = arith.constant 16 : index
        %swap3A_633 = tpu.vector_load %arg12[%swap3A_631, %swap3A_632] {strides = array<i32>} : memref<400x32xf32, #tpu.memory_space<vmem>>, vector<16xf32>,
        tpu.vector_store %arg12[%swap3A_631, %swap3A_632], %mul3A_630 {strides = array<i32>} : memref<400x32xf32, #tpu.memory_space<vmem>>, vector<16xf32>,
        %slice3A_634 = vector.extract_strided_slice %get3A_350 {offsets = [13], sizes = [1], strides = [1]} : vector<16xf32> to vector<1xf32>
        %squeeze3A_635 = vector.extract %slice3A_634[0] : f32 from vector<1xf32>
        %mul3A_636 = arith.constant 16 : i32
        %mul3A_637 = arith.muli %scan3A_346, %mul3A_636 : i32
        %add3A_638 = arith.constant 13 : i32
        %add3A_639 = arith.addi %mul3A_637, %add3A_638 : i32
        %get3A_640 = arith.index_cast %add3A_639 : i32 to index
        %get3A_641 = arith.constant 0 : index
        %get3A_642 = tpu.vector_load %arg12[%get3A_640, %get3A_641] {strides = array<i32>} : memref<400x32xf32, #tpu.memory_space<vmem>>, vector<16xf32>,
        %mul3A_643 = vector.broadcast %squeeze3A_635 : f32 to vector<16xf32>
        %mul3A_644 = arith.mulf %mul3A_643, %get3A_642 : vector<16xf32>
        %swap3A_645 = arith.index_cast %add3A_639 : i32 to index
        %swap3A_646 = arith.constant 0 : index
        %swap3A_647 = tpu.vector_load %arg12[%swap3A_645, %swap3A_646] {strides = array<i32>} : memref<400x32xf32, #tpu.memory_space<vmem>>, vector<16xf32>,
        tpu.vector_store %arg12[%swap3A_645, %swap3A_646], %mul3A_644 {strides = array<i32>} : memref<400x32xf32, #tpu.memory_space<vmem>>, vector<16xf32>,
        %get3A_648 = arith.index_cast %add3A_639 : i32 to index
        %get3A_649 = arith.constant 16 : index
        %get3A_650 = tpu.vector_load %arg12[%get3A_648, %get3A_649] {strides = array<i32>} : memref<400x32xf32, #tpu.memory_space<vmem>>, vector<16xf32>,
        %mul3A_651 = vector.broadcast %squeeze3A_635 : f32 to vector<16xf32>
        %mul3A_652 = arith.mulf %mul3A_651, %get3A_650 : vector<16xf32>
        %swap3A_653 = arith.index_cast %add3A_639 : i32 to index
        %swap3A_654 = arith.constant 16 : index
        %swap3A_655 = tpu.vector_load %arg12[%swap3A_653, %swap3A_654] {strides = array<i32>} : memref<400x32xf32, #tpu.memory_space<vmem>>, vector<16xf32>,
        tpu.vector_store %arg12[%swap3A_653, %swap3A_654], %mul3A_652 {strides = array<i32>} : memref<400x32xf32, #tpu.memory_space<vmem>>, vector<16xf32>,
        %slice3A_656 = vector.extract_strided_slice %get3A_350 {offsets = [14], sizes = [1], strides = [1]} : vector<16xf32> to vector<1xf32>
        %squeeze3A_657 = vector.extract %slice3A_656[0] : f32 from vector<1xf32>
        %mul3A_658 = arith.constant 16 : i32
        %mul3A_659 = arith.muli %scan3A_346, %mul3A_658 : i32
        %add3A_660 = arith.constant 14 : i32
        %add3A_661 = arith.addi %mul3A_659, %add3A_660 : i32
        %get3A_662 = arith.index_cast %add3A_661 : i32 to index
        %get3A_663 = arith.constant 0 : index
        %get3A_664 = tpu.vector_load %arg12[%get3A_662, %get3A_663] {strides = array<i32>} : memref<400x32xf32, #tpu.memory_space<vmem>>, vector<16xf32>,
        %mul3A_665 = vector.broadcast %squeeze3A_657 : f32 to vector<16xf32>
        %mul3A_666 = arith.mulf %mul3A_665, %get3A_664 : vector<16xf32>
        %swap3A_667 = arith.index_cast %add3A_661 : i32 to index
        %swap3A_668 = arith.constant 0 : index
        %swap3A_669 = tpu.vector_load %arg12[%swap3A_667, %swap3A_668] {strides = array<i32>} : memref<400x32xf32, #tpu.memory_space<vmem>>, vector<16xf32>,
        tpu.vector_store %arg12[%swap3A_667, %swap3A_668], %mul3A_666 {strides = array<i32>} : memref<400x32xf32, #tpu.memory_space<vmem>>, vector<16xf32>,
        %get3A_670 = arith.index_cast %add3A_661 : i32 to index
        %get3A_671 = arith.constant 16 : index
        %get3A_672 = tpu.vector_load %arg12[%get3A_670, %get3A_671] {strides = array<i32>} : memref<400x32xf32, #tpu.memory_space<vmem>>, vector<16xf32>,
        %mul3A_673 = vector.broadcast %squeeze3A_657 : f32 to vector<16xf32>
        %mul3A_674 = arith.mulf %mul3A_673, %get3A_672 : vector<16xf32>
        %swap3A_675 = arith.index_cast %add3A_661 : i32 to index
        %swap3A_676 = arith.constant 16 : index
        %swap3A_677 = tpu.vector_load %arg12[%swap3A_675, %swap3A_676] {strides = array<i32>} : memref<400x32xf32, #tpu.memory_space<vmem>>, vector<16xf32>,
        tpu.vector_store %arg12[%swap3A_675, %swap3A_676], %mul3A_674 {strides = array<i32>} : memref<400x32xf32, #tpu.memory_space<vmem>>, vector<16xf32>,
        %slice3A_678 = vector.extract_strided_slice %get3A_350 {offsets = [15], sizes = [1], strides = [1]} : vector<16xf32> to vector<1xf32>
        %squeeze3A_679 = vector.extract %slice3A_678[0] : f32 from vector<1xf32>
        %mul3A_680 = arith.constant 16 : i32
        %mul3A_681 = arith.muli %scan3A_346, %mul3A_680 : i32
        %add3A_682 = arith.constant 15 : i32
        %add3A_683 = arith.addi %mul3A_681, %add3A_682 : i32
        %get3A_684 = arith.index_cast %add3A_683 : i32 to index
        %get3A_685 = arith.constant 0 : index
        %get3A_686 = tpu.vector_load %arg12[%get3A_684, %get3A_685] {strides = array<i32>} : memref<400x32xf32, #tpu.memory_space<vmem>>, vector<16xf32>,
        %mul3A_687 = vector.broadcast %squeeze3A_679 : f32 to vector<16xf32>
        %mul3A_688 = arith.mulf %mul3A_687, %get3A_686 : vector<16xf32>
        %swap3A_689 = arith.index_cast %add3A_683 : i32 to index
        %swap3A_690 = arith.constant 0 : index
        %swap3A_691 = tpu.vector_load %arg12[%swap3A_689, %swap3A_690] {strides = array<i32>} : memref<400x32xf32, #tpu.memory_space<vmem>>, vector<16xf32>,
        tpu.vector_store %arg12[%swap3A_689, %swap3A_690], %mul3A_688 {strides = array<i32>} : memref<400x32xf32, #tpu.memory_space<vmem>>, vector<16xf32>,
        %get3A_692 = arith.index_cast %add3A_683 : i32 to index
        %get3A_693 = arith.constant 16 : index
        %get3A_694 = tpu.vector_load %arg12[%get3A_692, %get3A_693] {strides = array<i32>} : memref<400x32xf32, #tpu.memory_space<vmem>>, vector<16xf32>,
        %mul3A_695 = vector.broadcast %squeeze3A_679 : f32 to vector<16xf32>
        %mul3A_696 = arith.mulf %mul3A_695, %get3A_694 : vector<16xf32>
        %swap3A_697 = arith.index_cast %add3A_683 : i32 to index
        %swap3A_698 = arith.constant 16 : index
        %swap3A_699 = tpu.vector_load %arg12[%swap3A_697, %swap3A_698] {strides = array<i32>} : memref<400x32xf32, #tpu.memory_space<vmem>>, vector<16xf32>,
        tpu.vector_store %arg12[%swap3A_697, %swap3A_698], %mul3A_696 {strides = array<i32>} : memref<400x32xf32, #tpu.memory_space<vmem>>, vector<16xf32>,
        %scan3A_700 = arith.constant 0 : i32
        scf.yield %scan3A_700 : i32
      }
      %scan3A_292 = arith.constant 25 : i32
      %dma_start3A_293 = arith.constant 0 : i32
      %dma_start3A_294 = arith.constant 0 : i32
      %dma_start3A_295 = tpu.memref_slice %arg19[%dma_start3A_293, %dma_start3A_294] : memref<10000x32xf32, #tpu.memory_space<vmem_shared>> -> memref<10000x32xf32, #tpu.memory_space<vmem_shared>>
      tpu.enqueue_indirect_dma source(%arg12 : memref<400x32xf32, #tpu.memory_space<vmem>>) target(%dma_start3A_295 : memref<10000x32xf32, #tpu.memory_space<vmem_shared>>) offsets(%arg16 : memref<400xi32, #tpu.memory_space<vmem>>) semaphore(%arg22 : memref<!tpu.dma_semaphore, #tpu.memory_space<semaphore_mem>>) {add = true}
      %mul3A_296 = arith.constant 2 : i32
      %mul3A_297 = arith.muli %mul3A_296, %scan3A_248 : i32
      %add3A_298 = arith.constant 1 : i32
      %add3A_299 = arith.addi %mul3A_297, %add3A_298 : i32
      %mul3A_300 = arith.constant 20000 : i32
      %mul3A_301 = arith.muli %arg1, %mul3A_300 : i32
      %mul3A_302 = arith.constant 400 : i32
      %mul3A_303 = arith.muli %add3A_299, %mul3A_302 : i32
      %add3A_304 = arith.addi %mul3A_301, %mul3A_303 : i32
      %dma_wait3A_305 = tpu.memref_slice %arg2[%add3A_304, %add3A_8] : memref<320000x256xf32, #tpu.memory_space<hbm>> -> memref<400x32xf32, #tpu.memory_space<hbm>>
      %dma_wait3A_306 = tpu.memref_slice %arg2[%add3A_304, %add3A_8] : memref<320000x256xf32, #tpu.memory_space<hbm>> -> memref<400x32xf32, #tpu.memory_space<hbm>>
      tpu.wait_dma2 semaphore(%arg21 : memref<!tpu.dma_semaphore, #tpu.memory_space<semaphore_mem>>) src(%dma_wait3A_306 : memref<400x32xf32, #tpu.memory_space<hbm>>) dst(%arg13 : memref<400x32xf32, #tpu.memory_space<vmem>>)
      %mul3A_307 = arith.constant 20000 : i32
      %mul3A_308 = arith.muli %arg1, %mul3A_307 : i32
      %mul3A_309 = arith.constant 400 : i32
      %mul3A_310 = arith.muli %add3A_299, %mul3A_309 : i32
      %add3A_311 = arith.addi %mul3A_308, %mul3A_310 : i32
      %dma_wait3A_312 = tpu.memref_slice %arg4[%add3A_311] : memref<320000xi32, #tpu.memory_space<hbm>> -> memref<400xi32, #tpu.memory_space<hbm>>
      %dma_wait3A_313 = tpu.memref_slice %arg4[%add3A_311] : memref<320000xi32, #tpu.memory_space<hbm>> -> memref<400xi32, #tpu.memory_space<hbm>>
      tpu.wait_dma2 semaphore(%arg21 : memref<!tpu.dma_semaphore, #tpu.memory_space<semaphore_mem>>) src(%dma_wait3A_313 : memref<400xi32, #tpu.memory_space<hbm>>) dst(%arg17 : memref<400xi32, #tpu.memory_space<vmem>>)
      %mul3A_314 = arith.constant 20000 : i32
      %mul3A_315 = arith.muli %arg1, %mul3A_314 : i32
      %mul3A_316 = arith.constant 400 : i32
      %mul3A_317 = arith.muli %add3A_299, %mul3A_316 : i32
      %add3A_318 = arith.addi %mul3A_315, %mul3A_317 : i32
      %dma_wait3A_319 = tpu.memref_slice %arg3[%add3A_318] : memref<320000xi32, #tpu.memory_space<hbm>> -> memref<400xi32, #tpu.memory_space<hbm>>
      %dma_wait3A_320 = tpu.memref_slice %arg3[%add3A_318] : memref<320000xi32, #tpu.memory_space<hbm>> -> memref<400xi32, #tpu.memory_space<hbm>>
      tpu.wait_dma2 semaphore(%arg21 : memref<!tpu.dma_semaphore, #tpu.memory_space<semaphore_mem>>) src(%dma_wait3A_320 : memref<400xi32, #tpu.memory_space<hbm>>) dst(%arg15 : memref<400xi32, #tpu.memory_space<vmem>>)
      %add3A_321 = arith.constant 1 : i32
      %add3A_322 = arith.addi %add3A_299, %add3A_321 : i32
      %lt3A_323 = arith.constant 50 : i32
      %lt3A_324 = arith.cmpi slt, %add3A_322, %lt3A_323 : i32
      %convert_element_type3A_325 = arith.extui %lt3A_324 : i1 to i32
      %cond3A_326 = arith.constant 0 : i32
      %cond3A_327 = arith.cmpi ne, %convert_element_type3A_325, %cond3A_326 : i32
      scf.if %cond3A_327 {
        %ge3A = arith.constant 1 : i32
        %ge3A_346 = arith.cmpi sge, %add3A_299, %ge3A : i32
        %convert_element_type3A_347 = arith.extui %ge3A_346 : i1 to i32
        %cond3A_348 = arith.constant 0 : i32
        %cond3A_349 = arith.cmpi ne, %convert_element_type3A_347, %cond3A_348 : i32
        scf.if %cond3A_349 {
          %dma_wait3A_373 = arith.constant 0 : i32
          %dma_wait3A_374 = arith.constant 0 : i32
          %dma_wait3A_375 = tpu.memref_slice %arg19[%dma_wait3A_373, %dma_wait3A_374] : memref<10000x32xf32, #tpu.memory_space<vmem_shared>> -> memref<10000x32xf32, #tpu.memory_space<vmem_shared>>
          tpu.wait_indirect_dma semaphore(%arg22 : memref<!tpu.dma_semaphore, #tpu.memory_space<semaphore_mem>>) src(%arg12 : memref<400x32xf32, #tpu.memory_space<vmem>>) dst(%dma_wait3A_375 : memref<10000x32xf32, #tpu.memory_space<vmem_shared>>)
        } else {
        }
        %add3A_350 = arith.constant 1 : i32
        %add3A_351 = arith.addi %add3A_299, %add3A_350 : i32
        %mul3A_352 = arith.constant 20000 : i32
        %mul3A_353 = arith.muli %arg1, %mul3A_352 : i32
        %mul3A_354 = arith.constant 400 : i32
        %mul3A_355 = arith.muli %add3A_351, %mul3A_354 : i32
        %add3A_356 = arith.addi %mul3A_353, %mul3A_355 : i32
        %dma_start3A_357 = tpu.memref_slice %arg2[%add3A_356, %add3A_8] : memref<320000x256xf32, #tpu.memory_space<hbm>> -> memref<400x32xf32, #tpu.memory_space<hbm>>
        %dma_start3A_358 = tpu.memref_slice %arg2[%add3A_356, %add3A_8] : memref<320000x256xf32, #tpu.memory_space<hbm>> -> memref<400x32xf32, #tpu.memory_space<hbm>>
        tpu.enqueue_dma source(%dma_start3A_358 : memref<400x32xf32, #tpu.memory_space<hbm>>) target(%arg12 : memref<400x32xf32, #tpu.memory_space<vmem>>) target_semaphore(%arg20 : memref<!tpu.dma_semaphore, #tpu.memory_space<semaphore_mem>>)
        %mul3A_359 = arith.constant 20000 : i32
        %mul3A_360 = arith.muli %arg1, %mul3A_359 : i32
        %mul3A_361 = arith.constant 400 : i32
        %mul3A_362 = arith.muli %add3A_351, %mul3A_361 : i32
        %add3A_363 = arith.addi %mul3A_360, %mul3A_362 : i32
        %dma_start3A_364 = tpu.memref_slice %arg4[%add3A_363] : memref<320000xi32, #tpu.memory_space<hbm>> -> memref<400xi32, #tpu.memory_space<hbm>>
        %dma_start3A_365 = tpu.memref_slice %arg4[%add3A_363] : memref<320000xi32, #tpu.memory_space<hbm>> -> memref<400xi32, #tpu.memory_space<hbm>>
        tpu.enqueue_dma source(%dma_start3A_365 : memref<400xi32, #tpu.memory_space<hbm>>) target(%arg16 : memref<400xi32, #tpu.memory_space<vmem>>) target_semaphore(%arg20 : memref<!tpu.dma_semaphore, #tpu.memory_space<semaphore_mem>>)
        %mul3A_366 = arith.constant 20000 : i32
        %mul3A_367 = arith.muli %arg1, %mul3A_366 : i32
        %mul3A_368 = arith.constant 400 : i32
        %mul3A_369 = arith.muli %add3A_351, %mul3A_368 : i32
        %add3A_370 = arith.addi %mul3A_367, %mul3A_369 : i32
        %dma_start3A_371 = tpu.memref_slice %arg3[%add3A_370] : memref<320000xi32, #tpu.memory_space<hbm>> -> memref<400xi32, #tpu.memory_space<hbm>>
        %dma_start3A_372 = tpu.memref_slice %arg3[%add3A_370] : memref<320000xi32, #tpu.memory_space<hbm>> -> memref<400xi32, #tpu.memory_space<hbm>>
        tpu.enqueue_dma source(%dma_start3A_372 : memref<400xi32, #tpu.memory_space<hbm>>) target(%arg14 : memref<400xi32, #tpu.memory_space<vmem>>) target_semaphore(%arg20 : memref<!tpu.dma_semaphore, #tpu.memory_space<semaphore_mem>>)
      } else {
      }
      %scan3A_328 = arith.constant 0 : i32
      %scan3A_329 = arith.constant 0 : i32
      %scan3A_330 = arith.constant 25 : i32
      %scan3A_331 = arith.addi %scan3A_329, %scan3A_330 : i32
      %scan3A_332 = arith.constant 1 : i32
      %scan3A_333 = scf.for %scan3A_346 = %scan3A_329 to %scan3A_331 step %scan3A_332 iter_args(%scan3A_347 = %scan3A_328) -> (i32)  : i32 {
        %mul3A_348 = arith.constant 16 : i32
        %mul3A_349 = arith.muli %scan3A_346, %mul3A_348 : i32
        %get3A = arith.index_cast %mul3A_349 : i32 to index
        %get3A_350 = tpu.vector_load %arg15[%get3A] {strides = array<i32>} : memref<400xi32, #tpu.memory_space<vmem>>, vector<16xi32>,
        %gather3A = tpu.vector_load_idx %arg11[%get3A_350, %broadcast_in_dim3A_2] : memref<10000x1xf32, #tpu.memory_space<vmem>>[vector<16xi32>, vector<16xi32>], vector<16xf32>,
        %mul3A_351 = arith.constant 0.949999988 : f32
        %mul3A_352 = vector.broadcast %mul3A_351 : f32 to vector<16xf32>
        %mul3A_353 = arith.mulf %mul3A_352, %gather3A : vector<16xf32>
        %mul3A_354 = arith.constant 16 : i32
        %mul3A_355 = arith.muli %scan3A_346, %mul3A_354 : i32
        %swap3A = arith.index_cast %mul3A_355 : i32 to index
        %swap3A_356 = tpu.vector_load %arg18[%swap3A] {strides = array<i32>} : memref<400xf32, #tpu.memory_space<vmem>>, vector<16xf32>,
        tpu.vector_store %arg18[%swap3A], %mul3A_353 {strides = array<i32>} : memref<400xf32, #tpu.memory_space<vmem>>, vector<16xf32>,
        %scan3A_357 = arith.constant 0 : i32
        scf.yield %scan3A_357 : i32
      }
      %scan3A_334 = arith.constant 25 : i32
      %scan3A_335 = arith.constant 0 : i32
      %scan3A_336 = arith.constant 0 : i32
      %scan3A_337 = arith.constant 25 : i32
      %scan3A_338 = arith.addi %scan3A_336, %scan3A_337 : i32
      %scan3A_339 = arith.constant 1 : i32
      %scan3A_340 = scf.for %scan3A_346 = %scan3A_336 to %scan3A_338 step %scan3A_339 iter_args(%scan3A_347 = %scan3A_335) -> (i32)  : i32 {
        %mul3A_348 = arith.constant 16 : i32
        %mul3A_349 = arith.muli %scan3A_346, %mul3A_348 : i32
        %get3A = arith.index_cast %mul3A_349 : i32 to index
        %get3A_350 = tpu.vector_load %arg18[%get3A] {strides = array<i32>} : memref<400xf32, #tpu.memory_space<vmem>>, vector<16xf32>,
        %slice3A = vector.extract_strided_slice %get3A_350 {offsets = [0], sizes = [1], strides = [1]} : vector<16xf32> to vector<1xf32>
        %squeeze3A = vector.extract %slice3A[0] : f32 from vector<1xf32>
        %mul3A_351 = arith.constant 16 : i32
        %mul3A_352 = arith.muli %scan3A_346, %mul3A_351 : i32
        %add3A_353 = arith.constant 0 : i32
        %add3A_354 = arith.addi %mul3A_352, %add3A_353 : i32
        %get3A_355 = arith.index_cast %add3A_354 : i32 to index
        %get3A_356 = arith.constant 0 : index
        %get3A_357 = tpu.vector_load %arg13[%get3A_355, %get3A_356] {strides = array<i32>} : memref<400x32xf32, #tpu.memory_space<vmem>>, vector<16xf32>,
        %mul3A_358 = vector.broadcast %squeeze3A : f32 to vector<16xf32>
        %mul3A_359 = arith.mulf %mul3A_358, %get3A_357 : vector<16xf32>
        %swap3A = arith.index_cast %add3A_354 : i32 to index
        %swap3A_360 = arith.constant 0 : index
        %swap3A_361 = tpu.vector_load %arg13[%swap3A, %swap3A_360] {strides = array<i32>} : memref<400x32xf32, #tpu.memory_space<vmem>>, vector<16xf32>,
        tpu.vector_store %arg13[%swap3A, %swap3A_360], %mul3A_359 {strides = array<i32>} : memref<400x32xf32, #tpu.memory_space<vmem>>, vector<16xf32>,
        %get3A_362 = arith.index_cast %add3A_354 : i32 to index
        %get3A_363 = arith.constant 16 : index
        %get3A_364 = tpu.vector_load %arg13[%get3A_362, %get3A_363] {strides = array<i32>} : memref<400x32xf32, #tpu.memory_space<vmem>>, vector<16xf32>,
        %mul3A_365 = vector.broadcast %squeeze3A : f32 to vector<16xf32>
        %mul3A_366 = arith.mulf %mul3A_365, %get3A_364 : vector<16xf32>
        %swap3A_367 = arith.index_cast %add3A_354 : i32 to index
        %swap3A_368 = arith.constant 16 : index
        %swap3A_369 = tpu.vector_load %arg13[%swap3A_367, %swap3A_368] {strides = array<i32>} : memref<400x32xf32, #tpu.memory_space<vmem>>, vector<16xf32>,
        tpu.vector_store %arg13[%swap3A_367, %swap3A_368], %mul3A_366 {strides = array<i32>} : memref<400x32xf32, #tpu.memory_space<vmem>>, vector<16xf32>,
        %slice3A_370 = vector.extract_strided_slice %get3A_350 {offsets = [1], sizes = [1], strides = [1]} : vector<16xf32> to vector<1xf32>
        %squeeze3A_371 = vector.extract %slice3A_370[0] : f32 from vector<1xf32>
        %mul3A_372 = arith.constant 16 : i32
        %mul3A_373 = arith.muli %scan3A_346, %mul3A_372 : i32
        %add3A_374 = arith.constant 1 : i32
        %add3A_375 = arith.addi %mul3A_373, %add3A_374 : i32
        %get3A_376 = arith.index_cast %add3A_375 : i32 to index
        %get3A_377 = arith.constant 0 : index
        %get3A_378 = tpu.vector_load %arg13[%get3A_376, %get3A_377] {strides = array<i32>} : memref<400x32xf32, #tpu.memory_space<vmem>>, vector<16xf32>,
        %mul3A_379 = vector.broadcast %squeeze3A_371 : f32 to vector<16xf32>
        %mul3A_380 = arith.mulf %mul3A_379, %get3A_378 : vector<16xf32>
        %swap3A_381 = arith.index_cast %add3A_375 : i32 to index
        %swap3A_382 = arith.constant 0 : index
        %swap3A_383 = tpu.vector_load %arg13[%swap3A_381, %swap3A_382] {strides = array<i32>} : memref<400x32xf32, #tpu.memory_space<vmem>>, vector<16xf32>,
        tpu.vector_store %arg13[%swap3A_381, %swap3A_382], %mul3A_380 {strides = array<i32>} : memref<400x32xf32, #tpu.memory_space<vmem>>, vector<16xf32>,
        %get3A_384 = arith.index_cast %add3A_375 : i32 to index
        %get3A_385 = arith.constant 16 : index
        %get3A_386 = tpu.vector_load %arg13[%get3A_384, %get3A_385] {strides = array<i32>} : memref<400x32xf32, #tpu.memory_space<vmem>>, vector<16xf32>,
        %mul3A_387 = vector.broadcast %squeeze3A_371 : f32 to vector<16xf32>
        %mul3A_388 = arith.mulf %mul3A_387, %get3A_386 : vector<16xf32>
        %swap3A_389 = arith.index_cast %add3A_375 : i32 to index
        %swap3A_390 = arith.constant 16 : index
        %swap3A_391 = tpu.vector_load %arg13[%swap3A_389, %swap3A_390] {strides = array<i32>} : memref<400x32xf32, #tpu.memory_space<vmem>>, vector<16xf32>,
        tpu.vector_store %arg13[%swap3A_389, %swap3A_390], %mul3A_388 {strides = array<i32>} : memref<400x32xf32, #tpu.memory_space<vmem>>, vector<16xf32>,
        %slice3A_392 = vector.extract_strided_slice %get3A_350 {offsets = [2], sizes = [1], strides = [1]} : vector<16xf32> to vector<1xf32>
        %squeeze3A_393 = vector.extract %slice3A_392[0] : f32 from vector<1xf32>
        %mul3A_394 = arith.constant 16 : i32
        %mul3A_395 = arith.muli %scan3A_346, %mul3A_394 : i32
        %add3A_396 = arith.constant 2 : i32
        %add3A_397 = arith.addi %mul3A_395, %add3A_396 : i32
        %get3A_398 = arith.index_cast %add3A_397 : i32 to index
        %get3A_399 = arith.constant 0 : index
        %get3A_400 = tpu.vector_load %arg13[%get3A_398, %get3A_399] {strides = array<i32>} : memref<400x32xf32, #tpu.memory_space<vmem>>, vector<16xf32>,
        %mul3A_401 = vector.broadcast %squeeze3A_393 : f32 to vector<16xf32>
        %mul3A_402 = arith.mulf %mul3A_401, %get3A_400 : vector<16xf32>
        %swap3A_403 = arith.index_cast %add3A_397 : i32 to index
        %swap3A_404 = arith.constant 0 : index
        %swap3A_405 = tpu.vector_load %arg13[%swap3A_403, %swap3A_404] {strides = array<i32>} : memref<400x32xf32, #tpu.memory_space<vmem>>, vector<16xf32>,
        tpu.vector_store %arg13[%swap3A_403, %swap3A_404], %mul3A_402 {strides = array<i32>} : memref<400x32xf32, #tpu.memory_space<vmem>>, vector<16xf32>,
        %get3A_406 = arith.index_cast %add3A_397 : i32 to index
        %get3A_407 = arith.constant 16 : index
        %get3A_408 = tpu.vector_load %arg13[%get3A_406, %get3A_407] {strides = array<i32>} : memref<400x32xf32, #tpu.memory_space<vmem>>, vector<16xf32>,
        %mul3A_409 = vector.broadcast %squeeze3A_393 : f32 to vector<16xf32>
        %mul3A_410 = arith.mulf %mul3A_409, %get3A_408 : vector<16xf32>
        %swap3A_411 = arith.index_cast %add3A_397 : i32 to index
        %swap3A_412 = arith.constant 16 : index
        %swap3A_413 = tpu.vector_load %arg13[%swap3A_411, %swap3A_412] {strides = array<i32>} : memref<400x32xf32, #tpu.memory_space<vmem>>, vector<16xf32>,
        tpu.vector_store %arg13[%swap3A_411, %swap3A_412], %mul3A_410 {strides = array<i32>} : memref<400x32xf32, #tpu.memory_space<vmem>>, vector<16xf32>,
        %slice3A_414 = vector.extract_strided_slice %get3A_350 {offsets = [3], sizes = [1], strides = [1]} : vector<16xf32> to vector<1xf32>
        %squeeze3A_415 = vector.extract %slice3A_414[0] : f32 from vector<1xf32>
        %mul3A_416 = arith.constant 16 : i32
        %mul3A_417 = arith.muli %scan3A_346, %mul3A_416 : i32
        %add3A_418 = arith.constant 3 : i32
        %add3A_419 = arith.addi %mul3A_417, %add3A_418 : i32
        %get3A_420 = arith.index_cast %add3A_419 : i32 to index
        %get3A_421 = arith.constant 0 : index
        %get3A_422 = tpu.vector_load %arg13[%get3A_420, %get3A_421] {strides = array<i32>} : memref<400x32xf32, #tpu.memory_space<vmem>>, vector<16xf32>,
        %mul3A_423 = vector.broadcast %squeeze3A_415 : f32 to vector<16xf32>
        %mul3A_424 = arith.mulf %mul3A_423, %get3A_422 : vector<16xf32>
        %swap3A_425 = arith.index_cast %add3A_419 : i32 to index
        %swap3A_426 = arith.constant 0 : index
        %swap3A_427 = tpu.vector_load %arg13[%swap3A_425, %swap3A_426] {strides = array<i32>} : memref<400x32xf32, #tpu.memory_space<vmem>>, vector<16xf32>,
        tpu.vector_store %arg13[%swap3A_425, %swap3A_426], %mul3A_424 {strides = array<i32>} : memref<400x32xf32, #tpu.memory_space<vmem>>, vector<16xf32>,
        %get3A_428 = arith.index_cast %add3A_419 : i32 to index
        %get3A_429 = arith.constant 16 : index
        %get3A_430 = tpu.vector_load %arg13[%get3A_428, %get3A_429] {strides = array<i32>} : memref<400x32xf32, #tpu.memory_space<vmem>>, vector<16xf32>,
        %mul3A_431 = vector.broadcast %squeeze3A_415 : f32 to vector<16xf32>
        %mul3A_432 = arith.mulf %mul3A_431, %get3A_430 : vector<16xf32>
        %swap3A_433 = arith.index_cast %add3A_419 : i32 to index
        %swap3A_434 = arith.constant 16 : index
        %swap3A_435 = tpu.vector_load %arg13[%swap3A_433, %swap3A_434] {strides = array<i32>} : memref<400x32xf32, #tpu.memory_space<vmem>>, vector<16xf32>,
        tpu.vector_store %arg13[%swap3A_433, %swap3A_434], %mul3A_432 {strides = array<i32>} : memref<400x32xf32, #tpu.memory_space<vmem>>, vector<16xf32>,
        %slice3A_436 = vector.extract_strided_slice %get3A_350 {offsets = [4], sizes = [1], strides = [1]} : vector<16xf32> to vector<1xf32>
        %squeeze3A_437 = vector.extract %slice3A_436[0] : f32 from vector<1xf32>
        %mul3A_438 = arith.constant 16 : i32
        %mul3A_439 = arith.muli %scan3A_346, %mul3A_438 : i32
        %add3A_440 = arith.constant 4 : i32
        %add3A_441 = arith.addi %mul3A_439, %add3A_440 : i32
        %get3A_442 = arith.index_cast %add3A_441 : i32 to index
        %get3A_443 = arith.constant 0 : index
        %get3A_444 = tpu.vector_load %arg13[%get3A_442, %get3A_443] {strides = array<i32>} : memref<400x32xf32, #tpu.memory_space<vmem>>, vector<16xf32>,
        %mul3A_445 = vector.broadcast %squeeze3A_437 : f32 to vector<16xf32>
        %mul3A_446 = arith.mulf %mul3A_445, %get3A_444 : vector<16xf32>
        %swap3A_447 = arith.index_cast %add3A_441 : i32 to index
        %swap3A_448 = arith.constant 0 : index
        %swap3A_449 = tpu.vector_load %arg13[%swap3A_447, %swap3A_448] {strides = array<i32>} : memref<400x32xf32, #tpu.memory_space<vmem>>, vector<16xf32>,
        tpu.vector_store %arg13[%swap3A_447, %swap3A_448], %mul3A_446 {strides = array<i32>} : memref<400x32xf32, #tpu.memory_space<vmem>>, vector<16xf32>,
        %get3A_450 = arith.index_cast %add3A_441 : i32 to index
        %get3A_451 = arith.constant 16 : index
        %get3A_452 = tpu.vector_load %arg13[%get3A_450, %get3A_451] {strides = array<i32>} : memref<400x32xf32, #tpu.memory_space<vmem>>, vector<16xf32>,
        %mul3A_453 = vector.broadcast %squeeze3A_437 : f32 to vector<16xf32>
        %mul3A_454 = arith.mulf %mul3A_453, %get3A_452 : vector<16xf32>
        %swap3A_455 = arith.index_cast %add3A_441 : i32 to index
        %swap3A_456 = arith.constant 16 : index
        %swap3A_457 = tpu.vector_load %arg13[%swap3A_455, %swap3A_456] {strides = array<i32>} : memref<400x32xf32, #tpu.memory_space<vmem>>, vector<16xf32>,
        tpu.vector_store %arg13[%swap3A_455, %swap3A_456], %mul3A_454 {strides = array<i32>} : memref<400x32xf32, #tpu.memory_space<vmem>>, vector<16xf32>,
        %slice3A_458 = vector.extract_strided_slice %get3A_350 {offsets = [5], sizes = [1], strides = [1]} : vector<16xf32> to vector<1xf32>
        %squeeze3A_459 = vector.extract %slice3A_458[0] : f32 from vector<1xf32>
        %mul3A_460 = arith.constant 16 : i32
        %mul3A_461 = arith.muli %scan3A_346, %mul3A_460 : i32
        %add3A_462 = arith.constant 5 : i32
        %add3A_463 = arith.addi %mul3A_461, %add3A_462 : i32
        %get3A_464 = arith.index_cast %add3A_463 : i32 to index
        %get3A_465 = arith.constant 0 : index
        %get3A_466 = tpu.vector_load %arg13[%get3A_464, %get3A_465] {strides = array<i32>} : memref<400x32xf32, #tpu.memory_space<vmem>>, vector<16xf32>,
        %mul3A_467 = vector.broadcast %squeeze3A_459 : f32 to vector<16xf32>
        %mul3A_468 = arith.mulf %mul3A_467, %get3A_466 : vector<16xf32>
        %swap3A_469 = arith.index_cast %add3A_463 : i32 to index
        %swap3A_470 = arith.constant 0 : index
        %swap3A_471 = tpu.vector_load %arg13[%swap3A_469, %swap3A_470] {strides = array<i32>} : memref<400x32xf32, #tpu.memory_space<vmem>>, vector<16xf32>,
        tpu.vector_store %arg13[%swap3A_469, %swap3A_470], %mul3A_468 {strides = array<i32>} : memref<400x32xf32, #tpu.memory_space<vmem>>, vector<16xf32>,
        %get3A_472 = arith.index_cast %add3A_463 : i32 to index
        %get3A_473 = arith.constant 16 : index
        %get3A_474 = tpu.vector_load %arg13[%get3A_472, %get3A_473] {strides = array<i32>} : memref<400x32xf32, #tpu.memory_space<vmem>>, vector<16xf32>,
        %mul3A_475 = vector.broadcast %squeeze3A_459 : f32 to vector<16xf32>
        %mul3A_476 = arith.mulf %mul3A_475, %get3A_474 : vector<16xf32>
        %swap3A_477 = arith.index_cast %add3A_463 : i32 to index
        %swap3A_478 = arith.constant 16 : index
        %swap3A_479 = tpu.vector_load %arg13[%swap3A_477, %swap3A_478] {strides = array<i32>} : memref<400x32xf32, #tpu.memory_space<vmem>>, vector<16xf32>,
        tpu.vector_store %arg13[%swap3A_477, %swap3A_478], %mul3A_476 {strides = array<i32>} : memref<400x32xf32, #tpu.memory_space<vmem>>, vector<16xf32>,
        %slice3A_480 = vector.extract_strided_slice %get3A_350 {offsets = [6], sizes = [1], strides = [1]} : vector<16xf32> to vector<1xf32>
        %squeeze3A_481 = vector.extract %slice3A_480[0] : f32 from vector<1xf32>
        %mul3A_482 = arith.constant 16 : i32
        %mul3A_483 = arith.muli %scan3A_346, %mul3A_482 : i32
        %add3A_484 = arith.constant 6 : i32
        %add3A_485 = arith.addi %mul3A_483, %add3A_484 : i32
        %get3A_486 = arith.index_cast %add3A_485 : i32 to index
        %get3A_487 = arith.constant 0 : index
        %get3A_488 = tpu.vector_load %arg13[%get3A_486, %get3A_487] {strides = array<i32>} : memref<400x32xf32, #tpu.memory_space<vmem>>, vector<16xf32>,
        %mul3A_489 = vector.broadcast %squeeze3A_481 : f32 to vector<16xf32>
        %mul3A_490 = arith.mulf %mul3A_489, %get3A_488 : vector<16xf32>
        %swap3A_491 = arith.index_cast %add3A_485 : i32 to index
        %swap3A_492 = arith.constant 0 : index
        %swap3A_493 = tpu.vector_load %arg13[%swap3A_491, %swap3A_492] {strides = array<i32>} : memref<400x32xf32, #tpu.memory_space<vmem>>, vector<16xf32>,
        tpu.vector_store %arg13[%swap3A_491, %swap3A_492], %mul3A_490 {strides = array<i32>} : memref<400x32xf32, #tpu.memory_space<vmem>>, vector<16xf32>,
        %get3A_494 = arith.index_cast %add3A_485 : i32 to index
        %get3A_495 = arith.constant 16 : index
        %get3A_496 = tpu.vector_load %arg13[%get3A_494, %get3A_495] {strides = array<i32>} : memref<400x32xf32, #tpu.memory_space<vmem>>, vector<16xf32>,
        %mul3A_497 = vector.broadcast %squeeze3A_481 : f32 to vector<16xf32>
        %mul3A_498 = arith.mulf %mul3A_497, %get3A_496 : vector<16xf32>
        %swap3A_499 = arith.index_cast %add3A_485 : i32 to index
        %swap3A_500 = arith.constant 16 : index
        %swap3A_501 = tpu.vector_load %arg13[%swap3A_499, %swap3A_500] {strides = array<i32>} : memref<400x32xf32, #tpu.memory_space<vmem>>, vector<16xf32>,
        tpu.vector_store %arg13[%swap3A_499, %swap3A_500], %mul3A_498 {strides = array<i32>} : memref<400x32xf32, #tpu.memory_space<vmem>>, vector<16xf32>,
        %slice3A_502 = vector.extract_strided_slice %get3A_350 {offsets = [7], sizes = [1], strides = [1]} : vector<16xf32> to vector<1xf32>
        %squeeze3A_503 = vector.extract %slice3A_502[0] : f32 from vector<1xf32>
        %mul3A_504 = arith.constant 16 : i32
        %mul3A_505 = arith.muli %scan3A_346, %mul3A_504 : i32
        %add3A_506 = arith.constant 7 : i32
        %add3A_507 = arith.addi %mul3A_505, %add3A_506 : i32
        %get3A_508 = arith.index_cast %add3A_507 : i32 to index
        %get3A_509 = arith.constant 0 : index
        %get3A_510 = tpu.vector_load %arg13[%get3A_508, %get3A_509] {strides = array<i32>} : memref<400x32xf32, #tpu.memory_space<vmem>>, vector<16xf32>,
        %mul3A_511 = vector.broadcast %squeeze3A_503 : f32 to vector<16xf32>
        %mul3A_512 = arith.mulf %mul3A_511, %get3A_510 : vector<16xf32>
        %swap3A_513 = arith.index_cast %add3A_507 : i32 to index
        %swap3A_514 = arith.constant 0 : index
        %swap3A_515 = tpu.vector_load %arg13[%swap3A_513, %swap3A_514] {strides = array<i32>} : memref<400x32xf32, #tpu.memory_space<vmem>>, vector<16xf32>,
        tpu.vector_store %arg13[%swap3A_513, %swap3A_514], %mul3A_512 {strides = array<i32>} : memref<400x32xf32, #tpu.memory_space<vmem>>, vector<16xf32>,
        %get3A_516 = arith.index_cast %add3A_507 : i32 to index
        %get3A_517 = arith.constant 16 : index
        %get3A_518 = tpu.vector_load %arg13[%get3A_516, %get3A_517] {strides = array<i32>} : memref<400x32xf32, #tpu.memory_space<vmem>>, vector<16xf32>,
        %mul3A_519 = vector.broadcast %squeeze3A_503 : f32 to vector<16xf32>
        %mul3A_520 = arith.mulf %mul3A_519, %get3A_518 : vector<16xf32>
        %swap3A_521 = arith.index_cast %add3A_507 : i32 to index
        %swap3A_522 = arith.constant 16 : index
        %swap3A_523 = tpu.vector_load %arg13[%swap3A_521, %swap3A_522] {strides = array<i32>} : memref<400x32xf32, #tpu.memory_space<vmem>>, vector<16xf32>,
        tpu.vector_store %arg13[%swap3A_521, %swap3A_522], %mul3A_520 {strides = array<i32>} : memref<400x32xf32, #tpu.memory_space<vmem>>, vector<16xf32>,
        %slice3A_524 = vector.extract_strided_slice %get3A_350 {offsets = [8], sizes = [1], strides = [1]} : vector<16xf32> to vector<1xf32>
        %squeeze3A_525 = vector.extract %slice3A_524[0] : f32 from vector<1xf32>
        %mul3A_526 = arith.constant 16 : i32
        %mul3A_527 = arith.muli %scan3A_346, %mul3A_526 : i32
        %add3A_528 = arith.constant 8 : i32
        %add3A_529 = arith.addi %mul3A_527, %add3A_528 : i32
        %get3A_530 = arith.index_cast %add3A_529 : i32 to index
        %get3A_531 = arith.constant 0 : index
        %get3A_532 = tpu.vector_load %arg13[%get3A_530, %get3A_531] {strides = array<i32>} : memref<400x32xf32, #tpu.memory_space<vmem>>, vector<16xf32>,
        %mul3A_533 = vector.broadcast %squeeze3A_525 : f32 to vector<16xf32>
        %mul3A_534 = arith.mulf %mul3A_533, %get3A_532 : vector<16xf32>
        %swap3A_535 = arith.index_cast %add3A_529 : i32 to index
        %swap3A_536 = arith.constant 0 : index
        %swap3A_537 = tpu.vector_load %arg13[%swap3A_535, %swap3A_536] {strides = array<i32>} : memref<400x32xf32, #tpu.memory_space<vmem>>, vector<16xf32>,
        tpu.vector_store %arg13[%swap3A_535, %swap3A_536], %mul3A_534 {strides = array<i32>} : memref<400x32xf32, #tpu.memory_space<vmem>>, vector<16xf32>,
        %get3A_538 = arith.index_cast %add3A_529 : i32 to index
        %get3A_539 = arith.constant 16 : index
        %get3A_540 = tpu.vector_load %arg13[%get3A_538, %get3A_539] {strides = array<i32>} : memref<400x32xf32, #tpu.memory_space<vmem>>, vector<16xf32>,
        %mul3A_541 = vector.broadcast %squeeze3A_525 : f32 to vector<16xf32>
        %mul3A_542 = arith.mulf %mul3A_541, %get3A_540 : vector<16xf32>
        %swap3A_543 = arith.index_cast %add3A_529 : i32 to index
        %swap3A_544 = arith.constant 16 : index
        %swap3A_545 = tpu.vector_load %arg13[%swap3A_543, %swap3A_544] {strides = array<i32>} : memref<400x32xf32, #tpu.memory_space<vmem>>, vector<16xf32>,
        tpu.vector_store %arg13[%swap3A_543, %swap3A_544], %mul3A_542 {strides = array<i32>} : memref<400x32xf32, #tpu.memory_space<vmem>>, vector<16xf32>,
        %slice3A_546 = vector.extract_strided_slice %get3A_350 {offsets = [9], sizes = [1], strides = [1]} : vector<16xf32> to vector<1xf32>
        %squeeze3A_547 = vector.extract %slice3A_546[0] : f32 from vector<1xf32>
        %mul3A_548 = arith.constant 16 : i32
        %mul3A_549 = arith.muli %scan3A_346, %mul3A_548 : i32
        %add3A_550 = arith.constant 9 : i32
        %add3A_551 = arith.addi %mul3A_549, %add3A_550 : i32
        %get3A_552 = arith.index_cast %add3A_551 : i32 to index
        %get3A_553 = arith.constant 0 : index
        %get3A_554 = tpu.vector_load %arg13[%get3A_552, %get3A_553] {strides = array<i32>} : memref<400x32xf32, #tpu.memory_space<vmem>>, vector<16xf32>,
        %mul3A_555 = vector.broadcast %squeeze3A_547 : f32 to vector<16xf32>
        %mul3A_556 = arith.mulf %mul3A_555, %get3A_554 : vector<16xf32>
        %swap3A_557 = arith.index_cast %add3A_551 : i32 to index
        %swap3A_558 = arith.constant 0 : index
        %swap3A_559 = tpu.vector_load %arg13[%swap3A_557, %swap3A_558] {strides = array<i32>} : memref<400x32xf32, #tpu.memory_space<vmem>>, vector<16xf32>,
        tpu.vector_store %arg13[%swap3A_557, %swap3A_558], %mul3A_556 {strides = array<i32>} : memref<400x32xf32, #tpu.memory_space<vmem>>, vector<16xf32>,
        %get3A_560 = arith.index_cast %add3A_551 : i32 to index
        %get3A_561 = arith.constant 16 : index
        %get3A_562 = tpu.vector_load %arg13[%get3A_560, %get3A_561] {strides = array<i32>} : memref<400x32xf32, #tpu.memory_space<vmem>>, vector<16xf32>,
        %mul3A_563 = vector.broadcast %squeeze3A_547 : f32 to vector<16xf32>
        %mul3A_564 = arith.mulf %mul3A_563, %get3A_562 : vector<16xf32>
        %swap3A_565 = arith.index_cast %add3A_551 : i32 to index
        %swap3A_566 = arith.constant 16 : index
        %swap3A_567 = tpu.vector_load %arg13[%swap3A_565, %swap3A_566] {strides = array<i32>} : memref<400x32xf32, #tpu.memory_space<vmem>>, vector<16xf32>,
        tpu.vector_store %arg13[%swap3A_565, %swap3A_566], %mul3A_564 {strides = array<i32>} : memref<400x32xf32, #tpu.memory_space<vmem>>, vector<16xf32>,
        %slice3A_568 = vector.extract_strided_slice %get3A_350 {offsets = [10], sizes = [1], strides = [1]} : vector<16xf32> to vector<1xf32>
        %squeeze3A_569 = vector.extract %slice3A_568[0] : f32 from vector<1xf32>
        %mul3A_570 = arith.constant 16 : i32
        %mul3A_571 = arith.muli %scan3A_346, %mul3A_570 : i32
        %add3A_572 = arith.constant 10 : i32
        %add3A_573 = arith.addi %mul3A_571, %add3A_572 : i32
        %get3A_574 = arith.index_cast %add3A_573 : i32 to index
        %get3A_575 = arith.constant 0 : index
        %get3A_576 = tpu.vector_load %arg13[%get3A_574, %get3A_575] {strides = array<i32>} : memref<400x32xf32, #tpu.memory_space<vmem>>, vector<16xf32>,
        %mul3A_577 = vector.broadcast %squeeze3A_569 : f32 to vector<16xf32>
        %mul3A_578 = arith.mulf %mul3A_577, %get3A_576 : vector<16xf32>
        %swap3A_579 = arith.index_cast %add3A_573 : i32 to index
        %swap3A_580 = arith.constant 0 : index
        %swap3A_581 = tpu.vector_load %arg13[%swap3A_579, %swap3A_580] {strides = array<i32>} : memref<400x32xf32, #tpu.memory_space<vmem>>, vector<16xf32>,
        tpu.vector_store %arg13[%swap3A_579, %swap3A_580], %mul3A_578 {strides = array<i32>} : memref<400x32xf32, #tpu.memory_space<vmem>>, vector<16xf32>,
        %get3A_582 = arith.index_cast %add3A_573 : i32 to index
        %get3A_583 = arith.constant 16 : index
        %get3A_584 = tpu.vector_load %arg13[%get3A_582, %get3A_583] {strides = array<i32>} : memref<400x32xf32, #tpu.memory_space<vmem>>, vector<16xf32>,
        %mul3A_585 = vector.broadcast %squeeze3A_569 : f32 to vector<16xf32>
        %mul3A_586 = arith.mulf %mul3A_585, %get3A_584 : vector<16xf32>
        %swap3A_587 = arith.index_cast %add3A_573 : i32 to index
        %swap3A_588 = arith.constant 16 : index
        %swap3A_589 = tpu.vector_load %arg13[%swap3A_587, %swap3A_588] {strides = array<i32>} : memref<400x32xf32, #tpu.memory_space<vmem>>, vector<16xf32>,
        tpu.vector_store %arg13[%swap3A_587, %swap3A_588], %mul3A_586 {strides = array<i32>} : memref<400x32xf32, #tpu.memory_space<vmem>>, vector<16xf32>,
        %slice3A_590 = vector.extract_strided_slice %get3A_350 {offsets = [11], sizes = [1], strides = [1]} : vector<16xf32> to vector<1xf32>
        %squeeze3A_591 = vector.extract %slice3A_590[0] : f32 from vector<1xf32>
        %mul3A_592 = arith.constant 16 : i32
        %mul3A_593 = arith.muli %scan3A_346, %mul3A_592 : i32
        %add3A_594 = arith.constant 11 : i32
        %add3A_595 = arith.addi %mul3A_593, %add3A_594 : i32
        %get3A_596 = arith.index_cast %add3A_595 : i32 to index
        %get3A_597 = arith.constant 0 : index
        %get3A_598 = tpu.vector_load %arg13[%get3A_596, %get3A_597] {strides = array<i32>} : memref<400x32xf32, #tpu.memory_space<vmem>>, vector<16xf32>,
        %mul3A_599 = vector.broadcast %squeeze3A_591 : f32 to vector<16xf32>
        %mul3A_600 = arith.mulf %mul3A_599, %get3A_598 : vector<16xf32>
        %swap3A_601 = arith.index_cast %add3A_595 : i32 to index
        %swap3A_602 = arith.constant 0 : index
        %swap3A_603 = tpu.vector_load %arg13[%swap3A_601, %swap3A_602] {strides = array<i32>} : memref<400x32xf32, #tpu.memory_space<vmem>>, vector<16xf32>,
        tpu.vector_store %arg13[%swap3A_601, %swap3A_602], %mul3A_600 {strides = array<i32>} : memref<400x32xf32, #tpu.memory_space<vmem>>, vector<16xf32>,
        %get3A_604 = arith.index_cast %add3A_595 : i32 to index
        %get3A_605 = arith.constant 16 : index
        %get3A_606 = tpu.vector_load %arg13[%get3A_604, %get3A_605] {strides = array<i32>} : memref<400x32xf32, #tpu.memory_space<vmem>>, vector<16xf32>,
        %mul3A_607 = vector.broadcast %squeeze3A_591 : f32 to vector<16xf32>
        %mul3A_608 = arith.mulf %mul3A_607, %get3A_606 : vector<16xf32>
        %swap3A_609 = arith.index_cast %add3A_595 : i32 to index
        %swap3A_610 = arith.constant 16 : index
        %swap3A_611 = tpu.vector_load %arg13[%swap3A_609, %swap3A_610] {strides = array<i32>} : memref<400x32xf32, #tpu.memory_space<vmem>>, vector<16xf32>,
        tpu.vector_store %arg13[%swap3A_609, %swap3A_610], %mul3A_608 {strides = array<i32>} : memref<400x32xf32, #tpu.memory_space<vmem>>, vector<16xf32>,
        %slice3A_612 = vector.extract_strided_slice %get3A_350 {offsets = [12], sizes = [1], strides = [1]} : vector<16xf32> to vector<1xf32>
        %squeeze3A_613 = vector.extract %slice3A_612[0] : f32 from vector<1xf32>
        %mul3A_614 = arith.constant 16 : i32
        %mul3A_615 = arith.muli %scan3A_346, %mul3A_614 : i32
        %add3A_616 = arith.constant 12 : i32
        %add3A_617 = arith.addi %mul3A_615, %add3A_616 : i32
        %get3A_618 = arith.index_cast %add3A_617 : i32 to index
        %get3A_619 = arith.constant 0 : index
        %get3A_620 = tpu.vector_load %arg13[%get3A_618, %get3A_619] {strides = array<i32>} : memref<400x32xf32, #tpu.memory_space<vmem>>, vector<16xf32>,
        %mul3A_621 = vector.broadcast %squeeze3A_613 : f32 to vector<16xf32>
        %mul3A_622 = arith.mulf %mul3A_621, %get3A_620 : vector<16xf32>
        %swap3A_623 = arith.index_cast %add3A_617 : i32 to index
        %swap3A_624 = arith.constant 0 : index
        %swap3A_625 = tpu.vector_load %arg13[%swap3A_623, %swap3A_624] {strides = array<i32>} : memref<400x32xf32, #tpu.memory_space<vmem>>, vector<16xf32>,
        tpu.vector_store %arg13[%swap3A_623, %swap3A_624], %mul3A_622 {strides = array<i32>} : memref<400x32xf32, #tpu.memory_space<vmem>>, vector<16xf32>,
        %get3A_626 = arith.index_cast %add3A_617 : i32 to index
        %get3A_627 = arith.constant 16 : index
        %get3A_628 = tpu.vector_load %arg13[%get3A_626, %get3A_627] {strides = array<i32>} : memref<400x32xf32, #tpu.memory_space<vmem>>, vector<16xf32>,
        %mul3A_629 = vector.broadcast %squeeze3A_613 : f32 to vector<16xf32>
        %mul3A_630 = arith.mulf %mul3A_629, %get3A_628 : vector<16xf32>
        %swap3A_631 = arith.index_cast %add3A_617 : i32 to index
        %swap3A_632 = arith.constant 16 : index
        %swap3A_633 = tpu.vector_load %arg13[%swap3A_631, %swap3A_632] {strides = array<i32>} : memref<400x32xf32, #tpu.memory_space<vmem>>, vector<16xf32>,
        tpu.vector_store %arg13[%swap3A_631, %swap3A_632], %mul3A_630 {strides = array<i32>} : memref<400x32xf32, #tpu.memory_space<vmem>>, vector<16xf32>,
        %slice3A_634 = vector.extract_strided_slice %get3A_350 {offsets = [13], sizes = [1], strides = [1]} : vector<16xf32> to vector<1xf32>
        %squeeze3A_635 = vector.extract %slice3A_634[0] : f32 from vector<1xf32>
        %mul3A_636 = arith.constant 16 : i32
        %mul3A_637 = arith.muli %scan3A_346, %mul3A_636 : i32
        %add3A_638 = arith.constant 13 : i32
        %add3A_639 = arith.addi %mul3A_637, %add3A_638 : i32
        %get3A_640 = arith.index_cast %add3A_639 : i32 to index
        %get3A_641 = arith.constant 0 : index
        %get3A_642 = tpu.vector_load %arg13[%get3A_640, %get3A_641] {strides = array<i32>} : memref<400x32xf32, #tpu.memory_space<vmem>>, vector<16xf32>,
        %mul3A_643 = vector.broadcast %squeeze3A_635 : f32 to vector<16xf32>
        %mul3A_644 = arith.mulf %mul3A_643, %get3A_642 : vector<16xf32>
        %swap3A_645 = arith.index_cast %add3A_639 : i32 to index
        %swap3A_646 = arith.constant 0 : index
        %swap3A_647 = tpu.vector_load %arg13[%swap3A_645, %swap3A_646] {strides = array<i32>} : memref<400x32xf32, #tpu.memory_space<vmem>>, vector<16xf32>,
        tpu.vector_store %arg13[%swap3A_645, %swap3A_646], %mul3A_644 {strides = array<i32>} : memref<400x32xf32, #tpu.memory_space<vmem>>, vector<16xf32>,
        %get3A_648 = arith.index_cast %add3A_639 : i32 to index
        %get3A_649 = arith.constant 16 : index
        %get3A_650 = tpu.vector_load %arg13[%get3A_648, %get3A_649] {strides = array<i32>} : memref<400x32xf32, #tpu.memory_space<vmem>>, vector<16xf32>,
        %mul3A_651 = vector.broadcast %squeeze3A_635 : f32 to vector<16xf32>
        %mul3A_652 = arith.mulf %mul3A_651, %get3A_650 : vector<16xf32>
        %swap3A_653 = arith.index_cast %add3A_639 : i32 to index
        %swap3A_654 = arith.constant 16 : index
        %swap3A_655 = tpu.vector_load %arg13[%swap3A_653, %swap3A_654] {strides = array<i32>} : memref<400x32xf32, #tpu.memory_space<vmem>>, vector<16xf32>,
        tpu.vector_store %arg13[%swap3A_653, %swap3A_654], %mul3A_652 {strides = array<i32>} : memref<400x32xf32, #tpu.memory_space<vmem>>, vector<16xf32>,
        %slice3A_656 = vector.extract_strided_slice %get3A_350 {offsets = [14], sizes = [1], strides = [1]} : vector<16xf32> to vector<1xf32>
        %squeeze3A_657 = vector.extract %slice3A_656[0] : f32 from vector<1xf32>
        %mul3A_658 = arith.constant 16 : i32
        %mul3A_659 = arith.muli %scan3A_346, %mul3A_658 : i32
        %add3A_660 = arith.constant 14 : i32
        %add3A_661 = arith.addi %mul3A_659, %add3A_660 : i32
        %get3A_662 = arith.index_cast %add3A_661 : i32 to index
        %get3A_663 = arith.constant 0 : index
        %get3A_664 = tpu.vector_load %arg13[%get3A_662, %get3A_663] {strides = array<i32>} : memref<400x32xf32, #tpu.memory_space<vmem>>, vector<16xf32>,
        %mul3A_665 = vector.broadcast %squeeze3A_657 : f32 to vector<16xf32>
        %mul3A_666 = arith.mulf %mul3A_665, %get3A_664 : vector<16xf32>
        %swap3A_667 = arith.index_cast %add3A_661 : i32 to index
        %swap3A_668 = arith.constant 0 : index
        %swap3A_669 = tpu.vector_load %arg13[%swap3A_667, %swap3A_668] {strides = array<i32>} : memref<400x32xf32, #tpu.memory_space<vmem>>, vector<16xf32>,
        tpu.vector_store %arg13[%swap3A_667, %swap3A_668], %mul3A_666 {strides = array<i32>} : memref<400x32xf32, #tpu.memory_space<vmem>>, vector<16xf32>,
        %get3A_670 = arith.index_cast %add3A_661 : i32 to index
        %get3A_671 = arith.constant 16 : index
        %get3A_672 = tpu.vector_load %arg13[%get3A_670, %get3A_671] {strides = array<i32>} : memref<400x32xf32, #tpu.memory_space<vmem>>, vector<16xf32>,
        %mul3A_673 = vector.broadcast %squeeze3A_657 : f32 to vector<16xf32>
        %mul3A_674 = arith.mulf %mul3A_673, %get3A_672 : vector<16xf32>
        %swap3A_675 = arith.index_cast %add3A_661 : i32 to index
        %swap3A_676 = arith.constant 16 : index
        %swap3A_677 = tpu.vector_load %arg13[%swap3A_675, %swap3A_676] {strides = array<i32>} : memref<400x32xf32, #tpu.memory_space<vmem>>, vector<16xf32>,
        tpu.vector_store %arg13[%swap3A_675, %swap3A_676], %mul3A_674 {strides = array<i32>} : memref<400x32xf32, #tpu.memory_space<vmem>>, vector<16xf32>,
        %slice3A_678 = vector.extract_strided_slice %get3A_350 {offsets = [15], sizes = [1], strides = [1]} : vector<16xf32> to vector<1xf32>
        %squeeze3A_679 = vector.extract %slice3A_678[0] : f32 from vector<1xf32>
        %mul3A_680 = arith.constant 16 : i32
        %mul3A_681 = arith.muli %scan3A_346, %mul3A_680 : i32
        %add3A_682 = arith.constant 15 : i32
        %add3A_683 = arith.addi %mul3A_681, %add3A_682 : i32
        %get3A_684 = arith.index_cast %add3A_683 : i32 to index
        %get3A_685 = arith.constant 0 : index
        %get3A_686 = tpu.vector_load %arg13[%get3A_684, %get3A_685] {strides = array<i32>} : memref<400x32xf32, #tpu.memory_space<vmem>>, vector<16xf32>,
        %mul3A_687 = vector.broadcast %squeeze3A_679 : f32 to vector<16xf32>
        %mul3A_688 = arith.mulf %mul3A_687, %get3A_686 : vector<16xf32>
        %swap3A_689 = arith.index_cast %add3A_683 : i32 to index
        %swap3A_690 = arith.constant 0 : index
        %swap3A_691 = tpu.vector_load %arg13[%swap3A_689, %swap3A_690] {strides = array<i32>} : memref<400x32xf32, #tpu.memory_space<vmem>>, vector<16xf32>,
        tpu.vector_store %arg13[%swap3A_689, %swap3A_690], %mul3A_688 {strides = array<i32>} : memref<400x32xf32, #tpu.memory_space<vmem>>, vector<16xf32>,
        %get3A_692 = arith.index_cast %add3A_683 : i32 to index
        %get3A_693 = arith.constant 16 : index
        %get3A_694 = tpu.vector_load %arg13[%get3A_692, %get3A_693] {strides = array<i32>} : memref<400x32xf32, #tpu.memory_space<vmem>>, vector<16xf32>,
        %mul3A_695 = vector.broadcast %squeeze3A_679 : f32 to vector<16xf32>
        %mul3A_696 = arith.mulf %mul3A_695, %get3A_694 : vector<16xf32>
        %swap3A_697 = arith.index_cast %add3A_683 : i32 to index
        %swap3A_698 = arith.constant 16 : index
        %swap3A_699 = tpu.vector_load %arg13[%swap3A_697, %swap3A_698] {strides = array<i32>} : memref<400x32xf32, #tpu.memory_space<vmem>>, vector<16xf32>,
        tpu.vector_store %arg13[%swap3A_697, %swap3A_698], %mul3A_696 {strides = array<i32>} : memref<400x32xf32, #tpu.memory_space<vmem>>, vector<16xf32>,
        %scan3A_700 = arith.constant 0 : i32
        scf.yield %scan3A_700 : i32
      }
      %scan3A_341 = arith.constant 25 : i32
      %dma_start3A_342 = arith.constant 0 : i32
      %dma_start3A_343 = arith.constant 0 : i32
      %dma_start3A_344 = tpu.memref_slice %arg19[%dma_start3A_342, %dma_start3A_343] : memref<10000x32xf32, #tpu.memory_space<vmem_shared>> -> memref<10000x32xf32, #tpu.memory_space<vmem_shared>>
      tpu.enqueue_indirect_dma source(%arg13 : memref<400x32xf32, #tpu.memory_space<vmem>>) target(%dma_start3A_344 : memref<10000x32xf32, #tpu.memory_space<vmem_shared>>) offsets(%arg17 : memref<400xi32, #tpu.memory_space<vmem>>) semaphore(%arg23 : memref<!tpu.dma_semaphore, #tpu.memory_space<semaphore_mem>>) {add = true}
      %scan3A_345 = arith.constant 0 : i32
      scf.yield %scan3A_345 : i32
    }
    %scan3A_31 = arith.constant 25 : i32
    %dma_wait3A = arith.constant 0 : i32
    %dma_wait3A_32 = arith.constant 0 : i32
    %dma_wait3A_33 = tpu.memref_slice %arg19[%dma_wait3A, %dma_wait3A_32] : memref<10000x32xf32, #tpu.memory_space<vmem_shared>> -> memref<10000x32xf32, #tpu.memory_space<vmem_shared>>
    tpu.wait_indirect_dma semaphore(%arg22 : memref<!tpu.dma_semaphore, #tpu.memory_space<semaphore_mem>>) src(%arg12 : memref<400x32xf32, #tpu.memory_space<vmem>>) dst(%dma_wait3A_33 : memref<10000x32xf32, #tpu.memory_space<vmem_shared>>)
    %dma_wait3A_34 = arith.constant 0 : i32
    %dma_wait3A_35 = arith.constant 0 : i32
    %dma_wait3A_36 = tpu.memref_slice %arg19[%dma_wait3A_34, %dma_wait3A_35] : memref<10000x32xf32, #tpu.memory_space<vmem_shared>> -> memref<10000x32xf32, #tpu.memory_space<vmem_shared>>
    tpu.wait_indirect_dma semaphore(%arg23 : memref<!tpu.dma_semaphore, #tpu.memory_space<semaphore_mem>>) src(%arg13 : memref<400x32xf32, #tpu.memory_space<vmem>>) dst(%dma_wait3A_36 : memref<10000x32xf32, #tpu.memory_space<vmem_shared>>)
    %barrier3A_37 = arith.constant 0 : index
    tpu.barrier barrier_id(%barrier3A_37)
    "tpu.region"() ({
      %run_scoped3A = tpu.sem_alloc : memref<!tpu.dma_semaphore, #tpu.memory_space<semaphore_mem>>
      %dma_start3A_248 = tpu.memref_slice %arg7[%mul3A_3, %add3A_6] : memref<10000x128xf32, #tpu.memory_space<hbm>> -> memref<625x32xf32, #tpu.memory_space<hbm>>
      %dma_start3A_249 = arith.constant 0 : i32
      %dma_start3A_250 = tpu.memref_slice %arg19[%mul3A_3, %dma_start3A_249] : memref<10000x32xf32, #tpu.memory_space<vmem_shared>> -> memref<625x32xf32, #tpu.memory_space<vmem_shared>>
      tpu.enqueue_dma source(%dma_start3A_250 : memref<625x32xf32, #tpu.memory_space<vmem_shared>>) target(%dma_start3A_248 : memref<625x32xf32, #tpu.memory_space<hbm>>) target_semaphore(%run_scoped3A : memref<!tpu.dma_semaphore, #tpu.memory_space<semaphore_mem>>)
      %dma_wait3A_251 = tpu.memref_slice %arg7[%mul3A_3, %add3A_6] : memref<10000x128xf32, #tpu.memory_space<hbm>> -> memref<625x32xf32, #tpu.memory_space<hbm>>
      %dma_wait3A_252 = arith.constant 0 : i32
      %dma_wait3A_253 = tpu.memref_slice %arg19[%mul3A_3, %dma_wait3A_252] : memref<10000x32xf32, #tpu.memory_space<vmem_shared>> -> memref<625x32xf32, #tpu.memory_space<vmem_shared>>
      tpu.wait_dma2 semaphore(%run_scoped3A : memref<!tpu.dma_semaphore, #tpu.memory_space<semaphore_mem>>) src(%dma_wait3A_253 : memref<625x32xf32, #tpu.memory_space<vmem_shared>>) dst(%dma_wait3A_251 : memref<625x32xf32, #tpu.memory_space<hbm>>)
      tpu.yield
    }) : () -> ()
    "tpu.region"() ({
      %run_scoped3A = tpu.sem_alloc : memref<!tpu.dma_semaphore, #tpu.memory_space<semaphore_mem>>
      %dma_start3A_248 = arith.constant 0 : i32
      %dma_start3A_249 = tpu.memref_slice %arg19[%mul3A_3, %dma_start3A_248] : memref<10000x32xf32, #tpu.memory_space<vmem_shared>> -> memref<625x32xf32, #tpu.memory_space<vmem_shared>>
      tpu.enqueue_dma source(%arg6 : memref<625x32xf32, #tpu.memory_space<hbm>>) target(%dma_start3A_249 : memref<625x32xf32, #tpu.memory_space<vmem_shared>>) target_semaphore(%run_scoped3A : memref<!tpu.dma_semaphore, #tpu.memory_space<semaphore_mem>>)
      %dma_wait3A_250 = arith.constant 0 : i32
      %dma_wait3A_251 = tpu.memref_slice %arg19[%mul3A_3, %dma_wait3A_250] : memref<10000x32xf32, #tpu.memory_space<vmem_shared>> -> memref<625x32xf32, #tpu.memory_space<vmem_shared>>
      tpu.wait_dma2 semaphore(%run_scoped3A : memref<!tpu.dma_semaphore, #tpu.memory_space<semaphore_mem>>) src(%arg6 : memref<625x32xf32, #tpu.memory_space<hbm>>) dst(%dma_wait3A_251 : memref<625x32xf32, #tpu.memory_space<vmem_shared>>)
      tpu.yield
    }) : () -> ()
    %barrier3A_38 = arith.constant 0 : index
    tpu.barrier barrier_id(%barrier3A_38)
    %mul3A_39 = arith.constant 32 : i32
    %mul3A_40 = arith.muli %arg0, %mul3A_39 : i32
    %add3A_41 = arith.constant 64 : i32
    %add3A_42 = arith.addi %add3A_41, %mul3A_40 : i32
    %add3A_43 = arith.constant 128 : i32
    %add3A_44 = arith.addi %add3A_43, %add3A_42 : i32
    %mul3A_45 = arith.constant 20000 : i32
    %mul3A_46 = arith.muli %arg1, %mul3A_45 : i32
    %add3A_47 = arith.constant 0 : i32
    %add3A_48 = arith.addi %mul3A_46, %add3A_47 : i32
    %dma_start3A_49 = tpu.memref_slice %arg2[%add3A_48, %add3A_44] : memref<320000x256xf32, #tpu.memory_space<hbm>> -> memref<400x32xf32, #tpu.memory_space<hbm>>
    %dma_start3A_50 = tpu.memref_slice %arg2[%add3A_48, %add3A_44] : memref<320000x256xf32, #tpu.memory_space<hbm>> -> memref<400x32xf32, #tpu.memory_space<hbm>>
    tpu.enqueue_dma source(%dma_start3A_50 : memref<400x32xf32, #tpu.memory_space<hbm>>) target(%arg12 : memref<400x32xf32, #tpu.memory_space<vmem>>) target_semaphore(%arg20 : memref<!tpu.dma_semaphore, #tpu.memory_space<semaphore_mem>>)
    %mul3A_51 = arith.constant 20000 : i32
    %mul3A_52 = arith.muli %arg1, %mul3A_51 : i32
    %add3A_53 = arith.constant 0 : i32
    %add3A_54 = arith.addi %mul3A_52, %add3A_53 : i32
    %dma_start3A_55 = tpu.memref_slice %arg4[%add3A_54] : memref<320000xi32, #tpu.memory_space<hbm>> -> memref<400xi32, #tpu.memory_space<hbm>>
    %dma_start3A_56 = tpu.memref_slice %arg4[%add3A_54] : memref<320000xi32, #tpu.memory_space<hbm>> -> memref<400xi32, #tpu.memory_space<hbm>>
    tpu.enqueue_dma source(%dma_start3A_56 : memref<400xi32, #tpu.memory_space<hbm>>) target(%arg16 : memref<400xi32, #tpu.memory_space<vmem>>) target_semaphore(%arg20 : memref<!tpu.dma_semaphore, #tpu.memory_space<semaphore_mem>>)
    %mul3A_57 = arith.constant 20000 : i32
    %mul3A_58 = arith.muli %arg1, %mul3A_57 : i32
    %add3A_59 = arith.constant 0 : i32
    %add3A_60 = arith.addi %mul3A_58, %add3A_59 : i32
    %dma_start3A_61 = tpu.memref_slice %arg3[%add3A_60] : memref<320000xi32, #tpu.memory_space<hbm>> -> memref<400xi32, #tpu.memory_space<hbm>>
    %dma_start3A_62 = tpu.memref_slice %arg3[%add3A_60] : memref<320000xi32, #tpu.memory_space<hbm>> -> memref<400xi32, #tpu.memory_space<hbm>>
    tpu.enqueue_dma source(%dma_start3A_62 : memref<400xi32, #tpu.memory_space<hbm>>) target(%arg14 : memref<400xi32, #tpu.memory_space<vmem>>) target_semaphore(%arg20 : memref<!tpu.dma_semaphore, #tpu.memory_space<semaphore_mem>>)
    %scan3A_63 = arith.constant 0 : i32
    %scan3A_64 = arith.constant 0 : i32
    %scan3A_65 = arith.constant 25 : i32
    %scan3A_66 = arith.addi %scan3A_64, %scan3A_65 : i32
    %scan3A_67 = arith.constant 1 : i32
    %scan3A_68 = scf.for %scan3A_248 = %scan3A_64 to %scan3A_66 step %scan3A_67 iter_args(%scan3A_249 = %scan3A_63) -> (i32)  : i32 {
      %mul3A_250 = arith.constant 2 : i32
      %mul3A_251 = arith.muli %mul3A_250, %scan3A_248 : i32
      %add3A_252 = arith.constant 0 : i32
      %add3A_253 = arith.addi %mul3A_251, %add3A_252 : i32
      %mul3A_254 = arith.constant 20000 : i32
      %mul3A_255 = arith.muli %arg1, %mul3A_254 : i32
      %mul3A_256 = arith.constant 400 : i32
      %mul3A_257 = arith.muli %add3A_253, %mul3A_256 : i32
      %add3A_258 = arith.addi %mul3A_255, %mul3A_257 : i32
      %dma_wait3A_259 = tpu.memref_slice %arg2[%add3A_258, %add3A_44] : memref<320000x256xf32, #tpu.memory_space<hbm>> -> memref<400x32xf32, #tpu.memory_space<hbm>>
      %dma_wait3A_260 = tpu.memref_slice %arg2[%add3A_258, %add3A_44] : memref<320000x256xf32, #tpu.memory_space<hbm>> -> memref<400x32xf32, #tpu.memory_space<hbm>>
      tpu.wait_dma2 semaphore(%arg20 : memref<!tpu.dma_semaphore, #tpu.memory_space<semaphore_mem>>) src(%dma_wait3A_260 : memref<400x32xf32, #tpu.memory_space<hbm>>) dst(%arg12 : memref<400x32xf32, #tpu.memory_space<vmem>>)
      %mul3A_261 = arith.constant 20000 : i32
      %mul3A_262 = arith.muli %arg1, %mul3A_261 : i32
      %mul3A_263 = arith.constant 400 : i32
      %mul3A_264 = arith.muli %add3A_253, %mul3A_263 : i32
      %add3A_265 = arith.addi %mul3A_262, %mul3A_264 : i32
      %dma_wait3A_266 = tpu.memref_slice %arg4[%add3A_265] : memref<320000xi32, #tpu.memory_space<hbm>> -> memref<400xi32, #tpu.memory_space<hbm>>
      %dma_wait3A_267 = tpu.memref_slice %arg4[%add3A_265] : memref<320000xi32, #tpu.memory_space<hbm>> -> memref<400xi32, #tpu.memory_space<hbm>>
      tpu.wait_dma2 semaphore(%arg20 : memref<!tpu.dma_semaphore, #tpu.memory_space<semaphore_mem>>) src(%dma_wait3A_267 : memref<400xi32, #tpu.memory_space<hbm>>) dst(%arg16 : memref<400xi32, #tpu.memory_space<vmem>>)
      %mul3A_268 = arith.constant 20000 : i32
      %mul3A_269 = arith.muli %arg1, %mul3A_268 : i32
      %mul3A_270 = arith.constant 400 : i32
      %mul3A_271 = arith.muli %add3A_253, %mul3A_270 : i32
      %add3A_272 = arith.addi %mul3A_269, %mul3A_271 : i32
      %dma_wait3A_273 = tpu.memref_slice %arg3[%add3A_272] : memref<320000xi32, #tpu.memory_space<hbm>> -> memref<400xi32, #tpu.memory_space<hbm>>
      %dma_wait3A_274 = tpu.memref_slice %arg3[%add3A_272] : memref<320000xi32, #tpu.memory_space<hbm>> -> memref<400xi32, #tpu.memory_space<hbm>>
      tpu.wait_dma2 semaphore(%arg20 : memref<!tpu.dma_semaphore, #tpu.memory_space<semaphore_mem>>) src(%dma_wait3A_274 : memref<400xi32, #tpu.memory_space<hbm>>) dst(%arg14 : memref<400xi32, #tpu.memory_space<vmem>>)
      %add3A_275 = arith.constant 1 : i32
      %add3A_276 = arith.addi %add3A_253, %add3A_275 : i32
      %lt3A = arith.constant 50 : i32
      %lt3A_277 = arith.cmpi slt, %add3A_276, %lt3A : i32
      %convert_element_type3A = arith.extui %lt3A_277 : i1 to i32
      %cond3A = arith.constant 0 : i32
      %cond3A_278 = arith.cmpi ne, %convert_element_type3A, %cond3A : i32
      scf.if %cond3A_278 {
        %ge3A = arith.constant 1 : i32
        %ge3A_346 = arith.cmpi sge, %add3A_253, %ge3A : i32
        %convert_element_type3A_347 = arith.extui %ge3A_346 : i1 to i32
        %cond3A_348 = arith.constant 0 : i32
        %cond3A_349 = arith.cmpi ne, %convert_element_type3A_347, %cond3A_348 : i32
        scf.if %cond3A_349 {
          %dma_wait3A_373 = arith.constant 0 : i32
          %dma_wait3A_374 = arith.constant 0 : i32
          %dma_wait3A_375 = tpu.memref_slice %arg19[%dma_wait3A_373, %dma_wait3A_374] : memref<10000x32xf32, #tpu.memory_space<vmem_shared>> -> memref<10000x32xf32, #tpu.memory_space<vmem_shared>>
          tpu.wait_indirect_dma semaphore(%arg23 : memref<!tpu.dma_semaphore, #tpu.memory_space<semaphore_mem>>) src(%arg13 : memref<400x32xf32, #tpu.memory_space<vmem>>) dst(%dma_wait3A_375 : memref<10000x32xf32, #tpu.memory_space<vmem_shared>>)
        } else {
        }
        %add3A_350 = arith.constant 1 : i32
        %add3A_351 = arith.addi %add3A_253, %add3A_350 : i32
        %mul3A_352 = arith.constant 20000 : i32
        %mul3A_353 = arith.muli %arg1, %mul3A_352 : i32
        %mul3A_354 = arith.constant 400 : i32
        %mul3A_355 = arith.muli %add3A_351, %mul3A_354 : i32
        %add3A_356 = arith.addi %mul3A_353, %mul3A_355 : i32
        %dma_start3A_357 = tpu.memref_slice %arg2[%add3A_356, %add3A_44] : memref<320000x256xf32, #tpu.memory_space<hbm>> -> memref<400x32xf32, #tpu.memory_space<hbm>>
        %dma_start3A_358 = tpu.memref_slice %arg2[%add3A_356, %add3A_44] : memref<320000x256xf32, #tpu.memory_space<hbm>> -> memref<400x32xf32, #tpu.memory_space<hbm>>
        tpu.enqueue_dma source(%dma_start3A_358 : memref<400x32xf32, #tpu.memory_space<hbm>>) target(%arg13 : memref<400x32xf32, #tpu.memory_space<vmem>>) target_semaphore(%arg21 : memref<!tpu.dma_semaphore, #tpu.memory_space<semaphore_mem>>)
        %mul3A_359 = arith.constant 20000 : i32
        %mul3A_360 = arith.muli %arg1, %mul3A_359 : i32
        %mul3A_361 = arith.constant 400 : i32
        %mul3A_362 = arith.muli %add3A_351, %mul3A_361 : i32
        %add3A_363 = arith.addi %mul3A_360, %mul3A_362 : i32
        %dma_start3A_364 = tpu.memref_slice %arg4[%add3A_363] : memref<320000xi32, #tpu.memory_space<hbm>> -> memref<400xi32, #tpu.memory_space<hbm>>
        %dma_start3A_365 = tpu.memref_slice %arg4[%add3A_363] : memref<320000xi32, #tpu.memory_space<hbm>> -> memref<400xi32, #tpu.memory_space<hbm>>
        tpu.enqueue_dma source(%dma_start3A_365 : memref<400xi32, #tpu.memory_space<hbm>>) target(%arg17 : memref<400xi32, #tpu.memory_space<vmem>>) target_semaphore(%arg21 : memref<!tpu.dma_semaphore, #tpu.memory_space<semaphore_mem>>)
        %mul3A_366 = arith.constant 20000 : i32
        %mul3A_367 = arith.muli %arg1, %mul3A_366 : i32
        %mul3A_368 = arith.constant 400 : i32
        %mul3A_369 = arith.muli %add3A_351, %mul3A_368 : i32
        %add3A_370 = arith.addi %mul3A_367, %mul3A_369 : i32
        %dma_start3A_371 = tpu.memref_slice %arg3[%add3A_370] : memref<320000xi32, #tpu.memory_space<hbm>> -> memref<400xi32, #tpu.memory_space<hbm>>
        %dma_start3A_372 = tpu.memref_slice %arg3[%add3A_370] : memref<320000xi32, #tpu.memory_space<hbm>> -> memref<400xi32, #tpu.memory_space<hbm>>
        tpu.enqueue_dma source(%dma_start3A_372 : memref<400xi32, #tpu.memory_space<hbm>>) target(%arg15 : memref<400xi32, #tpu.memory_space<vmem>>) target_semaphore(%arg21 : memref<!tpu.dma_semaphore, #tpu.memory_space<semaphore_mem>>)
      } else {
      }
      %scan3A_279 = arith.constant 0 : i32
      %scan3A_280 = arith.constant 0 : i32
      %scan3A_281 = arith.constant 25 : i32
      %scan3A_282 = arith.addi %scan3A_280, %scan3A_281 : i32
      %scan3A_283 = arith.constant 1 : i32
      %scan3A_284 = scf.for %scan3A_346 = %scan3A_280 to %scan3A_282 step %scan3A_283 iter_args(%scan3A_347 = %scan3A_279) -> (i32)  : i32 {
        %mul3A_348 = arith.constant 16 : i32
        %mul3A_349 = arith.muli %scan3A_346, %mul3A_348 : i32
        %get3A = arith.index_cast %mul3A_349 : i32 to index
        %get3A_350 = tpu.vector_load %arg14[%get3A] {strides = array<i32>} : memref<400xi32, #tpu.memory_space<vmem>>, vector<16xi32>,
        %gather3A = tpu.vector_load_idx %arg11[%get3A_350, %broadcast_in_dim3A_2] : memref<10000x1xf32, #tpu.memory_space<vmem>>[vector<16xi32>, vector<16xi32>], vector<16xf32>,
        %mul3A_351 = arith.constant 0.949999988 : f32
        %mul3A_352 = vector.broadcast %mul3A_351 : f32 to vector<16xf32>
        %mul3A_353 = arith.mulf %mul3A_352, %gather3A : vector<16xf32>
        %mul3A_354 = arith.constant 16 : i32
        %mul3A_355 = arith.muli %scan3A_346, %mul3A_354 : i32
        %swap3A = arith.index_cast %mul3A_355 : i32 to index
        %swap3A_356 = tpu.vector_load %arg18[%swap3A] {strides = array<i32>} : memref<400xf32, #tpu.memory_space<vmem>>, vector<16xf32>,
        tpu.vector_store %arg18[%swap3A], %mul3A_353 {strides = array<i32>} : memref<400xf32, #tpu.memory_space<vmem>>, vector<16xf32>,
        %scan3A_357 = arith.constant 0 : i32
        scf.yield %scan3A_357 : i32
      }
      %scan3A_285 = arith.constant 25 : i32
      %scan3A_286 = arith.constant 0 : i32
      %scan3A_287 = arith.constant 0 : i32
      %scan3A_288 = arith.constant 25 : i32
      %scan3A_289 = arith.addi %scan3A_287, %scan3A_288 : i32
      %scan3A_290 = arith.constant 1 : i32
      %scan3A_291 = scf.for %scan3A_346 = %scan3A_287 to %scan3A_289 step %scan3A_290 iter_args(%scan3A_347 = %scan3A_286) -> (i32)  : i32 {
        %mul3A_348 = arith.constant 16 : i32
        %mul3A_349 = arith.muli %scan3A_346, %mul3A_348 : i32
        %get3A = arith.index_cast %mul3A_349 : i32 to index
        %get3A_350 = tpu.vector_load %arg18[%get3A] {strides = array<i32>} : memref<400xf32, #tpu.memory_space<vmem>>, vector<16xf32>,
        %slice3A = vector.extract_strided_slice %get3A_350 {offsets = [0], sizes = [1], strides = [1]} : vector<16xf32> to vector<1xf32>
        %squeeze3A = vector.extract %slice3A[0] : f32 from vector<1xf32>
        %mul3A_351 = arith.constant 16 : i32
        %mul3A_352 = arith.muli %scan3A_346, %mul3A_351 : i32
        %add3A_353 = arith.constant 0 : i32
        %add3A_354 = arith.addi %mul3A_352, %add3A_353 : i32
        %get3A_355 = arith.index_cast %add3A_354 : i32 to index
        %get3A_356 = arith.constant 0 : index
        %get3A_357 = tpu.vector_load %arg12[%get3A_355, %get3A_356] {strides = array<i32>} : memref<400x32xf32, #tpu.memory_space<vmem>>, vector<16xf32>,
        %mul3A_358 = vector.broadcast %squeeze3A : f32 to vector<16xf32>
        %mul3A_359 = arith.mulf %mul3A_358, %get3A_357 : vector<16xf32>
        %swap3A = arith.index_cast %add3A_354 : i32 to index
        %swap3A_360 = arith.constant 0 : index
        %swap3A_361 = tpu.vector_load %arg12[%swap3A, %swap3A_360] {strides = array<i32>} : memref<400x32xf32, #tpu.memory_space<vmem>>, vector<16xf32>,
        tpu.vector_store %arg12[%swap3A, %swap3A_360], %mul3A_359 {strides = array<i32>} : memref<400x32xf32, #tpu.memory_space<vmem>>, vector<16xf32>,
        %get3A_362 = arith.index_cast %add3A_354 : i32 to index
        %get3A_363 = arith.constant 16 : index
        %get3A_364 = tpu.vector_load %arg12[%get3A_362, %get3A_363] {strides = array<i32>} : memref<400x32xf32, #tpu.memory_space<vmem>>, vector<16xf32>,
        %mul3A_365 = vector.broadcast %squeeze3A : f32 to vector<16xf32>
        %mul3A_366 = arith.mulf %mul3A_365, %get3A_364 : vector<16xf32>
        %swap3A_367 = arith.index_cast %add3A_354 : i32 to index
        %swap3A_368 = arith.constant 16 : index
        %swap3A_369 = tpu.vector_load %arg12[%swap3A_367, %swap3A_368] {strides = array<i32>} : memref<400x32xf32, #tpu.memory_space<vmem>>, vector<16xf32>,
        tpu.vector_store %arg12[%swap3A_367, %swap3A_368], %mul3A_366 {strides = array<i32>} : memref<400x32xf32, #tpu.memory_space<vmem>>, vector<16xf32>,
        %slice3A_370 = vector.extract_strided_slice %get3A_350 {offsets = [1], sizes = [1], strides = [1]} : vector<16xf32> to vector<1xf32>
        %squeeze3A_371 = vector.extract %slice3A_370[0] : f32 from vector<1xf32>
        %mul3A_372 = arith.constant 16 : i32
        %mul3A_373 = arith.muli %scan3A_346, %mul3A_372 : i32
        %add3A_374 = arith.constant 1 : i32
        %add3A_375 = arith.addi %mul3A_373, %add3A_374 : i32
        %get3A_376 = arith.index_cast %add3A_375 : i32 to index
        %get3A_377 = arith.constant 0 : index
        %get3A_378 = tpu.vector_load %arg12[%get3A_376, %get3A_377] {strides = array<i32>} : memref<400x32xf32, #tpu.memory_space<vmem>>, vector<16xf32>,
        %mul3A_379 = vector.broadcast %squeeze3A_371 : f32 to vector<16xf32>
        %mul3A_380 = arith.mulf %mul3A_379, %get3A_378 : vector<16xf32>
        %swap3A_381 = arith.index_cast %add3A_375 : i32 to index
        %swap3A_382 = arith.constant 0 : index
        %swap3A_383 = tpu.vector_load %arg12[%swap3A_381, %swap3A_382] {strides = array<i32>} : memref<400x32xf32, #tpu.memory_space<vmem>>, vector<16xf32>,
        tpu.vector_store %arg12[%swap3A_381, %swap3A_382], %mul3A_380 {strides = array<i32>} : memref<400x32xf32, #tpu.memory_space<vmem>>, vector<16xf32>,
        %get3A_384 = arith.index_cast %add3A_375 : i32 to index
        %get3A_385 = arith.constant 16 : index
        %get3A_386 = tpu.vector_load %arg12[%get3A_384, %get3A_385] {strides = array<i32>} : memref<400x32xf32, #tpu.memory_space<vmem>>, vector<16xf32>,
        %mul3A_387 = vector.broadcast %squeeze3A_371 : f32 to vector<16xf32>
        %mul3A_388 = arith.mulf %mul3A_387, %get3A_386 : vector<16xf32>
        %swap3A_389 = arith.index_cast %add3A_375 : i32 to index
        %swap3A_390 = arith.constant 16 : index
        %swap3A_391 = tpu.vector_load %arg12[%swap3A_389, %swap3A_390] {strides = array<i32>} : memref<400x32xf32, #tpu.memory_space<vmem>>, vector<16xf32>,
        tpu.vector_store %arg12[%swap3A_389, %swap3A_390], %mul3A_388 {strides = array<i32>} : memref<400x32xf32, #tpu.memory_space<vmem>>, vector<16xf32>,
        %slice3A_392 = vector.extract_strided_slice %get3A_350 {offsets = [2], sizes = [1], strides = [1]} : vector<16xf32> to vector<1xf32>
        %squeeze3A_393 = vector.extract %slice3A_392[0] : f32 from vector<1xf32>
        %mul3A_394 = arith.constant 16 : i32
        %mul3A_395 = arith.muli %scan3A_346, %mul3A_394 : i32
        %add3A_396 = arith.constant 2 : i32
        %add3A_397 = arith.addi %mul3A_395, %add3A_396 : i32
        %get3A_398 = arith.index_cast %add3A_397 : i32 to index
        %get3A_399 = arith.constant 0 : index
        %get3A_400 = tpu.vector_load %arg12[%get3A_398, %get3A_399] {strides = array<i32>} : memref<400x32xf32, #tpu.memory_space<vmem>>, vector<16xf32>,
        %mul3A_401 = vector.broadcast %squeeze3A_393 : f32 to vector<16xf32>
        %mul3A_402 = arith.mulf %mul3A_401, %get3A_400 : vector<16xf32>
        %swap3A_403 = arith.index_cast %add3A_397 : i32 to index
        %swap3A_404 = arith.constant 0 : index
        %swap3A_405 = tpu.vector_load %arg12[%swap3A_403, %swap3A_404] {strides = array<i32>} : memref<400x32xf32, #tpu.memory_space<vmem>>, vector<16xf32>,
        tpu.vector_store %arg12[%swap3A_403, %swap3A_404], %mul3A_402 {strides = array<i32>} : memref<400x32xf32, #tpu.memory_space<vmem>>, vector<16xf32>,
        %get3A_406 = arith.index_cast %add3A_397 : i32 to index
        %get3A_407 = arith.constant 16 : index
        %get3A_408 = tpu.vector_load %arg12[%get3A_406, %get3A_407] {strides = array<i32>} : memref<400x32xf32, #tpu.memory_space<vmem>>, vector<16xf32>,
        %mul3A_409 = vector.broadcast %squeeze3A_393 : f32 to vector<16xf32>
        %mul3A_410 = arith.mulf %mul3A_409, %get3A_408 : vector<16xf32>
        %swap3A_411 = arith.index_cast %add3A_397 : i32 to index
        %swap3A_412 = arith.constant 16 : index
        %swap3A_413 = tpu.vector_load %arg12[%swap3A_411, %swap3A_412] {strides = array<i32>} : memref<400x32xf32, #tpu.memory_space<vmem>>, vector<16xf32>,
        tpu.vector_store %arg12[%swap3A_411, %swap3A_412], %mul3A_410 {strides = array<i32>} : memref<400x32xf32, #tpu.memory_space<vmem>>, vector<16xf32>,
        %slice3A_414 = vector.extract_strided_slice %get3A_350 {offsets = [3], sizes = [1], strides = [1]} : vector<16xf32> to vector<1xf32>
        %squeeze3A_415 = vector.extract %slice3A_414[0] : f32 from vector<1xf32>
        %mul3A_416 = arith.constant 16 : i32
        %mul3A_417 = arith.muli %scan3A_346, %mul3A_416 : i32
        %add3A_418 = arith.constant 3 : i32
        %add3A_419 = arith.addi %mul3A_417, %add3A_418 : i32
        %get3A_420 = arith.index_cast %add3A_419 : i32 to index
        %get3A_421 = arith.constant 0 : index
        %get3A_422 = tpu.vector_load %arg12[%get3A_420, %get3A_421] {strides = array<i32>} : memref<400x32xf32, #tpu.memory_space<vmem>>, vector<16xf32>,
        %mul3A_423 = vector.broadcast %squeeze3A_415 : f32 to vector<16xf32>
        %mul3A_424 = arith.mulf %mul3A_423, %get3A_422 : vector<16xf32>
        %swap3A_425 = arith.index_cast %add3A_419 : i32 to index
        %swap3A_426 = arith.constant 0 : index
        %swap3A_427 = tpu.vector_load %arg12[%swap3A_425, %swap3A_426] {strides = array<i32>} : memref<400x32xf32, #tpu.memory_space<vmem>>, vector<16xf32>,
        tpu.vector_store %arg12[%swap3A_425, %swap3A_426], %mul3A_424 {strides = array<i32>} : memref<400x32xf32, #tpu.memory_space<vmem>>, vector<16xf32>,
        %get3A_428 = arith.index_cast %add3A_419 : i32 to index
        %get3A_429 = arith.constant 16 : index
        %get3A_430 = tpu.vector_load %arg12[%get3A_428, %get3A_429] {strides = array<i32>} : memref<400x32xf32, #tpu.memory_space<vmem>>, vector<16xf32>,
        %mul3A_431 = vector.broadcast %squeeze3A_415 : f32 to vector<16xf32>
        %mul3A_432 = arith.mulf %mul3A_431, %get3A_430 : vector<16xf32>
        %swap3A_433 = arith.index_cast %add3A_419 : i32 to index
        %swap3A_434 = arith.constant 16 : index
        %swap3A_435 = tpu.vector_load %arg12[%swap3A_433, %swap3A_434] {strides = array<i32>} : memref<400x32xf32, #tpu.memory_space<vmem>>, vector<16xf32>,
        tpu.vector_store %arg12[%swap3A_433, %swap3A_434], %mul3A_432 {strides = array<i32>} : memref<400x32xf32, #tpu.memory_space<vmem>>, vector<16xf32>,
        %slice3A_436 = vector.extract_strided_slice %get3A_350 {offsets = [4], sizes = [1], strides = [1]} : vector<16xf32> to vector<1xf32>
        %squeeze3A_437 = vector.extract %slice3A_436[0] : f32 from vector<1xf32>
        %mul3A_438 = arith.constant 16 : i32
        %mul3A_439 = arith.muli %scan3A_346, %mul3A_438 : i32
        %add3A_440 = arith.constant 4 : i32
        %add3A_441 = arith.addi %mul3A_439, %add3A_440 : i32
        %get3A_442 = arith.index_cast %add3A_441 : i32 to index
        %get3A_443 = arith.constant 0 : index
        %get3A_444 = tpu.vector_load %arg12[%get3A_442, %get3A_443] {strides = array<i32>} : memref<400x32xf32, #tpu.memory_space<vmem>>, vector<16xf32>,
        %mul3A_445 = vector.broadcast %squeeze3A_437 : f32 to vector<16xf32>
        %mul3A_446 = arith.mulf %mul3A_445, %get3A_444 : vector<16xf32>
        %swap3A_447 = arith.index_cast %add3A_441 : i32 to index
        %swap3A_448 = arith.constant 0 : index
        %swap3A_449 = tpu.vector_load %arg12[%swap3A_447, %swap3A_448] {strides = array<i32>} : memref<400x32xf32, #tpu.memory_space<vmem>>, vector<16xf32>,
        tpu.vector_store %arg12[%swap3A_447, %swap3A_448], %mul3A_446 {strides = array<i32>} : memref<400x32xf32, #tpu.memory_space<vmem>>, vector<16xf32>,
        %get3A_450 = arith.index_cast %add3A_441 : i32 to index
        %get3A_451 = arith.constant 16 : index
        %get3A_452 = tpu.vector_load %arg12[%get3A_450, %get3A_451] {strides = array<i32>} : memref<400x32xf32, #tpu.memory_space<vmem>>, vector<16xf32>,
        %mul3A_453 = vector.broadcast %squeeze3A_437 : f32 to vector<16xf32>
        %mul3A_454 = arith.mulf %mul3A_453, %get3A_452 : vector<16xf32>
        %swap3A_455 = arith.index_cast %add3A_441 : i32 to index
        %swap3A_456 = arith.constant 16 : index
        %swap3A_457 = tpu.vector_load %arg12[%swap3A_455, %swap3A_456] {strides = array<i32>} : memref<400x32xf32, #tpu.memory_space<vmem>>, vector<16xf32>,
        tpu.vector_store %arg12[%swap3A_455, %swap3A_456], %mul3A_454 {strides = array<i32>} : memref<400x32xf32, #tpu.memory_space<vmem>>, vector<16xf32>,
        %slice3A_458 = vector.extract_strided_slice %get3A_350 {offsets = [5], sizes = [1], strides = [1]} : vector<16xf32> to vector<1xf32>
        %squeeze3A_459 = vector.extract %slice3A_458[0] : f32 from vector<1xf32>
        %mul3A_460 = arith.constant 16 : i32
        %mul3A_461 = arith.muli %scan3A_346, %mul3A_460 : i32
        %add3A_462 = arith.constant 5 : i32
        %add3A_463 = arith.addi %mul3A_461, %add3A_462 : i32
        %get3A_464 = arith.index_cast %add3A_463 : i32 to index
        %get3A_465 = arith.constant 0 : index
        %get3A_466 = tpu.vector_load %arg12[%get3A_464, %get3A_465] {strides = array<i32>} : memref<400x32xf32, #tpu.memory_space<vmem>>, vector<16xf32>,
        %mul3A_467 = vector.broadcast %squeeze3A_459 : f32 to vector<16xf32>
        %mul3A_468 = arith.mulf %mul3A_467, %get3A_466 : vector<16xf32>
        %swap3A_469 = arith.index_cast %add3A_463 : i32 to index
        %swap3A_470 = arith.constant 0 : index
        %swap3A_471 = tpu.vector_load %arg12[%swap3A_469, %swap3A_470] {strides = array<i32>} : memref<400x32xf32, #tpu.memory_space<vmem>>, vector<16xf32>,
        tpu.vector_store %arg12[%swap3A_469, %swap3A_470], %mul3A_468 {strides = array<i32>} : memref<400x32xf32, #tpu.memory_space<vmem>>, vector<16xf32>,
        %get3A_472 = arith.index_cast %add3A_463 : i32 to index
        %get3A_473 = arith.constant 16 : index
        %get3A_474 = tpu.vector_load %arg12[%get3A_472, %get3A_473] {strides = array<i32>} : memref<400x32xf32, #tpu.memory_space<vmem>>, vector<16xf32>,
        %mul3A_475 = vector.broadcast %squeeze3A_459 : f32 to vector<16xf32>
        %mul3A_476 = arith.mulf %mul3A_475, %get3A_474 : vector<16xf32>
        %swap3A_477 = arith.index_cast %add3A_463 : i32 to index
        %swap3A_478 = arith.constant 16 : index
        %swap3A_479 = tpu.vector_load %arg12[%swap3A_477, %swap3A_478] {strides = array<i32>} : memref<400x32xf32, #tpu.memory_space<vmem>>, vector<16xf32>,
        tpu.vector_store %arg12[%swap3A_477, %swap3A_478], %mul3A_476 {strides = array<i32>} : memref<400x32xf32, #tpu.memory_space<vmem>>, vector<16xf32>,
        %slice3A_480 = vector.extract_strided_slice %get3A_350 {offsets = [6], sizes = [1], strides = [1]} : vector<16xf32> to vector<1xf32>
        %squeeze3A_481 = vector.extract %slice3A_480[0] : f32 from vector<1xf32>
        %mul3A_482 = arith.constant 16 : i32
        %mul3A_483 = arith.muli %scan3A_346, %mul3A_482 : i32
        %add3A_484 = arith.constant 6 : i32
        %add3A_485 = arith.addi %mul3A_483, %add3A_484 : i32
        %get3A_486 = arith.index_cast %add3A_485 : i32 to index
        %get3A_487 = arith.constant 0 : index
        %get3A_488 = tpu.vector_load %arg12[%get3A_486, %get3A_487] {strides = array<i32>} : memref<400x32xf32, #tpu.memory_space<vmem>>, vector<16xf32>,
        %mul3A_489 = vector.broadcast %squeeze3A_481 : f32 to vector<16xf32>
        %mul3A_490 = arith.mulf %mul3A_489, %get3A_488 : vector<16xf32>
        %swap3A_491 = arith.index_cast %add3A_485 : i32 to index
        %swap3A_492 = arith.constant 0 : index
        %swap3A_493 = tpu.vector_load %arg12[%swap3A_491, %swap3A_492] {strides = array<i32>} : memref<400x32xf32, #tpu.memory_space<vmem>>, vector<16xf32>,
        tpu.vector_store %arg12[%swap3A_491, %swap3A_492], %mul3A_490 {strides = array<i32>} : memref<400x32xf32, #tpu.memory_space<vmem>>, vector<16xf32>,
        %get3A_494 = arith.index_cast %add3A_485 : i32 to index
        %get3A_495 = arith.constant 16 : index
        %get3A_496 = tpu.vector_load %arg12[%get3A_494, %get3A_495] {strides = array<i32>} : memref<400x32xf32, #tpu.memory_space<vmem>>, vector<16xf32>,
        %mul3A_497 = vector.broadcast %squeeze3A_481 : f32 to vector<16xf32>
        %mul3A_498 = arith.mulf %mul3A_497, %get3A_496 : vector<16xf32>
        %swap3A_499 = arith.index_cast %add3A_485 : i32 to index
        %swap3A_500 = arith.constant 16 : index
        %swap3A_501 = tpu.vector_load %arg12[%swap3A_499, %swap3A_500] {strides = array<i32>} : memref<400x32xf32, #tpu.memory_space<vmem>>, vector<16xf32>,
        tpu.vector_store %arg12[%swap3A_499, %swap3A_500], %mul3A_498 {strides = array<i32>} : memref<400x32xf32, #tpu.memory_space<vmem>>, vector<16xf32>,
        %slice3A_502 = vector.extract_strided_slice %get3A_350 {offsets = [7], sizes = [1], strides = [1]} : vector<16xf32> to vector<1xf32>
        %squeeze3A_503 = vector.extract %slice3A_502[0] : f32 from vector<1xf32>
        %mul3A_504 = arith.constant 16 : i32
        %mul3A_505 = arith.muli %scan3A_346, %mul3A_504 : i32
        %add3A_506 = arith.constant 7 : i32
        %add3A_507 = arith.addi %mul3A_505, %add3A_506 : i32
        %get3A_508 = arith.index_cast %add3A_507 : i32 to index
        %get3A_509 = arith.constant 0 : index
        %get3A_510 = tpu.vector_load %arg12[%get3A_508, %get3A_509] {strides = array<i32>} : memref<400x32xf32, #tpu.memory_space<vmem>>, vector<16xf32>,
        %mul3A_511 = vector.broadcast %squeeze3A_503 : f32 to vector<16xf32>
        %mul3A_512 = arith.mulf %mul3A_511, %get3A_510 : vector<16xf32>
        %swap3A_513 = arith.index_cast %add3A_507 : i32 to index
        %swap3A_514 = arith.constant 0 : index
        %swap3A_515 = tpu.vector_load %arg12[%swap3A_513, %swap3A_514] {strides = array<i32>} : memref<400x32xf32, #tpu.memory_space<vmem>>, vector<16xf32>,
        tpu.vector_store %arg12[%swap3A_513, %swap3A_514], %mul3A_512 {strides = array<i32>} : memref<400x32xf32, #tpu.memory_space<vmem>>, vector<16xf32>,
        %get3A_516 = arith.index_cast %add3A_507 : i32 to index
        %get3A_517 = arith.constant 16 : index
        %get3A_518 = tpu.vector_load %arg12[%get3A_516, %get3A_517] {strides = array<i32>} : memref<400x32xf32, #tpu.memory_space<vmem>>, vector<16xf32>,
        %mul3A_519 = vector.broadcast %squeeze3A_503 : f32 to vector<16xf32>
        %mul3A_520 = arith.mulf %mul3A_519, %get3A_518 : vector<16xf32>
        %swap3A_521 = arith.index_cast %add3A_507 : i32 to index
        %swap3A_522 = arith.constant 16 : index
        %swap3A_523 = tpu.vector_load %arg12[%swap3A_521, %swap3A_522] {strides = array<i32>} : memref<400x32xf32, #tpu.memory_space<vmem>>, vector<16xf32>,
        tpu.vector_store %arg12[%swap3A_521, %swap3A_522], %mul3A_520 {strides = array<i32>} : memref<400x32xf32, #tpu.memory_space<vmem>>, vector<16xf32>,
        %slice3A_524 = vector.extract_strided_slice %get3A_350 {offsets = [8], sizes = [1], strides = [1]} : vector<16xf32> to vector<1xf32>
        %squeeze3A_525 = vector.extract %slice3A_524[0] : f32 from vector<1xf32>
        %mul3A_526 = arith.constant 16 : i32
        %mul3A_527 = arith.muli %scan3A_346, %mul3A_526 : i32
        %add3A_528 = arith.constant 8 : i32
        %add3A_529 = arith.addi %mul3A_527, %add3A_528 : i32
        %get3A_530 = arith.index_cast %add3A_529 : i32 to index
        %get3A_531 = arith.constant 0 : index
        %get3A_532 = tpu.vector_load %arg12[%get3A_530, %get3A_531] {strides = array<i32>} : memref<400x32xf32, #tpu.memory_space<vmem>>, vector<16xf32>,
        %mul3A_533 = vector.broadcast %squeeze3A_525 : f32 to vector<16xf32>
        %mul3A_534 = arith.mulf %mul3A_533, %get3A_532 : vector<16xf32>
        %swap3A_535 = arith.index_cast %add3A_529 : i32 to index
        %swap3A_536 = arith.constant 0 : index
        %swap3A_537 = tpu.vector_load %arg12[%swap3A_535, %swap3A_536] {strides = array<i32>} : memref<400x32xf32, #tpu.memory_space<vmem>>, vector<16xf32>,
        tpu.vector_store %arg12[%swap3A_535, %swap3A_536], %mul3A_534 {strides = array<i32>} : memref<400x32xf32, #tpu.memory_space<vmem>>, vector<16xf32>,
        %get3A_538 = arith.index_cast %add3A_529 : i32 to index
        %get3A_539 = arith.constant 16 : index
        %get3A_540 = tpu.vector_load %arg12[%get3A_538, %get3A_539] {strides = array<i32>} : memref<400x32xf32, #tpu.memory_space<vmem>>, vector<16xf32>,
        %mul3A_541 = vector.broadcast %squeeze3A_525 : f32 to vector<16xf32>
        %mul3A_542 = arith.mulf %mul3A_541, %get3A_540 : vector<16xf32>
        %swap3A_543 = arith.index_cast %add3A_529 : i32 to index
        %swap3A_544 = arith.constant 16 : index
        %swap3A_545 = tpu.vector_load %arg12[%swap3A_543, %swap3A_544] {strides = array<i32>} : memref<400x32xf32, #tpu.memory_space<vmem>>, vector<16xf32>,
        tpu.vector_store %arg12[%swap3A_543, %swap3A_544], %mul3A_542 {strides = array<i32>} : memref<400x32xf32, #tpu.memory_space<vmem>>, vector<16xf32>,
        %slice3A_546 = vector.extract_strided_slice %get3A_350 {offsets = [9], sizes = [1], strides = [1]} : vector<16xf32> to vector<1xf32>
        %squeeze3A_547 = vector.extract %slice3A_546[0] : f32 from vector<1xf32>
        %mul3A_548 = arith.constant 16 : i32
        %mul3A_549 = arith.muli %scan3A_346, %mul3A_548 : i32
        %add3A_550 = arith.constant 9 : i32
        %add3A_551 = arith.addi %mul3A_549, %add3A_550 : i32
        %get3A_552 = arith.index_cast %add3A_551 : i32 to index
        %get3A_553 = arith.constant 0 : index
        %get3A_554 = tpu.vector_load %arg12[%get3A_552, %get3A_553] {strides = array<i32>} : memref<400x32xf32, #tpu.memory_space<vmem>>, vector<16xf32>,
        %mul3A_555 = vector.broadcast %squeeze3A_547 : f32 to vector<16xf32>
        %mul3A_556 = arith.mulf %mul3A_555, %get3A_554 : vector<16xf32>
        %swap3A_557 = arith.index_cast %add3A_551 : i32 to index
        %swap3A_558 = arith.constant 0 : index
        %swap3A_559 = tpu.vector_load %arg12[%swap3A_557, %swap3A_558] {strides = array<i32>} : memref<400x32xf32, #tpu.memory_space<vmem>>, vector<16xf32>,
        tpu.vector_store %arg12[%swap3A_557, %swap3A_558], %mul3A_556 {strides = array<i32>} : memref<400x32xf32, #tpu.memory_space<vmem>>, vector<16xf32>,
        %get3A_560 = arith.index_cast %add3A_551 : i32 to index
        %get3A_561 = arith.constant 16 : index
        %get3A_562 = tpu.vector_load %arg12[%get3A_560, %get3A_561] {strides = array<i32>} : memref<400x32xf32, #tpu.memory_space<vmem>>, vector<16xf32>,
        %mul3A_563 = vector.broadcast %squeeze3A_547 : f32 to vector<16xf32>
        %mul3A_564 = arith.mulf %mul3A_563, %get3A_562 : vector<16xf32>
        %swap3A_565 = arith.index_cast %add3A_551 : i32 to index
        %swap3A_566 = arith.constant 16 : index
        %swap3A_567 = tpu.vector_load %arg12[%swap3A_565, %swap3A_566] {strides = array<i32>} : memref<400x32xf32, #tpu.memory_space<vmem>>, vector<16xf32>,
        tpu.vector_store %arg12[%swap3A_565, %swap3A_566], %mul3A_564 {strides = array<i32>} : memref<400x32xf32, #tpu.memory_space<vmem>>, vector<16xf32>,
        %slice3A_568 = vector.extract_strided_slice %get3A_350 {offsets = [10], sizes = [1], strides = [1]} : vector<16xf32> to vector<1xf32>
        %squeeze3A_569 = vector.extract %slice3A_568[0] : f32 from vector<1xf32>
        %mul3A_570 = arith.constant 16 : i32
        %mul3A_571 = arith.muli %scan3A_346, %mul3A_570 : i32
        %add3A_572 = arith.constant 10 : i32
        %add3A_573 = arith.addi %mul3A_571, %add3A_572 : i32
        %get3A_574 = arith.index_cast %add3A_573 : i32 to index
        %get3A_575 = arith.constant 0 : index
        %get3A_576 = tpu.vector_load %arg12[%get3A_574, %get3A_575] {strides = array<i32>} : memref<400x32xf32, #tpu.memory_space<vmem>>, vector<16xf32>,
        %mul3A_577 = vector.broadcast %squeeze3A_569 : f32 to vector<16xf32>
        %mul3A_578 = arith.mulf %mul3A_577, %get3A_576 : vector<16xf32>
        %swap3A_579 = arith.index_cast %add3A_573 : i32 to index
        %swap3A_580 = arith.constant 0 : index
        %swap3A_581 = tpu.vector_load %arg12[%swap3A_579, %swap3A_580] {strides = array<i32>} : memref<400x32xf32, #tpu.memory_space<vmem>>, vector<16xf32>,
        tpu.vector_store %arg12[%swap3A_579, %swap3A_580], %mul3A_578 {strides = array<i32>} : memref<400x32xf32, #tpu.memory_space<vmem>>, vector<16xf32>,
        %get3A_582 = arith.index_cast %add3A_573 : i32 to index
        %get3A_583 = arith.constant 16 : index
        %get3A_584 = tpu.vector_load %arg12[%get3A_582, %get3A_583] {strides = array<i32>} : memref<400x32xf32, #tpu.memory_space<vmem>>, vector<16xf32>,
        %mul3A_585 = vector.broadcast %squeeze3A_569 : f32 to vector<16xf32>
        %mul3A_586 = arith.mulf %mul3A_585, %get3A_584 : vector<16xf32>
        %swap3A_587 = arith.index_cast %add3A_573 : i32 to index
        %swap3A_588 = arith.constant 16 : index
        %swap3A_589 = tpu.vector_load %arg12[%swap3A_587, %swap3A_588] {strides = array<i32>} : memref<400x32xf32, #tpu.memory_space<vmem>>, vector<16xf32>,
        tpu.vector_store %arg12[%swap3A_587, %swap3A_588], %mul3A_586 {strides = array<i32>} : memref<400x32xf32, #tpu.memory_space<vmem>>, vector<16xf32>,
        %slice3A_590 = vector.extract_strided_slice %get3A_350 {offsets = [11], sizes = [1], strides = [1]} : vector<16xf32> to vector<1xf32>
        %squeeze3A_591 = vector.extract %slice3A_590[0] : f32 from vector<1xf32>
        %mul3A_592 = arith.constant 16 : i32
        %mul3A_593 = arith.muli %scan3A_346, %mul3A_592 : i32
        %add3A_594 = arith.constant 11 : i32
        %add3A_595 = arith.addi %mul3A_593, %add3A_594 : i32
        %get3A_596 = arith.index_cast %add3A_595 : i32 to index
        %get3A_597 = arith.constant 0 : index
        %get3A_598 = tpu.vector_load %arg12[%get3A_596, %get3A_597] {strides = array<i32>} : memref<400x32xf32, #tpu.memory_space<vmem>>, vector<16xf32>,
        %mul3A_599 = vector.broadcast %squeeze3A_591 : f32 to vector<16xf32>
        %mul3A_600 = arith.mulf %mul3A_599, %get3A_598 : vector<16xf32>
        %swap3A_601 = arith.index_cast %add3A_595 : i32 to index
        %swap3A_602 = arith.constant 0 : index
        %swap3A_603 = tpu.vector_load %arg12[%swap3A_601, %swap3A_602] {strides = array<i32>} : memref<400x32xf32, #tpu.memory_space<vmem>>, vector<16xf32>,
        tpu.vector_store %arg12[%swap3A_601, %swap3A_602], %mul3A_600 {strides = array<i32>} : memref<400x32xf32, #tpu.memory_space<vmem>>, vector<16xf32>,
        %get3A_604 = arith.index_cast %add3A_595 : i32 to index
        %get3A_605 = arith.constant 16 : index
        %get3A_606 = tpu.vector_load %arg12[%get3A_604, %get3A_605] {strides = array<i32>} : memref<400x32xf32, #tpu.memory_space<vmem>>, vector<16xf32>,
        %mul3A_607 = vector.broadcast %squeeze3A_591 : f32 to vector<16xf32>
        %mul3A_608 = arith.mulf %mul3A_607, %get3A_606 : vector<16xf32>
        %swap3A_609 = arith.index_cast %add3A_595 : i32 to index
        %swap3A_610 = arith.constant 16 : index
        %swap3A_611 = tpu.vector_load %arg12[%swap3A_609, %swap3A_610] {strides = array<i32>} : memref<400x32xf32, #tpu.memory_space<vmem>>, vector<16xf32>,
        tpu.vector_store %arg12[%swap3A_609, %swap3A_610], %mul3A_608 {strides = array<i32>} : memref<400x32xf32, #tpu.memory_space<vmem>>, vector<16xf32>,
        %slice3A_612 = vector.extract_strided_slice %get3A_350 {offsets = [12], sizes = [1], strides = [1]} : vector<16xf32> to vector<1xf32>
        %squeeze3A_613 = vector.extract %slice3A_612[0] : f32 from vector<1xf32>
        %mul3A_614 = arith.constant 16 : i32
        %mul3A_615 = arith.muli %scan3A_346, %mul3A_614 : i32
        %add3A_616 = arith.constant 12 : i32
        %add3A_617 = arith.addi %mul3A_615, %add3A_616 : i32
        %get3A_618 = arith.index_cast %add3A_617 : i32 to index
        %get3A_619 = arith.constant 0 : index
        %get3A_620 = tpu.vector_load %arg12[%get3A_618, %get3A_619] {strides = array<i32>} : memref<400x32xf32, #tpu.memory_space<vmem>>, vector<16xf32>,
        %mul3A_621 = vector.broadcast %squeeze3A_613 : f32 to vector<16xf32>
        %mul3A_622 = arith.mulf %mul3A_621, %get3A_620 : vector<16xf32>
        %swap3A_623 = arith.index_cast %add3A_617 : i32 to index
        %swap3A_624 = arith.constant 0 : index
        %swap3A_625 = tpu.vector_load %arg12[%swap3A_623, %swap3A_624] {strides = array<i32>} : memref<400x32xf32, #tpu.memory_space<vmem>>, vector<16xf32>,
        tpu.vector_store %arg12[%swap3A_623, %swap3A_624], %mul3A_622 {strides = array<i32>} : memref<400x32xf32, #tpu.memory_space<vmem>>, vector<16xf32>,
        %get3A_626 = arith.index_cast %add3A_617 : i32 to index
        %get3A_627 = arith.constant 16 : index
        %get3A_628 = tpu.vector_load %arg12[%get3A_626, %get3A_627] {strides = array<i32>} : memref<400x32xf32, #tpu.memory_space<vmem>>, vector<16xf32>,
        %mul3A_629 = vector.broadcast %squeeze3A_613 : f32 to vector<16xf32>
        %mul3A_630 = arith.mulf %mul3A_629, %get3A_628 : vector<16xf32>
        %swap3A_631 = arith.index_cast %add3A_617 : i32 to index
        %swap3A_632 = arith.constant 16 : index
        %swap3A_633 = tpu.vector_load %arg12[%swap3A_631, %swap3A_632] {strides = array<i32>} : memref<400x32xf32, #tpu.memory_space<vmem>>, vector<16xf32>,
        tpu.vector_store %arg12[%swap3A_631, %swap3A_632], %mul3A_630 {strides = array<i32>} : memref<400x32xf32, #tpu.memory_space<vmem>>, vector<16xf32>,
        %slice3A_634 = vector.extract_strided_slice %get3A_350 {offsets = [13], sizes = [1], strides = [1]} : vector<16xf32> to vector<1xf32>
        %squeeze3A_635 = vector.extract %slice3A_634[0] : f32 from vector<1xf32>
        %mul3A_636 = arith.constant 16 : i32
        %mul3A_637 = arith.muli %scan3A_346, %mul3A_636 : i32
        %add3A_638 = arith.constant 13 : i32
        %add3A_639 = arith.addi %mul3A_637, %add3A_638 : i32
        %get3A_640 = arith.index_cast %add3A_639 : i32 to index
        %get3A_641 = arith.constant 0 : index
        %get3A_642 = tpu.vector_load %arg12[%get3A_640, %get3A_641] {strides = array<i32>} : memref<400x32xf32, #tpu.memory_space<vmem>>, vector<16xf32>,
        %mul3A_643 = vector.broadcast %squeeze3A_635 : f32 to vector<16xf32>
        %mul3A_644 = arith.mulf %mul3A_643, %get3A_642 : vector<16xf32>
        %swap3A_645 = arith.index_cast %add3A_639 : i32 to index
        %swap3A_646 = arith.constant 0 : index
        %swap3A_647 = tpu.vector_load %arg12[%swap3A_645, %swap3A_646] {strides = array<i32>} : memref<400x32xf32, #tpu.memory_space<vmem>>, vector<16xf32>,
        tpu.vector_store %arg12[%swap3A_645, %swap3A_646], %mul3A_644 {strides = array<i32>} : memref<400x32xf32, #tpu.memory_space<vmem>>, vector<16xf32>,
        %get3A_648 = arith.index_cast %add3A_639 : i32 to index
        %get3A_649 = arith.constant 16 : index
        %get3A_650 = tpu.vector_load %arg12[%get3A_648, %get3A_649] {strides = array<i32>} : memref<400x32xf32, #tpu.memory_space<vmem>>, vector<16xf32>,
        %mul3A_651 = vector.broadcast %squeeze3A_635 : f32 to vector<16xf32>
        %mul3A_652 = arith.mulf %mul3A_651, %get3A_650 : vector<16xf32>
        %swap3A_653 = arith.index_cast %add3A_639 : i32 to index
        %swap3A_654 = arith.constant 16 : index
        %swap3A_655 = tpu.vector_load %arg12[%swap3A_653, %swap3A_654] {strides = array<i32>} : memref<400x32xf32, #tpu.memory_space<vmem>>, vector<16xf32>,
        tpu.vector_store %arg12[%swap3A_653, %swap3A_654], %mul3A_652 {strides = array<i32>} : memref<400x32xf32, #tpu.memory_space<vmem>>, vector<16xf32>,
        %slice3A_656 = vector.extract_strided_slice %get3A_350 {offsets = [14], sizes = [1], strides = [1]} : vector<16xf32> to vector<1xf32>
        %squeeze3A_657 = vector.extract %slice3A_656[0] : f32 from vector<1xf32>
        %mul3A_658 = arith.constant 16 : i32
        %mul3A_659 = arith.muli %scan3A_346, %mul3A_658 : i32
        %add3A_660 = arith.constant 14 : i32
        %add3A_661 = arith.addi %mul3A_659, %add3A_660 : i32
        %get3A_662 = arith.index_cast %add3A_661 : i32 to index
        %get3A_663 = arith.constant 0 : index
        %get3A_664 = tpu.vector_load %arg12[%get3A_662, %get3A_663] {strides = array<i32>} : memref<400x32xf32, #tpu.memory_space<vmem>>, vector<16xf32>,
        %mul3A_665 = vector.broadcast %squeeze3A_657 : f32 to vector<16xf32>
        %mul3A_666 = arith.mulf %mul3A_665, %get3A_664 : vector<16xf32>
        %swap3A_667 = arith.index_cast %add3A_661 : i32 to index
        %swap3A_668 = arith.constant 0 : index
        %swap3A_669 = tpu.vector_load %arg12[%swap3A_667, %swap3A_668] {strides = array<i32>} : memref<400x32xf32, #tpu.memory_space<vmem>>, vector<16xf32>,
        tpu.vector_store %arg12[%swap3A_667, %swap3A_668], %mul3A_666 {strides = array<i32>} : memref<400x32xf32, #tpu.memory_space<vmem>>, vector<16xf32>,
        %get3A_670 = arith.index_cast %add3A_661 : i32 to index
        %get3A_671 = arith.constant 16 : index
        %get3A_672 = tpu.vector_load %arg12[%get3A_670, %get3A_671] {strides = array<i32>} : memref<400x32xf32, #tpu.memory_space<vmem>>, vector<16xf32>,
        %mul3A_673 = vector.broadcast %squeeze3A_657 : f32 to vector<16xf32>
        %mul3A_674 = arith.mulf %mul3A_673, %get3A_672 : vector<16xf32>
        %swap3A_675 = arith.index_cast %add3A_661 : i32 to index
        %swap3A_676 = arith.constant 16 : index
        %swap3A_677 = tpu.vector_load %arg12[%swap3A_675, %swap3A_676] {strides = array<i32>} : memref<400x32xf32, #tpu.memory_space<vmem>>, vector<16xf32>,
        tpu.vector_store %arg12[%swap3A_675, %swap3A_676], %mul3A_674 {strides = array<i32>} : memref<400x32xf32, #tpu.memory_space<vmem>>, vector<16xf32>,
        %slice3A_678 = vector.extract_strided_slice %get3A_350 {offsets = [15], sizes = [1], strides = [1]} : vector<16xf32> to vector<1xf32>
        %squeeze3A_679 = vector.extract %slice3A_678[0] : f32 from vector<1xf32>
        %mul3A_680 = arith.constant 16 : i32
        %mul3A_681 = arith.muli %scan3A_346, %mul3A_680 : i32
        %add3A_682 = arith.constant 15 : i32
        %add3A_683 = arith.addi %mul3A_681, %add3A_682 : i32
        %get3A_684 = arith.index_cast %add3A_683 : i32 to index
        %get3A_685 = arith.constant 0 : index
        %get3A_686 = tpu.vector_load %arg12[%get3A_684, %get3A_685] {strides = array<i32>} : memref<400x32xf32, #tpu.memory_space<vmem>>, vector<16xf32>,
        %mul3A_687 = vector.broadcast %squeeze3A_679 : f32 to vector<16xf32>
        %mul3A_688 = arith.mulf %mul3A_687, %get3A_686 : vector<16xf32>
        %swap3A_689 = arith.index_cast %add3A_683 : i32 to index
        %swap3A_690 = arith.constant 0 : index
        %swap3A_691 = tpu.vector_load %arg12[%swap3A_689, %swap3A_690] {strides = array<i32>} : memref<400x32xf32, #tpu.memory_space<vmem>>, vector<16xf32>,
        tpu.vector_store %arg12[%swap3A_689, %swap3A_690], %mul3A_688 {strides = array<i32>} : memref<400x32xf32, #tpu.memory_space<vmem>>, vector<16xf32>,
        %get3A_692 = arith.index_cast %add3A_683 : i32 to index
        %get3A_693 = arith.constant 16 : index
        %get3A_694 = tpu.vector_load %arg12[%get3A_692, %get3A_693] {strides = array<i32>} : memref<400x32xf32, #tpu.memory_space<vmem>>, vector<16xf32>,
        %mul3A_695 = vector.broadcast %squeeze3A_679 : f32 to vector<16xf32>
        %mul3A_696 = arith.mulf %mul3A_695, %get3A_694 : vector<16xf32>
        %swap3A_697 = arith.index_cast %add3A_683 : i32 to index
        %swap3A_698 = arith.constant 16 : index
        %swap3A_699 = tpu.vector_load %arg12[%swap3A_697, %swap3A_698] {strides = array<i32>} : memref<400x32xf32, #tpu.memory_space<vmem>>, vector<16xf32>,
        tpu.vector_store %arg12[%swap3A_697, %swap3A_698], %mul3A_696 {strides = array<i32>} : memref<400x32xf32, #tpu.memory_space<vmem>>, vector<16xf32>,
        %scan3A_700 = arith.constant 0 : i32
        scf.yield %scan3A_700 : i32
      }
      %scan3A_292 = arith.constant 25 : i32
      %dma_start3A_293 = arith.constant 0 : i32
      %dma_start3A_294 = arith.constant 0 : i32
      %dma_start3A_295 = tpu.memref_slice %arg19[%dma_start3A_293, %dma_start3A_294] : memref<10000x32xf32, #tpu.memory_space<vmem_shared>> -> memref<10000x32xf32, #tpu.memory_space<vmem_shared>>
      tpu.enqueue_indirect_dma source(%arg12 : memref<400x32xf32, #tpu.memory_space<vmem>>) target(%dma_start3A_295 : memref<10000x32xf32, #tpu.memory_space<vmem_shared>>) offsets(%arg16 : memref<400xi32, #tpu.memory_space<vmem>>) semaphore(%arg22 : memref<!tpu.dma_semaphore, #tpu.memory_space<semaphore_mem>>) {add = true}
      %mul3A_296 = arith.constant 2 : i32
      %mul3A_297 = arith.muli %mul3A_296, %scan3A_248 : i32
      %add3A_298 = arith.constant 1 : i32
      %add3A_299 = arith.addi %mul3A_297, %add3A_298 : i32
      %mul3A_300 = arith.constant 20000 : i32
      %mul3A_301 = arith.muli %arg1, %mul3A_300 : i32
      %mul3A_302 = arith.constant 400 : i32
      %mul3A_303 = arith.muli %add3A_299, %mul3A_302 : i32
      %add3A_304 = arith.addi %mul3A_301, %mul3A_303 : i32
      %dma_wait3A_305 = tpu.memref_slice %arg2[%add3A_304, %add3A_44] : memref<320000x256xf32, #tpu.memory_space<hbm>> -> memref<400x32xf32, #tpu.memory_space<hbm>>
      %dma_wait3A_306 = tpu.memref_slice %arg2[%add3A_304, %add3A_44] : memref<320000x256xf32, #tpu.memory_space<hbm>> -> memref<400x32xf32, #tpu.memory_space<hbm>>
      tpu.wait_dma2 semaphore(%arg21 : memref<!tpu.dma_semaphore, #tpu.memory_space<semaphore_mem>>) src(%dma_wait3A_306 : memref<400x32xf32, #tpu.memory_space<hbm>>) dst(%arg13 : memref<400x32xf32, #tpu.memory_space<vmem>>)
      %mul3A_307 = arith.constant 20000 : i32
      %mul3A_308 = arith.muli %arg1, %mul3A_307 : i32
      %mul3A_309 = arith.constant 400 : i32
      %mul3A_310 = arith.muli %add3A_299, %mul3A_309 : i32
      %add3A_311 = arith.addi %mul3A_308, %mul3A_310 : i32
      %dma_wait3A_312 = tpu.memref_slice %arg4[%add3A_311] : memref<320000xi32, #tpu.memory_space<hbm>> -> memref<400xi32, #tpu.memory_space<hbm>>
      %dma_wait3A_313 = tpu.memref_slice %arg4[%add3A_311] : memref<320000xi32, #tpu.memory_space<hbm>> -> memref<400xi32, #tpu.memory_space<hbm>>
      tpu.wait_dma2 semaphore(%arg21 : memref<!tpu.dma_semaphore, #tpu.memory_space<semaphore_mem>>) src(%dma_wait3A_313 : memref<400xi32, #tpu.memory_space<hbm>>) dst(%arg17 : memref<400xi32, #tpu.memory_space<vmem>>)
      %mul3A_314 = arith.constant 20000 : i32
      %mul3A_315 = arith.muli %arg1, %mul3A_314 : i32
      %mul3A_316 = arith.constant 400 : i32
      %mul3A_317 = arith.muli %add3A_299, %mul3A_316 : i32
      %add3A_318 = arith.addi %mul3A_315, %mul3A_317 : i32
      %dma_wait3A_319 = tpu.memref_slice %arg3[%add3A_318] : memref<320000xi32, #tpu.memory_space<hbm>> -> memref<400xi32, #tpu.memory_space<hbm>>
      %dma_wait3A_320 = tpu.memref_slice %arg3[%add3A_318] : memref<320000xi32, #tpu.memory_space<hbm>> -> memref<400xi32, #tpu.memory_space<hbm>>
      tpu.wait_dma2 semaphore(%arg21 : memref<!tpu.dma_semaphore, #tpu.memory_space<semaphore_mem>>) src(%dma_wait3A_320 : memref<400xi32, #tpu.memory_space<hbm>>) dst(%arg15 : memref<400xi32, #tpu.memory_space<vmem>>)
      %add3A_321 = arith.constant 1 : i32
      %add3A_322 = arith.addi %add3A_299, %add3A_321 : i32
      %lt3A_323 = arith.constant 50 : i32
      %lt3A_324 = arith.cmpi slt, %add3A_322, %lt3A_323 : i32
      %convert_element_type3A_325 = arith.extui %lt3A_324 : i1 to i32
      %cond3A_326 = arith.constant 0 : i32
      %cond3A_327 = arith.cmpi ne, %convert_element_type3A_325, %cond3A_326 : i32
      scf.if %cond3A_327 {
        %ge3A = arith.constant 1 : i32
        %ge3A_346 = arith.cmpi sge, %add3A_299, %ge3A : i32
        %convert_element_type3A_347 = arith.extui %ge3A_346 : i1 to i32
        %cond3A_348 = arith.constant 0 : i32
        %cond3A_349 = arith.cmpi ne, %convert_element_type3A_347, %cond3A_348 : i32
        scf.if %cond3A_349 {
          %dma_wait3A_373 = arith.constant 0 : i32
          %dma_wait3A_374 = arith.constant 0 : i32
          %dma_wait3A_375 = tpu.memref_slice %arg19[%dma_wait3A_373, %dma_wait3A_374] : memref<10000x32xf32, #tpu.memory_space<vmem_shared>> -> memref<10000x32xf32, #tpu.memory_space<vmem_shared>>
          tpu.wait_indirect_dma semaphore(%arg22 : memref<!tpu.dma_semaphore, #tpu.memory_space<semaphore_mem>>) src(%arg12 : memref<400x32xf32, #tpu.memory_space<vmem>>) dst(%dma_wait3A_375 : memref<10000x32xf32, #tpu.memory_space<vmem_shared>>)
        } else {
        }
        %add3A_350 = arith.constant 1 : i32
        %add3A_351 = arith.addi %add3A_299, %add3A_350 : i32
        %mul3A_352 = arith.constant 20000 : i32
        %mul3A_353 = arith.muli %arg1, %mul3A_352 : i32
        %mul3A_354 = arith.constant 400 : i32
        %mul3A_355 = arith.muli %add3A_351, %mul3A_354 : i32
        %add3A_356 = arith.addi %mul3A_353, %mul3A_355 : i32
        %dma_start3A_357 = tpu.memref_slice %arg2[%add3A_356, %add3A_44] : memref<320000x256xf32, #tpu.memory_space<hbm>> -> memref<400x32xf32, #tpu.memory_space<hbm>>
        %dma_start3A_358 = tpu.memref_slice %arg2[%add3A_356, %add3A_44] : memref<320000x256xf32, #tpu.memory_space<hbm>> -> memref<400x32xf32, #tpu.memory_space<hbm>>
        tpu.enqueue_dma source(%dma_start3A_358 : memref<400x32xf32, #tpu.memory_space<hbm>>) target(%arg12 : memref<400x32xf32, #tpu.memory_space<vmem>>) target_semaphore(%arg20 : memref<!tpu.dma_semaphore, #tpu.memory_space<semaphore_mem>>)
        %mul3A_359 = arith.constant 20000 : i32
        %mul3A_360 = arith.muli %arg1, %mul3A_359 : i32
        %mul3A_361 = arith.constant 400 : i32
        %mul3A_362 = arith.muli %add3A_351, %mul3A_361 : i32
        %add3A_363 = arith.addi %mul3A_360, %mul3A_362 : i32
        %dma_start3A_364 = tpu.memref_slice %arg4[%add3A_363] : memref<320000xi32, #tpu.memory_space<hbm>> -> memref<400xi32, #tpu.memory_space<hbm>>
        %dma_start3A_365 = tpu.memref_slice %arg4[%add3A_363] : memref<320000xi32, #tpu.memory_space<hbm>> -> memref<400xi32, #tpu.memory_space<hbm>>
        tpu.enqueue_dma source(%dma_start3A_365 : memref<400xi32, #tpu.memory_space<hbm>>) target(%arg16 : memref<400xi32, #tpu.memory_space<vmem>>) target_semaphore(%arg20 : memref<!tpu.dma_semaphore, #tpu.memory_space<semaphore_mem>>)
        %mul3A_366 = arith.constant 20000 : i32
        %mul3A_367 = arith.muli %arg1, %mul3A_366 : i32
        %mul3A_368 = arith.constant 400 : i32
        %mul3A_369 = arith.muli %add3A_351, %mul3A_368 : i32
        %add3A_370 = arith.addi %mul3A_367, %mul3A_369 : i32
        %dma_start3A_371 = tpu.memref_slice %arg3[%add3A_370] : memref<320000xi32, #tpu.memory_space<hbm>> -> memref<400xi32, #tpu.memory_space<hbm>>
        %dma_start3A_372 = tpu.memref_slice %arg3[%add3A_370] : memref<320000xi32, #tpu.memory_space<hbm>> -> memref<400xi32, #tpu.memory_space<hbm>>
        tpu.enqueue_dma source(%dma_start3A_372 : memref<400xi32, #tpu.memory_space<hbm>>) target(%arg14 : memref<400xi32, #tpu.memory_space<vmem>>) target_semaphore(%arg20 : memref<!tpu.dma_semaphore, #tpu.memory_space<semaphore_mem>>)
      } else {
      }
      %scan3A_328 = arith.constant 0 : i32
      %scan3A_329 = arith.constant 0 : i32
      %scan3A_330 = arith.constant 25 : i32
      %scan3A_331 = arith.addi %scan3A_329, %scan3A_330 : i32
      %scan3A_332 = arith.constant 1 : i32
      %scan3A_333 = scf.for %scan3A_346 = %scan3A_329 to %scan3A_331 step %scan3A_332 iter_args(%scan3A_347 = %scan3A_328) -> (i32)  : i32 {
        %mul3A_348 = arith.constant 16 : i32
        %mul3A_349 = arith.muli %scan3A_346, %mul3A_348 : i32
        %get3A = arith.index_cast %mul3A_349 : i32 to index
        %get3A_350 = tpu.vector_load %arg15[%get3A] {strides = array<i32>} : memref<400xi32, #tpu.memory_space<vmem>>, vector<16xi32>,
        %gather3A = tpu.vector_load_idx %arg11[%get3A_350, %broadcast_in_dim3A_2] : memref<10000x1xf32, #tpu.memory_space<vmem>>[vector<16xi32>, vector<16xi32>], vector<16xf32>,
        %mul3A_351 = arith.constant 0.949999988 : f32
        %mul3A_352 = vector.broadcast %mul3A_351 : f32 to vector<16xf32>
        %mul3A_353 = arith.mulf %mul3A_352, %gather3A : vector<16xf32>
        %mul3A_354 = arith.constant 16 : i32
        %mul3A_355 = arith.muli %scan3A_346, %mul3A_354 : i32
        %swap3A = arith.index_cast %mul3A_355 : i32 to index
        %swap3A_356 = tpu.vector_load %arg18[%swap3A] {strides = array<i32>} : memref<400xf32, #tpu.memory_space<vmem>>, vector<16xf32>,
        tpu.vector_store %arg18[%swap3A], %mul3A_353 {strides = array<i32>} : memref<400xf32, #tpu.memory_space<vmem>>, vector<16xf32>,
        %scan3A_357 = arith.constant 0 : i32
        scf.yield %scan3A_357 : i32
      }
      %scan3A_334 = arith.constant 25 : i32
      %scan3A_335 = arith.constant 0 : i32
      %scan3A_336 = arith.constant 0 : i32
      %scan3A_337 = arith.constant 25 : i32
      %scan3A_338 = arith.addi %scan3A_336, %scan3A_337 : i32
      %scan3A_339 = arith.constant 1 : i32
      %scan3A_340 = scf.for %scan3A_346 = %scan3A_336 to %scan3A_338 step %scan3A_339 iter_args(%scan3A_347 = %scan3A_335) -> (i32)  : i32 {
        %mul3A_348 = arith.constant 16 : i32
        %mul3A_349 = arith.muli %scan3A_346, %mul3A_348 : i32
        %get3A = arith.index_cast %mul3A_349 : i32 to index
        %get3A_350 = tpu.vector_load %arg18[%get3A] {strides = array<i32>} : memref<400xf32, #tpu.memory_space<vmem>>, vector<16xf32>,
        %slice3A = vector.extract_strided_slice %get3A_350 {offsets = [0], sizes = [1], strides = [1]} : vector<16xf32> to vector<1xf32>
        %squeeze3A = vector.extract %slice3A[0] : f32 from vector<1xf32>
        %mul3A_351 = arith.constant 16 : i32
        %mul3A_352 = arith.muli %scan3A_346, %mul3A_351 : i32
        %add3A_353 = arith.constant 0 : i32
        %add3A_354 = arith.addi %mul3A_352, %add3A_353 : i32
        %get3A_355 = arith.index_cast %add3A_354 : i32 to index
        %get3A_356 = arith.constant 0 : index
        %get3A_357 = tpu.vector_load %arg13[%get3A_355, %get3A_356] {strides = array<i32>} : memref<400x32xf32, #tpu.memory_space<vmem>>, vector<16xf32>,
        %mul3A_358 = vector.broadcast %squeeze3A : f32 to vector<16xf32>
        %mul3A_359 = arith.mulf %mul3A_358, %get3A_357 : vector<16xf32>
        %swap3A = arith.index_cast %add3A_354 : i32 to index
        %swap3A_360 = arith.constant 0 : index
        %swap3A_361 = tpu.vector_load %arg13[%swap3A, %swap3A_360] {strides = array<i32>} : memref<400x32xf32, #tpu.memory_space<vmem>>, vector<16xf32>,
        tpu.vector_store %arg13[%swap3A, %swap3A_360], %mul3A_359 {strides = array<i32>} : memref<400x32xf32, #tpu.memory_space<vmem>>, vector<16xf32>,
        %get3A_362 = arith.index_cast %add3A_354 : i32 to index
        %get3A_363 = arith.constant 16 : index
        %get3A_364 = tpu.vector_load %arg13[%get3A_362, %get3A_363] {strides = array<i32>} : memref<400x32xf32, #tpu.memory_space<vmem>>, vector<16xf32>,
        %mul3A_365 = vector.broadcast %squeeze3A : f32 to vector<16xf32>
        %mul3A_366 = arith.mulf %mul3A_365, %get3A_364 : vector<16xf32>
        %swap3A_367 = arith.index_cast %add3A_354 : i32 to index
        %swap3A_368 = arith.constant 16 : index
        %swap3A_369 = tpu.vector_load %arg13[%swap3A_367, %swap3A_368] {strides = array<i32>} : memref<400x32xf32, #tpu.memory_space<vmem>>, vector<16xf32>,
        tpu.vector_store %arg13[%swap3A_367, %swap3A_368], %mul3A_366 {strides = array<i32>} : memref<400x32xf32, #tpu.memory_space<vmem>>, vector<16xf32>,
        %slice3A_370 = vector.extract_strided_slice %get3A_350 {offsets = [1], sizes = [1], strides = [1]} : vector<16xf32> to vector<1xf32>
        %squeeze3A_371 = vector.extract %slice3A_370[0] : f32 from vector<1xf32>
        %mul3A_372 = arith.constant 16 : i32
        %mul3A_373 = arith.muli %scan3A_346, %mul3A_372 : i32
        %add3A_374 = arith.constant 1 : i32
        %add3A_375 = arith.addi %mul3A_373, %add3A_374 : i32
        %get3A_376 = arith.index_cast %add3A_375 : i32 to index
        %get3A_377 = arith.constant 0 : index
        %get3A_378 = tpu.vector_load %arg13[%get3A_376, %get3A_377] {strides = array<i32>} : memref<400x32xf32, #tpu.memory_space<vmem>>, vector<16xf32>,
        %mul3A_379 = vector.broadcast %squeeze3A_371 : f32 to vector<16xf32>
        %mul3A_380 = arith.mulf %mul3A_379, %get3A_378 : vector<16xf32>
        %swap3A_381 = arith.index_cast %add3A_375 : i32 to index
        %swap3A_382 = arith.constant 0 : index
        %swap3A_383 = tpu.vector_load %arg13[%swap3A_381, %swap3A_382] {strides = array<i32>} : memref<400x32xf32, #tpu.memory_space<vmem>>, vector<16xf32>,
        tpu.vector_store %arg13[%swap3A_381, %swap3A_382], %mul3A_380 {strides = array<i32>} : memref<400x32xf32, #tpu.memory_space<vmem>>, vector<16xf32>,
        %get3A_384 = arith.index_cast %add3A_375 : i32 to index
        %get3A_385 = arith.constant 16 : index
        %get3A_386 = tpu.vector_load %arg13[%get3A_384, %get3A_385] {strides = array<i32>} : memref<400x32xf32, #tpu.memory_space<vmem>>, vector<16xf32>,
        %mul3A_387 = vector.broadcast %squeeze3A_371 : f32 to vector<16xf32>
        %mul3A_388 = arith.mulf %mul3A_387, %get3A_386 : vector<16xf32>
        %swap3A_389 = arith.index_cast %add3A_375 : i32 to index
        %swap3A_390 = arith.constant 16 : index
        %swap3A_391 = tpu.vector_load %arg13[%swap3A_389, %swap3A_390] {strides = array<i32>} : memref<400x32xf32, #tpu.memory_space<vmem>>, vector<16xf32>,
        tpu.vector_store %arg13[%swap3A_389, %swap3A_390], %mul3A_388 {strides = array<i32>} : memref<400x32xf32, #tpu.memory_space<vmem>>, vector<16xf32>,
        %slice3A_392 = vector.extract_strided_slice %get3A_350 {offsets = [2], sizes = [1], strides = [1]} : vector<16xf32> to vector<1xf32>
        %squeeze3A_393 = vector.extract %slice3A_392[0] : f32 from vector<1xf32>
        %mul3A_394 = arith.constant 16 : i32
        %mul3A_395 = arith.muli %scan3A_346, %mul3A_394 : i32
        %add3A_396 = arith.constant 2 : i32
        %add3A_397 = arith.addi %mul3A_395, %add3A_396 : i32
        %get3A_398 = arith.index_cast %add3A_397 : i32 to index
        %get3A_399 = arith.constant 0 : index
        %get3A_400 = tpu.vector_load %arg13[%get3A_398, %get3A_399] {strides = array<i32>} : memref<400x32xf32, #tpu.memory_space<vmem>>, vector<16xf32>,
        %mul3A_401 = vector.broadcast %squeeze3A_393 : f32 to vector<16xf32>
        %mul3A_402 = arith.mulf %mul3A_401, %get3A_400 : vector<16xf32>
        %swap3A_403 = arith.index_cast %add3A_397 : i32 to index
        %swap3A_404 = arith.constant 0 : index
        %swap3A_405 = tpu.vector_load %arg13[%swap3A_403, %swap3A_404] {strides = array<i32>} : memref<400x32xf32, #tpu.memory_space<vmem>>, vector<16xf32>,
        tpu.vector_store %arg13[%swap3A_403, %swap3A_404], %mul3A_402 {strides = array<i32>} : memref<400x32xf32, #tpu.memory_space<vmem>>, vector<16xf32>,
        %get3A_406 = arith.index_cast %add3A_397 : i32 to index
        %get3A_407 = arith.constant 16 : index
        %get3A_408 = tpu.vector_load %arg13[%get3A_406, %get3A_407] {strides = array<i32>} : memref<400x32xf32, #tpu.memory_space<vmem>>, vector<16xf32>,
        %mul3A_409 = vector.broadcast %squeeze3A_393 : f32 to vector<16xf32>
        %mul3A_410 = arith.mulf %mul3A_409, %get3A_408 : vector<16xf32>
        %swap3A_411 = arith.index_cast %add3A_397 : i32 to index
        %swap3A_412 = arith.constant 16 : index
        %swap3A_413 = tpu.vector_load %arg13[%swap3A_411, %swap3A_412] {strides = array<i32>} : memref<400x32xf32, #tpu.memory_space<vmem>>, vector<16xf32>,
        tpu.vector_store %arg13[%swap3A_411, %swap3A_412], %mul3A_410 {strides = array<i32>} : memref<400x32xf32, #tpu.memory_space<vmem>>, vector<16xf32>,
        %slice3A_414 = vector.extract_strided_slice %get3A_350 {offsets = [3], sizes = [1], strides = [1]} : vector<16xf32> to vector<1xf32>
        %squeeze3A_415 = vector.extract %slice3A_414[0] : f32 from vector<1xf32>
        %mul3A_416 = arith.constant 16 : i32
        %mul3A_417 = arith.muli %scan3A_346, %mul3A_416 : i32
        %add3A_418 = arith.constant 3 : i32
        %add3A_419 = arith.addi %mul3A_417, %add3A_418 : i32
        %get3A_420 = arith.index_cast %add3A_419 : i32 to index
        %get3A_421 = arith.constant 0 : index
        %get3A_422 = tpu.vector_load %arg13[%get3A_420, %get3A_421] {strides = array<i32>} : memref<400x32xf32, #tpu.memory_space<vmem>>, vector<16xf32>,
        %mul3A_423 = vector.broadcast %squeeze3A_415 : f32 to vector<16xf32>
        %mul3A_424 = arith.mulf %mul3A_423, %get3A_422 : vector<16xf32>
        %swap3A_425 = arith.index_cast %add3A_419 : i32 to index
        %swap3A_426 = arith.constant 0 : index
        %swap3A_427 = tpu.vector_load %arg13[%swap3A_425, %swap3A_426] {strides = array<i32>} : memref<400x32xf32, #tpu.memory_space<vmem>>, vector<16xf32>,
        tpu.vector_store %arg13[%swap3A_425, %swap3A_426], %mul3A_424 {strides = array<i32>} : memref<400x32xf32, #tpu.memory_space<vmem>>, vector<16xf32>,
        %get3A_428 = arith.index_cast %add3A_419 : i32 to index
        %get3A_429 = arith.constant 16 : index
        %get3A_430 = tpu.vector_load %arg13[%get3A_428, %get3A_429] {strides = array<i32>} : memref<400x32xf32, #tpu.memory_space<vmem>>, vector<16xf32>,
        %mul3A_431 = vector.broadcast %squeeze3A_415 : f32 to vector<16xf32>
        %mul3A_432 = arith.mulf %mul3A_431, %get3A_430 : vector<16xf32>
        %swap3A_433 = arith.index_cast %add3A_419 : i32 to index
        %swap3A_434 = arith.constant 16 : index
        %swap3A_435 = tpu.vector_load %arg13[%swap3A_433, %swap3A_434] {strides = array<i32>} : memref<400x32xf32, #tpu.memory_space<vmem>>, vector<16xf32>,
        tpu.vector_store %arg13[%swap3A_433, %swap3A_434], %mul3A_432 {strides = array<i32>} : memref<400x32xf32, #tpu.memory_space<vmem>>, vector<16xf32>,
        %slice3A_436 = vector.extract_strided_slice %get3A_350 {offsets = [4], sizes = [1], strides = [1]} : vector<16xf32> to vector<1xf32>
        %squeeze3A_437 = vector.extract %slice3A_436[0] : f32 from vector<1xf32>
        %mul3A_438 = arith.constant 16 : i32
        %mul3A_439 = arith.muli %scan3A_346, %mul3A_438 : i32
        %add3A_440 = arith.constant 4 : i32
        %add3A_441 = arith.addi %mul3A_439, %add3A_440 : i32
        %get3A_442 = arith.index_cast %add3A_441 : i32 to index
        %get3A_443 = arith.constant 0 : index
        %get3A_444 = tpu.vector_load %arg13[%get3A_442, %get3A_443] {strides = array<i32>} : memref<400x32xf32, #tpu.memory_space<vmem>>, vector<16xf32>,
        %mul3A_445 = vector.broadcast %squeeze3A_437 : f32 to vector<16xf32>
        %mul3A_446 = arith.mulf %mul3A_445, %get3A_444 : vector<16xf32>
        %swap3A_447 = arith.index_cast %add3A_441 : i32 to index
        %swap3A_448 = arith.constant 0 : index
        %swap3A_449 = tpu.vector_load %arg13[%swap3A_447, %swap3A_448] {strides = array<i32>} : memref<400x32xf32, #tpu.memory_space<vmem>>, vector<16xf32>,
        tpu.vector_store %arg13[%swap3A_447, %swap3A_448], %mul3A_446 {strides = array<i32>} : memref<400x32xf32, #tpu.memory_space<vmem>>, vector<16xf32>,
        %get3A_450 = arith.index_cast %add3A_441 : i32 to index
        %get3A_451 = arith.constant 16 : index
        %get3A_452 = tpu.vector_load %arg13[%get3A_450, %get3A_451] {strides = array<i32>} : memref<400x32xf32, #tpu.memory_space<vmem>>, vector<16xf32>,
        %mul3A_453 = vector.broadcast %squeeze3A_437 : f32 to vector<16xf32>
        %mul3A_454 = arith.mulf %mul3A_453, %get3A_452 : vector<16xf32>
        %swap3A_455 = arith.index_cast %add3A_441 : i32 to index
        %swap3A_456 = arith.constant 16 : index
        %swap3A_457 = tpu.vector_load %arg13[%swap3A_455, %swap3A_456] {strides = array<i32>} : memref<400x32xf32, #tpu.memory_space<vmem>>, vector<16xf32>,
        tpu.vector_store %arg13[%swap3A_455, %swap3A_456], %mul3A_454 {strides = array<i32>} : memref<400x32xf32, #tpu.memory_space<vmem>>, vector<16xf32>,
        %slice3A_458 = vector.extract_strided_slice %get3A_350 {offsets = [5], sizes = [1], strides = [1]} : vector<16xf32> to vector<1xf32>
        %squeeze3A_459 = vector.extract %slice3A_458[0] : f32 from vector<1xf32>
        %mul3A_460 = arith.constant 16 : i32
        %mul3A_461 = arith.muli %scan3A_346, %mul3A_460 : i32
        %add3A_462 = arith.constant 5 : i32
        %add3A_463 = arith.addi %mul3A_461, %add3A_462 : i32
        %get3A_464 = arith.index_cast %add3A_463 : i32 to index
        %get3A_465 = arith.constant 0 : index
        %get3A_466 = tpu.vector_load %arg13[%get3A_464, %get3A_465] {strides = array<i32>} : memref<400x32xf32, #tpu.memory_space<vmem>>, vector<16xf32>,
        %mul3A_467 = vector.broadcast %squeeze3A_459 : f32 to vector<16xf32>
        %mul3A_468 = arith.mulf %mul3A_467, %get3A_466 : vector<16xf32>
        %swap3A_469 = arith.index_cast %add3A_463 : i32 to index
        %swap3A_470 = arith.constant 0 : index
        %swap3A_471 = tpu.vector_load %arg13[%swap3A_469, %swap3A_470] {strides = array<i32>} : memref<400x32xf32, #tpu.memory_space<vmem>>, vector<16xf32>,
        tpu.vector_store %arg13[%swap3A_469, %swap3A_470], %mul3A_468 {strides = array<i32>} : memref<400x32xf32, #tpu.memory_space<vmem>>, vector<16xf32>,
        %get3A_472 = arith.index_cast %add3A_463 : i32 to index
        %get3A_473 = arith.constant 16 : index
        %get3A_474 = tpu.vector_load %arg13[%get3A_472, %get3A_473] {strides = array<i32>} : memref<400x32xf32, #tpu.memory_space<vmem>>, vector<16xf32>,
        %mul3A_475 = vector.broadcast %squeeze3A_459 : f32 to vector<16xf32>
        %mul3A_476 = arith.mulf %mul3A_475, %get3A_474 : vector<16xf32>
        %swap3A_477 = arith.index_cast %add3A_463 : i32 to index
        %swap3A_478 = arith.constant 16 : index
        %swap3A_479 = tpu.vector_load %arg13[%swap3A_477, %swap3A_478] {strides = array<i32>} : memref<400x32xf32, #tpu.memory_space<vmem>>, vector<16xf32>,
        tpu.vector_store %arg13[%swap3A_477, %swap3A_478], %mul3A_476 {strides = array<i32>} : memref<400x32xf32, #tpu.memory_space<vmem>>, vector<16xf32>,
        %slice3A_480 = vector.extract_strided_slice %get3A_350 {offsets = [6], sizes = [1], strides = [1]} : vector<16xf32> to vector<1xf32>
        %squeeze3A_481 = vector.extract %slice3A_480[0] : f32 from vector<1xf32>
        %mul3A_482 = arith.constant 16 : i32
        %mul3A_483 = arith.muli %scan3A_346, %mul3A_482 : i32
        %add3A_484 = arith.constant 6 : i32
        %add3A_485 = arith.addi %mul3A_483, %add3A_484 : i32
        %get3A_486 = arith.index_cast %add3A_485 : i32 to index
        %get3A_487 = arith.constant 0 : index
        %get3A_488 = tpu.vector_load %arg13[%get3A_486, %get3A_487] {strides = array<i32>} : memref<400x32xf32, #tpu.memory_space<vmem>>, vector<16xf32>,
        %mul3A_489 = vector.broadcast %squeeze3A_481 : f32 to vector<16xf32>
        %mul3A_490 = arith.mulf %mul3A_489, %get3A_488 : vector<16xf32>
        %swap3A_491 = arith.index_cast %add3A_485 : i32 to index
        %swap3A_492 = arith.constant 0 : index
        %swap3A_493 = tpu.vector_load %arg13[%swap3A_491, %swap3A_492] {strides = array<i32>} : memref<400x32xf32, #tpu.memory_space<vmem>>, vector<16xf32>,
        tpu.vector_store %arg13[%swap3A_491, %swap3A_492], %mul3A_490 {strides = array<i32>} : memref<400x32xf32, #tpu.memory_space<vmem>>, vector<16xf32>,
        %get3A_494 = arith.index_cast %add3A_485 : i32 to index
        %get3A_495 = arith.constant 16 : index
        %get3A_496 = tpu.vector_load %arg13[%get3A_494, %get3A_495] {strides = array<i32>} : memref<400x32xf32, #tpu.memory_space<vmem>>, vector<16xf32>,
        %mul3A_497 = vector.broadcast %squeeze3A_481 : f32 to vector<16xf32>
        %mul3A_498 = arith.mulf %mul3A_497, %get3A_496 : vector<16xf32>
        %swap3A_499 = arith.index_cast %add3A_485 : i32 to index
        %swap3A_500 = arith.constant 16 : index
        %swap3A_501 = tpu.vector_load %arg13[%swap3A_499, %swap3A_500] {strides = array<i32>} : memref<400x32xf32, #tpu.memory_space<vmem>>, vector<16xf32>,
        tpu.vector_store %arg13[%swap3A_499, %swap3A_500], %mul3A_498 {strides = array<i32>} : memref<400x32xf32, #tpu.memory_space<vmem>>, vector<16xf32>,
        %slice3A_502 = vector.extract_strided_slice %get3A_350 {offsets = [7], sizes = [1], strides = [1]} : vector<16xf32> to vector<1xf32>
        %squeeze3A_503 = vector.extract %slice3A_502[0] : f32 from vector<1xf32>
        %mul3A_504 = arith.constant 16 : i32
        %mul3A_505 = arith.muli %scan3A_346, %mul3A_504 : i32
        %add3A_506 = arith.constant 7 : i32
        %add3A_507 = arith.addi %mul3A_505, %add3A_506 : i32
        %get3A_508 = arith.index_cast %add3A_507 : i32 to index
        %get3A_509 = arith.constant 0 : index
        %get3A_510 = tpu.vector_load %arg13[%get3A_508, %get3A_509] {strides = array<i32>} : memref<400x32xf32, #tpu.memory_space<vmem>>, vector<16xf32>,
        %mul3A_511 = vector.broadcast %squeeze3A_503 : f32 to vector<16xf32>
        %mul3A_512 = arith.mulf %mul3A_511, %get3A_510 : vector<16xf32>
        %swap3A_513 = arith.index_cast %add3A_507 : i32 to index
        %swap3A_514 = arith.constant 0 : index
        %swap3A_515 = tpu.vector_load %arg13[%swap3A_513, %swap3A_514] {strides = array<i32>} : memref<400x32xf32, #tpu.memory_space<vmem>>, vector<16xf32>,
        tpu.vector_store %arg13[%swap3A_513, %swap3A_514], %mul3A_512 {strides = array<i32>} : memref<400x32xf32, #tpu.memory_space<vmem>>, vector<16xf32>,
        %get3A_516 = arith.index_cast %add3A_507 : i32 to index
        %get3A_517 = arith.constant 16 : index
        %get3A_518 = tpu.vector_load %arg13[%get3A_516, %get3A_517] {strides = array<i32>} : memref<400x32xf32, #tpu.memory_space<vmem>>, vector<16xf32>,
        %mul3A_519 = vector.broadcast %squeeze3A_503 : f32 to vector<16xf32>
        %mul3A_520 = arith.mulf %mul3A_519, %get3A_518 : vector<16xf32>
        %swap3A_521 = arith.index_cast %add3A_507 : i32 to index
        %swap3A_522 = arith.constant 16 : index
        %swap3A_523 = tpu.vector_load %arg13[%swap3A_521, %swap3A_522] {strides = array<i32>} : memref<400x32xf32, #tpu.memory_space<vmem>>, vector<16xf32>,
        tpu.vector_store %arg13[%swap3A_521, %swap3A_522], %mul3A_520 {strides = array<i32>} : memref<400x32xf32, #tpu.memory_space<vmem>>, vector<16xf32>,
        %slice3A_524 = vector.extract_strided_slice %get3A_350 {offsets = [8], sizes = [1], strides = [1]} : vector<16xf32> to vector<1xf32>
        %squeeze3A_525 = vector.extract %slice3A_524[0] : f32 from vector<1xf32>
        %mul3A_526 = arith.constant 16 : i32
        %mul3A_527 = arith.muli %scan3A_346, %mul3A_526 : i32
        %add3A_528 = arith.constant 8 : i32
        %add3A_529 = arith.addi %mul3A_527, %add3A_528 : i32
        %get3A_530 = arith.index_cast %add3A_529 : i32 to index
        %get3A_531 = arith.constant 0 : index
        %get3A_532 = tpu.vector_load %arg13[%get3A_530, %get3A_531] {strides = array<i32>} : memref<400x32xf32, #tpu.memory_space<vmem>>, vector<16xf32>,
        %mul3A_533 = vector.broadcast %squeeze3A_525 : f32 to vector<16xf32>
        %mul3A_534 = arith.mulf %mul3A_533, %get3A_532 : vector<16xf32>
        %swap3A_535 = arith.index_cast %add3A_529 : i32 to index
        %swap3A_536 = arith.constant 0 : index
        %swap3A_537 = tpu.vector_load %arg13[%swap3A_535, %swap3A_536] {strides = array<i32>} : memref<400x32xf32, #tpu.memory_space<vmem>>, vector<16xf32>,
        tpu.vector_store %arg13[%swap3A_535, %swap3A_536], %mul3A_534 {strides = array<i32>} : memref<400x32xf32, #tpu.memory_space<vmem>>, vector<16xf32>,
        %get3A_538 = arith.index_cast %add3A_529 : i32 to index
        %get3A_539 = arith.constant 16 : index
        %get3A_540 = tpu.vector_load %arg13[%get3A_538, %get3A_539] {strides = array<i32>} : memref<400x32xf32, #tpu.memory_space<vmem>>, vector<16xf32>,
        %mul3A_541 = vector.broadcast %squeeze3A_525 : f32 to vector<16xf32>
        %mul3A_542 = arith.mulf %mul3A_541, %get3A_540 : vector<16xf32>
        %swap3A_543 = arith.index_cast %add3A_529 : i32 to index
        %swap3A_544 = arith.constant 16 : index
        %swap3A_545 = tpu.vector_load %arg13[%swap3A_543, %swap3A_544] {strides = array<i32>} : memref<400x32xf32, #tpu.memory_space<vmem>>, vector<16xf32>,
        tpu.vector_store %arg13[%swap3A_543, %swap3A_544], %mul3A_542 {strides = array<i32>} : memref<400x32xf32, #tpu.memory_space<vmem>>, vector<16xf32>,
        %slice3A_546 = vector.extract_strided_slice %get3A_350 {offsets = [9], sizes = [1], strides = [1]} : vector<16xf32> to vector<1xf32>
        %squeeze3A_547 = vector.extract %slice3A_546[0] : f32 from vector<1xf32>
        %mul3A_548 = arith.constant 16 : i32
        %mul3A_549 = arith.muli %scan3A_346, %mul3A_548 : i32
        %add3A_550 = arith.constant 9 : i32
        %add3A_551 = arith.addi %mul3A_549, %add3A_550 : i32
        %get3A_552 = arith.index_cast %add3A_551 : i32 to index
        %get3A_553 = arith.constant 0 : index
        %get3A_554 = tpu.vector_load %arg13[%get3A_552, %get3A_553] {strides = array<i32>} : memref<400x32xf32, #tpu.memory_space<vmem>>, vector<16xf32>,
        %mul3A_555 = vector.broadcast %squeeze3A_547 : f32 to vector<16xf32>
        %mul3A_556 = arith.mulf %mul3A_555, %get3A_554 : vector<16xf32>
        %swap3A_557 = arith.index_cast %add3A_551 : i32 to index
        %swap3A_558 = arith.constant 0 : index
        %swap3A_559 = tpu.vector_load %arg13[%swap3A_557, %swap3A_558] {strides = array<i32>} : memref<400x32xf32, #tpu.memory_space<vmem>>, vector<16xf32>,
        tpu.vector_store %arg13[%swap3A_557, %swap3A_558], %mul3A_556 {strides = array<i32>} : memref<400x32xf32, #tpu.memory_space<vmem>>, vector<16xf32>,
        %get3A_560 = arith.index_cast %add3A_551 : i32 to index
        %get3A_561 = arith.constant 16 : index
        %get3A_562 = tpu.vector_load %arg13[%get3A_560, %get3A_561] {strides = array<i32>} : memref<400x32xf32, #tpu.memory_space<vmem>>, vector<16xf32>,
        %mul3A_563 = vector.broadcast %squeeze3A_547 : f32 to vector<16xf32>
        %mul3A_564 = arith.mulf %mul3A_563, %get3A_562 : vector<16xf32>
        %swap3A_565 = arith.index_cast %add3A_551 : i32 to index
        %swap3A_566 = arith.constant 16 : index
        %swap3A_567 = tpu.vector_load %arg13[%swap3A_565, %swap3A_566] {strides = array<i32>} : memref<400x32xf32, #tpu.memory_space<vmem>>, vector<16xf32>,
        tpu.vector_store %arg13[%swap3A_565, %swap3A_566], %mul3A_564 {strides = array<i32>} : memref<400x32xf32, #tpu.memory_space<vmem>>, vector<16xf32>,
        %slice3A_568 = vector.extract_strided_slice %get3A_350 {offsets = [10], sizes = [1], strides = [1]} : vector<16xf32> to vector<1xf32>
        %squeeze3A_569 = vector.extract %slice3A_568[0] : f32 from vector<1xf32>
        %mul3A_570 = arith.constant 16 : i32
        %mul3A_571 = arith.muli %scan3A_346, %mul3A_570 : i32
        %add3A_572 = arith.constant 10 : i32
        %add3A_573 = arith.addi %mul3A_571, %add3A_572 : i32
        %get3A_574 = arith.index_cast %add3A_573 : i32 to index
        %get3A_575 = arith.constant 0 : index
        %get3A_576 = tpu.vector_load %arg13[%get3A_574, %get3A_575] {strides = array<i32>} : memref<400x32xf32, #tpu.memory_space<vmem>>, vector<16xf32>,
        %mul3A_577 = vector.broadcast %squeeze3A_569 : f32 to vector<16xf32>
        %mul3A_578 = arith.mulf %mul3A_577, %get3A_576 : vector<16xf32>
        %swap3A_579 = arith.index_cast %add3A_573 : i32 to index
        %swap3A_580 = arith.constant 0 : index
        %swap3A_581 = tpu.vector_load %arg13[%swap3A_579, %swap3A_580] {strides = array<i32>} : memref<400x32xf32, #tpu.memory_space<vmem>>, vector<16xf32>,
        tpu.vector_store %arg13[%swap3A_579, %swap3A_580], %mul3A_578 {strides = array<i32>} : memref<400x32xf32, #tpu.memory_space<vmem>>, vector<16xf32>,
        %get3A_582 = arith.index_cast %add3A_573 : i32 to index
        %get3A_583 = arith.constant 16 : index
        %get3A_584 = tpu.vector_load %arg13[%get3A_582, %get3A_583] {strides = array<i32>} : memref<400x32xf32, #tpu.memory_space<vmem>>, vector<16xf32>,
        %mul3A_585 = vector.broadcast %squeeze3A_569 : f32 to vector<16xf32>
        %mul3A_586 = arith.mulf %mul3A_585, %get3A_584 : vector<16xf32>
        %swap3A_587 = arith.index_cast %add3A_573 : i32 to index
        %swap3A_588 = arith.constant 16 : index
        %swap3A_589 = tpu.vector_load %arg13[%swap3A_587, %swap3A_588] {strides = array<i32>} : memref<400x32xf32, #tpu.memory_space<vmem>>, vector<16xf32>,
        tpu.vector_store %arg13[%swap3A_587, %swap3A_588], %mul3A_586 {strides = array<i32>} : memref<400x32xf32, #tpu.memory_space<vmem>>, vector<16xf32>,
        %slice3A_590 = vector.extract_strided_slice %get3A_350 {offsets = [11], sizes = [1], strides = [1]} : vector<16xf32> to vector<1xf32>
        %squeeze3A_591 = vector.extract %slice3A_590[0] : f32 from vector<1xf32>
        %mul3A_592 = arith.constant 16 : i32
        %mul3A_593 = arith.muli %scan3A_346, %mul3A_592 : i32
        %add3A_594 = arith.constant 11 : i32
        %add3A_595 = arith.addi %mul3A_593, %add3A_594 : i32
        %get3A_596 = arith.index_cast %add3A_595 : i32 to index
        %get3A_597 = arith.constant 0 : index
        %get3A_598 = tpu.vector_load %arg13[%get3A_596, %get3A_597] {strides = array<i32>} : memref<400x32xf32, #tpu.memory_space<vmem>>, vector<16xf32>,
        %mul3A_599 = vector.broadcast %squeeze3A_591 : f32 to vector<16xf32>
        %mul3A_600 = arith.mulf %mul3A_599, %get3A_598 : vector<16xf32>
        %swap3A_601 = arith.index_cast %add3A_595 : i32 to index
        %swap3A_602 = arith.constant 0 : index
        %swap3A_603 = tpu.vector_load %arg13[%swap3A_601, %swap3A_602] {strides = array<i32>} : memref<400x32xf32, #tpu.memory_space<vmem>>, vector<16xf32>,
        tpu.vector_store %arg13[%swap3A_601, %swap3A_602], %mul3A_600 {strides = array<i32>} : memref<400x32xf32, #tpu.memory_space<vmem>>, vector<16xf32>,
        %get3A_604 = arith.index_cast %add3A_595 : i32 to index
        %get3A_605 = arith.constant 16 : index
        %get3A_606 = tpu.vector_load %arg13[%get3A_604, %get3A_605] {strides = array<i32>} : memref<400x32xf32, #tpu.memory_space<vmem>>, vector<16xf32>,
        %mul3A_607 = vector.broadcast %squeeze3A_591 : f32 to vector<16xf32>
        %mul3A_608 = arith.mulf %mul3A_607, %get3A_606 : vector<16xf32>
        %swap3A_609 = arith.index_cast %add3A_595 : i32 to index
        %swap3A_610 = arith.constant 16 : index
        %swap3A_611 = tpu.vector_load %arg13[%swap3A_609, %swap3A_610] {strides = array<i32>} : memref<400x32xf32, #tpu.memory_space<vmem>>, vector<16xf32>,
        tpu.vector_store %arg13[%swap3A_609, %swap3A_610], %mul3A_608 {strides = array<i32>} : memref<400x32xf32, #tpu.memory_space<vmem>>, vector<16xf32>,
        %slice3A_612 = vector.extract_strided_slice %get3A_350 {offsets = [12], sizes = [1], strides = [1]} : vector<16xf32> to vector<1xf32>
        %squeeze3A_613 = vector.extract %slice3A_612[0] : f32 from vector<1xf32>
        %mul3A_614 = arith.constant 16 : i32
        %mul3A_615 = arith.muli %scan3A_346, %mul3A_614 : i32
        %add3A_616 = arith.constant 12 : i32
        %add3A_617 = arith.addi %mul3A_615, %add3A_616 : i32
        %get3A_618 = arith.index_cast %add3A_617 : i32 to index
        %get3A_619 = arith.constant 0 : index
        %get3A_620 = tpu.vector_load %arg13[%get3A_618, %get3A_619] {strides = array<i32>} : memref<400x32xf32, #tpu.memory_space<vmem>>, vector<16xf32>,
        %mul3A_621 = vector.broadcast %squeeze3A_613 : f32 to vector<16xf32>
        %mul3A_622 = arith.mulf %mul3A_621, %get3A_620 : vector<16xf32>
        %swap3A_623 = arith.index_cast %add3A_617 : i32 to index
        %swap3A_624 = arith.constant 0 : index
        %swap3A_625 = tpu.vector_load %arg13[%swap3A_623, %swap3A_624] {strides = array<i32>} : memref<400x32xf32, #tpu.memory_space<vmem>>, vector<16xf32>,
        tpu.vector_store %arg13[%swap3A_623, %swap3A_624], %mul3A_622 {strides = array<i32>} : memref<400x32xf32, #tpu.memory_space<vmem>>, vector<16xf32>,
        %get3A_626 = arith.index_cast %add3A_617 : i32 to index
        %get3A_627 = arith.constant 16 : index
        %get3A_628 = tpu.vector_load %arg13[%get3A_626, %get3A_627] {strides = array<i32>} : memref<400x32xf32, #tpu.memory_space<vmem>>, vector<16xf32>,
        %mul3A_629 = vector.broadcast %squeeze3A_613 : f32 to vector<16xf32>
        %mul3A_630 = arith.mulf %mul3A_629, %get3A_628 : vector<16xf32>
        %swap3A_631 = arith.index_cast %add3A_617 : i32 to index
        %swap3A_632 = arith.constant 16 : index
        %swap3A_633 = tpu.vector_load %arg13[%swap3A_631, %swap3A_632] {strides = array<i32>} : memref<400x32xf32, #tpu.memory_space<vmem>>, vector<16xf32>,
        tpu.vector_store %arg13[%swap3A_631, %swap3A_632], %mul3A_630 {strides = array<i32>} : memref<400x32xf32, #tpu.memory_space<vmem>>, vector<16xf32>,
        %slice3A_634 = vector.extract_strided_slice %get3A_350 {offsets = [13], sizes = [1], strides = [1]} : vector<16xf32> to vector<1xf32>
        %squeeze3A_635 = vector.extract %slice3A_634[0] : f32 from vector<1xf32>
        %mul3A_636 = arith.constant 16 : i32
        %mul3A_637 = arith.muli %scan3A_346, %mul3A_636 : i32
        %add3A_638 = arith.constant 13 : i32
        %add3A_639 = arith.addi %mul3A_637, %add3A_638 : i32
        %get3A_640 = arith.index_cast %add3A_639 : i32 to index
        %get3A_641 = arith.constant 0 : index
        %get3A_642 = tpu.vector_load %arg13[%get3A_640, %get3A_641] {strides = array<i32>} : memref<400x32xf32, #tpu.memory_space<vmem>>, vector<16xf32>,
        %mul3A_643 = vector.broadcast %squeeze3A_635 : f32 to vector<16xf32>
        %mul3A_644 = arith.mulf %mul3A_643, %get3A_642 : vector<16xf32>
        %swap3A_645 = arith.index_cast %add3A_639 : i32 to index
        %swap3A_646 = arith.constant 0 : index
        %swap3A_647 = tpu.vector_load %arg13[%swap3A_645, %swap3A_646] {strides = array<i32>} : memref<400x32xf32, #tpu.memory_space<vmem>>, vector<16xf32>,
        tpu.vector_store %arg13[%swap3A_645, %swap3A_646], %mul3A_644 {strides = array<i32>} : memref<400x32xf32, #tpu.memory_space<vmem>>, vector<16xf32>,
        %get3A_648 = arith.index_cast %add3A_639 : i32 to index
        %get3A_649 = arith.constant 16 : index
        %get3A_650 = tpu.vector_load %arg13[%get3A_648, %get3A_649] {strides = array<i32>} : memref<400x32xf32, #tpu.memory_space<vmem>>, vector<16xf32>,
        %mul3A_651 = vector.broadcast %squeeze3A_635 : f32 to vector<16xf32>
        %mul3A_652 = arith.mulf %mul3A_651, %get3A_650 : vector<16xf32>
        %swap3A_653 = arith.index_cast %add3A_639 : i32 to index
        %swap3A_654 = arith.constant 16 : index
        %swap3A_655 = tpu.vector_load %arg13[%swap3A_653, %swap3A_654] {strides = array<i32>} : memref<400x32xf32, #tpu.memory_space<vmem>>, vector<16xf32>,
        tpu.vector_store %arg13[%swap3A_653, %swap3A_654], %mul3A_652 {strides = array<i32>} : memref<400x32xf32, #tpu.memory_space<vmem>>, vector<16xf32>,
        %slice3A_656 = vector.extract_strided_slice %get3A_350 {offsets = [14], sizes = [1], strides = [1]} : vector<16xf32> to vector<1xf32>
        %squeeze3A_657 = vector.extract %slice3A_656[0] : f32 from vector<1xf32>
        %mul3A_658 = arith.constant 16 : i32
        %mul3A_659 = arith.muli %scan3A_346, %mul3A_658 : i32
        %add3A_660 = arith.constant 14 : i32
        %add3A_661 = arith.addi %mul3A_659, %add3A_660 : i32
        %get3A_662 = arith.index_cast %add3A_661 : i32 to index
        %get3A_663 = arith.constant 0 : index
        %get3A_664 = tpu.vector_load %arg13[%get3A_662, %get3A_663] {strides = array<i32>} : memref<400x32xf32, #tpu.memory_space<vmem>>, vector<16xf32>,
        %mul3A_665 = vector.broadcast %squeeze3A_657 : f32 to vector<16xf32>
        %mul3A_666 = arith.mulf %mul3A_665, %get3A_664 : vector<16xf32>
        %swap3A_667 = arith.index_cast %add3A_661 : i32 to index
        %swap3A_668 = arith.constant 0 : index
        %swap3A_669 = tpu.vector_load %arg13[%swap3A_667, %swap3A_668] {strides = array<i32>} : memref<400x32xf32, #tpu.memory_space<vmem>>, vector<16xf32>,
        tpu.vector_store %arg13[%swap3A_667, %swap3A_668], %mul3A_666 {strides = array<i32>} : memref<400x32xf32, #tpu.memory_space<vmem>>, vector<16xf32>,
        %get3A_670 = arith.index_cast %add3A_661 : i32 to index
        %get3A_671 = arith.constant 16 : index
        %get3A_672 = tpu.vector_load %arg13[%get3A_670, %get3A_671] {strides = array<i32>} : memref<400x32xf32, #tpu.memory_space<vmem>>, vector<16xf32>,
        %mul3A_673 = vector.broadcast %squeeze3A_657 : f32 to vector<16xf32>
        %mul3A_674 = arith.mulf %mul3A_673, %get3A_672 : vector<16xf32>
        %swap3A_675 = arith.index_cast %add3A_661 : i32 to index
        %swap3A_676 = arith.constant 16 : index
        %swap3A_677 = tpu.vector_load %arg13[%swap3A_675, %swap3A_676] {strides = array<i32>} : memref<400x32xf32, #tpu.memory_space<vmem>>, vector<16xf32>,
        tpu.vector_store %arg13[%swap3A_675, %swap3A_676], %mul3A_674 {strides = array<i32>} : memref<400x32xf32, #tpu.memory_space<vmem>>, vector<16xf32>,
        %slice3A_678 = vector.extract_strided_slice %get3A_350 {offsets = [15], sizes = [1], strides = [1]} : vector<16xf32> to vector<1xf32>
        %squeeze3A_679 = vector.extract %slice3A_678[0] : f32 from vector<1xf32>
        %mul3A_680 = arith.constant 16 : i32
        %mul3A_681 = arith.muli %scan3A_346, %mul3A_680 : i32
        %add3A_682 = arith.constant 15 : i32
        %add3A_683 = arith.addi %mul3A_681, %add3A_682 : i32
        %get3A_684 = arith.index_cast %add3A_683 : i32 to index
        %get3A_685 = arith.constant 0 : index
        %get3A_686 = tpu.vector_load %arg13[%get3A_684, %get3A_685] {strides = array<i32>} : memref<400x32xf32, #tpu.memory_space<vmem>>, vector<16xf32>,
        %mul3A_687 = vector.broadcast %squeeze3A_679 : f32 to vector<16xf32>
        %mul3A_688 = arith.mulf %mul3A_687, %get3A_686 : vector<16xf32>
        %swap3A_689 = arith.index_cast %add3A_683 : i32 to index
        %swap3A_690 = arith.constant 0 : index
        %swap3A_691 = tpu.vector_load %arg13[%swap3A_689, %swap3A_690] {strides = array<i32>} : memref<400x32xf32, #tpu.memory_space<vmem>>, vector<16xf32>,
        tpu.vector_store %arg13[%swap3A_689, %swap3A_690], %mul3A_688 {strides = array<i32>} : memref<400x32xf32, #tpu.memory_space<vmem>>, vector<16xf32>,
        %get3A_692 = arith.index_cast %add3A_683 : i32 to index
        %get3A_693 = arith.constant 16 : index
        %get3A_694 = tpu.vector_load %arg13[%get3A_692, %get3A_693] {strides = array<i32>} : memref<400x32xf32, #tpu.memory_space<vmem>>, vector<16xf32>,
        %mul3A_695 = vector.broadcast %squeeze3A_679 : f32 to vector<16xf32>
        %mul3A_696 = arith.mulf %mul3A_695, %get3A_694 : vector<16xf32>
        %swap3A_697 = arith.index_cast %add3A_683 : i32 to index
        %swap3A_698 = arith.constant 16 : index
        %swap3A_699 = tpu.vector_load %arg13[%swap3A_697, %swap3A_698] {strides = array<i32>} : memref<400x32xf32, #tpu.memory_space<vmem>>, vector<16xf32>,
        tpu.vector_store %arg13[%swap3A_697, %swap3A_698], %mul3A_696 {strides = array<i32>} : memref<400x32xf32, #tpu.memory_space<vmem>>, vector<16xf32>,
        %scan3A_700 = arith.constant 0 : i32
        scf.yield %scan3A_700 : i32
      }
      %scan3A_341 = arith.constant 25 : i32
      %dma_start3A_342 = arith.constant 0 : i32
      %dma_start3A_343 = arith.constant 0 : i32
      %dma_start3A_344 = tpu.memref_slice %arg19[%dma_start3A_342, %dma_start3A_343] : memref<10000x32xf32, #tpu.memory_space<vmem_shared>> -> memref<10000x32xf32, #tpu.memory_space<vmem_shared>>
      tpu.enqueue_indirect_dma source(%arg13 : memref<400x32xf32, #tpu.memory_space<vmem>>) target(%dma_start3A_344 : memref<10000x32xf32, #tpu.memory_space<vmem_shared>>) offsets(%arg17 : memref<400xi32, #tpu.memory_space<vmem>>) semaphore(%arg23 : memref<!tpu.dma_semaphore, #tpu.memory_space<semaphore_mem>>) {add = true}
      %scan3A_345 = arith.constant 0 : i32
      scf.yield %scan3A_345 : i32
    }
    %scan3A_69 = arith.constant 25 : i32
    %dma_wait3A_70 = arith.constant 0 : i32
    %dma_wait3A_71 = arith.constant 0 : i32
    %dma_wait3A_72 = tpu.memref_slice %arg19[%dma_wait3A_70, %dma_wait3A_71] : memref<10000x32xf32, #tpu.memory_space<vmem_shared>> -> memref<10000x32xf32, #tpu.memory_space<vmem_shared>>
    tpu.wait_indirect_dma semaphore(%arg22 : memref<!tpu.dma_semaphore, #tpu.memory_space<semaphore_mem>>) src(%arg12 : memref<400x32xf32, #tpu.memory_space<vmem>>) dst(%dma_wait3A_72 : memref<10000x32xf32, #tpu.memory_space<vmem_shared>>)
    %dma_wait3A_73 = arith.constant 0 : i32
    %dma_wait3A_74 = arith.constant 0 : i32
    %dma_wait3A_75 = tpu.memref_slice %arg19[%dma_wait3A_73, %dma_wait3A_74] : memref<10000x32xf32, #tpu.memory_space<vmem_shared>> -> memref<10000x32xf32, #tpu.memory_space<vmem_shared>>
    tpu.wait_indirect_dma semaphore(%arg23 : memref<!tpu.dma_semaphore, #tpu.memory_space<semaphore_mem>>) src(%arg13 : memref<400x32xf32, #tpu.memory_space<vmem>>) dst(%dma_wait3A_75 : memref<10000x32xf32, #tpu.memory_space<vmem_shared>>)
    %barrier3A_76 = arith.constant 0 : index
    tpu.barrier barrier_id(%barrier3A_76)
    "tpu.region"() ({
      %run_scoped3A = tpu.sem_alloc : memref<!tpu.dma_semaphore, #tpu.memory_space<semaphore_mem>>
      %dma_start3A_248 = tpu.memref_slice %arg7[%mul3A_3, %add3A_42] : memref<10000x128xf32, #tpu.memory_space<hbm>> -> memref<625x32xf32, #tpu.memory_space<hbm>>
      %dma_start3A_249 = arith.constant 0 : i32
      %dma_start3A_250 = tpu.memref_slice %arg19[%mul3A_3, %dma_start3A_249] : memref<10000x32xf32, #tpu.memory_space<vmem_shared>> -> memref<625x32xf32, #tpu.memory_space<vmem_shared>>
      tpu.enqueue_dma source(%dma_start3A_250 : memref<625x32xf32, #tpu.memory_space<vmem_shared>>) target(%dma_start3A_248 : memref<625x32xf32, #tpu.memory_space<hbm>>) target_semaphore(%run_scoped3A : memref<!tpu.dma_semaphore, #tpu.memory_space<semaphore_mem>>)
      %dma_wait3A_251 = tpu.memref_slice %arg7[%mul3A_3, %add3A_42] : memref<10000x128xf32, #tpu.memory_space<hbm>> -> memref<625x32xf32, #tpu.memory_space<hbm>>
      %dma_wait3A_252 = arith.constant 0 : i32
      %dma_wait3A_253 = tpu.memref_slice %arg19[%mul3A_3, %dma_wait3A_252] : memref<10000x32xf32, #tpu.memory_space<vmem_shared>> -> memref<625x32xf32, #tpu.memory_space<vmem_shared>>
      tpu.wait_dma2 semaphore(%run_scoped3A : memref<!tpu.dma_semaphore, #tpu.memory_space<semaphore_mem>>) src(%dma_wait3A_253 : memref<625x32xf32, #tpu.memory_space<vmem_shared>>) dst(%dma_wait3A_251 : memref<625x32xf32, #tpu.memory_space<hbm>>)
      tpu.yield
    }) : () -> ()
    "tpu.region"() ({
      %run_scoped3A = tpu.sem_alloc : memref<!tpu.dma_semaphore, #tpu.memory_space<semaphore_mem>>
      %dma_start3A_248 = arith.constant 0 : i32
      %dma_start3A_249 = tpu.memref_slice %arg19[%mul3A_3, %dma_start3A_248] : memref<10000x32xf32, #tpu.memory_space<vmem_shared>> -> memref<625x32xf32, #tpu.memory_space<vmem_shared>>
      tpu.enqueue_dma source(%arg6 : memref<625x32xf32, #tpu.memory_space<hbm>>) target(%dma_start3A_249 : memref<625x32xf32, #tpu.memory_space<vmem_shared>>) target_semaphore(%run_scoped3A : memref<!tpu.dma_semaphore, #tpu.memory_space<semaphore_mem>>)
      %dma_wait3A_250 = arith.constant 0 : i32
      %dma_wait3A_251 = tpu.memref_slice %arg19[%mul3A_3, %dma_wait3A_250] : memref<10000x32xf32, #tpu.memory_space<vmem_shared>> -> memref<625x32xf32, #tpu.memory_space<vmem_shared>>
      tpu.wait_dma2 semaphore(%run_scoped3A : memref<!tpu.dma_semaphore, #tpu.memory_space<semaphore_mem>>) src(%arg6 : memref<625x32xf32, #tpu.memory_space<hbm>>) dst(%dma_wait3A_251 : memref<625x32xf32, #tpu.memory_space<vmem_shared>>)
      tpu.yield
    }) : () -> ()
    %barrier3A_77 = arith.constant 0 : index
    tpu.barrier barrier_id(%barrier3A_77)
    %mul3A_78 = arith.constant 32 : i32
    %mul3A_79 = arith.muli %arg0, %mul3A_78 : i32
    %add3A_80 = arith.constant 0 : i32
    %add3A_81 = arith.addi %add3A_80, %mul3A_79 : i32
    %mul3A_82 = arith.constant 20000 : i32
    %mul3A_83 = arith.muli %arg1, %mul3A_82 : i32
    %add3A_84 = arith.constant 0 : i32
    %add3A_85 = arith.addi %mul3A_83, %add3A_84 : i32
    %dma_start3A_86 = tpu.memref_slice %arg2[%add3A_85, %add3A_81] : memref<320000x256xf32, #tpu.memory_space<hbm>> -> memref<400x32xf32, #tpu.memory_space<hbm>>
    %dma_start3A_87 = tpu.memref_slice %arg2[%add3A_85, %add3A_81] : memref<320000x256xf32, #tpu.memory_space<hbm>> -> memref<400x32xf32, #tpu.memory_space<hbm>>
    tpu.enqueue_dma source(%dma_start3A_87 : memref<400x32xf32, #tpu.memory_space<hbm>>) target(%arg12 : memref<400x32xf32, #tpu.memory_space<vmem>>) target_semaphore(%arg20 : memref<!tpu.dma_semaphore, #tpu.memory_space<semaphore_mem>>)
    %mul3A_88 = arith.constant 20000 : i32
    %mul3A_89 = arith.muli %arg1, %mul3A_88 : i32
    %add3A_90 = arith.constant 0 : i32
    %add3A_91 = arith.addi %mul3A_89, %add3A_90 : i32
    %dma_start3A_92 = tpu.memref_slice %arg4[%add3A_91] : memref<320000xi32, #tpu.memory_space<hbm>> -> memref<400xi32, #tpu.memory_space<hbm>>
    %dma_start3A_93 = tpu.memref_slice %arg4[%add3A_91] : memref<320000xi32, #tpu.memory_space<hbm>> -> memref<400xi32, #tpu.memory_space<hbm>>
    tpu.enqueue_dma source(%dma_start3A_93 : memref<400xi32, #tpu.memory_space<hbm>>) target(%arg16 : memref<400xi32, #tpu.memory_space<vmem>>) target_semaphore(%arg20 : memref<!tpu.dma_semaphore, #tpu.memory_space<semaphore_mem>>)
    %scan3A_94 = arith.constant 0 : i32
    %scan3A_95 = arith.constant 0 : i32
    %scan3A_96 = arith.constant 25 : i32
    %scan3A_97 = arith.addi %scan3A_95, %scan3A_96 : i32
    %scan3A_98 = arith.constant 1 : i32
    %scan3A_99 = scf.for %scan3A_248 = %scan3A_95 to %scan3A_97 step %scan3A_98 iter_args(%scan3A_249 = %scan3A_94) -> (i32)  : i32 {
      %mul3A_250 = arith.constant 2 : i32
      %mul3A_251 = arith.muli %mul3A_250, %scan3A_248 : i32
      %add3A_252 = arith.constant 0 : i32
      %add3A_253 = arith.addi %mul3A_251, %add3A_252 : i32
      %mul3A_254 = arith.constant 20000 : i32
      %mul3A_255 = arith.muli %arg1, %mul3A_254 : i32
      %mul3A_256 = arith.constant 400 : i32
      %mul3A_257 = arith.muli %add3A_253, %mul3A_256 : i32
      %add3A_258 = arith.addi %mul3A_255, %mul3A_257 : i32
      %dma_wait3A_259 = tpu.memref_slice %arg2[%add3A_258, %add3A_81] : memref<320000x256xf32, #tpu.memory_space<hbm>> -> memref<400x32xf32, #tpu.memory_space<hbm>>
      %dma_wait3A_260 = tpu.memref_slice %arg2[%add3A_258, %add3A_81] : memref<320000x256xf32, #tpu.memory_space<hbm>> -> memref<400x32xf32, #tpu.memory_space<hbm>>
      tpu.wait_dma2 semaphore(%arg20 : memref<!tpu.dma_semaphore, #tpu.memory_space<semaphore_mem>>) src(%dma_wait3A_260 : memref<400x32xf32, #tpu.memory_space<hbm>>) dst(%arg12 : memref<400x32xf32, #tpu.memory_space<vmem>>)
      %mul3A_261 = arith.constant 20000 : i32
      %mul3A_262 = arith.muli %arg1, %mul3A_261 : i32
      %mul3A_263 = arith.constant 400 : i32
      %mul3A_264 = arith.muli %add3A_253, %mul3A_263 : i32
      %add3A_265 = arith.addi %mul3A_262, %mul3A_264 : i32
      %dma_wait3A_266 = tpu.memref_slice %arg4[%add3A_265] : memref<320000xi32, #tpu.memory_space<hbm>> -> memref<400xi32, #tpu.memory_space<hbm>>
      %dma_wait3A_267 = tpu.memref_slice %arg4[%add3A_265] : memref<320000xi32, #tpu.memory_space<hbm>> -> memref<400xi32, #tpu.memory_space<hbm>>
      tpu.wait_dma2 semaphore(%arg20 : memref<!tpu.dma_semaphore, #tpu.memory_space<semaphore_mem>>) src(%dma_wait3A_267 : memref<400xi32, #tpu.memory_space<hbm>>) dst(%arg16 : memref<400xi32, #tpu.memory_space<vmem>>)
      %add3A_268 = arith.constant 1 : i32
      %add3A_269 = arith.addi %add3A_253, %add3A_268 : i32
      %lt3A = arith.constant 50 : i32
      %lt3A_270 = arith.cmpi slt, %add3A_269, %lt3A : i32
      %convert_element_type3A = arith.extui %lt3A_270 : i1 to i32
      %cond3A = arith.constant 0 : i32
      %cond3A_271 = arith.cmpi ne, %convert_element_type3A, %cond3A : i32
      scf.if %cond3A_271 {
        %ge3A = arith.constant 1 : i32
        %ge3A_304 = arith.cmpi sge, %add3A_253, %ge3A : i32
        %convert_element_type3A_305 = arith.extui %ge3A_304 : i1 to i32
        %cond3A_306 = arith.constant 0 : i32
        %cond3A_307 = arith.cmpi ne, %convert_element_type3A_305, %cond3A_306 : i32
        scf.if %cond3A_307 {
          %dma_wait3A_324 = arith.constant 0 : i32
          %dma_wait3A_325 = arith.constant 0 : i32
          %dma_wait3A_326 = tpu.memref_slice %arg19[%dma_wait3A_324, %dma_wait3A_325] : memref<10000x32xf32, #tpu.memory_space<vmem_shared>> -> memref<10000x32xf32, #tpu.memory_space<vmem_shared>>
          tpu.wait_indirect_dma semaphore(%arg23 : memref<!tpu.dma_semaphore, #tpu.memory_space<semaphore_mem>>) src(%arg13 : memref<400x32xf32, #tpu.memory_space<vmem>>) dst(%dma_wait3A_326 : memref<10000x32xf32, #tpu.memory_space<vmem_shared>>)
        } else {
        }
        %add3A_308 = arith.constant 1 : i32
        %add3A_309 = arith.addi %add3A_253, %add3A_308 : i32
        %mul3A_310 = arith.constant 20000 : i32
        %mul3A_311 = arith.muli %arg1, %mul3A_310 : i32
        %mul3A_312 = arith.constant 400 : i32
        %mul3A_313 = arith.muli %add3A_309, %mul3A_312 : i32
        %add3A_314 = arith.addi %mul3A_311, %mul3A_313 : i32
        %dma_start3A_315 = tpu.memref_slice %arg2[%add3A_314, %add3A_81] : memref<320000x256xf32, #tpu.memory_space<hbm>> -> memref<400x32xf32, #tpu.memory_space<hbm>>
        %dma_start3A_316 = tpu.memref_slice %arg2[%add3A_314, %add3A_81] : memref<320000x256xf32, #tpu.memory_space<hbm>> -> memref<400x32xf32, #tpu.memory_space<hbm>>
        tpu.enqueue_dma source(%dma_start3A_316 : memref<400x32xf32, #tpu.memory_space<hbm>>) target(%arg13 : memref<400x32xf32, #tpu.memory_space<vmem>>) target_semaphore(%arg21 : memref<!tpu.dma_semaphore, #tpu.memory_space<semaphore_mem>>)
        %mul3A_317 = arith.constant 20000 : i32
        %mul3A_318 = arith.muli %arg1, %mul3A_317 : i32
        %mul3A_319 = arith.constant 400 : i32
        %mul3A_320 = arith.muli %add3A_309, %mul3A_319 : i32
        %add3A_321 = arith.addi %mul3A_318, %mul3A_320 : i32
        %dma_start3A_322 = tpu.memref_slice %arg4[%add3A_321] : memref<320000xi32, #tpu.memory_space<hbm>> -> memref<400xi32, #tpu.memory_space<hbm>>
        %dma_start3A_323 = tpu.memref_slice %arg4[%add3A_321] : memref<320000xi32, #tpu.memory_space<hbm>> -> memref<400xi32, #tpu.memory_space<hbm>>
        tpu.enqueue_dma source(%dma_start3A_323 : memref<400xi32, #tpu.memory_space<hbm>>) target(%arg17 : memref<400xi32, #tpu.memory_space<vmem>>) target_semaphore(%arg21 : memref<!tpu.dma_semaphore, #tpu.memory_space<semaphore_mem>>)
      } else {
      }
      %dma_start3A_272 = arith.constant 0 : i32
      %dma_start3A_273 = arith.constant 0 : i32
      %dma_start3A_274 = tpu.memref_slice %arg19[%dma_start3A_272, %dma_start3A_273] : memref<10000x32xf32, #tpu.memory_space<vmem_shared>> -> memref<10000x32xf32, #tpu.memory_space<vmem_shared>>
      tpu.enqueue_indirect_dma source(%arg12 : memref<400x32xf32, #tpu.memory_space<vmem>>) target(%dma_start3A_274 : memref<10000x32xf32, #tpu.memory_space<vmem_shared>>) offsets(%arg16 : memref<400xi32, #tpu.memory_space<vmem>>) semaphore(%arg22 : memref<!tpu.dma_semaphore, #tpu.memory_space<semaphore_mem>>) {add = true}
      %mul3A_275 = arith.constant 2 : i32
      %mul3A_276 = arith.muli %mul3A_275, %scan3A_248 : i32
      %add3A_277 = arith.constant 1 : i32
      %add3A_278 = arith.addi %mul3A_276, %add3A_277 : i32
      %mul3A_279 = arith.constant 20000 : i32
      %mul3A_280 = arith.muli %arg1, %mul3A_279 : i32
      %mul3A_281 = arith.constant 400 : i32
      %mul3A_282 = arith.muli %add3A_278, %mul3A_281 : i32
      %add3A_283 = arith.addi %mul3A_280, %mul3A_282 : i32
      %dma_wait3A_284 = tpu.memref_slice %arg2[%add3A_283, %add3A_81] : memref<320000x256xf32, #tpu.memory_space<hbm>> -> memref<400x32xf32, #tpu.memory_space<hbm>>
      %dma_wait3A_285 = tpu.memref_slice %arg2[%add3A_283, %add3A_81] : memref<320000x256xf32, #tpu.memory_space<hbm>> -> memref<400x32xf32, #tpu.memory_space<hbm>>
      tpu.wait_dma2 semaphore(%arg21 : memref<!tpu.dma_semaphore, #tpu.memory_space<semaphore_mem>>) src(%dma_wait3A_285 : memref<400x32xf32, #tpu.memory_space<hbm>>) dst(%arg13 : memref<400x32xf32, #tpu.memory_space<vmem>>)
      %mul3A_286 = arith.constant 20000 : i32
      %mul3A_287 = arith.muli %arg1, %mul3A_286 : i32
      %mul3A_288 = arith.constant 400 : i32
      %mul3A_289 = arith.muli %add3A_278, %mul3A_288 : i32
      %add3A_290 = arith.addi %mul3A_287, %mul3A_289 : i32
      %dma_wait3A_291 = tpu.memref_slice %arg4[%add3A_290] : memref<320000xi32, #tpu.memory_space<hbm>> -> memref<400xi32, #tpu.memory_space<hbm>>
      %dma_wait3A_292 = tpu.memref_slice %arg4[%add3A_290] : memref<320000xi32, #tpu.memory_space<hbm>> -> memref<400xi32, #tpu.memory_space<hbm>>
      tpu.wait_dma2 semaphore(%arg21 : memref<!tpu.dma_semaphore, #tpu.memory_space<semaphore_mem>>) src(%dma_wait3A_292 : memref<400xi32, #tpu.memory_space<hbm>>) dst(%arg17 : memref<400xi32, #tpu.memory_space<vmem>>)
      %add3A_293 = arith.constant 1 : i32
      %add3A_294 = arith.addi %add3A_278, %add3A_293 : i32
      %lt3A_295 = arith.constant 50 : i32
      %lt3A_296 = arith.cmpi slt, %add3A_294, %lt3A_295 : i32
      %convert_element_type3A_297 = arith.extui %lt3A_296 : i1 to i32
      %cond3A_298 = arith.constant 0 : i32
      %cond3A_299 = arith.cmpi ne, %convert_element_type3A_297, %cond3A_298 : i32
      scf.if %cond3A_299 {
        %ge3A = arith.constant 1 : i32
        %ge3A_304 = arith.cmpi sge, %add3A_278, %ge3A : i32
        %convert_element_type3A_305 = arith.extui %ge3A_304 : i1 to i32
        %cond3A_306 = arith.constant 0 : i32
        %cond3A_307 = arith.cmpi ne, %convert_element_type3A_305, %cond3A_306 : i32
        scf.if %cond3A_307 {
          %dma_wait3A_324 = arith.constant 0 : i32
          %dma_wait3A_325 = arith.constant 0 : i32
          %dma_wait3A_326 = tpu.memref_slice %arg19[%dma_wait3A_324, %dma_wait3A_325] : memref<10000x32xf32, #tpu.memory_space<vmem_shared>> -> memref<10000x32xf32, #tpu.memory_space<vmem_shared>>
          tpu.wait_indirect_dma semaphore(%arg22 : memref<!tpu.dma_semaphore, #tpu.memory_space<semaphore_mem>>) src(%arg12 : memref<400x32xf32, #tpu.memory_space<vmem>>) dst(%dma_wait3A_326 : memref<10000x32xf32, #tpu.memory_space<vmem_shared>>)
        } else {
        }
        %add3A_308 = arith.constant 1 : i32
        %add3A_309 = arith.addi %add3A_278, %add3A_308 : i32
        %mul3A_310 = arith.constant 20000 : i32
        %mul3A_311 = arith.muli %arg1, %mul3A_310 : i32
        %mul3A_312 = arith.constant 400 : i32
        %mul3A_313 = arith.muli %add3A_309, %mul3A_312 : i32
        %add3A_314 = arith.addi %mul3A_311, %mul3A_313 : i32
        %dma_start3A_315 = tpu.memref_slice %arg2[%add3A_314, %add3A_81] : memref<320000x256xf32, #tpu.memory_space<hbm>> -> memref<400x32xf32, #tpu.memory_space<hbm>>
        %dma_start3A_316 = tpu.memref_slice %arg2[%add3A_314, %add3A_81] : memref<320000x256xf32, #tpu.memory_space<hbm>> -> memref<400x32xf32, #tpu.memory_space<hbm>>
        tpu.enqueue_dma source(%dma_start3A_316 : memref<400x32xf32, #tpu.memory_space<hbm>>) target(%arg12 : memref<400x32xf32, #tpu.memory_space<vmem>>) target_semaphore(%arg20 : memref<!tpu.dma_semaphore, #tpu.memory_space<semaphore_mem>>)
        %mul3A_317 = arith.constant 20000 : i32
        %mul3A_318 = arith.muli %arg1, %mul3A_317 : i32
        %mul3A_319 = arith.constant 400 : i32
        %mul3A_320 = arith.muli %add3A_309, %mul3A_319 : i32
        %add3A_321 = arith.addi %mul3A_318, %mul3A_320 : i32
        %dma_start3A_322 = tpu.memref_slice %arg4[%add3A_321] : memref<320000xi32, #tpu.memory_space<hbm>> -> memref<400xi32, #tpu.memory_space<hbm>>
        %dma_start3A_323 = tpu.memref_slice %arg4[%add3A_321] : memref<320000xi32, #tpu.memory_space<hbm>> -> memref<400xi32, #tpu.memory_space<hbm>>
        tpu.enqueue_dma source(%dma_start3A_323 : memref<400xi32, #tpu.memory_space<hbm>>) target(%arg16 : memref<400xi32, #tpu.memory_space<vmem>>) target_semaphore(%arg20 : memref<!tpu.dma_semaphore, #tpu.memory_space<semaphore_mem>>)
      } else {
      }
      %dma_start3A_300 = arith.constant 0 : i32
      %dma_start3A_301 = arith.constant 0 : i32
      %dma_start3A_302 = tpu.memref_slice %arg19[%dma_start3A_300, %dma_start3A_301] : memref<10000x32xf32, #tpu.memory_space<vmem_shared>> -> memref<10000x32xf32, #tpu.memory_space<vmem_shared>>
      tpu.enqueue_indirect_dma source(%arg13 : memref<400x32xf32, #tpu.memory_space<vmem>>) target(%dma_start3A_302 : memref<10000x32xf32, #tpu.memory_space<vmem_shared>>) offsets(%arg17 : memref<400xi32, #tpu.memory_space<vmem>>) semaphore(%arg23 : memref<!tpu.dma_semaphore, #tpu.memory_space<semaphore_mem>>) {add = true}
      %scan3A_303 = arith.constant 0 : i32
      scf.yield %scan3A_303 : i32
    }
    %scan3A_100 = arith.constant 25 : i32
    %dma_wait3A_101 = arith.constant 0 : i32
    %dma_wait3A_102 = arith.constant 0 : i32
    %dma_wait3A_103 = tpu.memref_slice %arg19[%dma_wait3A_101, %dma_wait3A_102] : memref<10000x32xf32, #tpu.memory_space<vmem_shared>> -> memref<10000x32xf32, #tpu.memory_space<vmem_shared>>
    tpu.wait_indirect_dma semaphore(%arg22 : memref<!tpu.dma_semaphore, #tpu.memory_space<semaphore_mem>>) src(%arg12 : memref<400x32xf32, #tpu.memory_space<vmem>>) dst(%dma_wait3A_103 : memref<10000x32xf32, #tpu.memory_space<vmem_shared>>)
    %dma_wait3A_104 = arith.constant 0 : i32
    %dma_wait3A_105 = arith.constant 0 : i32
    %dma_wait3A_106 = tpu.memref_slice %arg19[%dma_wait3A_104, %dma_wait3A_105] : memref<10000x32xf32, #tpu.memory_space<vmem_shared>> -> memref<10000x32xf32, #tpu.memory_space<vmem_shared>>
    tpu.wait_indirect_dma semaphore(%arg23 : memref<!tpu.dma_semaphore, #tpu.memory_space<semaphore_mem>>) src(%arg13 : memref<400x32xf32, #tpu.memory_space<vmem>>) dst(%dma_wait3A_106 : memref<10000x32xf32, #tpu.memory_space<vmem_shared>>)
    %barrier3A_107 = arith.constant 0 : index
    tpu.barrier barrier_id(%barrier3A_107)
    "tpu.region"() ({
      %run_scoped3A = tpu.sem_alloc : memref<!tpu.dma_semaphore, #tpu.memory_space<semaphore_mem>>
      %dma_start3A_248 = tpu.memref_slice %arg8[%mul3A_3, %add3A_81] : memref<10000x128xf32, #tpu.memory_space<hbm>> -> memref<625x32xf32, #tpu.memory_space<hbm>>
      %dma_start3A_249 = arith.constant 0 : i32
      %dma_start3A_250 = tpu.memref_slice %arg19[%mul3A_3, %dma_start3A_249] : memref<10000x32xf32, #tpu.memory_space<vmem_shared>> -> memref<625x32xf32, #tpu.memory_space<vmem_shared>>
      tpu.enqueue_dma source(%dma_start3A_250 : memref<625x32xf32, #tpu.memory_space<vmem_shared>>) target(%dma_start3A_248 : memref<625x32xf32, #tpu.memory_space<hbm>>) target_semaphore(%run_scoped3A : memref<!tpu.dma_semaphore, #tpu.memory_space<semaphore_mem>>)
      %dma_wait3A_251 = tpu.memref_slice %arg8[%mul3A_3, %add3A_81] : memref<10000x128xf32, #tpu.memory_space<hbm>> -> memref<625x32xf32, #tpu.memory_space<hbm>>
      %dma_wait3A_252 = arith.constant 0 : i32
      %dma_wait3A_253 = tpu.memref_slice %arg19[%mul3A_3, %dma_wait3A_252] : memref<10000x32xf32, #tpu.memory_space<vmem_shared>> -> memref<625x32xf32, #tpu.memory_space<vmem_shared>>
      tpu.wait_dma2 semaphore(%run_scoped3A : memref<!tpu.dma_semaphore, #tpu.memory_space<semaphore_mem>>) src(%dma_wait3A_253 : memref<625x32xf32, #tpu.memory_space<vmem_shared>>) dst(%dma_wait3A_251 : memref<625x32xf32, #tpu.memory_space<hbm>>)
      tpu.yield
    }) : () -> ()
    "tpu.region"() ({
      %run_scoped3A = tpu.sem_alloc : memref<!tpu.dma_semaphore, #tpu.memory_space<semaphore_mem>>
      %dma_start3A_248 = arith.constant 0 : i32
      %dma_start3A_249 = tpu.memref_slice %arg19[%mul3A_3, %dma_start3A_248] : memref<10000x32xf32, #tpu.memory_space<vmem_shared>> -> memref<625x32xf32, #tpu.memory_space<vmem_shared>>
      tpu.enqueue_dma source(%arg6 : memref<625x32xf32, #tpu.memory_space<hbm>>) target(%dma_start3A_249 : memref<625x32xf32, #tpu.memory_space<vmem_shared>>) target_semaphore(%run_scoped3A : memref<!tpu.dma_semaphore, #tpu.memory_space<semaphore_mem>>)
      %dma_wait3A_250 = arith.constant 0 : i32
      %dma_wait3A_251 = tpu.memref_slice %arg19[%mul3A_3, %dma_wait3A_250] : memref<10000x32xf32, #tpu.memory_space<vmem_shared>> -> memref<625x32xf32, #tpu.memory_space<vmem_shared>>
      tpu.wait_dma2 semaphore(%run_scoped3A : memref<!tpu.dma_semaphore, #tpu.memory_space<semaphore_mem>>) src(%arg6 : memref<625x32xf32, #tpu.memory_space<hbm>>) dst(%dma_wait3A_251 : memref<625x32xf32, #tpu.memory_space<vmem_shared>>)
      tpu.yield
    }) : () -> ()
    %barrier3A_108 = arith.constant 0 : index
    tpu.barrier barrier_id(%barrier3A_108)
    %mul3A_109 = arith.constant 32 : i32
    %mul3A_110 = arith.muli %arg0, %mul3A_109 : i32
    %add3A_111 = arith.constant 64 : i32
    %add3A_112 = arith.addi %add3A_111, %mul3A_110 : i32
    %mul3A_113 = arith.constant 20000 : i32
    %mul3A_114 = arith.muli %arg1, %mul3A_113 : i32
    %add3A_115 = arith.constant 0 : i32
    %add3A_116 = arith.addi %mul3A_114, %add3A_115 : i32
    %dma_start3A_117 = tpu.memref_slice %arg2[%add3A_116, %add3A_112] : memref<320000x256xf32, #tpu.memory_space<hbm>> -> memref<400x32xf32, #tpu.memory_space<hbm>>
    %dma_start3A_118 = tpu.memref_slice %arg2[%add3A_116, %add3A_112] : memref<320000x256xf32, #tpu.memory_space<hbm>> -> memref<400x32xf32, #tpu.memory_space<hbm>>
    tpu.enqueue_dma source(%dma_start3A_118 : memref<400x32xf32, #tpu.memory_space<hbm>>) target(%arg12 : memref<400x32xf32, #tpu.memory_space<vmem>>) target_semaphore(%arg20 : memref<!tpu.dma_semaphore, #tpu.memory_space<semaphore_mem>>)
    %mul3A_119 = arith.constant 20000 : i32
    %mul3A_120 = arith.muli %arg1, %mul3A_119 : i32
    %add3A_121 = arith.constant 0 : i32
    %add3A_122 = arith.addi %mul3A_120, %add3A_121 : i32
    %dma_start3A_123 = tpu.memref_slice %arg4[%add3A_122] : memref<320000xi32, #tpu.memory_space<hbm>> -> memref<400xi32, #tpu.memory_space<hbm>>
    %dma_start3A_124 = tpu.memref_slice %arg4[%add3A_122] : memref<320000xi32, #tpu.memory_space<hbm>> -> memref<400xi32, #tpu.memory_space<hbm>>
    tpu.enqueue_dma source(%dma_start3A_124 : memref<400xi32, #tpu.memory_space<hbm>>) target(%arg16 : memref<400xi32, #tpu.memory_space<vmem>>) target_semaphore(%arg20 : memref<!tpu.dma_semaphore, #tpu.memory_space<semaphore_mem>>)
    %scan3A_125 = arith.constant 0 : i32
    %scan3A_126 = arith.constant 0 : i32
    %scan3A_127 = arith.constant 25 : i32
    %scan3A_128 = arith.addi %scan3A_126, %scan3A_127 : i32
    %scan3A_129 = arith.constant 1 : i32
    %scan3A_130 = scf.for %scan3A_248 = %scan3A_126 to %scan3A_128 step %scan3A_129 iter_args(%scan3A_249 = %scan3A_125) -> (i32)  : i32 {
      %mul3A_250 = arith.constant 2 : i32
      %mul3A_251 = arith.muli %mul3A_250, %scan3A_248 : i32
      %add3A_252 = arith.constant 0 : i32
      %add3A_253 = arith.addi %mul3A_251, %add3A_252 : i32
      %mul3A_254 = arith.constant 20000 : i32
      %mul3A_255 = arith.muli %arg1, %mul3A_254 : i32
      %mul3A_256 = arith.constant 400 : i32
      %mul3A_257 = arith.muli %add3A_253, %mul3A_256 : i32
      %add3A_258 = arith.addi %mul3A_255, %mul3A_257 : i32
      %dma_wait3A_259 = tpu.memref_slice %arg2[%add3A_258, %add3A_112] : memref<320000x256xf32, #tpu.memory_space<hbm>> -> memref<400x32xf32, #tpu.memory_space<hbm>>
      %dma_wait3A_260 = tpu.memref_slice %arg2[%add3A_258, %add3A_112] : memref<320000x256xf32, #tpu.memory_space<hbm>> -> memref<400x32xf32, #tpu.memory_space<hbm>>
      tpu.wait_dma2 semaphore(%arg20 : memref<!tpu.dma_semaphore, #tpu.memory_space<semaphore_mem>>) src(%dma_wait3A_260 : memref<400x32xf32, #tpu.memory_space<hbm>>) dst(%arg12 : memref<400x32xf32, #tpu.memory_space<vmem>>)
      %mul3A_261 = arith.constant 20000 : i32
      %mul3A_262 = arith.muli %arg1, %mul3A_261 : i32
      %mul3A_263 = arith.constant 400 : i32
      %mul3A_264 = arith.muli %add3A_253, %mul3A_263 : i32
      %add3A_265 = arith.addi %mul3A_262, %mul3A_264 : i32
      %dma_wait3A_266 = tpu.memref_slice %arg4[%add3A_265] : memref<320000xi32, #tpu.memory_space<hbm>> -> memref<400xi32, #tpu.memory_space<hbm>>
      %dma_wait3A_267 = tpu.memref_slice %arg4[%add3A_265] : memref<320000xi32, #tpu.memory_space<hbm>> -> memref<400xi32, #tpu.memory_space<hbm>>
      tpu.wait_dma2 semaphore(%arg20 : memref<!tpu.dma_semaphore, #tpu.memory_space<semaphore_mem>>) src(%dma_wait3A_267 : memref<400xi32, #tpu.memory_space<hbm>>) dst(%arg16 : memref<400xi32, #tpu.memory_space<vmem>>)
      %add3A_268 = arith.constant 1 : i32
      %add3A_269 = arith.addi %add3A_253, %add3A_268 : i32
      %lt3A = arith.constant 50 : i32
      %lt3A_270 = arith.cmpi slt, %add3A_269, %lt3A : i32
      %convert_element_type3A = arith.extui %lt3A_270 : i1 to i32
      %cond3A = arith.constant 0 : i32
      %cond3A_271 = arith.cmpi ne, %convert_element_type3A, %cond3A : i32
      scf.if %cond3A_271 {
        %ge3A = arith.constant 1 : i32
        %ge3A_304 = arith.cmpi sge, %add3A_253, %ge3A : i32
        %convert_element_type3A_305 = arith.extui %ge3A_304 : i1 to i32
        %cond3A_306 = arith.constant 0 : i32
        %cond3A_307 = arith.cmpi ne, %convert_element_type3A_305, %cond3A_306 : i32
        scf.if %cond3A_307 {
          %dma_wait3A_324 = arith.constant 0 : i32
          %dma_wait3A_325 = arith.constant 0 : i32
          %dma_wait3A_326 = tpu.memref_slice %arg19[%dma_wait3A_324, %dma_wait3A_325] : memref<10000x32xf32, #tpu.memory_space<vmem_shared>> -> memref<10000x32xf32, #tpu.memory_space<vmem_shared>>
          tpu.wait_indirect_dma semaphore(%arg23 : memref<!tpu.dma_semaphore, #tpu.memory_space<semaphore_mem>>) src(%arg13 : memref<400x32xf32, #tpu.memory_space<vmem>>) dst(%dma_wait3A_326 : memref<10000x32xf32, #tpu.memory_space<vmem_shared>>)
        } else {
        }
        %add3A_308 = arith.constant 1 : i32
        %add3A_309 = arith.addi %add3A_253, %add3A_308 : i32
        %mul3A_310 = arith.constant 20000 : i32
        %mul3A_311 = arith.muli %arg1, %mul3A_310 : i32
        %mul3A_312 = arith.constant 400 : i32
        %mul3A_313 = arith.muli %add3A_309, %mul3A_312 : i32
        %add3A_314 = arith.addi %mul3A_311, %mul3A_313 : i32
        %dma_start3A_315 = tpu.memref_slice %arg2[%add3A_314, %add3A_112] : memref<320000x256xf32, #tpu.memory_space<hbm>> -> memref<400x32xf32, #tpu.memory_space<hbm>>
        %dma_start3A_316 = tpu.memref_slice %arg2[%add3A_314, %add3A_112] : memref<320000x256xf32, #tpu.memory_space<hbm>> -> memref<400x32xf32, #tpu.memory_space<hbm>>
        tpu.enqueue_dma source(%dma_start3A_316 : memref<400x32xf32, #tpu.memory_space<hbm>>) target(%arg13 : memref<400x32xf32, #tpu.memory_space<vmem>>) target_semaphore(%arg21 : memref<!tpu.dma_semaphore, #tpu.memory_space<semaphore_mem>>)
        %mul3A_317 = arith.constant 20000 : i32
        %mul3A_318 = arith.muli %arg1, %mul3A_317 : i32
        %mul3A_319 = arith.constant 400 : i32
        %mul3A_320 = arith.muli %add3A_309, %mul3A_319 : i32
        %add3A_321 = arith.addi %mul3A_318, %mul3A_320 : i32
        %dma_start3A_322 = tpu.memref_slice %arg4[%add3A_321] : memref<320000xi32, #tpu.memory_space<hbm>> -> memref<400xi32, #tpu.memory_space<hbm>>
        %dma_start3A_323 = tpu.memref_slice %arg4[%add3A_321] : memref<320000xi32, #tpu.memory_space<hbm>> -> memref<400xi32, #tpu.memory_space<hbm>>
        tpu.enqueue_dma source(%dma_start3A_323 : memref<400xi32, #tpu.memory_space<hbm>>) target(%arg17 : memref<400xi32, #tpu.memory_space<vmem>>) target_semaphore(%arg21 : memref<!tpu.dma_semaphore, #tpu.memory_space<semaphore_mem>>)
      } else {
      }
      %dma_start3A_272 = arith.constant 0 : i32
      %dma_start3A_273 = arith.constant 0 : i32
      %dma_start3A_274 = tpu.memref_slice %arg19[%dma_start3A_272, %dma_start3A_273] : memref<10000x32xf32, #tpu.memory_space<vmem_shared>> -> memref<10000x32xf32, #tpu.memory_space<vmem_shared>>
      tpu.enqueue_indirect_dma source(%arg12 : memref<400x32xf32, #tpu.memory_space<vmem>>) target(%dma_start3A_274 : memref<10000x32xf32, #tpu.memory_space<vmem_shared>>) offsets(%arg16 : memref<400xi32, #tpu.memory_space<vmem>>) semaphore(%arg22 : memref<!tpu.dma_semaphore, #tpu.memory_space<semaphore_mem>>) {add = true}
      %mul3A_275 = arith.constant 2 : i32
      %mul3A_276 = arith.muli %mul3A_275, %scan3A_248 : i32
      %add3A_277 = arith.constant 1 : i32
      %add3A_278 = arith.addi %mul3A_276, %add3A_277 : i32
      %mul3A_279 = arith.constant 20000 : i32
      %mul3A_280 = arith.muli %arg1, %mul3A_279 : i32
      %mul3A_281 = arith.constant 400 : i32
      %mul3A_282 = arith.muli %add3A_278, %mul3A_281 : i32
      %add3A_283 = arith.addi %mul3A_280, %mul3A_282 : i32
      %dma_wait3A_284 = tpu.memref_slice %arg2[%add3A_283, %add3A_112] : memref<320000x256xf32, #tpu.memory_space<hbm>> -> memref<400x32xf32, #tpu.memory_space<hbm>>
      %dma_wait3A_285 = tpu.memref_slice %arg2[%add3A_283, %add3A_112] : memref<320000x256xf32, #tpu.memory_space<hbm>> -> memref<400x32xf32, #tpu.memory_space<hbm>>
      tpu.wait_dma2 semaphore(%arg21 : memref<!tpu.dma_semaphore, #tpu.memory_space<semaphore_mem>>) src(%dma_wait3A_285 : memref<400x32xf32, #tpu.memory_space<hbm>>) dst(%arg13 : memref<400x32xf32, #tpu.memory_space<vmem>>)
      %mul3A_286 = arith.constant 20000 : i32
      %mul3A_287 = arith.muli %arg1, %mul3A_286 : i32
      %mul3A_288 = arith.constant 400 : i32
      %mul3A_289 = arith.muli %add3A_278, %mul3A_288 : i32
      %add3A_290 = arith.addi %mul3A_287, %mul3A_289 : i32
      %dma_wait3A_291 = tpu.memref_slice %arg4[%add3A_290] : memref<320000xi32, #tpu.memory_space<hbm>> -> memref<400xi32, #tpu.memory_space<hbm>>
      %dma_wait3A_292 = tpu.memref_slice %arg4[%add3A_290] : memref<320000xi32, #tpu.memory_space<hbm>> -> memref<400xi32, #tpu.memory_space<hbm>>
      tpu.wait_dma2 semaphore(%arg21 : memref<!tpu.dma_semaphore, #tpu.memory_space<semaphore_mem>>) src(%dma_wait3A_292 : memref<400xi32, #tpu.memory_space<hbm>>) dst(%arg17 : memref<400xi32, #tpu.memory_space<vmem>>)
      %add3A_293 = arith.constant 1 : i32
      %add3A_294 = arith.addi %add3A_278, %add3A_293 : i32
      %lt3A_295 = arith.constant 50 : i32
      %lt3A_296 = arith.cmpi slt, %add3A_294, %lt3A_295 : i32
      %convert_element_type3A_297 = arith.extui %lt3A_296 : i1 to i32
      %cond3A_298 = arith.constant 0 : i32
      %cond3A_299 = arith.cmpi ne, %convert_element_type3A_297, %cond3A_298 : i32
      scf.if %cond3A_299 {
        %ge3A = arith.constant 1 : i32
        %ge3A_304 = arith.cmpi sge, %add3A_278, %ge3A : i32
        %convert_element_type3A_305 = arith.extui %ge3A_304 : i1 to i32
        %cond3A_306 = arith.constant 0 : i32
        %cond3A_307 = arith.cmpi ne, %convert_element_type3A_305, %cond3A_306 : i32
        scf.if %cond3A_307 {
          %dma_wait3A_324 = arith.constant 0 : i32
          %dma_wait3A_325 = arith.constant 0 : i32
          %dma_wait3A_326 = tpu.memref_slice %arg19[%dma_wait3A_324, %dma_wait3A_325] : memref<10000x32xf32, #tpu.memory_space<vmem_shared>> -> memref<10000x32xf32, #tpu.memory_space<vmem_shared>>
          tpu.wait_indirect_dma semaphore(%arg22 : memref<!tpu.dma_semaphore, #tpu.memory_space<semaphore_mem>>) src(%arg12 : memref<400x32xf32, #tpu.memory_space<vmem>>) dst(%dma_wait3A_326 : memref<10000x32xf32, #tpu.memory_space<vmem_shared>>)
        } else {
        }
        %add3A_308 = arith.constant 1 : i32
        %add3A_309 = arith.addi %add3A_278, %add3A_308 : i32
        %mul3A_310 = arith.constant 20000 : i32
        %mul3A_311 = arith.muli %arg1, %mul3A_310 : i32
        %mul3A_312 = arith.constant 400 : i32
        %mul3A_313 = arith.muli %add3A_309, %mul3A_312 : i32
        %add3A_314 = arith.addi %mul3A_311, %mul3A_313 : i32
        %dma_start3A_315 = tpu.memref_slice %arg2[%add3A_314, %add3A_112] : memref<320000x256xf32, #tpu.memory_space<hbm>> -> memref<400x32xf32, #tpu.memory_space<hbm>>
        %dma_start3A_316 = tpu.memref_slice %arg2[%add3A_314, %add3A_112] : memref<320000x256xf32, #tpu.memory_space<hbm>> -> memref<400x32xf32, #tpu.memory_space<hbm>>
        tpu.enqueue_dma source(%dma_start3A_316 : memref<400x32xf32, #tpu.memory_space<hbm>>) target(%arg12 : memref<400x32xf32, #tpu.memory_space<vmem>>) target_semaphore(%arg20 : memref<!tpu.dma_semaphore, #tpu.memory_space<semaphore_mem>>)
        %mul3A_317 = arith.constant 20000 : i32
        %mul3A_318 = arith.muli %arg1, %mul3A_317 : i32
        %mul3A_319 = arith.constant 400 : i32
        %mul3A_320 = arith.muli %add3A_309, %mul3A_319 : i32
        %add3A_321 = arith.addi %mul3A_318, %mul3A_320 : i32
        %dma_start3A_322 = tpu.memref_slice %arg4[%add3A_321] : memref<320000xi32, #tpu.memory_space<hbm>> -> memref<400xi32, #tpu.memory_space<hbm>>
        %dma_start3A_323 = tpu.memref_slice %arg4[%add3A_321] : memref<320000xi32, #tpu.memory_space<hbm>> -> memref<400xi32, #tpu.memory_space<hbm>>
        tpu.enqueue_dma source(%dma_start3A_323 : memref<400xi32, #tpu.memory_space<hbm>>) target(%arg16 : memref<400xi32, #tpu.memory_space<vmem>>) target_semaphore(%arg20 : memref<!tpu.dma_semaphore, #tpu.memory_space<semaphore_mem>>)
      } else {
      }
      %dma_start3A_300 = arith.constant 0 : i32
      %dma_start3A_301 = arith.constant 0 : i32
      %dma_start3A_302 = tpu.memref_slice %arg19[%dma_start3A_300, %dma_start3A_301] : memref<10000x32xf32, #tpu.memory_space<vmem_shared>> -> memref<10000x32xf32, #tpu.memory_space<vmem_shared>>
      tpu.enqueue_indirect_dma source(%arg13 : memref<400x32xf32, #tpu.memory_space<vmem>>) target(%dma_start3A_302 : memref<10000x32xf32, #tpu.memory_space<vmem_shared>>) offsets(%arg17 : memref<400xi32, #tpu.memory_space<vmem>>) semaphore(%arg23 : memref<!tpu.dma_semaphore, #tpu.memory_space<semaphore_mem>>) {add = true}
      %scan3A_303 = arith.constant 0 : i32
      scf.yield %scan3A_303 : i32
    }
    %scan3A_131 = arith.constant 25 : i32
    %dma_wait3A_132 = arith.constant 0 : i32
    %dma_wait3A_133 = arith.constant 0 : i32
    %dma_wait3A_134 = tpu.memref_slice %arg19[%dma_wait3A_132, %dma_wait3A_133] : memref<10000x32xf32, #tpu.memory_space<vmem_shared>> -> memref<10000x32xf32, #tpu.memory_space<vmem_shared>>
    tpu.wait_indirect_dma semaphore(%arg22 : memref<!tpu.dma_semaphore, #tpu.memory_space<semaphore_mem>>) src(%arg12 : memref<400x32xf32, #tpu.memory_space<vmem>>) dst(%dma_wait3A_134 : memref<10000x32xf32, #tpu.memory_space<vmem_shared>>)
    %dma_wait3A_135 = arith.constant 0 : i32
    %dma_wait3A_136 = arith.constant 0 : i32
    %dma_wait3A_137 = tpu.memref_slice %arg19[%dma_wait3A_135, %dma_wait3A_136] : memref<10000x32xf32, #tpu.memory_space<vmem_shared>> -> memref<10000x32xf32, #tpu.memory_space<vmem_shared>>
    tpu.wait_indirect_dma semaphore(%arg23 : memref<!tpu.dma_semaphore, #tpu.memory_space<semaphore_mem>>) src(%arg13 : memref<400x32xf32, #tpu.memory_space<vmem>>) dst(%dma_wait3A_137 : memref<10000x32xf32, #tpu.memory_space<vmem_shared>>)
    %barrier3A_138 = arith.constant 0 : index
    tpu.barrier barrier_id(%barrier3A_138)
    "tpu.region"() ({
      %run_scoped3A = tpu.sem_alloc : memref<!tpu.dma_semaphore, #tpu.memory_space<semaphore_mem>>
      %dma_start3A_248 = tpu.memref_slice %arg8[%mul3A_3, %add3A_112] : memref<10000x128xf32, #tpu.memory_space<hbm>> -> memref<625x32xf32, #tpu.memory_space<hbm>>
      %dma_start3A_249 = arith.constant 0 : i32
      %dma_start3A_250 = tpu.memref_slice %arg19[%mul3A_3, %dma_start3A_249] : memref<10000x32xf32, #tpu.memory_space<vmem_shared>> -> memref<625x32xf32, #tpu.memory_space<vmem_shared>>
      tpu.enqueue_dma source(%dma_start3A_250 : memref<625x32xf32, #tpu.memory_space<vmem_shared>>) target(%dma_start3A_248 : memref<625x32xf32, #tpu.memory_space<hbm>>) target_semaphore(%run_scoped3A : memref<!tpu.dma_semaphore, #tpu.memory_space<semaphore_mem>>)
      %dma_wait3A_251 = tpu.memref_slice %arg8[%mul3A_3, %add3A_112] : memref<10000x128xf32, #tpu.memory_space<hbm>> -> memref<625x32xf32, #tpu.memory_space<hbm>>
      %dma_wait3A_252 = arith.constant 0 : i32
      %dma_wait3A_253 = tpu.memref_slice %arg19[%mul3A_3, %dma_wait3A_252] : memref<10000x32xf32, #tpu.memory_space<vmem_shared>> -> memref<625x32xf32, #tpu.memory_space<vmem_shared>>
      tpu.wait_dma2 semaphore(%run_scoped3A : memref<!tpu.dma_semaphore, #tpu.memory_space<semaphore_mem>>) src(%dma_wait3A_253 : memref<625x32xf32, #tpu.memory_space<vmem_shared>>) dst(%dma_wait3A_251 : memref<625x32xf32, #tpu.memory_space<hbm>>)
      tpu.yield
    }) : () -> ()
    "tpu.region"() ({
      %run_scoped3A = tpu.sem_alloc : memref<!tpu.dma_semaphore, #tpu.memory_space<semaphore_mem>>
      %dma_start3A_248 = arith.constant 0 : i32
      %dma_start3A_249 = tpu.memref_slice %arg19[%mul3A_3, %dma_start3A_248] : memref<10000x32xf32, #tpu.memory_space<vmem_shared>> -> memref<625x32xf32, #tpu.memory_space<vmem_shared>>
      tpu.enqueue_dma source(%arg6 : memref<625x32xf32, #tpu.memory_space<hbm>>) target(%dma_start3A_249 : memref<625x32xf32, #tpu.memory_space<vmem_shared>>) target_semaphore(%run_scoped3A : memref<!tpu.dma_semaphore, #tpu.memory_space<semaphore_mem>>)
      %dma_wait3A_250 = arith.constant 0 : i32
      %dma_wait3A_251 = tpu.memref_slice %arg19[%mul3A_3, %dma_wait3A_250] : memref<10000x32xf32, #tpu.memory_space<vmem_shared>> -> memref<625x32xf32, #tpu.memory_space<vmem_shared>>
      tpu.wait_dma2 semaphore(%run_scoped3A : memref<!tpu.dma_semaphore, #tpu.memory_space<semaphore_mem>>) src(%arg6 : memref<625x32xf32, #tpu.memory_space<hbm>>) dst(%dma_wait3A_251 : memref<625x32xf32, #tpu.memory_space<vmem_shared>>)
      tpu.yield
    }) : () -> ()
    %barrier3A_139 = arith.constant 0 : index
    tpu.barrier barrier_id(%barrier3A_139)
    %mul3A_140 = arith.constant 32 : i32
    %mul3A_141 = arith.muli %arg0, %mul3A_140 : i32
    %add3A_142 = arith.constant 0 : i32
    %add3A_143 = arith.addi %add3A_142, %mul3A_141 : i32
    %add3A_144 = arith.constant 128 : i32
    %add3A_145 = arith.addi %add3A_144, %add3A_143 : i32
    %mul3A_146 = arith.constant 20000 : i32
    %mul3A_147 = arith.muli %arg1, %mul3A_146 : i32
    %add3A_148 = arith.constant 0 : i32
    %add3A_149 = arith.addi %mul3A_147, %add3A_148 : i32
    %dma_start3A_150 = tpu.memref_slice %arg2[%add3A_149, %add3A_145] : memref<320000x256xf32, #tpu.memory_space<hbm>> -> memref<400x32xf32, #tpu.memory_space<hbm>>
    %dma_start3A_151 = tpu.memref_slice %arg2[%add3A_149, %add3A_145] : memref<320000x256xf32, #tpu.memory_space<hbm>> -> memref<400x32xf32, #tpu.memory_space<hbm>>
    tpu.enqueue_dma source(%dma_start3A_151 : memref<400x32xf32, #tpu.memory_space<hbm>>) target(%arg12 : memref<400x32xf32, #tpu.memory_space<vmem>>) target_semaphore(%arg20 : memref<!tpu.dma_semaphore, #tpu.memory_space<semaphore_mem>>)
    %mul3A_152 = arith.constant 20000 : i32
    %mul3A_153 = arith.muli %arg1, %mul3A_152 : i32
    %add3A_154 = arith.constant 0 : i32
    %add3A_155 = arith.addi %mul3A_153, %add3A_154 : i32
    %dma_start3A_156 = tpu.memref_slice %arg4[%add3A_155] : memref<320000xi32, #tpu.memory_space<hbm>> -> memref<400xi32, #tpu.memory_space<hbm>>
    %dma_start3A_157 = tpu.memref_slice %arg4[%add3A_155] : memref<320000xi32, #tpu.memory_space<hbm>> -> memref<400xi32, #tpu.memory_space<hbm>>
    tpu.enqueue_dma source(%dma_start3A_157 : memref<400xi32, #tpu.memory_space<hbm>>) target(%arg16 : memref<400xi32, #tpu.memory_space<vmem>>) target_semaphore(%arg20 : memref<!tpu.dma_semaphore, #tpu.memory_space<semaphore_mem>>)
    %scan3A_158 = arith.constant 0 : i32
    %scan3A_159 = arith.constant 0 : i32
    %scan3A_160 = arith.constant 25 : i32
    %scan3A_161 = arith.addi %scan3A_159, %scan3A_160 : i32
    %scan3A_162 = arith.constant 1 : i32
    %scan3A_163 = scf.for %scan3A_248 = %scan3A_159 to %scan3A_161 step %scan3A_162 iter_args(%scan3A_249 = %scan3A_158) -> (i32)  : i32 {
      %mul3A_250 = arith.constant 2 : i32
      %mul3A_251 = arith.muli %mul3A_250, %scan3A_248 : i32
      %add3A_252 = arith.constant 0 : i32
      %add3A_253 = arith.addi %mul3A_251, %add3A_252 : i32
      %mul3A_254 = arith.constant 20000 : i32
      %mul3A_255 = arith.muli %arg1, %mul3A_254 : i32
      %mul3A_256 = arith.constant 400 : i32
      %mul3A_257 = arith.muli %add3A_253, %mul3A_256 : i32
      %add3A_258 = arith.addi %mul3A_255, %mul3A_257 : i32
      %dma_wait3A_259 = tpu.memref_slice %arg2[%add3A_258, %add3A_145] : memref<320000x256xf32, #tpu.memory_space<hbm>> -> memref<400x32xf32, #tpu.memory_space<hbm>>
      %dma_wait3A_260 = tpu.memref_slice %arg2[%add3A_258, %add3A_145] : memref<320000x256xf32, #tpu.memory_space<hbm>> -> memref<400x32xf32, #tpu.memory_space<hbm>>
      tpu.wait_dma2 semaphore(%arg20 : memref<!tpu.dma_semaphore, #tpu.memory_space<semaphore_mem>>) src(%dma_wait3A_260 : memref<400x32xf32, #tpu.memory_space<hbm>>) dst(%arg12 : memref<400x32xf32, #tpu.memory_space<vmem>>)
      %mul3A_261 = arith.constant 20000 : i32
      %mul3A_262 = arith.muli %arg1, %mul3A_261 : i32
      %mul3A_263 = arith.constant 400 : i32
      %mul3A_264 = arith.muli %add3A_253, %mul3A_263 : i32
      %add3A_265 = arith.addi %mul3A_262, %mul3A_264 : i32
      %dma_wait3A_266 = tpu.memref_slice %arg4[%add3A_265] : memref<320000xi32, #tpu.memory_space<hbm>> -> memref<400xi32, #tpu.memory_space<hbm>>
      %dma_wait3A_267 = tpu.memref_slice %arg4[%add3A_265] : memref<320000xi32, #tpu.memory_space<hbm>> -> memref<400xi32, #tpu.memory_space<hbm>>
      tpu.wait_dma2 semaphore(%arg20 : memref<!tpu.dma_semaphore, #tpu.memory_space<semaphore_mem>>) src(%dma_wait3A_267 : memref<400xi32, #tpu.memory_space<hbm>>) dst(%arg16 : memref<400xi32, #tpu.memory_space<vmem>>)
      %add3A_268 = arith.constant 1 : i32
      %add3A_269 = arith.addi %add3A_253, %add3A_268 : i32
      %lt3A = arith.constant 50 : i32
      %lt3A_270 = arith.cmpi slt, %add3A_269, %lt3A : i32
      %convert_element_type3A = arith.extui %lt3A_270 : i1 to i32
      %cond3A = arith.constant 0 : i32
      %cond3A_271 = arith.cmpi ne, %convert_element_type3A, %cond3A : i32
      scf.if %cond3A_271 {
        %ge3A = arith.constant 1 : i32
        %ge3A_304 = arith.cmpi sge, %add3A_253, %ge3A : i32
        %convert_element_type3A_305 = arith.extui %ge3A_304 : i1 to i32
        %cond3A_306 = arith.constant 0 : i32
        %cond3A_307 = arith.cmpi ne, %convert_element_type3A_305, %cond3A_306 : i32
        scf.if %cond3A_307 {
          %dma_wait3A_324 = arith.constant 0 : i32
          %dma_wait3A_325 = arith.constant 0 : i32
          %dma_wait3A_326 = tpu.memref_slice %arg19[%dma_wait3A_324, %dma_wait3A_325] : memref<10000x32xf32, #tpu.memory_space<vmem_shared>> -> memref<10000x32xf32, #tpu.memory_space<vmem_shared>>
          tpu.wait_indirect_dma semaphore(%arg23 : memref<!tpu.dma_semaphore, #tpu.memory_space<semaphore_mem>>) src(%arg13 : memref<400x32xf32, #tpu.memory_space<vmem>>) dst(%dma_wait3A_326 : memref<10000x32xf32, #tpu.memory_space<vmem_shared>>)
        } else {
        }
        %add3A_308 = arith.constant 1 : i32
        %add3A_309 = arith.addi %add3A_253, %add3A_308 : i32
        %mul3A_310 = arith.constant 20000 : i32
        %mul3A_311 = arith.muli %arg1, %mul3A_310 : i32
        %mul3A_312 = arith.constant 400 : i32
        %mul3A_313 = arith.muli %add3A_309, %mul3A_312 : i32
        %add3A_314 = arith.addi %mul3A_311, %mul3A_313 : i32
        %dma_start3A_315 = tpu.memref_slice %arg2[%add3A_314, %add3A_145] : memref<320000x256xf32, #tpu.memory_space<hbm>> -> memref<400x32xf32, #tpu.memory_space<hbm>>
        %dma_start3A_316 = tpu.memref_slice %arg2[%add3A_314, %add3A_145] : memref<320000x256xf32, #tpu.memory_space<hbm>> -> memref<400x32xf32, #tpu.memory_space<hbm>>
        tpu.enqueue_dma source(%dma_start3A_316 : memref<400x32xf32, #tpu.memory_space<hbm>>) target(%arg13 : memref<400x32xf32, #tpu.memory_space<vmem>>) target_semaphore(%arg21 : memref<!tpu.dma_semaphore, #tpu.memory_space<semaphore_mem>>)
        %mul3A_317 = arith.constant 20000 : i32
        %mul3A_318 = arith.muli %arg1, %mul3A_317 : i32
        %mul3A_319 = arith.constant 400 : i32
        %mul3A_320 = arith.muli %add3A_309, %mul3A_319 : i32
        %add3A_321 = arith.addi %mul3A_318, %mul3A_320 : i32
        %dma_start3A_322 = tpu.memref_slice %arg4[%add3A_321] : memref<320000xi32, #tpu.memory_space<hbm>> -> memref<400xi32, #tpu.memory_space<hbm>>
        %dma_start3A_323 = tpu.memref_slice %arg4[%add3A_321] : memref<320000xi32, #tpu.memory_space<hbm>> -> memref<400xi32, #tpu.memory_space<hbm>>
        tpu.enqueue_dma source(%dma_start3A_323 : memref<400xi32, #tpu.memory_space<hbm>>) target(%arg17 : memref<400xi32, #tpu.memory_space<vmem>>) target_semaphore(%arg21 : memref<!tpu.dma_semaphore, #tpu.memory_space<semaphore_mem>>)
      } else {
      }
      %dma_start3A_272 = arith.constant 0 : i32
      %dma_start3A_273 = arith.constant 0 : i32
      %dma_start3A_274 = tpu.memref_slice %arg19[%dma_start3A_272, %dma_start3A_273] : memref<10000x32xf32, #tpu.memory_space<vmem_shared>> -> memref<10000x32xf32, #tpu.memory_space<vmem_shared>>
      tpu.enqueue_indirect_dma source(%arg12 : memref<400x32xf32, #tpu.memory_space<vmem>>) target(%dma_start3A_274 : memref<10000x32xf32, #tpu.memory_space<vmem_shared>>) offsets(%arg16 : memref<400xi32, #tpu.memory_space<vmem>>) semaphore(%arg22 : memref<!tpu.dma_semaphore, #tpu.memory_space<semaphore_mem>>) {add = true}
      %mul3A_275 = arith.constant 2 : i32
      %mul3A_276 = arith.muli %mul3A_275, %scan3A_248 : i32
      %add3A_277 = arith.constant 1 : i32
      %add3A_278 = arith.addi %mul3A_276, %add3A_277 : i32
      %mul3A_279 = arith.constant 20000 : i32
      %mul3A_280 = arith.muli %arg1, %mul3A_279 : i32
      %mul3A_281 = arith.constant 400 : i32
      %mul3A_282 = arith.muli %add3A_278, %mul3A_281 : i32
      %add3A_283 = arith.addi %mul3A_280, %mul3A_282 : i32
      %dma_wait3A_284 = tpu.memref_slice %arg2[%add3A_283, %add3A_145] : memref<320000x256xf32, #tpu.memory_space<hbm>> -> memref<400x32xf32, #tpu.memory_space<hbm>>
      %dma_wait3A_285 = tpu.memref_slice %arg2[%add3A_283, %add3A_145] : memref<320000x256xf32, #tpu.memory_space<hbm>> -> memref<400x32xf32, #tpu.memory_space<hbm>>
      tpu.wait_dma2 semaphore(%arg21 : memref<!tpu.dma_semaphore, #tpu.memory_space<semaphore_mem>>) src(%dma_wait3A_285 : memref<400x32xf32, #tpu.memory_space<hbm>>) dst(%arg13 : memref<400x32xf32, #tpu.memory_space<vmem>>)
      %mul3A_286 = arith.constant 20000 : i32
      %mul3A_287 = arith.muli %arg1, %mul3A_286 : i32
      %mul3A_288 = arith.constant 400 : i32
      %mul3A_289 = arith.muli %add3A_278, %mul3A_288 : i32
      %add3A_290 = arith.addi %mul3A_287, %mul3A_289 : i32
      %dma_wait3A_291 = tpu.memref_slice %arg4[%add3A_290] : memref<320000xi32, #tpu.memory_space<hbm>> -> memref<400xi32, #tpu.memory_space<hbm>>
      %dma_wait3A_292 = tpu.memref_slice %arg4[%add3A_290] : memref<320000xi32, #tpu.memory_space<hbm>> -> memref<400xi32, #tpu.memory_space<hbm>>
      tpu.wait_dma2 semaphore(%arg21 : memref<!tpu.dma_semaphore, #tpu.memory_space<semaphore_mem>>) src(%dma_wait3A_292 : memref<400xi32, #tpu.memory_space<hbm>>) dst(%arg17 : memref<400xi32, #tpu.memory_space<vmem>>)
      %add3A_293 = arith.constant 1 : i32
      %add3A_294 = arith.addi %add3A_278, %add3A_293 : i32
      %lt3A_295 = arith.constant 50 : i32
      %lt3A_296 = arith.cmpi slt, %add3A_294, %lt3A_295 : i32
      %convert_element_type3A_297 = arith.extui %lt3A_296 : i1 to i32
      %cond3A_298 = arith.constant 0 : i32
      %cond3A_299 = arith.cmpi ne, %convert_element_type3A_297, %cond3A_298 : i32
      scf.if %cond3A_299 {
        %ge3A = arith.constant 1 : i32
        %ge3A_304 = arith.cmpi sge, %add3A_278, %ge3A : i32
        %convert_element_type3A_305 = arith.extui %ge3A_304 : i1 to i32
        %cond3A_306 = arith.constant 0 : i32
        %cond3A_307 = arith.cmpi ne, %convert_element_type3A_305, %cond3A_306 : i32
        scf.if %cond3A_307 {
          %dma_wait3A_324 = arith.constant 0 : i32
          %dma_wait3A_325 = arith.constant 0 : i32
          %dma_wait3A_326 = tpu.memref_slice %arg19[%dma_wait3A_324, %dma_wait3A_325] : memref<10000x32xf32, #tpu.memory_space<vmem_shared>> -> memref<10000x32xf32, #tpu.memory_space<vmem_shared>>
          tpu.wait_indirect_dma semaphore(%arg22 : memref<!tpu.dma_semaphore, #tpu.memory_space<semaphore_mem>>) src(%arg12 : memref<400x32xf32, #tpu.memory_space<vmem>>) dst(%dma_wait3A_326 : memref<10000x32xf32, #tpu.memory_space<vmem_shared>>)
        } else {
        }
        %add3A_308 = arith.constant 1 : i32
        %add3A_309 = arith.addi %add3A_278, %add3A_308 : i32
        %mul3A_310 = arith.constant 20000 : i32
        %mul3A_311 = arith.muli %arg1, %mul3A_310 : i32
        %mul3A_312 = arith.constant 400 : i32
        %mul3A_313 = arith.muli %add3A_309, %mul3A_312 : i32
        %add3A_314 = arith.addi %mul3A_311, %mul3A_313 : i32
        %dma_start3A_315 = tpu.memref_slice %arg2[%add3A_314, %add3A_145] : memref<320000x256xf32, #tpu.memory_space<hbm>> -> memref<400x32xf32, #tpu.memory_space<hbm>>
        %dma_start3A_316 = tpu.memref_slice %arg2[%add3A_314, %add3A_145] : memref<320000x256xf32, #tpu.memory_space<hbm>> -> memref<400x32xf32, #tpu.memory_space<hbm>>
        tpu.enqueue_dma source(%dma_start3A_316 : memref<400x32xf32, #tpu.memory_space<hbm>>) target(%arg12 : memref<400x32xf32, #tpu.memory_space<vmem>>) target_semaphore(%arg20 : memref<!tpu.dma_semaphore, #tpu.memory_space<semaphore_mem>>)
        %mul3A_317 = arith.constant 20000 : i32
        %mul3A_318 = arith.muli %arg1, %mul3A_317 : i32
        %mul3A_319 = arith.constant 400 : i32
        %mul3A_320 = arith.muli %add3A_309, %mul3A_319 : i32
        %add3A_321 = arith.addi %mul3A_318, %mul3A_320 : i32
        %dma_start3A_322 = tpu.memref_slice %arg4[%add3A_321] : memref<320000xi32, #tpu.memory_space<hbm>> -> memref<400xi32, #tpu.memory_space<hbm>>
        %dma_start3A_323 = tpu.memref_slice %arg4[%add3A_321] : memref<320000xi32, #tpu.memory_space<hbm>> -> memref<400xi32, #tpu.memory_space<hbm>>
        tpu.enqueue_dma source(%dma_start3A_323 : memref<400xi32, #tpu.memory_space<hbm>>) target(%arg16 : memref<400xi32, #tpu.memory_space<vmem>>) target_semaphore(%arg20 : memref<!tpu.dma_semaphore, #tpu.memory_space<semaphore_mem>>)
      } else {
      }
      %dma_start3A_300 = arith.constant 0 : i32
      %dma_start3A_301 = arith.constant 0 : i32
      %dma_start3A_302 = tpu.memref_slice %arg19[%dma_start3A_300, %dma_start3A_301] : memref<10000x32xf32, #tpu.memory_space<vmem_shared>> -> memref<10000x32xf32, #tpu.memory_space<vmem_shared>>
      tpu.enqueue_indirect_dma source(%arg13 : memref<400x32xf32, #tpu.memory_space<vmem>>) target(%dma_start3A_302 : memref<10000x32xf32, #tpu.memory_space<vmem_shared>>) offsets(%arg17 : memref<400xi32, #tpu.memory_space<vmem>>) semaphore(%arg23 : memref<!tpu.dma_semaphore, #tpu.memory_space<semaphore_mem>>) {add = true}
      %scan3A_303 = arith.constant 0 : i32
      scf.yield %scan3A_303 : i32
    }
    %scan3A_164 = arith.constant 25 : i32
    %dma_wait3A_165 = arith.constant 0 : i32
    %dma_wait3A_166 = arith.constant 0 : i32
    %dma_wait3A_167 = tpu.memref_slice %arg19[%dma_wait3A_165, %dma_wait3A_166] : memref<10000x32xf32, #tpu.memory_space<vmem_shared>> -> memref<10000x32xf32, #tpu.memory_space<vmem_shared>>
    tpu.wait_indirect_dma semaphore(%arg22 : memref<!tpu.dma_semaphore, #tpu.memory_space<semaphore_mem>>) src(%arg12 : memref<400x32xf32, #tpu.memory_space<vmem>>) dst(%dma_wait3A_167 : memref<10000x32xf32, #tpu.memory_space<vmem_shared>>)
    %dma_wait3A_168 = arith.constant 0 : i32
    %dma_wait3A_169 = arith.constant 0 : i32
    %dma_wait3A_170 = tpu.memref_slice %arg19[%dma_wait3A_168, %dma_wait3A_169] : memref<10000x32xf32, #tpu.memory_space<vmem_shared>> -> memref<10000x32xf32, #tpu.memory_space<vmem_shared>>
    tpu.wait_indirect_dma semaphore(%arg23 : memref<!tpu.dma_semaphore, #tpu.memory_space<semaphore_mem>>) src(%arg13 : memref<400x32xf32, #tpu.memory_space<vmem>>) dst(%dma_wait3A_170 : memref<10000x32xf32, #tpu.memory_space<vmem_shared>>)
    %barrier3A_171 = arith.constant 0 : index
    tpu.barrier barrier_id(%barrier3A_171)
    "tpu.region"() ({
      %run_scoped3A = tpu.sem_alloc : memref<!tpu.dma_semaphore, #tpu.memory_space<semaphore_mem>>
      %dma_start3A_248 = tpu.memref_slice %arg9[%mul3A_3, %add3A_143] : memref<10000x128xf32, #tpu.memory_space<hbm>> -> memref<625x32xf32, #tpu.memory_space<hbm>>
      %dma_start3A_249 = arith.constant 0 : i32
      %dma_start3A_250 = tpu.memref_slice %arg19[%mul3A_3, %dma_start3A_249] : memref<10000x32xf32, #tpu.memory_space<vmem_shared>> -> memref<625x32xf32, #tpu.memory_space<vmem_shared>>
      tpu.enqueue_dma source(%dma_start3A_250 : memref<625x32xf32, #tpu.memory_space<vmem_shared>>) target(%dma_start3A_248 : memref<625x32xf32, #tpu.memory_space<hbm>>) target_semaphore(%run_scoped3A : memref<!tpu.dma_semaphore, #tpu.memory_space<semaphore_mem>>)
      %dma_wait3A_251 = tpu.memref_slice %arg9[%mul3A_3, %add3A_143] : memref<10000x128xf32, #tpu.memory_space<hbm>> -> memref<625x32xf32, #tpu.memory_space<hbm>>
      %dma_wait3A_252 = arith.constant 0 : i32
      %dma_wait3A_253 = tpu.memref_slice %arg19[%mul3A_3, %dma_wait3A_252] : memref<10000x32xf32, #tpu.memory_space<vmem_shared>> -> memref<625x32xf32, #tpu.memory_space<vmem_shared>>
      tpu.wait_dma2 semaphore(%run_scoped3A : memref<!tpu.dma_semaphore, #tpu.memory_space<semaphore_mem>>) src(%dma_wait3A_253 : memref<625x32xf32, #tpu.memory_space<vmem_shared>>) dst(%dma_wait3A_251 : memref<625x32xf32, #tpu.memory_space<hbm>>)
      tpu.yield
    }) : () -> ()
    "tpu.region"() ({
      %run_scoped3A = tpu.sem_alloc : memref<!tpu.dma_semaphore, #tpu.memory_space<semaphore_mem>>
      %dma_start3A_248 = arith.constant 0 : i32
      %dma_start3A_249 = tpu.memref_slice %arg19[%mul3A_3, %dma_start3A_248] : memref<10000x32xf32, #tpu.memory_space<vmem_shared>> -> memref<625x32xf32, #tpu.memory_space<vmem_shared>>
      tpu.enqueue_dma source(%arg6 : memref<625x32xf32, #tpu.memory_space<hbm>>) target(%dma_start3A_249 : memref<625x32xf32, #tpu.memory_space<vmem_shared>>) target_semaphore(%run_scoped3A : memref<!tpu.dma_semaphore, #tpu.memory_space<semaphore_mem>>)
      %dma_wait3A_250 = arith.constant 0 : i32
      %dma_wait3A_251 = tpu.memref_slice %arg19[%mul3A_3, %dma_wait3A_250] : memref<10000x32xf32, #tpu.memory_space<vmem_shared>> -> memref<625x32xf32, #tpu.memory_space<vmem_shared>>
      tpu.wait_dma2 semaphore(%run_scoped3A : memref<!tpu.dma_semaphore, #tpu.memory_space<semaphore_mem>>) src(%arg6 : memref<625x32xf32, #tpu.memory_space<hbm>>) dst(%dma_wait3A_251 : memref<625x32xf32, #tpu.memory_space<vmem_shared>>)
      tpu.yield
    }) : () -> ()
    %barrier3A_172 = arith.constant 0 : index
    tpu.barrier barrier_id(%barrier3A_172)
    %mul3A_173 = arith.constant 32 : i32
    %mul3A_174 = arith.muli %arg0, %mul3A_173 : i32
    %add3A_175 = arith.constant 64 : i32
    %add3A_176 = arith.addi %add3A_175, %mul3A_174 : i32
    %add3A_177 = arith.constant 128 : i32
    %add3A_178 = arith.addi %add3A_177, %add3A_176 : i32
    %mul3A_179 = arith.constant 20000 : i32
    %mul3A_180 = arith.muli %arg1, %mul3A_179 : i32
    %add3A_181 = arith.constant 0 : i32
    %add3A_182 = arith.addi %mul3A_180, %add3A_181 : i32
    %dma_start3A_183 = tpu.memref_slice %arg2[%add3A_182, %add3A_178] : memref<320000x256xf32, #tpu.memory_space<hbm>> -> memref<400x32xf32, #tpu.memory_space<hbm>>
    %dma_start3A_184 = tpu.memref_slice %arg2[%add3A_182, %add3A_178] : memref<320000x256xf32, #tpu.memory_space<hbm>> -> memref<400x32xf32, #tpu.memory_space<hbm>>
    tpu.enqueue_dma source(%dma_start3A_184 : memref<400x32xf32, #tpu.memory_space<hbm>>) target(%arg12 : memref<400x32xf32, #tpu.memory_space<vmem>>) target_semaphore(%arg20 : memref<!tpu.dma_semaphore, #tpu.memory_space<semaphore_mem>>)
    %mul3A_185 = arith.constant 20000 : i32
    %mul3A_186 = arith.muli %arg1, %mul3A_185 : i32
    %add3A_187 = arith.constant 0 : i32
    %add3A_188 = arith.addi %mul3A_186, %add3A_187 : i32
    %dma_start3A_189 = tpu.memref_slice %arg4[%add3A_188] : memref<320000xi32, #tpu.memory_space<hbm>> -> memref<400xi32, #tpu.memory_space<hbm>>
    %dma_start3A_190 = tpu.memref_slice %arg4[%add3A_188] : memref<320000xi32, #tpu.memory_space<hbm>> -> memref<400xi32, #tpu.memory_space<hbm>>
    tpu.enqueue_dma source(%dma_start3A_190 : memref<400xi32, #tpu.memory_space<hbm>>) target(%arg16 : memref<400xi32, #tpu.memory_space<vmem>>) target_semaphore(%arg20 : memref<!tpu.dma_semaphore, #tpu.memory_space<semaphore_mem>>)
    %scan3A_191 = arith.constant 0 : i32
    %scan3A_192 = arith.constant 0 : i32
    %scan3A_193 = arith.constant 25 : i32
    %scan3A_194 = arith.addi %scan3A_192, %scan3A_193 : i32
    %scan3A_195 = arith.constant 1 : i32
    %scan3A_196 = scf.for %scan3A_248 = %scan3A_192 to %scan3A_194 step %scan3A_195 iter_args(%scan3A_249 = %scan3A_191) -> (i32)  : i32 {
      %mul3A_250 = arith.constant 2 : i32
      %mul3A_251 = arith.muli %mul3A_250, %scan3A_248 : i32
      %add3A_252 = arith.constant 0 : i32
      %add3A_253 = arith.addi %mul3A_251, %add3A_252 : i32
      %mul3A_254 = arith.constant 20000 : i32
      %mul3A_255 = arith.muli %arg1, %mul3A_254 : i32
      %mul3A_256 = arith.constant 400 : i32
      %mul3A_257 = arith.muli %add3A_253, %mul3A_256 : i32
      %add3A_258 = arith.addi %mul3A_255, %mul3A_257 : i32
      %dma_wait3A_259 = tpu.memref_slice %arg2[%add3A_258, %add3A_178] : memref<320000x256xf32, #tpu.memory_space<hbm>> -> memref<400x32xf32, #tpu.memory_space<hbm>>
      %dma_wait3A_260 = tpu.memref_slice %arg2[%add3A_258, %add3A_178] : memref<320000x256xf32, #tpu.memory_space<hbm>> -> memref<400x32xf32, #tpu.memory_space<hbm>>
      tpu.wait_dma2 semaphore(%arg20 : memref<!tpu.dma_semaphore, #tpu.memory_space<semaphore_mem>>) src(%dma_wait3A_260 : memref<400x32xf32, #tpu.memory_space<hbm>>) dst(%arg12 : memref<400x32xf32, #tpu.memory_space<vmem>>)
      %mul3A_261 = arith.constant 20000 : i32
      %mul3A_262 = arith.muli %arg1, %mul3A_261 : i32
      %mul3A_263 = arith.constant 400 : i32
      %mul3A_264 = arith.muli %add3A_253, %mul3A_263 : i32
      %add3A_265 = arith.addi %mul3A_262, %mul3A_264 : i32
      %dma_wait3A_266 = tpu.memref_slice %arg4[%add3A_265] : memref<320000xi32, #tpu.memory_space<hbm>> -> memref<400xi32, #tpu.memory_space<hbm>>
      %dma_wait3A_267 = tpu.memref_slice %arg4[%add3A_265] : memref<320000xi32, #tpu.memory_space<hbm>> -> memref<400xi32, #tpu.memory_space<hbm>>
      tpu.wait_dma2 semaphore(%arg20 : memref<!tpu.dma_semaphore, #tpu.memory_space<semaphore_mem>>) src(%dma_wait3A_267 : memref<400xi32, #tpu.memory_space<hbm>>) dst(%arg16 : memref<400xi32, #tpu.memory_space<vmem>>)
      %add3A_268 = arith.constant 1 : i32
      %add3A_269 = arith.addi %add3A_253, %add3A_268 : i32
      %lt3A = arith.constant 50 : i32
      %lt3A_270 = arith.cmpi slt, %add3A_269, %lt3A : i32
      %convert_element_type3A = arith.extui %lt3A_270 : i1 to i32
      %cond3A = arith.constant 0 : i32
      %cond3A_271 = arith.cmpi ne, %convert_element_type3A, %cond3A : i32
      scf.if %cond3A_271 {
        %ge3A = arith.constant 1 : i32
        %ge3A_304 = arith.cmpi sge, %add3A_253, %ge3A : i32
        %convert_element_type3A_305 = arith.extui %ge3A_304 : i1 to i32
        %cond3A_306 = arith.constant 0 : i32
        %cond3A_307 = arith.cmpi ne, %convert_element_type3A_305, %cond3A_306 : i32
        scf.if %cond3A_307 {
          %dma_wait3A_324 = arith.constant 0 : i32
          %dma_wait3A_325 = arith.constant 0 : i32
          %dma_wait3A_326 = tpu.memref_slice %arg19[%dma_wait3A_324, %dma_wait3A_325] : memref<10000x32xf32, #tpu.memory_space<vmem_shared>> -> memref<10000x32xf32, #tpu.memory_space<vmem_shared>>
          tpu.wait_indirect_dma semaphore(%arg23 : memref<!tpu.dma_semaphore, #tpu.memory_space<semaphore_mem>>) src(%arg13 : memref<400x32xf32, #tpu.memory_space<vmem>>) dst(%dma_wait3A_326 : memref<10000x32xf32, #tpu.memory_space<vmem_shared>>)
        } else {
        }
        %add3A_308 = arith.constant 1 : i32
        %add3A_309 = arith.addi %add3A_253, %add3A_308 : i32
        %mul3A_310 = arith.constant 20000 : i32
        %mul3A_311 = arith.muli %arg1, %mul3A_310 : i32
        %mul3A_312 = arith.constant 400 : i32
        %mul3A_313 = arith.muli %add3A_309, %mul3A_312 : i32
        %add3A_314 = arith.addi %mul3A_311, %mul3A_313 : i32
        %dma_start3A_315 = tpu.memref_slice %arg2[%add3A_314, %add3A_178] : memref<320000x256xf32, #tpu.memory_space<hbm>> -> memref<400x32xf32, #tpu.memory_space<hbm>>
        %dma_start3A_316 = tpu.memref_slice %arg2[%add3A_314, %add3A_178] : memref<320000x256xf32, #tpu.memory_space<hbm>> -> memref<400x32xf32, #tpu.memory_space<hbm>>
        tpu.enqueue_dma source(%dma_start3A_316 : memref<400x32xf32, #tpu.memory_space<hbm>>) target(%arg13 : memref<400x32xf32, #tpu.memory_space<vmem>>) target_semaphore(%arg21 : memref<!tpu.dma_semaphore, #tpu.memory_space<semaphore_mem>>)
        %mul3A_317 = arith.constant 20000 : i32
        %mul3A_318 = arith.muli %arg1, %mul3A_317 : i32
        %mul3A_319 = arith.constant 400 : i32
        %mul3A_320 = arith.muli %add3A_309, %mul3A_319 : i32
        %add3A_321 = arith.addi %mul3A_318, %mul3A_320 : i32
        %dma_start3A_322 = tpu.memref_slice %arg4[%add3A_321] : memref<320000xi32, #tpu.memory_space<hbm>> -> memref<400xi32, #tpu.memory_space<hbm>>
        %dma_start3A_323 = tpu.memref_slice %arg4[%add3A_321] : memref<320000xi32, #tpu.memory_space<hbm>> -> memref<400xi32, #tpu.memory_space<hbm>>
        tpu.enqueue_dma source(%dma_start3A_323 : memref<400xi32, #tpu.memory_space<hbm>>) target(%arg17 : memref<400xi32, #tpu.memory_space<vmem>>) target_semaphore(%arg21 : memref<!tpu.dma_semaphore, #tpu.memory_space<semaphore_mem>>)
      } else {
      }
      %dma_start3A_272 = arith.constant 0 : i32
      %dma_start3A_273 = arith.constant 0 : i32
      %dma_start3A_274 = tpu.memref_slice %arg19[%dma_start3A_272, %dma_start3A_273] : memref<10000x32xf32, #tpu.memory_space<vmem_shared>> -> memref<10000x32xf32, #tpu.memory_space<vmem_shared>>
      tpu.enqueue_indirect_dma source(%arg12 : memref<400x32xf32, #tpu.memory_space<vmem>>) target(%dma_start3A_274 : memref<10000x32xf32, #tpu.memory_space<vmem_shared>>) offsets(%arg16 : memref<400xi32, #tpu.memory_space<vmem>>) semaphore(%arg22 : memref<!tpu.dma_semaphore, #tpu.memory_space<semaphore_mem>>) {add = true}
      %mul3A_275 = arith.constant 2 : i32
      %mul3A_276 = arith.muli %mul3A_275, %scan3A_248 : i32
      %add3A_277 = arith.constant 1 : i32
      %add3A_278 = arith.addi %mul3A_276, %add3A_277 : i32
      %mul3A_279 = arith.constant 20000 : i32
      %mul3A_280 = arith.muli %arg1, %mul3A_279 : i32
      %mul3A_281 = arith.constant 400 : i32
      %mul3A_282 = arith.muli %add3A_278, %mul3A_281 : i32
      %add3A_283 = arith.addi %mul3A_280, %mul3A_282 : i32
      %dma_wait3A_284 = tpu.memref_slice %arg2[%add3A_283, %add3A_178] : memref<320000x256xf32, #tpu.memory_space<hbm>> -> memref<400x32xf32, #tpu.memory_space<hbm>>
      %dma_wait3A_285 = tpu.memref_slice %arg2[%add3A_283, %add3A_178] : memref<320000x256xf32, #tpu.memory_space<hbm>> -> memref<400x32xf32, #tpu.memory_space<hbm>>
      tpu.wait_dma2 semaphore(%arg21 : memref<!tpu.dma_semaphore, #tpu.memory_space<semaphore_mem>>) src(%dma_wait3A_285 : memref<400x32xf32, #tpu.memory_space<hbm>>) dst(%arg13 : memref<400x32xf32, #tpu.memory_space<vmem>>)
      %mul3A_286 = arith.constant 20000 : i32
      %mul3A_287 = arith.muli %arg1, %mul3A_286 : i32
      %mul3A_288 = arith.constant 400 : i32
      %mul3A_289 = arith.muli %add3A_278, %mul3A_288 : i32
      %add3A_290 = arith.addi %mul3A_287, %mul3A_289 : i32
      %dma_wait3A_291 = tpu.memref_slice %arg4[%add3A_290] : memref<320000xi32, #tpu.memory_space<hbm>> -> memref<400xi32, #tpu.memory_space<hbm>>
      %dma_wait3A_292 = tpu.memref_slice %arg4[%add3A_290] : memref<320000xi32, #tpu.memory_space<hbm>> -> memref<400xi32, #tpu.memory_space<hbm>>
      tpu.wait_dma2 semaphore(%arg21 : memref<!tpu.dma_semaphore, #tpu.memory_space<semaphore_mem>>) src(%dma_wait3A_292 : memref<400xi32, #tpu.memory_space<hbm>>) dst(%arg17 : memref<400xi32, #tpu.memory_space<vmem>>)
      %add3A_293 = arith.constant 1 : i32
      %add3A_294 = arith.addi %add3A_278, %add3A_293 : i32
      %lt3A_295 = arith.constant 50 : i32
      %lt3A_296 = arith.cmpi slt, %add3A_294, %lt3A_295 : i32
      %convert_element_type3A_297 = arith.extui %lt3A_296 : i1 to i32
      %cond3A_298 = arith.constant 0 : i32
      %cond3A_299 = arith.cmpi ne, %convert_element_type3A_297, %cond3A_298 : i32
      scf.if %cond3A_299 {
        %ge3A = arith.constant 1 : i32
        %ge3A_304 = arith.cmpi sge, %add3A_278, %ge3A : i32
        %convert_element_type3A_305 = arith.extui %ge3A_304 : i1 to i32
        %cond3A_306 = arith.constant 0 : i32
        %cond3A_307 = arith.cmpi ne, %convert_element_type3A_305, %cond3A_306 : i32
        scf.if %cond3A_307 {
          %dma_wait3A_324 = arith.constant 0 : i32
          %dma_wait3A_325 = arith.constant 0 : i32
          %dma_wait3A_326 = tpu.memref_slice %arg19[%dma_wait3A_324, %dma_wait3A_325] : memref<10000x32xf32, #tpu.memory_space<vmem_shared>> -> memref<10000x32xf32, #tpu.memory_space<vmem_shared>>
          tpu.wait_indirect_dma semaphore(%arg22 : memref<!tpu.dma_semaphore, #tpu.memory_space<semaphore_mem>>) src(%arg12 : memref<400x32xf32, #tpu.memory_space<vmem>>) dst(%dma_wait3A_326 : memref<10000x32xf32, #tpu.memory_space<vmem_shared>>)
        } else {
        }
        %add3A_308 = arith.constant 1 : i32
        %add3A_309 = arith.addi %add3A_278, %add3A_308 : i32
        %mul3A_310 = arith.constant 20000 : i32
        %mul3A_311 = arith.muli %arg1, %mul3A_310 : i32
        %mul3A_312 = arith.constant 400 : i32
        %mul3A_313 = arith.muli %add3A_309, %mul3A_312 : i32
        %add3A_314 = arith.addi %mul3A_311, %mul3A_313 : i32
        %dma_start3A_315 = tpu.memref_slice %arg2[%add3A_314, %add3A_178] : memref<320000x256xf32, #tpu.memory_space<hbm>> -> memref<400x32xf32, #tpu.memory_space<hbm>>
        %dma_start3A_316 = tpu.memref_slice %arg2[%add3A_314, %add3A_178] : memref<320000x256xf32, #tpu.memory_space<hbm>> -> memref<400x32xf32, #tpu.memory_space<hbm>>
        tpu.enqueue_dma source(%dma_start3A_316 : memref<400x32xf32, #tpu.memory_space<hbm>>) target(%arg12 : memref<400x32xf32, #tpu.memory_space<vmem>>) target_semaphore(%arg20 : memref<!tpu.dma_semaphore, #tpu.memory_space<semaphore_mem>>)
        %mul3A_317 = arith.constant 20000 : i32
        %mul3A_318 = arith.muli %arg1, %mul3A_317 : i32
        %mul3A_319 = arith.constant 400 : i32
        %mul3A_320 = arith.muli %add3A_309, %mul3A_319 : i32
        %add3A_321 = arith.addi %mul3A_318, %mul3A_320 : i32
        %dma_start3A_322 = tpu.memref_slice %arg4[%add3A_321] : memref<320000xi32, #tpu.memory_space<hbm>> -> memref<400xi32, #tpu.memory_space<hbm>>
        %dma_start3A_323 = tpu.memref_slice %arg4[%add3A_321] : memref<320000xi32, #tpu.memory_space<hbm>> -> memref<400xi32, #tpu.memory_space<hbm>>
        tpu.enqueue_dma source(%dma_start3A_323 : memref<400xi32, #tpu.memory_space<hbm>>) target(%arg16 : memref<400xi32, #tpu.memory_space<vmem>>) target_semaphore(%arg20 : memref<!tpu.dma_semaphore, #tpu.memory_space<semaphore_mem>>)
      } else {
      }
      %dma_start3A_300 = arith.constant 0 : i32
      %dma_start3A_301 = arith.constant 0 : i32
      %dma_start3A_302 = tpu.memref_slice %arg19[%dma_start3A_300, %dma_start3A_301] : memref<10000x32xf32, #tpu.memory_space<vmem_shared>> -> memref<10000x32xf32, #tpu.memory_space<vmem_shared>>
      tpu.enqueue_indirect_dma source(%arg13 : memref<400x32xf32, #tpu.memory_space<vmem>>) target(%dma_start3A_302 : memref<10000x32xf32, #tpu.memory_space<vmem_shared>>) offsets(%arg17 : memref<400xi32, #tpu.memory_space<vmem>>) semaphore(%arg23 : memref<!tpu.dma_semaphore, #tpu.memory_space<semaphore_mem>>) {add = true}
      %scan3A_303 = arith.constant 0 : i32
      scf.yield %scan3A_303 : i32
    }
    %scan3A_197 = arith.constant 25 : i32
    %dma_wait3A_198 = arith.constant 0 : i32
    %dma_wait3A_199 = arith.constant 0 : i32
    %dma_wait3A_200 = tpu.memref_slice %arg19[%dma_wait3A_198, %dma_wait3A_199] : memref<10000x32xf32, #tpu.memory_space<vmem_shared>> -> memref<10000x32xf32, #tpu.memory_space<vmem_shared>>
    tpu.wait_indirect_dma semaphore(%arg22 : memref<!tpu.dma_semaphore, #tpu.memory_space<semaphore_mem>>) src(%arg12 : memref<400x32xf32, #tpu.memory_space<vmem>>) dst(%dma_wait3A_200 : memref<10000x32xf32, #tpu.memory_space<vmem_shared>>)
    %dma_wait3A_201 = arith.constant 0 : i32
    %dma_wait3A_202 = arith.constant 0 : i32
    %dma_wait3A_203 = tpu.memref_slice %arg19[%dma_wait3A_201, %dma_wait3A_202] : memref<10000x32xf32, #tpu.memory_space<vmem_shared>> -> memref<10000x32xf32, #tpu.memory_space<vmem_shared>>
    tpu.wait_indirect_dma semaphore(%arg23 : memref<!tpu.dma_semaphore, #tpu.memory_space<semaphore_mem>>) src(%arg13 : memref<400x32xf32, #tpu.memory_space<vmem>>) dst(%dma_wait3A_203 : memref<10000x32xf32, #tpu.memory_space<vmem_shared>>)
    %barrier3A_204 = arith.constant 0 : index
    tpu.barrier barrier_id(%barrier3A_204)
    "tpu.region"() ({
      %run_scoped3A = tpu.sem_alloc : memref<!tpu.dma_semaphore, #tpu.memory_space<semaphore_mem>>
      %dma_start3A_248 = tpu.memref_slice %arg9[%mul3A_3, %add3A_176] : memref<10000x128xf32, #tpu.memory_space<hbm>> -> memref<625x32xf32, #tpu.memory_space<hbm>>
      %dma_start3A_249 = arith.constant 0 : i32
      %dma_start3A_250 = tpu.memref_slice %arg19[%mul3A_3, %dma_start3A_249] : memref<10000x32xf32, #tpu.memory_space<vmem_shared>> -> memref<625x32xf32, #tpu.memory_space<vmem_shared>>
      tpu.enqueue_dma source(%dma_start3A_250 : memref<625x32xf32, #tpu.memory_space<vmem_shared>>) target(%dma_start3A_248 : memref<625x32xf32, #tpu.memory_space<hbm>>) target_semaphore(%run_scoped3A : memref<!tpu.dma_semaphore, #tpu.memory_space<semaphore_mem>>)
      %dma_wait3A_251 = tpu.memref_slice %arg9[%mul3A_3, %add3A_176] : memref<10000x128xf32, #tpu.memory_space<hbm>> -> memref<625x32xf32, #tpu.memory_space<hbm>>
      %dma_wait3A_252 = arith.constant 0 : i32
      %dma_wait3A_253 = tpu.memref_slice %arg19[%mul3A_3, %dma_wait3A_252] : memref<10000x32xf32, #tpu.memory_space<vmem_shared>> -> memref<625x32xf32, #tpu.memory_space<vmem_shared>>
      tpu.wait_dma2 semaphore(%run_scoped3A : memref<!tpu.dma_semaphore, #tpu.memory_space<semaphore_mem>>) src(%dma_wait3A_253 : memref<625x32xf32, #tpu.memory_space<vmem_shared>>) dst(%dma_wait3A_251 : memref<625x32xf32, #tpu.memory_space<hbm>>)
      tpu.yield
    }) : () -> ()
    "tpu.region"() ({
      %run_scoped3A = tpu.sem_alloc : memref<!tpu.dma_semaphore, #tpu.memory_space<semaphore_mem>>
      %dma_start3A_248 = arith.constant 0 : i32
      %dma_start3A_249 = tpu.memref_slice %arg19[%mul3A_3, %dma_start3A_248] : memref<10000x32xf32, #tpu.memory_space<vmem_shared>> -> memref<625x32xf32, #tpu.memory_space<vmem_shared>>
      tpu.enqueue_dma source(%arg6 : memref<625x32xf32, #tpu.memory_space<hbm>>) target(%dma_start3A_249 : memref<625x32xf32, #tpu.memory_space<vmem_shared>>) target_semaphore(%run_scoped3A : memref<!tpu.dma_semaphore, #tpu.memory_space<semaphore_mem>>)
      %dma_wait3A_250 = arith.constant 0 : i32
      %dma_wait3A_251 = tpu.memref_slice %arg19[%mul3A_3, %dma_wait3A_250] : memref<10000x32xf32, #tpu.memory_space<vmem_shared>> -> memref<625x32xf32, #tpu.memory_space<vmem_shared>>
      tpu.wait_dma2 semaphore(%run_scoped3A : memref<!tpu.dma_semaphore, #tpu.memory_space<semaphore_mem>>) src(%arg6 : memref<625x32xf32, #tpu.memory_space<hbm>>) dst(%dma_wait3A_251 : memref<625x32xf32, #tpu.memory_space<vmem_shared>>)
      tpu.yield
    }) : () -> ()
    %barrier3A_205 = arith.constant 0 : index
    tpu.barrier barrier_id(%barrier3A_205)
    %scan3A_206 = arith.constant 0 : i32
    %scan3A_207 = arith.constant 0 : i32
    %scan3A_208 = arith.constant 400 : i32
    %scan3A_209 = arith.addi %scan3A_207, %scan3A_208 : i32
    %scan3A_210 = arith.constant 1 : i32
    %scan3A_211 = scf.for %scan3A_248 = %scan3A_207 to %scan3A_209 step %scan3A_210 iter_args(%scan3A_249 = %scan3A_206) -> (i32)  : i32 {
      %swap3A = arith.index_cast %scan3A_248 : i32 to index
      %swap3A_250 = arith.constant 0 : index
      %swap3A_251 = tpu.vector_load %arg12[%swap3A, %swap3A_250] {strides = array<i32>} : memref<400x32xf32, #tpu.memory_space<vmem>>, vector<16xf32>,
      tpu.vector_store %arg12[%swap3A, %swap3A_250], %broadcast_in_dim3A_0 {strides = array<i32>} : memref<400x32xf32, #tpu.memory_space<vmem>>, vector<16xf32>,
      %swap3A_252 = arith.index_cast %scan3A_248 : i32 to index
      %swap3A_253 = arith.constant 16 : index
      %swap3A_254 = tpu.vector_load %arg12[%swap3A_252, %swap3A_253] {strides = array<i32>} : memref<400x32xf32, #tpu.memory_space<vmem>>, vector<16xf32>,
      tpu.vector_store %arg12[%swap3A_252, %swap3A_253], %broadcast_in_dim3A_0 {strides = array<i32>} : memref<400x32xf32, #tpu.memory_space<vmem>>, vector<16xf32>,
      %scan3A_255 = arith.constant 0 : i32
      scf.yield %scan3A_255 : i32
    }
    %scan3A_212 = arith.constant 400 : i32
    %mul3A_213 = arith.constant 160000 : i32
    %mul3A_214 = arith.muli %arg0, %mul3A_213 : i32
    %mul3A_215 = arith.constant 10000 : i32
    %mul3A_216 = arith.muli %arg1, %mul3A_215 : i32
    %add3A_217 = arith.addi %mul3A_214, %mul3A_216 : i32
    %add3A_218 = arith.constant 0 : i32
    %add3A_219 = arith.addi %add3A_217, %add3A_218 : i32
    %dma_start3A_220 = tpu.memref_slice %arg4[%add3A_219] : memref<320000xi32, #tpu.memory_space<hbm>> -> memref<400xi32, #tpu.memory_space<hbm>>
    %dma_start3A_221 = tpu.memref_slice %arg4[%add3A_219] : memref<320000xi32, #tpu.memory_space<hbm>> -> memref<400xi32, #tpu.memory_space<hbm>>
    tpu.enqueue_dma source(%dma_start3A_221 : memref<400xi32, #tpu.memory_space<hbm>>) target(%arg16 : memref<400xi32, #tpu.memory_space<vmem>>) target_semaphore(%arg20 : memref<!tpu.dma_semaphore, #tpu.memory_space<semaphore_mem>>)
    %scan3A_222 = arith.constant 0 : i32
    %scan3A_223 = arith.constant 0 : i32
    %scan3A_224 = arith.constant 12 : i32
    %scan3A_225 = arith.addi %scan3A_223, %scan3A_224 : i32
    %scan3A_226 = arith.constant 1 : i32
    %scan3A_227 = scf.for %scan3A_248 = %scan3A_223 to %scan3A_225 step %scan3A_226 iter_args(%scan3A_249 = %scan3A_222) -> (i32)  : i32 {
      %mul3A_250 = arith.constant 2 : i32
      %mul3A_251 = arith.muli %mul3A_250, %scan3A_248 : i32
      %add3A_252 = arith.constant 0 : i32
      %add3A_253 = arith.addi %mul3A_251, %add3A_252 : i32
      %mul3A_254 = arith.constant 160000 : i32
      %mul3A_255 = arith.muli %arg0, %mul3A_254 : i32
      %mul3A_256 = arith.constant 10000 : i32
      %mul3A_257 = arith.muli %arg1, %mul3A_256 : i32
      %add3A_258 = arith.addi %mul3A_255, %mul3A_257 : i32
      %mul3A_259 = arith.constant 400 : i32
      %mul3A_260 = arith.muli %add3A_253, %mul3A_259 : i32
      %add3A_261 = arith.addi %add3A_258, %mul3A_260 : i32
      %dma_wait3A_262 = tpu.memref_slice %arg4[%add3A_261] : memref<320000xi32, #tpu.memory_space<hbm>> -> memref<400xi32, #tpu.memory_space<hbm>>
      %dma_wait3A_263 = tpu.memref_slice %arg4[%add3A_261] : memref<320000xi32, #tpu.memory_space<hbm>> -> memref<400xi32, #tpu.memory_space<hbm>>
      tpu.wait_dma2 semaphore(%arg20 : memref<!tpu.dma_semaphore, #tpu.memory_space<semaphore_mem>>) src(%dma_wait3A_263 : memref<400xi32, #tpu.memory_space<hbm>>) dst(%arg16 : memref<400xi32, #tpu.memory_space<vmem>>)
      %add3A_264 = arith.constant 1 : i32
      %add3A_265 = arith.addi %add3A_253, %add3A_264 : i32
      %lt3A = arith.constant 25 : i32
      %lt3A_266 = arith.cmpi slt, %add3A_265, %lt3A : i32
      %convert_element_type3A = arith.extui %lt3A_266 : i1 to i32
      %cond3A = arith.constant 0 : i32
      %cond3A_267 = arith.cmpi ne, %convert_element_type3A, %cond3A : i32
      scf.if %cond3A_267 {
        %ge3A = arith.constant 1 : i32
        %ge3A_296 = arith.cmpi sge, %add3A_253, %ge3A : i32
        %convert_element_type3A_297 = arith.extui %ge3A_296 : i1 to i32
        %cond3A_298 = arith.constant 0 : i32
        %cond3A_299 = arith.cmpi ne, %convert_element_type3A_297, %cond3A_298 : i32
        scf.if %cond3A_299 {
          %dma_wait3A_312 = arith.constant 0 : i32
          %dma_wait3A_313 = arith.constant 0 : i32
          %dma_wait3A_314 = tpu.memref_slice %arg19[%dma_wait3A_312, %dma_wait3A_313] : memref<10000x32xf32, #tpu.memory_space<vmem_shared>> -> memref<10000x32xf32, #tpu.memory_space<vmem_shared>>
          tpu.wait_indirect_dma semaphore(%arg23 : memref<!tpu.dma_semaphore, #tpu.memory_space<semaphore_mem>>) src(%arg12 : memref<400x32xf32, #tpu.memory_space<vmem>>) dst(%dma_wait3A_314 : memref<10000x32xf32, #tpu.memory_space<vmem_shared>>)
        } else {
        }
        %add3A_300 = arith.constant 1 : i32
        %add3A_301 = arith.addi %add3A_253, %add3A_300 : i32
        %mul3A_302 = arith.constant 160000 : i32
        %mul3A_303 = arith.muli %arg0, %mul3A_302 : i32
        %mul3A_304 = arith.constant 10000 : i32
        %mul3A_305 = arith.muli %arg1, %mul3A_304 : i32
        %add3A_306 = arith.addi %mul3A_303, %mul3A_305 : i32
        %mul3A_307 = arith.constant 400 : i32
        %mul3A_308 = arith.muli %add3A_301, %mul3A_307 : i32
        %add3A_309 = arith.addi %add3A_306, %mul3A_308 : i32
        %dma_start3A_310 = tpu.memref_slice %arg4[%add3A_309] : memref<320000xi32, #tpu.memory_space<hbm>> -> memref<400xi32, #tpu.memory_space<hbm>>
        %dma_start3A_311 = tpu.memref_slice %arg4[%add3A_309] : memref<320000xi32, #tpu.memory_space<hbm>> -> memref<400xi32, #tpu.memory_space<hbm>>
        tpu.enqueue_dma source(%dma_start3A_311 : memref<400xi32, #tpu.memory_space<hbm>>) target(%arg17 : memref<400xi32, #tpu.memory_space<vmem>>) target_semaphore(%arg21 : memref<!tpu.dma_semaphore, #tpu.memory_space<semaphore_mem>>)
      } else {
      }
      %dma_start3A_268 = arith.constant 0 : i32
      %dma_start3A_269 = arith.constant 0 : i32
      %dma_start3A_270 = tpu.memref_slice %arg19[%dma_start3A_268, %dma_start3A_269] : memref<10000x32xf32, #tpu.memory_space<vmem_shared>> -> memref<10000x32xf32, #tpu.memory_space<vmem_shared>>
      tpu.enqueue_indirect_dma source(%arg12 : memref<400x32xf32, #tpu.memory_space<vmem>>) target(%dma_start3A_270 : memref<10000x32xf32, #tpu.memory_space<vmem_shared>>) offsets(%arg16 : memref<400xi32, #tpu.memory_space<vmem>>) semaphore(%arg22 : memref<!tpu.dma_semaphore, #tpu.memory_space<semaphore_mem>>) {add = true}
      %mul3A_271 = arith.constant 2 : i32
      %mul3A_272 = arith.muli %mul3A_271, %scan3A_248 : i32
      %add3A_273 = arith.constant 1 : i32
      %add3A_274 = arith.addi %mul3A_272, %add3A_273 : i32
      %mul3A_275 = arith.constant 160000 : i32
      %mul3A_276 = arith.muli %arg0, %mul3A_275 : i32
      %mul3A_277 = arith.constant 10000 : i32
      %mul3A_278 = arith.muli %arg1, %mul3A_277 : i32
      %add3A_279 = arith.addi %mul3A_276, %mul3A_278 : i32
      %mul3A_280 = arith.constant 400 : i32
      %mul3A_281 = arith.muli %add3A_274, %mul3A_280 : i32
      %add3A_282 = arith.addi %add3A_279, %mul3A_281 : i32
      %dma_wait3A_283 = tpu.memref_slice %arg4[%add3A_282] : memref<320000xi32, #tpu.memory_space<hbm>> -> memref<400xi32, #tpu.memory_space<hbm>>
      %dma_wait3A_284 = tpu.memref_slice %arg4[%add3A_282] : memref<320000xi32, #tpu.memory_space<hbm>> -> memref<400xi32, #tpu.memory_space<hbm>>
      tpu.wait_dma2 semaphore(%arg21 : memref<!tpu.dma_semaphore, #tpu.memory_space<semaphore_mem>>) src(%dma_wait3A_284 : memref<400xi32, #tpu.memory_space<hbm>>) dst(%arg17 : memref<400xi32, #tpu.memory_space<vmem>>)
      %add3A_285 = arith.constant 1 : i32
      %add3A_286 = arith.addi %add3A_274, %add3A_285 : i32
      %lt3A_287 = arith.constant 25 : i32
      %lt3A_288 = arith.cmpi slt, %add3A_286, %lt3A_287 : i32
      %convert_element_type3A_289 = arith.extui %lt3A_288 : i1 to i32
      %cond3A_290 = arith.constant 0 : i32
      %cond3A_291 = arith.cmpi ne, %convert_element_type3A_289, %cond3A_290 : i32
      scf.if %cond3A_291 {
        %ge3A = arith.constant 1 : i32
        %ge3A_296 = arith.cmpi sge, %add3A_274, %ge3A : i32
        %convert_element_type3A_297 = arith.extui %ge3A_296 : i1 to i32
        %cond3A_298 = arith.constant 0 : i32
        %cond3A_299 = arith.cmpi ne, %convert_element_type3A_297, %cond3A_298 : i32
        scf.if %cond3A_299 {
          %dma_wait3A_312 = arith.constant 0 : i32
          %dma_wait3A_313 = arith.constant 0 : i32
          %dma_wait3A_314 = tpu.memref_slice %arg19[%dma_wait3A_312, %dma_wait3A_313] : memref<10000x32xf32, #tpu.memory_space<vmem_shared>> -> memref<10000x32xf32, #tpu.memory_space<vmem_shared>>
          tpu.wait_indirect_dma semaphore(%arg22 : memref<!tpu.dma_semaphore, #tpu.memory_space<semaphore_mem>>) src(%arg12 : memref<400x32xf32, #tpu.memory_space<vmem>>) dst(%dma_wait3A_314 : memref<10000x32xf32, #tpu.memory_space<vmem_shared>>)
        } else {
        }
        %add3A_300 = arith.constant 1 : i32
        %add3A_301 = arith.addi %add3A_274, %add3A_300 : i32
        %mul3A_302 = arith.constant 160000 : i32
        %mul3A_303 = arith.muli %arg0, %mul3A_302 : i32
        %mul3A_304 = arith.constant 10000 : i32
        %mul3A_305 = arith.muli %arg1, %mul3A_304 : i32
        %add3A_306 = arith.addi %mul3A_303, %mul3A_305 : i32
        %mul3A_307 = arith.constant 400 : i32
        %mul3A_308 = arith.muli %add3A_301, %mul3A_307 : i32
        %add3A_309 = arith.addi %add3A_306, %mul3A_308 : i32
        %dma_start3A_310 = tpu.memref_slice %arg4[%add3A_309] : memref<320000xi32, #tpu.memory_space<hbm>> -> memref<400xi32, #tpu.memory_space<hbm>>
        %dma_start3A_311 = tpu.memref_slice %arg4[%add3A_309] : memref<320000xi32, #tpu.memory_space<hbm>> -> memref<400xi32, #tpu.memory_space<hbm>>
        tpu.enqueue_dma source(%dma_start3A_311 : memref<400xi32, #tpu.memory_space<hbm>>) target(%arg16 : memref<400xi32, #tpu.memory_space<vmem>>) target_semaphore(%arg20 : memref<!tpu.dma_semaphore, #tpu.memory_space<semaphore_mem>>)
      } else {
      }
      %dma_start3A_292 = arith.constant 0 : i32
      %dma_start3A_293 = arith.constant 0 : i32
      %dma_start3A_294 = tpu.memref_slice %arg19[%dma_start3A_292, %dma_start3A_293] : memref<10000x32xf32, #tpu.memory_space<vmem_shared>> -> memref<10000x32xf32, #tpu.memory_space<vmem_shared>>
      tpu.enqueue_indirect_dma source(%arg12 : memref<400x32xf32, #tpu.memory_space<vmem>>) target(%dma_start3A_294 : memref<10000x32xf32, #tpu.memory_space<vmem_shared>>) offsets(%arg17 : memref<400xi32, #tpu.memory_space<vmem>>) semaphore(%arg23 : memref<!tpu.dma_semaphore, #tpu.memory_space<semaphore_mem>>) {add = true}
      %scan3A_295 = arith.constant 0 : i32
      scf.yield %scan3A_295 : i32
    }
    %scan3A_228 = arith.constant 12 : i32
    %mul3A_229 = arith.constant 160000 : i32
    %mul3A_230 = arith.muli %arg0, %mul3A_229 : i32
    %mul3A_231 = arith.constant 10000 : i32
    %mul3A_232 = arith.muli %arg1, %mul3A_231 : i32
    %add3A_233 = arith.addi %mul3A_230, %mul3A_232 : i32
    %add3A_234 = arith.constant 9600 : i32
    %add3A_235 = arith.addi %add3A_233, %add3A_234 : i32
    %dma_wait3A_236 = tpu.memref_slice %arg4[%add3A_235] : memref<320000xi32, #tpu.memory_space<hbm>> -> memref<400xi32, #tpu.memory_space<hbm>>
    %dma_wait3A_237 = tpu.memref_slice %arg4[%add3A_235] : memref<320000xi32, #tpu.memory_space<hbm>> -> memref<400xi32, #tpu.memory_space<hbm>>
    tpu.wait_dma2 semaphore(%arg20 : memref<!tpu.dma_semaphore, #tpu.memory_space<semaphore_mem>>) src(%dma_wait3A_237 : memref<400xi32, #tpu.memory_space<hbm>>) dst(%arg16 : memref<400xi32, #tpu.memory_space<vmem>>)
    %dma_start3A_238 = arith.constant 0 : i32
    %dma_start3A_239 = arith.constant 0 : i32
    %dma_start3A_240 = tpu.memref_slice %arg19[%dma_start3A_238, %dma_start3A_239] : memref<10000x32xf32, #tpu.memory_space<vmem_shared>> -> memref<10000x32xf32, #tpu.memory_space<vmem_shared>>
    tpu.enqueue_indirect_dma source(%arg12 : memref<400x32xf32, #tpu.memory_space<vmem>>) target(%dma_start3A_240 : memref<10000x32xf32, #tpu.memory_space<vmem_shared>>) offsets(%arg16 : memref<400xi32, #tpu.memory_space<vmem>>) semaphore(%arg22 : memref<!tpu.dma_semaphore, #tpu.memory_space<semaphore_mem>>) {add = true}
    %dma_wait3A_241 = arith.constant 0 : i32
    %dma_wait3A_242 = arith.constant 0 : i32
    %dma_wait3A_243 = tpu.memref_slice %arg19[%dma_wait3A_241, %dma_wait3A_242] : memref<10000x32xf32, #tpu.memory_space<vmem_shared>> -> memref<10000x32xf32, #tpu.memory_space<vmem_shared>>
    tpu.wait_indirect_dma semaphore(%arg22 : memref<!tpu.dma_semaphore, #tpu.memory_space<semaphore_mem>>) src(%arg12 : memref<400x32xf32, #tpu.memory_space<vmem>>) dst(%dma_wait3A_243 : memref<10000x32xf32, #tpu.memory_space<vmem_shared>>)
    %dma_wait3A_244 = arith.constant 0 : i32
    %dma_wait3A_245 = arith.constant 0 : i32
    %dma_wait3A_246 = tpu.memref_slice %arg19[%dma_wait3A_244, %dma_wait3A_245] : memref<10000x32xf32, #tpu.memory_space<vmem_shared>> -> memref<10000x32xf32, #tpu.memory_space<vmem_shared>>
    tpu.wait_indirect_dma semaphore(%arg23 : memref<!tpu.dma_semaphore, #tpu.memory_space<semaphore_mem>>) src(%arg12 : memref<400x32xf32, #tpu.memory_space<vmem>>) dst(%dma_wait3A_246 : memref<10000x32xf32, #tpu.memory_space<vmem_shared>>)
    %barrier3A_247 = arith.constant 0 : index
    tpu.barrier barrier_id(%barrier3A_247)
    "tpu.region"() ({
      %run_scoped3A = tpu.sem_alloc : memref<!tpu.dma_semaphore, #tpu.memory_space<semaphore_mem>>
      %dma_start3A_248 = arith.constant 0 : i32
      %dma_start3A_249 = tpu.memref_slice %arg10[%arg0, %mul3A_3, %dma_start3A_248] : memref<2x10000x32xf32, #tpu.memory_space<hbm>> -> memref<1x625x32xf32, #tpu.memory_space<hbm>>
      %dma_start3A_250 = tpu.memref_squeeze %dma_start3A_249 : memref<1x625x32xf32, #tpu.memory_space<hbm>> -> memref<625x32xf32, #tpu.memory_space<hbm>>
      %dma_start3A_251 = arith.constant 0 : i32
      %dma_start3A_252 = tpu.memref_slice %arg19[%mul3A_3, %dma_start3A_251] : memref<10000x32xf32, #tpu.memory_space<vmem_shared>> -> memref<625x32xf32, #tpu.memory_space<vmem_shared>>
      tpu.enqueue_dma source(%dma_start3A_252 : memref<625x32xf32, #tpu.memory_space<vmem_shared>>) target(%dma_start3A_250 : memref<625x32xf32, #tpu.memory_space<hbm>>) target_semaphore(%run_scoped3A : memref<!tpu.dma_semaphore, #tpu.memory_space<semaphore_mem>>)
      %dma_wait3A_253 = arith.constant 0 : i32
      %dma_wait3A_254 = tpu.memref_slice %arg10[%arg0, %mul3A_3, %dma_wait3A_253] : memref<2x10000x32xf32, #tpu.memory_space<hbm>> -> memref<1x625x32xf32, #tpu.memory_space<hbm>>
      %dma_wait3A_255 = tpu.memref_squeeze %dma_wait3A_254 : memref<1x625x32xf32, #tpu.memory_space<hbm>> -> memref<625x32xf32, #tpu.memory_space<hbm>>
      %dma_wait3A_256 = arith.constant 0 : i32
      %dma_wait3A_257 = tpu.memref_slice %arg19[%mul3A_3, %dma_wait3A_256] : memref<10000x32xf32, #tpu.memory_space<vmem_shared>> -> memref<625x32xf32, #tpu.memory_space<vmem_shared>>
      tpu.wait_dma2 semaphore(%run_scoped3A : memref<!tpu.dma_semaphore, #tpu.memory_space<semaphore_mem>>) src(%dma_wait3A_257 : memref<625x32xf32, #tpu.memory_space<vmem_shared>>) dst(%dma_wait3A_255 : memref<625x32xf32, #tpu.memory_space<hbm>>)
      tpu.yield
    }) : () -> ()
    return
  }
}

module attributes {stable_mosaic.version = 14 : i64} {
  func.func @_zmax_body(%arg0: i32, %arg1: memref<1000x128xf32, #tpu.memory_space<vmem>>, %arg2: memref<1000x1xf32, #tpu.memory_space<vmem>>) attributes {dimension_semantics = [#tpu.dimension_semantics<arbitrary>], iteration_bounds = array<i64: 10>, scalar_prefetch = 0 : i64, scratch_operands = 0 : i64, tpu.core_type = #tpu.core_type<tc>, window_params = [{transform_indices = @transform_0, window_bounds = array<i64: 1000, 128>}, {transform_indices = @transform_1, window_bounds = array<i64: 1000, 1>}]} {
    %get3A = arith.constant 0 : index
    %get3A_0 = arith.constant 0 : index
    %get3A_1 = vector.load %arg1[%get3A, %get3A_0] : memref<1000x128xf32, #tpu.memory_space<vmem>>, vector<1000x128xf32>
    %reduce_max3A = arith.constant dense<0xFF800000> : vector<1000xf32>
    %reduce_max3A_2 = vector.multi_reduction <maximumf>, %get3A_1, %reduce_max3A [1] : vector<1000x128xf32> to vector<1000xf32>
    %broadcast_in_dim3A = vector.shape_cast %reduce_max3A_2 : vector<1000xf32> to vector<1000x1xf32>
    %swap3A = arith.constant 0 : index
    %swap3A_3 = arith.constant 0 : index
    %swap3A_4 = vector.load %arg2[%swap3A, %swap3A_3] : memref<1000x1xf32, #tpu.memory_space<vmem>>, vector<1000x1xf32>
    tpu.vector_store %arg2[%swap3A, %swap3A_3], %broadcast_in_dim3A {strides = array<i32>} : memref<1000x1xf32, #tpu.memory_space<vmem>>, vector<1000x1xf32>,
    return
  }
  func.func @transform_0(%arg0: i32) -> (i32, i32) {
    %c0_i32 = arith.constant 0 : i32
    %c0_i32_0 = arith.constant 0 : i32
    return %arg0, %c0_i32 : i32, i32
  }
  func.func @transform_1(%arg0: i32) -> (i32, i32) {
    %c0_i32 = arith.constant 0 : i32
    %c0_i32_0 = arith.constant 0 : i32
    return %arg0, %c0_i32 : i32, i32
  }
}

module attributes {stable_mosaic.version = 14 : i64} {
  func.func @_final_body(%arg0: i32, %arg1: memref<1000x128xf32, #tpu.memory_space<vmem>>, %arg2: memref<1000x128xf32, #tpu.memory_space<vmem>>, %arg3: memref<1000x128xf32, #tpu.memory_space<vmem>>, %arg4: memref<1000x128xf32, #tpu.memory_space<vmem>>, %arg5: memref<1x1000x32xf32, #tpu.memory_space<vmem>>, %arg6: memref<1x1000x32xf32, #tpu.memory_space<vmem>>, %arg7: memref<1000x128xf32, #tpu.memory_space<vmem>>) attributes {dimension_semantics = [#tpu.dimension_semantics<arbitrary>], iteration_bounds = array<i64: 10>, scalar_prefetch = 0 : i64, scratch_operands = 0 : i64, tpu.core_type = #tpu.core_type<tc>, window_params = [{transform_indices = @transform_0, window_bounds = array<i64: 1000, 128>}, {transform_indices = @transform_1, window_bounds = array<i64: 1000, 128>}, {transform_indices = @transform_2, window_bounds = array<i64: 1000, 128>}, {transform_indices = @transform_3, window_bounds = array<i64: 1000, 128>}, {transform_indices = @transform_4, window_bounds = array<i64: 1, 1000, 32>}, {transform_indices = @transform_5, window_bounds = array<i64: 1, 1000, 32>}, {transform_indices = @transform_6, window_bounds = array<i64: 1000, 128>}]} {
    %get3A = arith.constant 0 : index
    %get3A_0 = arith.constant 0 : index
    %get3A_1 = vector.load %arg1[%get3A, %get3A_0] : memref<1000x128xf32, #tpu.memory_space<vmem>>, vector<1000x128xf32>
    %get3A_2 = arith.constant 0 : index
    %get3A_3 = arith.constant 0 : index
    %get3A_4 = vector.load %arg2[%get3A_2, %get3A_3] : memref<1000x128xf32, #tpu.memory_space<vmem>>, vector<1000x128xf32>
    %get3A_5 = arith.constant 0 : index
    %get3A_6 = arith.constant 0 : index
    %get3A_7 = vector.load %arg3[%get3A_5, %get3A_6] : memref<1000x128xf32, #tpu.memory_space<vmem>>, vector<1000x128xf32>
    %add3A = arith.addf %get3A_4, %get3A_7 : vector<1000x128xf32>
    %mul3A = arith.constant 2.000000e-01 : f32
    %mul3A_8 = vector.broadcast %mul3A : f32 to vector<1000x128xf32>
    %mul3A_9 = arith.mulf %mul3A_8, %get3A_1 : vector<1000x128xf32>
    %mul3A_10 = arith.constant 8.000000e-01 : f32
    %mul3A_11 = vector.broadcast %mul3A_10 : f32 to vector<1000x128xf32>
    %mul3A_12 = arith.mulf %mul3A_11, %add3A : vector<1000x128xf32>
    %get3A_13 = arith.constant 0 : index
    %get3A_14 = arith.constant 0 : index
    %get3A_15 = vector.load %arg4[%get3A_13, %get3A_14] : memref<1000x128xf32, #tpu.memory_space<vmem>>, vector<1000x128xf32>
    %add3A_16 = arith.constant 9.99999997E-7 : f32
    %add3A_17 = vector.broadcast %add3A_16 : f32 to vector<1000x128xf32>
    %add3A_18 = arith.addf %get3A_15, %add3A_17 : vector<1000x128xf32>
    %div3A = arith.divf %mul3A_12, %add3A_18 : vector<1000x128xf32>
    %add3A_19 = arith.addf %mul3A_9, %div3A : vector<1000x128xf32>
    %get3A_20 = arith.constant 0 : index
    %get3A_21 = arith.constant 0 : index
    %get3A_22 = arith.constant 0 : index
    %get3A_23 = vector.load %arg5[%get3A_20, %get3A_21, %get3A_22] : memref<1x1000x32xf32, #tpu.memory_space<vmem>>, vector<1x1000x1xf32>
    %get3A_24 = vector.shape_cast %get3A_23 : vector<1x1000x1xf32> to vector<1000x1xf32>
    %get3A_25 = arith.constant 0 : index
    %get3A_26 = arith.constant 0 : index
    %get3A_27 = arith.constant 0 : index
    %get3A_28 = vector.load %arg6[%get3A_25, %get3A_26, %get3A_27] : memref<1x1000x32xf32, #tpu.memory_space<vmem>>, vector<1x1000x1xf32>
    %get3A_29 = vector.shape_cast %get3A_28 : vector<1x1000x1xf32> to vector<1000x1xf32>
    %add3A_30 = arith.addf %get3A_24, %get3A_29 : vector<1000x1xf32>
    %gt3A = arith.constant 0.000000e+00 : f32
    %gt3A_31 = vector.broadcast %gt3A : f32 to vector<1000x1xf32>
    %gt3A_32 = arith.cmpf ogt, %add3A_30, %gt3A_31 : vector<1000x1xf32>
    %broadcast_in_dim3A = vector.shape_cast %gt3A_32 : vector<1000x1xi1> to vector<1000x1xi1>
    %broadcast_in_dim3A_33 = vector.broadcast %broadcast_in_dim3A : vector<1000x1xi1> to vector<1000x128xi1>
    %select_n3A = arith.select %broadcast_in_dim3A_33, %add3A_19, %get3A_1 : vector<1000x128xi1>, vector<1000x128xf32>
    %swap3A = arith.constant 0 : index
    %swap3A_34 = arith.constant 0 : index
    %swap3A_35 = vector.load %arg7[%swap3A, %swap3A_34] : memref<1000x128xf32, #tpu.memory_space<vmem>>, vector<1000x128xf32>
    tpu.vector_store %arg7[%swap3A, %swap3A_34], %select_n3A {strides = array<i32>} : memref<1000x128xf32, #tpu.memory_space<vmem>>, vector<1000x128xf32>,
    return
  }
  func.func @transform_0(%arg0: i32) -> (i32, i32) {
    %c0_i32 = arith.constant 0 : i32
    %c0_i32_0 = arith.constant 0 : i32
    return %arg0, %c0_i32 : i32, i32
  }
  func.func @transform_1(%arg0: i32) -> (i32, i32) {
    %c0_i32 = arith.constant 0 : i32
    %c0_i32_0 = arith.constant 0 : i32
    return %arg0, %c0_i32 : i32, i32
  }
  func.func @transform_2(%arg0: i32) -> (i32, i32) {
    %c0_i32 = arith.constant 0 : i32
    %c0_i32_0 = arith.constant 0 : i32
    return %arg0, %c0_i32 : i32, i32
  }
  func.func @transform_3(%arg0: i32) -> (i32, i32) {
    %c0_i32 = arith.constant 0 : i32
    %c0_i32_0 = arith.constant 0 : i32
    return %arg0, %c0_i32 : i32, i32
  }
  func.func @transform_4(%arg0: i32) -> (i32, i32, i32) {
    %c0_i32 = arith.constant 0 : i32
    %c0_i32_0 = arith.constant 0 : i32
    %c0_i32_1 = arith.constant 0 : i32
    return %c0_i32, %arg0, %c0_i32_0 : i32, i32, i32
  }
  func.func @transform_5(%arg0: i32) -> (i32, i32, i32) {
    %c1_i32 = arith.constant 1 : i32
    %c0_i32 = arith.constant 0 : i32
    %c0_i32_0 = arith.constant 0 : i32
    return %c1_i32, %arg0, %c0_i32 : i32, i32, i32
  }
  func.func @transform_6(%arg0: i32) -> (i32, i32) {
    %c0_i32 = arith.constant 0 : i32
    %c0_i32_0 = arith.constant 0 : i32
    return %arg0, %c0_i32 : i32, i32
  }
}

</mosaic_0001>

<sc_bundles>
// kernel: kernel.5.cloned.1.call-start
scs
__scs_entry_jumppad:
0x0: {  	(pc) =	sbr.rel $0x88, $3  }
0x1: {  	(tag) =	ssettag $0x0;
	lr =	simm.s32 $0x1  }
0x2: {  	[smem:$0x3F9E] =	sst lr;
	_ =	strace $0xD0000000  }
0x3: {  	_ = 	snop  }
0x4: {  	_ = 	snop  }
0x5: {  	_ = 	snop  }
0x6: {  	_ = 	snop  }
0x7: {  	_ = 	snop  }
__scs_overlays_trampoline_lowered:
0x8: {  	[smem:$0x3FAD] =	sst s0  }
0x9: {  	[smem:$0x3FAE] =	sst s1  }
0xa: {  	[smem:$0x3FAF] =	sst s2  }
0xb: {  	[smem:$0x3FB0] =	sst s3  }
0xc: {  	[smem:$0x3FB1] =	sst s4  }
0xd: {  	[smem:$0x3FB2] =	sst s5  }
0xe: {  	[smem:$0x3FB3] =	sst s6  }
0xf: {  	[smem:$0x3FB4] =	sst s7  }
0x10: {  	[smem:$0x3FB5] =	sst s8  }
0x11: {  	[smem:$0x3FB6] =	sst s9;
	s0 =	simm.s32 @!p0 $0x0  }
0x12: {  	s1 =	sld [smem:$0x3F9C];
	s0 =	simm.s32 @p0 $0x1  }
0x13: {  	[smem:$0x3FB7] =	sst s0;
	s0 =	simm.s32 @!p1 $0x0  }
0x14: {  	s2 =	sld [smem:$0x3F9B];
	s0 =	simm.s32 @p1 $0x1  }
0x15: {  	[smem:$0x3FB8] =	sst s0;
	s0 =	simm.s32 @!p2 $0x0  }
0x16: {  	s3 =	sld [smem:$0x3FDB];
	s0 =	simm.s32 @p2 $0x1  }
0x17: {  	s4 =	simm.s32 $0x1BF5;
	[smem:$0x3FBA] =	sst s0  }
0x18: {  	s0 =	sld [smem:$0x3F9D];
	_ =	swait.ge [sflag:s4], $0x0  }
0x19: {  	s7 =	sld [smem:$0x3F9E]  }
0x1a: {  	s8 =	sadd.s32 $0xFFFFE003, lr  }
0x1b: {  	s9 =	sadd.s32 $0xFFFFFEF7, lr;
	s5 =	simm.s32 $0xFFFFFFFF;
	p2 =	slt.u32 s8, $0xFFFFF086  }
0x1c: {  	p1 =	slt.u32 s9, $0xF7A;
	s5 =	simm.s32 @!p2 $0x0  }
0x1d: {  	s5 =	simm.s32 @p1 $0x1;
	p0 =	seq.s32 s7, s2  }
0x1e: {  	s7 =	smul.u32 @!p0 $0xF7A, s2;
	p2 =	seq.s32 @!p0 s5, $0x0  }
0x1f: {  	s9 =	smul.u32 $0xF7A, s1;
	s8 =	simm.s32 @!p0 $0x1BF5;
	p2 =	por !p2, p0  }
0x20: {  	[sflag:s8] =	ssyncset.s32 @!p0 $0xFFFFF086;
	s6 =	sadd.s32 @!p0 s3, s7;
	s7 =	simm.s32 @!p0 $0x108  }
0x21: {  	s3 =	sadd.s32 s3, s9;
	s6 =	sadd.s32 @!p0 $0x88, s6;
	s7 =	simm.s32 @p2 $0x1082  }
0x22: {  	[simem:s7], [sflag:s8] =	dma.local @!p0 [hbm:s6], $0xF7A  }
0x23: {  	s9 =	sor.u32 $0xD0000000, s2;
	s6 =	simm.s32 $0x108;
	_ =	swait.ge @!p0 [sflag:s8], $0x0  }
0x24: {  	s3 =	sadd.s32 $0x88, s3;
	s6 =	simm.s32 @!p1 $0x1082;
	[sflag:s4] =	ssyncset.s32 $0xFFFFF086  }
0x25: {  	[simem:s6], [sflag:s4] =	dma.local [hbm:s3], $0xF7A  }
0x26: {  	[smem:$0x3F9E] =	sst s1;
	(tag) =	ssettag s2;
	_ =	strace s9  }
0x27: {  	s1 =	sld [smem:$0x3FAE]  }
0x28: {  	s2 =	sld [smem:$0x3FAF]  }
0x29: {  	s4 =	sld [smem:$0x3FB1]  }
0x2a: {  	p0 =	seq.s32 s5, $0x0;
	s5 =	sld [smem:$0x3FB2]  }
0x2b: {  	s6 =	sld [smem:$0x3FB3]  }
0x2c: {  	s7 =	sld [smem:$0x3FB4]  }
0x2d: {  	s3 =	simm.s32 $0x108;
	s8 =	sld [smem:$0x3FB5]  }
0x2e: {  	s3 =	simm.s32 @!p0 $0x1082;
	s9 =	sld [smem:$0x3FB6]  }
0x2f: {  	lr =	sadd.s32 s0, s3;
	s0 =	sld [smem:$0x3FAD]  }
0x30: {  	s3 =	sld [smem:$0x3FB0]  }
0x31: {  	[smem:$0x3FB9] =	sst s10  }
0x32: {  	s10 =	sld [smem:$0x3FB7];
	_ =	sdelay $0x3  }
0x33: {  	p0 =	seq.s32 s10, $0x1;
	s10 =	sld [smem:$0x3FB9];
	_ =	sdelay $0x3  }
0x34: {  	[smem:$0x3FB9] =	sst s10  }
0x35: {  	s10 =	sld [smem:$0x3FB8];
	_ =	sdelay $0x3  }
0x36: {  	p1 =	seq.s32 s10, $0x1;
	s10 =	sld [smem:$0x3FB9];
	_ =	sdelay $0x3  }
0x37: {  	[smem:$0x3FB9] =	sst s10  }
0x38: {  	s10 =	sld [smem:$0x3FBA]  }
0x39: {  	_ = 	snop;
	(pc) =	sbr.ind lr, $3  }
0x3a: {  	_ = 	snop  }
0x3b: {  	_ = 	snop  }
0x3c: {  	p2 =	seq.s32 s10, $0x1;
	s10 =	sld [smem:$0x3FB9]  }
0x3d: {  	_ =	shalt  }
0x3e: {  	_ =	shalt  }
0x3f: {  	_ =	shalt  }
0x40: {  	_ =	shalt  }
0x41: {  	_ =	shalt  }
0x42: {  	_ =	shalt  }
0x43: {  	_ =	shalt  }
0x44: {  	_ =	shalt  }
0x45: {  	_ =	shalt  }
0x46: {  	_ =	shalt  }
0x47: {  	_ =	shalt  }
0x48: {  	_ =	shalt  }
0x49: {  	_ =	shalt  }
0x4a: {  	_ =	shalt  }
0x4b: {  	_ =	shalt  }
0x4c: {  	_ =	shalt  }
0x4d: {  	_ =	shalt  }
0x4e: {  	_ =	shalt  }
0x4f: {  	_ =	shalt  }
0x50: {  	_ =	shalt  }
0x51: {  	_ =	shalt  }
0x52: {  	_ =	shalt  }
0x53: {  	_ =	shalt  }
0x54: {  	_ =	shalt  }
0x55: {  	_ =	shalt  }
0x56: {  	_ =	shalt  }
0x57: {  	_ =	shalt  }
0x58: {  	_ =	shalt  }
0x59: {  	_ =	shalt  }
0x5a: {  	_ =	shalt  }
0x5b: {  	_ =	shalt  }
0x5c: {  	_ =	shalt  }
0x5d: {  	_ =	shalt  }
0x5e: {  	_ =	shalt  }
0x5f: {  	_ =	shalt  }
0x60: {  	_ =	shalt  }
0x61: {  	_ =	shalt  }
0x62: {  	_ =	shalt  }
0x63: {  	_ =	shalt  }
0x64: {  	_ =	shalt  }
0x65: {  	_ =	shalt  }
0x66: {  	_ =	shalt  }
0x67: {  	_ =	shalt  }
0x68: {  	_ =	shalt  }
0x69: {  	_ =	shalt  }
0x6a: {  	_ =	shalt  }
0x6b: {  	_ =	shalt  }
0x6c: {  	_ =	shalt  }
0x6d: {  	_ =	shalt  }
0x6e: {  	_ =	shalt  }
0x6f: {  	_ =	shalt  }
0x70: {  	_ =	shalt  }
0x71: {  	_ =	shalt  }
0x72: {  	_ =	shalt  }
0x73: {  	_ =	shalt  }
0x74: {  	_ =	shalt  }
0x75: {  	_ =	shalt  }
0x76: {  	_ =	shalt  }
0x77: {  	_ =	shalt  }
0x78: {  	_ =	shalt  }
0x79: {  	_ =	shalt  }
0x7a: {  	_ =	shalt  }
0x7b: {  	_ =	shalt  }
0x7c: {  	_ =	shalt  }
0x7d: {  	_ =	shalt  }
0x7e: {  	_ =	shalt  }
0x7f: {  	_ =	shalt  }
0x80: {  	_ =	shalt  }
0x81: {  	_ =	shalt  }
0x82: {  	_ =	shalt  }
0x83: {  	_ =	shalt  }
0x84: {  	_ =	shalt  }
0x85: {  	_ =	shalt  }
0x86: {  	_ =	shalt  }
0x87: {  	_ =	shalt  }
.Lfunc_end0:
.L_simem_size_0:
called_computation_lowered:
.L_overlay_start_0:
0x88: {  	s2 =	sld [smem:$0x3FD9]  }
0x89: {  	s3 =	sld [smem:$0x3FFE];
	_ =	sdelay $0x1  }
0x8a: {  	s1 =	srdreg.scid  }
0x8b: {  	s0 =	sand.u32 $0x1, s1  }
0x8c: {  	s17 =	sshll.u32 s0, $0xA;
	s2 =	sadd.s32 s3, s2  }
0x8d: {  	s2 =	sadd.s32 s2, s17  }
0x8e: {  	[smem:$0x3FC5] =	sst s2  }
0x8f: {  	_ = 	snop  }
0x90: {  	s2 =	sld [smem:$0x3FC7]  }
0x91: {  	s18 =	sld [smem:$0x3FD0];
	(tm) =	ssettm $0x1  }
0x92: {  	s4 =	sld [smem:$0x3FFB];
	_ =	sdelay $0x3  }
0x93: {  	_ =	strace s4  }
0x94: {  	s4 =	sld [smem:$0x3FFC];
	_ =	sdelay $0x3  }
0x95: {  	_ =	strace s4  }
0x96: {  	s4 =	sld [smem:$0x3FFD];
	_ =	sdelay $0x3  }
0x97: {  	_ =	strace s4  }
0x98: {  	_ =	strace $0x8FFFFFFF  }
0x99: {  	s19 =	sld [smem:$0x3FDB];
	_ =	sdelay $0x1  }
0x9a: {  	s5 =	simm.s32 $_scs_section_size  }
0x9b: {  	s6 =	simm.s32 $_size__tile_overlayer_lowered;
	s7 =	simm.s32 $_tile_overlayer_lowered  }
0x9c: {  	s22 =	simm.s32 $0x1BFF;
	s21 =	sshll.u32 s7, $0x1;
	s4 =	sadd.s32 s5, s19  }
0x9d: {  	s8 =	simm.s32 $0x0;
	s20 =	sshll.u32 s6, $0x1;
	s6 =	sadd.s32 s21, s4  }
0x9e: {  	[timem:s8], [sflag:s22] =	dma.local [hbm:s6], s20  }
0x9f: {  	_ =	swait.ge [sflag:s22], s20  }
0xa0: {  	s5 =	ssub.s32 $0x0, s20;
	[sflag:s22] =	ssyncset.done $0x0  }
0xa1: {  	[sflag:s22] =	ssyncadd.s32 s5;
	_ =	sdelay $0x1  }
0xa2: {  	s23 =	simm.s32 $0x1B8B  }
0xa3: {  	_ =	swait.ge [sflag:s23], $0x1  }
0xa4: {  	[sflag:s23] =	ssyncset.done $0x0  }
0xa5: {  	s25 =	simm.s32 $0x1B8E;
	s24 =	sld [smem:$0x3FFE];
	[sflag:s23] =	ssyncadd.s32 $0xFFFFFFFF  }
0xa6: {  	s26 =	simm.s32 $execute0_lowered;
	[smem:$0x3FD2] =	sst s25  }
0xa7: {  	s6 =	sshll.u32 s26, $0x1;
	_ =	strace $0x80000046;
	[dreg:$0x1] =	wrdreg $0xFFFFFFFF  }
0xa8: {  	s28 =	simm.s32 $_size_execute0_lowered;
	s4 =	sadd.s32 s4, s6;
	[dreg:$0x0] =	wrdreg $0x0  }
0xa9: {  	s6 =	sshll.u32 s28, $0x1;
	[dreg:$0x2] =	wrdreg s4  }
0xaa: {  	[dreg:$0x3] =	wrdreg s6  }
0xab: {  	[dreg:$0x4] =	wrdreg $0xC0  }
0xac: {  	_ =	task [dreg:s8], $0x5FFFF  }
0xad: {  	[dreg:$0x1] =	wrdreg $0xFFFFFFFF  }
0xae: {  	[dreg:$0x0] =	wrdreg $0x60  }
0xaf: {  	[dreg:$0x2] =	wrdreg s2  }
0xb0: {  	[dreg:$0x3] =	wrdreg s24  }
0xb1: {  	[dreg:$0x4] =	wrdreg s18  }
0xb2: {  	[dreg:$0x5] =	wrdreg $0x1A4500  }
0xb3: {  	[dreg:$0x6] =	wrdreg $0x9  }
0xb4: {  	_ =	task.clear_ibuf [dreg:s8], $0x7FFFF;
	_ =	strace $0x90000046  }
0xb5: {  	s29 =	simm.s32 $0x9;
	_ =	strace $0x80000048  }
0xb6: {  	_ =	swait.ge [sflag:s29], $0x1  }
0xb7: {  	[sflag:s29] =	ssyncadd.s32 $0xFFFFFFFF  }
0xb8: {  	_ =	strace $0x90000048  }
0xb9: {  	_ =	sfence  }
0xba: {  	s30 =	sld [smem:$0x0];
	_ =	sdelay $0x2  }
0xbb: {  	s31 =	sshll.u32 s1, $0xD;
	s1 =	sshrl.u32 s1, $0x2  }
0xbc: {  	s3 =	sand.u32 $0x4000, s31;
	s1 =	sadd.s32 s1, s30  }
0xbd: {  	s0 =	sor.u32 s3, s0;
	s1 =	sshll.u32 s1, $0x11  }
0xbe: {  	s0 =	sor.u32 s1, s0  }
0xbf: {  	s0 =	sadd.s32 $0x8F2B, s0  }
0xc0: {  	[sflag:s0] =	ssyncadd.remote.s32 $0x1  }
0xc1: {  	_ =	sfence.sel $0xFFFF  }
0xc2: {  	[dreg:$0x0] =	wrdreg $0xFFFFFFFF;
	(pc) =	sbr.abs _section_cstart, $3  }
0xc3: {  	[dreg:$0x1] =	wrdreg $0xFFFFFFFF  }
0xc4: {  	_ =	task.clear_ibuf [dreg:s8], $0x2FFFF;
	_ =	strace $0x9FFFFFFF  }
0xc5: {  	(tm) =	ssettm $0x7FFFFFFF  }
tec
execute0_lowered:
.L_overlay_start_1:
0x0: {  	(tag) =	ssettag $0x1  }
0x1: {  	s1 =	rddreg [dreg:$0x0]  }
0x2: {  	s0 =	rddreg [dreg:$0x1]  }
0x3: {  	s2 =	rddreg [dreg:$0x2]  }
0x4: {  	s3 =	rddreg [dreg:$0x3]  }
0x5: {  	s5 =	srdreg.scid;
	s19 =	stileid.u32  }
0x6: {  	s4 =	simm.s32 $0x0;
	s28 =	simm.s32 $0x100;
	s7 =	sand.u32 $0x1, s5  }
0x7: {  	s8 =	smul.u32 $0x4E20, s19;
	[smem:$0x7FF] =	sst s4;
	s5 =	sadd.s32 $0xA800, s0  }
0x8: {  	s6 =	sadd.s32 $0xA00, s0;
	s10 =	sadd.s32 $0x14600, s0;
	s14 =	smul.u32 $0x13880, s19  }
0x9: {  	s25 =	sadd.s32 $0x16E00, s0;
	s31 =	sadd.s32 $0x2B200, s0;
	s26 =	smul.u32 $0x2710, s19  }
0xa: {  	s11 =	sadd.s32 $0x52400, s0;
	s16 =	sshll.u32 s19, $0x6;
	s9 =	smul.u32 $0x4E200, s7  }
0xb: {  	_ =	strace $0x80000047;
	[dreg:$0x5] =	wrdreg s10;
	s13 =	sshll.u32 s7, $0x5  }
0xc: {  	s18 =	ssub.s32 $0x2, s7;
	[dreg:$0x6] =	wrdreg s25;
	s17 =	sor.u32 $0x40, s13  }
0xd: {  	s21 =	sor.u32 s13, s14;
	s9 =	sadd.s32 s8, s9;
	s14 =	sor.u32 s14, s17  }
0xe: {  	s20 =	sshrl.u32 s18, $0x1;
	s9 =	sshrl.u32 s9, $0x3;
	s14 =	sshrl.u32 s14, $0x3  }
0xf: {  	s12 =	sadd.s32 s9, s0;
	s0 =	sshrl.u32 s21, $0x3;
	s24 =	sadd.s32 s31, s14  }
0x10: {  	s15 =	ssub.s32 s18, s20;
	s20 =	sadd.s32 s2, s0;
	[dreg:$0xa] =	wrdreg s24  }
0x11: {  	s22 =	smul.u32 $0x27100, s7;
	s2 =	sadd.s32 s2, s14;
	[dreg:$0x7] =	wrdreg s20  }
0x12: {  	s18 =	smul.u32 $0x4E2000, s19;
	s23 =	sadd.s32 s31, s0;
	[dreg:$0x8] =	wrdreg s2  }
0x13: {  	s9 =	sor.u32 $0x80, s13;
	s0 =	sadd.s32 s11, s0;
	[dreg:$0x9] =	wrdreg s23  }
0x14: {  	s21 =	sor.u32 $0xC0, s13;
	s31 =	sadd.s32 s11, s14;
	[dreg:$0xb] =	wrdreg s0  }
0x15: {  	s10 =	sor.u32 s18, s9;
	s14 =	sshrl.u32 s8, $0x3;
	[dreg:$0xc] =	wrdreg s31  }
0x16: {  	s11 =	sshrl.u32 s10, $0x3;
	s0 =	sadd.s32 s26, s22;
	s2 =	sadd.s32 s5, s14  }
0x17: {  	s26 =	sor.u32 $0x1C05, s16;
	s16 =	sadd.s32 s8, s3;
	[dreg:$0x10] =	wrdreg s2  }
0x18: {  	s30 =	sadd.s32 s6, s14;
	s22 =	sadd.s32 $0x190, s8;
	[dreg:$0x11] =	wrdreg s16  }
0x19: {  	s20 =	sor.u32 s18, s21;
	s31 =	sor.u32 s18, s17;
	[dreg:$0xd] =	wrdreg s26  }
0x1a: {  	s29 =	sadd.s32 s1, s11;
	s16 =	sadd.s32 $0x17800, s12;
	[dreg:$0xf] =	wrdreg s30  }
0x1b: {  	s2 =	sor.u32 s13, s18;
	s18 =	smax.u32 s15, $0x1;
	[dreg:$0x16] =	wrdreg s16  }
0x1c: {  	s24 =	sshrl.u32 s20, $0x3;
	s10 =	sshrl.u32 s31, $0x3;
	[dreg:$0x17] =	wrdreg s18  }
0x1d: {  	s14 =	sshrl.u32 s0, $0x3;
	s7 =	sadd.s32 s1, s24;
	[dreg:$0xe] =	wrdreg s29  }
0x1e: {  	s31 =	sshrl.u32 s22, $0x3;
	s14 =	sadd.s32 s6, s14;
	[dreg:$0x12] =	wrdreg s7  }
0x1f: {  	s11 =	sshrl.u32 s2, $0x3;
	s31 =	sadd.s32 s6, s31;
	[dreg:$0x15] =	wrdreg s14  }
0x20: {  	s23 =	sadd.s32 $0x320, s8;
	s8 =	sadd.s32 s1, s11;
	[dreg:$0x19] =	wrdreg s31  }
0x21: {  	s12 =	sshrl.u32 s23, $0x3;
	s7 =	sadd.s32 s1, s10;
	[dreg:$0x13] =	wrdreg s8  }
0x22: {  	s10 =	sshll.u32 s23, $0x8;
	[dreg:$0x14] =	wrdreg s7;
	s7 =	sshll.u32 s22, $0x8  }
0x23: {  	s24 =	sor.u32 s13, s10;
	s16 =	sor.u32 s17, s10;
	s20 =	sor.u32 s13, s7  }
0x24: {  	s11 =	sshrl.u32 s24, $0x3;
	s13 =	sor.u32 s17, s7;
	s17 =	sshrl.u32 s16, $0x3  }
0x25: {  	s18 =	sor.u32 s9, s7;
	s24 =	sor.u32 s9, s10;
	s7 =	sor.u32 s21, s7  }
0x26: {  	s16 =	sadd.s32 $0x64000, s2;
	s8 =	sshrl.u32 s20, $0x3;
	s15 =	sshrl.u32 s13, $0x3  }
0x27: {  	s20 =	sshrl.u32 s18, $0x3;
	s7 =	sshrl.u32 s7, $0x3;
	s8 =	sadd.s32 s1, s8  }
0x28: {  	s13 =	smul.u32 $0x9C4, s19;
	s7 =	sadd.s32 s1, s7;
	[dreg:$0x18] =	wrdreg s8  }
0x29: {  	s19 =	sadd.s32 $0x4B000, s2;
	s8 =	sadd.s32 s1, s11;
	[smem:$0x7F1] =	sst s7  }
0x2a: {  	[dreg:$0x1a] =	wrdreg s8;
	s8 =	sadd.s32 s6, s12;
	s12 =	sshrl.u32 s24, $0x3  }
0x2b: {  	s24 =	sadd.s32 $0x4B040, s2;
	[dreg:$0x1b] =	wrdreg s8;
	s8 =	sadd.s32 s1, s15  }
0x2c: {  	s15 =	sor.u32 s21, s10;
	s10 =	sshrl.u32 s16, $0x3;
	s16 =	sadd.s32 $0x640C0, s2  }
0x2d: {  	[dreg:$0x1c] =	wrdreg s8;
	s8 =	sadd.s32 s1, s17;
	s7 =	sshrl.u32 s15, $0x3  }
0x2e: {  	s18 =	sadd.s32 s10, s1;
	s10 =	sshrl.u32 s24, $0x3;
	[dreg:$0x1d] =	wrdreg s8  }
0x2f: {  	s15 =	sadd.s32 $0x4B080, s2;
	s24 =	sadd.s32 $0x64, s14;
	[smem:$0x7F4] =	sst s18  }
0x30: {  	s8 =	sadd.s32 s1, s20;
	s7 =	sadd.s32 s1, s7;
	[smem:$0x7FD] =	sst s24  }
0x31: {  	s20 =	sadd.s32 $0x64040, s2;
	s24 =	simm.s32 $0x1;
	[dreg:$0x1e] =	wrdreg s8  }
0x32: {  	s8 =	sadd.s32 s1, s12;
	[smem:$0x7F2] =	sst s7;
	s7 =	sshrl.u32 s19, $0x3  }
0x33: {  	s12 =	sadd.s32 s10, s1;
	s10 =	sshrl.u32 s16, $0x3;
	s19 =	sadd.s32 $0x640, s0  }
0x34: {  	s0 =	sadd.s32 $0x4B0, s0;
	s16 =	simm.s32 $0x3;
	[dreg:$0x1f] =	wrdreg s8  }
0x35: {  	s8 =	sadd.s32 s13, s6;
	s7 =	sadd.s32 s7, s1;
	[smem:$0x7F7] =	sst s12  }
0x36: {  	s13 =	sadd.s32 $0x64080, s2;
	s18 =	sadd.s32 s10, s1;
	s2 =	sadd.s32 $0x4B0C0, s2  }
0x37: {  	s0 =	sshrl.u32 s0, $0x3;
	s10 =	simm.s32 $0x5;
	s17 =	sadd.s32 $0xC8, s8  }
0x38: {  	s8 =	sshrl.u32 s20, $0x3;
	[smem:$0x7F5] =	sst s7;
	s7 =	sshrl.u32 s13, $0x3  }
0x39: {  	[smem:$0x7FA] =	sst s18;
	s2 =	sshrl.u32 s2, $0x3;
	s13 =	sadd.s32 s0, s6  }
0x3a: {  	s20 =	sadd.s32 $0x32, s14;
	s0 =	simm.s32 $0x16A80;
	s18 =	simm.s32 $0x190  }
0x3b: {  	s14 =	simm.s32 $0x4;
	[smem:$0x7F3] =	sst s17;
	s11 =	sadd.s32 s8, s1  }
0x3c: {  	s8 =	sshrl.u32 s15, $0x3;
	s7 =	sadd.s32 s7, s1;
	[smem:$0x7FC] =	sst s20  }
0x3d: {  	s2 =	sadd.s32 s2, s1;
	s15 =	simm.s32 $0x20;
	[smem:$0x7F6] =	sst s11  }
0x3e: {  	s20 =	simm.s32 $0x19E10;
	[smem:$0x7F8] =	sst s7;
	s17 =	sadd.s32 s8, s1  }
0x3f: {  	s7 =	sshrl.u32 s19, $0x3;
	[smem:$0x7FB] =	sst s2;
	s19 =	simm.s32 $0x19FA0  }
0x40: {  	s8 =	simm.s32 $0x2;
	s11 =	simm.s32 $0x0;
	[smem:$0x7F9] =	sst s17  }
0x41: {  	v0 =	vimm.f32 $1.000000000e+00;
	s12 =	sadd.s32 s7, s6;
	s17 =	simm.s32 $0x13880;
	s7 =	simm.s32 $0x1A130  }
.LBB2_1:
0x42: {  	s2 =	rddreg [dreg:$0x11]  }
0x43: {  	[smem:$0x7EF] =	sst s11;
	s2 =	sshrl.u32 s2, $0x3  }
0x44: {  	[smem:$0x7F0] =	sst s2  }
0x45: {  	[spmem:s2], [sflag:s26] =	dma.local [hbm:s25], $0x9C4  }
0x46: {  	_ =	swait.ge [sflag:s10], $0x9C4  }
0x47: {  	[sflag:s10] =	ssyncset.done $0x0  }
0x48: {  	s26 =	rddreg [dreg:$0x5];
	[sflag:s10] =	ssyncadd.s32 $0xFFFFF63C  }
0x49: {  	[tilespmem:s4], [sflag:$0x5] =	stream.linear.gather [hbm4b:s26+s4], $0x13880, $0x38;
	[tilespmem:$0x1F270] =	vst v63  }
0x4a: {  	_ =	swait.ge [sflag:s10], $0x13880  }
0x4b: {  	[sflag:s10] =	ssyncset.done $0x0  }
0x4c: {  	[sflag:s10] =	ssyncadd.s32 $0xFFFEC780  }
0x4d: {  	[bflag:$0x0] =	sbarrier.arrive $0xFFFF  }
0x4e: {  	[tilespmem:s17], [sflag:$0x1] =	stream.strided.gather [hbm4b:s29+s15], $0x3200, s28, s15, $0x38;
	[tilespmem:$0x1F270] =	vst v63  }
0x4f: {  	_ = 	snop  }
0x50: {  	[tilespmem:s19], [sflag:$0x1] =	stream.linear.gather [hbm4b:s30+s4], $0x190, $0x38;
	[tilespmem:$0x1F270] =	vst v63  }
0x51: {  	s31 =	simm.s32 $0x19C80;
	s25 =	simm.s32 $0x0;
	s30 =	rddreg [dreg:$0x10]  }
0x52: {  	[tilespmem:s31], [sflag:$0x1] =	stream.linear.gather [hbm4b:s30+s4], $0x190, $0x38;
	[tilespmem:$0x1F270] =	vst v63  }
.LBB2_2:
0x53: {  	_ =	swait.ge [sflag:s24], $0x3200  }
0x54: {  	[sflag:s24] =	ssyncset.done $0x0  }
0x55: {  	[sflag:s24] =	ssyncadd.s32 $0xFFFFCE00  }
0x56: {  	_ =	swait.ge [sflag:s24], $0x190  }
0x57: {  	[sflag:s24] =	ssyncset.done $0x0  }
0x58: {  	s29 =	smul.u32 $0x320, s25;
	[sflag:s24] =	ssyncadd.s32 $0xFFFFFE70  }
0x59: {  	_ =	swait.ge [sflag:s24], $0x190  }
0x5a: {  	p0 =	seq.s32 s25, $0x0;
	s2 =	sadd.s32 s29, s22;
	[sflag:s24] =	ssyncset.done $0x0  }
0x5b: {  	s10 =	simm.s32 @!p0 $0x4;
	s11 =	sshll.u32 s2, $0x8;
	[sflag:s24] =	ssyncadd.s32 $0xFFFFFE70  }
0x5c: {  	s11 =	sor.u32 s9, s11;
	_ =	swait.ge @!p0 [sflag:s10], $0x3200  }
0x5d: {  	s11 =	sshrl.u32 s11, $0x3;
	[sflag:s10] =	ssyncset.done @!p0 $0x0  }
0x5e: {  	s11 =	sadd.s32 s1, s11;
	[sflag:s10] =	ssyncadd.s32 @!p0 $0xFFFFCE00;
	s10 =	sshrl.u32 s2, $0x3  }
0x5f: {  	[tilespmem:s0], [sflag:$0x2] =	stream.strided.gather [hbm4b:s11+s15], $0x3200, s28, s15, $0x38;
	[tilespmem:$0x1F270] =	vst v63  }
0x60: {  	s2 =	simm.s32 $0x0;
	s26 =	sadd.s32 s6, s10  }
0x61: {  	[tilespmem:s7], [sflag:$0x2] =	stream.linear.gather [hbm4b:s26+s2], $0x190, $0x38;
	[tilespmem:$0x1F270] =	vst v63  }
0x62: {  	s10 =	sadd.s32 s5, s10;
	s26 =	simm.s32 $0x0  }
0x63: {  	[tilespmem:s20], [sflag:$0x2] =	stream.linear.gather [hbm4b:s10+s2], $0x190, $0x38;
	[tilespmem:$0x1F270] =	vst v63  }
0x64: {  	v1 =	vld [tilespmem:s26+$0x19C80];
	_ =	sdelay $0x4  }
0x65: {  	v1 =	vshll.u32 v1, $0x3;
	_ =	sdelay $0x1  }
0x66: {  	s10 =	simm.s32 $0x10  }
0x67: {  	v2 =	vld [tilespmem:s10+$0x19C80];
	_ =	sdelay $0x1  }
0x68: {  	v3 =	vld.idx.msk [tilespmem:v1+s2+$0x0], $0xffff;
	_ =	sdelay $0x2  }
0x69: {  	v1 =	vshll.u32 v2, $0x3;
	_ =	sdelay $0x1  }
0x6a: {  	v2 =	vmul.f32 $9.499999880e-01, v3  }
0x6b: {  	s31 =	simm.s32 $0x40;
	s30 =	simm.s32 $0x20;
	s11 =	simm.s32 $0xC0  }
.LBB2_3:
0x6c: {  	p0 =	sne.s32 s11, $0x600;
	v3 =	vld [tilespmem:s30+$0x19C80];
	[tilespmem:s26+$0x1A2C0] =	vst v2;
	s26 =	smov.u32 s10;
	s10 =	smov.u32 s30  }
0x6d: {  	v2 =	vld.idx.msk [tilespmem:v1+s2+$0x0], $0xffff;
	_ =	sdelay $0x2  }
.Ltmp0:
0x6e: {  	(pc) =	sbr.rel @p0 .LBB2_3-.Ltmp0, $3  }
0x6f: {  	v1 =	vshll.u32 v3, $0x3;
	_ =	sdelay $0x1  }
0x70: {  	v2 =	vmul.f32 $9.499999880e-01, v2  }
0x71: {  	s30 =	sshra.s32 s11, $0x2;
	s11 =	sadd.s32 $0x40, s11  }
0x72: {  	_ =	sdelay $0x1  }
0x73: {  	v3 =	vld [tilespmem:s30+$0x19C80]  }
0x74: {  	[tilespmem:s26+$0x1A2C0] =	vst v2  }
0x75: {  	v1 =	vld.idx.msk [tilespmem:v1+s2+$0x0], $0xffff;
	_ =	sdelay $0x2  }
0x76: {  	v2 =	vshll.u32 v3, $0x3;
	_ =	sdelay $0x1  }
0x77: {  	v1 =	vmul.f32 $9.499999880e-01, v1;
	_ =	sdelay $0x1  }
0x78: {  	[tilespmem:s10+$0x1A2C0] =	vst v1  }
0x79: {  	v1 =	vld.idx.msk [tilespmem:v2+s2+$0x0], $0xffff;
	_ =	sdelay $0x4  }
0x7a: {  	v1 =	vmul.f32 $9.499999880e-01, v1;
	_ =	sdelay $0x1  }
0x7b: {  	s10 =	simm.s32 $0x13980;
	[tilespmem:s30+$0x1A2C0] =	vst v1  }
0x7c: {  	v6 =	vld [tilespmem:s10+$0xFFFFFFA0]  }
0x7d: {  	v4 =	vld [tilespmem:s10+$0xFFFFFFF0]  }
0x7e: {  	v1 =	vld [tilespmem:s10+$0xFFFFFF60]  }
0x7f: {  	v7 =	vld [tilespmem:s10+$0xFFFFFFD0]  }
0x80: {  	v8 =	vld [tilespmem:s10+$0x80]  }
0x81: {  	v11 =	vld [tilespmem:s10+$0xFFFFFF10]  }
0x82: {  	v15 =	vld [tilespmem:s10+$0xE0]  }
0x83: {  	v10 =	vld [tilespmem:s10+$0xFFFFFF40]  }
0x84: {  	s30 =	simm.s32 $0x0;
	v2 =	vld [tilespmem:s10+$0xFFFFFF90]  }
0x85: {  	v3 =	vld [tilespmem:s30+$0x1A2C0]  }
0x86: {  	v9 =	vld [tilespmem:s10+$0xFFFFFFC0]  }
0x87: {  	v12 =	vld [tilespmem:s10+$0xFFFFFF00]  }
0x88: {  	v14 =	vld [tilespmem:s10+$0xD0]  }
0x89: {  	v22 =	vld [tilespmem:s10+$0xC0]  }
0x8a: {  	v20 =	vld [tilespmem:s10+$0x90];
	v18 =	vbroadcast v3, $0x0;
	v5 =	vbroadcast v3, $0xF  }
0x8b: {  	v21 =	vld [tilespmem:s10+$0xFFFFFF50];
	v19 =	vbroadcast v3, $0x2;
	v17 =	vbroadcast v3, $0xE  }
0x8c: {  	v16 =	vld [tilespmem:s10+$0xB0];
	v13 =	vbroadcast v3, $0xC;
	v24 =	vmul.f32 v12, v18  }
0x8d: {  	s26 =	simm.s32 $0x13980;
	v12 =	vbroadcast v3, $0xD;
	v23 =	vmul.f32 v10, v19;
	v10 =	vld [tilespmem:s10+$0x60]  }
.LBB2_5:
0x8e: {  	p0 =	sne.s32 s31, $0x600  }
0x8f: {  	[tilespmem:s10+$0xFFFFFF00] =	vst v24;
	v24 =	vld [tilespmem:s10+$0xFFFFFFB0];
	v22 =	vmul.f32 v22, v17;
	v15 =	vmul.f32 v15, v5;
	s26 =	sadd.s32 $0x200, s26;
	s30 =	smov.u32 s31;
	s31 =	sadd.s32 $0x40, s31  }
0x90: {  	[tilespmem:s10+$0xFFFFFF40] =	vst v23;
	v23 =	vbroadcast v3, $0xA;
	v20 =	vmul.f32 v20, v13;
	v25 =	vld [tilespmem:s10+$0xA0]  }
0x91: {  	v11 =	vmul.f32 v11, v18;
	v18 =	vmul.f32 v21, v19;
	v19 =	vld [tilespmem:s10+$0x70];
	[tilespmem:s10+$0xE0] =	vst v15  }
0x92: {  	v15 =	vbroadcast v3, $0x5;
	v21 =	vld [tilespmem:s10+$0xFFFFFFE0];
	v16 =	vmul.f32 v16, v12;
	[tilespmem:s10+$0xC0] =	vst v22  }
0x93: {  	v14 =	vmul.f32 v14, v17;
	[tilespmem:s10+$0xFFFFFF10] =	vst v11;
	v11 =	vbroadcast v3, $0x6;
	v22 =	vld [tilespmem:s10+$0x40]  }
0x94: {  	v26 =	vbroadcast v3, $0xB;
	v6 =	vmul.f32 v6, v15;
	v17 =	vld [tilespmem:s10+$0xFFFFFF20];
	[tilespmem:s10+$0x90] =	vst v20  }
0x95: {  	v20 =	vbroadcast v3, $0x9;
	[tilespmem:s10+$0xFFFFFF50] =	vst v18;
	v18 =	vld [tilespmem:s10+$0x20];
	v12 =	vmul.f32 v25, v12  }
0x96: {  	v15 =	vmul.f32 v24, v15;
	v24 =	vld [tilespmem:s10+$0x50];
	v19 =	vmul.f32 v19, v26;
	[tilespmem:s10+$0xD0] =	vst v14  }
0x97: {  	v8 =	vmul.f32 v8, v13;
	v14 =	vbroadcast v3, $0x7;
	v25 =	vld [tilespmem:s10+$0x30];
	[tilespmem:s10+$0xA0] =	vst v12  }
0x98: {  	v9 =	vmul.f32 v9, v11;
	v12 =	vbroadcast v3, $0x3;
	v13 =	vld [tilespmem:s10+$0x0];
	[tilespmem:s10+$0x70] =	vst v19  }
0x99: {  	v10 =	vmul.f32 v10, v26;
	v7 =	vmul.f32 v7, v11;
	v11 =	vld [tilespmem:s10+$0x10];
	[tilespmem:s10+$0x80] =	vst v8  }
0x9a: {  	v19 =	vbroadcast v3, $0x8;
	v22 =	vmul.f32 v22, v23;
	v8 =	vld [tilespmem:s10+$0xFFFFFF30];
	[tilespmem:s10+$0xB0] =	vst v16  }
0x9b: {  	v16 =	vbroadcast v3, $0x1;
	v26 =	vld [tilespmem:s10+$0xFFFFFF70];
	[tilespmem:s10+$0xFFFFFFD0] =	vst v7;
	v23 =	vmul.f32 v24, v23  }
0x9c: {  	v4 =	vmul.f32 v4, v14;
	v7 =	vmul.f32 v21, v14;
	[tilespmem:s10+$0xFFFFFFC0] =	vst v9;
	v9 =	vld [tilespmem:s10+$0xF0]  }
0x9d: {  	v21 =	vmul.f32 v25, v20;
	v14 =	vld [tilespmem:s10+$0xFFFFFF80];
	[tilespmem:s10+$0xFFFFFFA0] =	vst v6;
	v13 =	vmul.f32 v13, v19  }
0x9e: {  	v6 =	vld [tilespmem:s26+$0xFFFFFFA0];
	[tilespmem:s10+$0xFFFFFFF0] =	vst v4;
	v19 =	vmul.f32 v11, v19;
	v11 =	vmul.f32 v18, v20  }
0x9f: {  	v4 =	vmul.f32 v17, v16;
	v16 =	vmul.f32 v8, v16;
	[tilespmem:s10+$0x60] =	vst v10  }
0xa0: {  	v1 =	vmul.f32 v1, v12;
	v8 =	vmul.f32 v26, v12;
	[tilespmem:s10+$0xFFFFFFB0] =	vst v15  }
0xa1: {  	v3 =	vbroadcast v3, $0x4;
	[tilespmem:s10+$0xFFFFFF20] =	vst v4;
	v4 =	vmul.f32 v9, v5  }
0xa2: {  	[tilespmem:s10+$0xFFFFFF60] =	vst v1  }
0xa3: {  	v5 =	vmul.f32 v14, v3;
	v1 =	vmul.f32 v2, v3;
	[tilespmem:s10+$0x40] =	vst v22  }
0xa4: {  	[tilespmem:s10+$0xFFFFFFE0] =	vst v7  }
0xa5: {  	[tilespmem:s10+$0xF0] =	vst v4  }
0xa6: {  	[tilespmem:s10+$0xFFFFFF90] =	vst v1  }
0xa7: {  	v4 =	vld [tilespmem:s26+$0xFFFFFFF0];
	[tilespmem:s10+$0xFFFFFF70] =	vst v8  }
0xa8: {  	v1 =	vld [tilespmem:s26+$0xFFFFFF60];
	[tilespmem:s10+$0x20] =	vst v11  }
0xa9: {  	v7 =	vld [tilespmem:s26+$0xFFFFFFD0];
	[tilespmem:s10+$0x30] =	vst v21  }
0xaa: {  	v8 =	vld [tilespmem:s26+$0x80];
	[tilespmem:s10+$0xFFFFFF80] =	vst v5  }
0xab: {  	v11 =	vld [tilespmem:s26+$0xFFFFFF10];
	[tilespmem:s10+$0x50] =	vst v23  }
0xac: {  	v15 =	vld [tilespmem:s26+$0xE0];
	[tilespmem:s10+$0x0] =	vst v13  }
0xad: {  	v10 =	vld [tilespmem:s26+$0xFFFFFF40];
	[tilespmem:s10+$0xFFFFFF30] =	vst v16  }
0xae: {  	s2 =	sshra.s32 s30, $0x2;
	v2 =	vld [tilespmem:s26+$0xFFFFFF90];
	[tilespmem:s10+$0x10] =	vst v19;
	s10 =	smov.u32 s26  }
0xaf: {  	v3 =	vld [tilespmem:s2+$0x1A2C0]  }
0xb0: {  	v9 =	vld [tilespmem:s26+$0xFFFFFFC0]  }
0xb1: {  	v12 =	vld [tilespmem:s26+$0xFFFFFF00]  }
0xb2: {  	v14 =	vld [tilespmem:s26+$0xD0]  }
.Ltmp1:
0xb3: {  	v22 =	vld [tilespmem:s26+$0xC0];
	(pc) =	sbr.rel @p0 .LBB2_5-.Ltmp1, $4  }
0xb4: {  	v18 =	vbroadcast v3, $0x0;
	v20 =	vld [tilespmem:s26+$0x90];
	v5 =	vbroadcast v3, $0xF  }
0xb5: {  	v19 =	vbroadcast v3, $0x2;
	v17 =	vbroadcast v3, $0xE;
	v21 =	vld [tilespmem:s26+$0xFFFFFF50]  }
0xb6: {  	v24 =	vmul.f32 v12, v18;
	v12 =	vbroadcast v3, $0xD;
	v16 =	vld [tilespmem:s26+$0xB0]  }
0xb7: {  	v13 =	vbroadcast v3, $0xC;
	v23 =	vmul.f32 v10, v19;
	v10 =	vld [tilespmem:s26+$0x60]  }
0xb8: {  	[tilespmem:s10+$0xFFFFFF00] =	vst v24;
	v15 =	vmul.f32 v15, v5  }
0xb9: {  	v22 =	vmul.f32 v22, v17;
	[tilespmem:s10+$0xFFFFFF40] =	vst v23  }
0xba: {  	v11 =	vmul.f32 v11, v18;
	[tilespmem:s10+$0xE0] =	vst v15  }
0xbb: {  	v35 =	vmul.f32 v14, v17;
	[tilespmem:s10+$0xC0] =	vst v22  }
0xbc: {  	v33 =	vmul.f32 v20, v13;
	[tilespmem:s10+$0xFFFFFF10] =	vst v11  }
0xbd: {  	v41 =	vbroadcast v3, $0x6;
	v8 =	vmul.f32 v8, v13;
	[tilespmem:s10+$0xD0] =	vst v35  }
0xbe: {  	v19 =	vmul.f32 v21, v19;
	[tilespmem:s10+$0x90] =	vst v33  }
0xbf: {  	v45 =	vbroadcast v3, $0x5;
	v7 =	vmul.f32 v7, v41;
	[tilespmem:s10+$0x80] =	vst v8  }
0xc0: {  	v47 =	vbroadcast v3, $0x7;
	v9 =	vmul.f32 v9, v41;
	[tilespmem:s10+$0xFFFFFF50] =	vst v19  }
0xc1: {  	v54 =	vbroadcast v3, $0x3;
	v6 =	vmul.f32 v6, v45;
	[tilespmem:s10+$0xFFFFFFD0] =	vst v7  }
0xc2: {  	v31 =	vld [tilespmem:s10+$0xA0];
	v59 =	vbroadcast v3, $0x4;
	v4 =	vmul.f32 v4, v47;
	[tilespmem:s10+$0xFFFFFFC0] =	vst v9  }
0xc3: {  	v32 =	vld [tilespmem:s10+$0x70];
	v1 =	vmul.f32 v1, v54;
	[tilespmem:s10+$0xFFFFFFA0] =	vst v6  }
0xc4: {  	v34 =	vld [tilespmem:s10+$0xFFFFFFB0];
	v37 =	vbroadcast v3, $0xB;
	v2 =	vmul.f32 v2, v59;
	[tilespmem:s10+$0xFFFFFFF0] =	vst v4  }
0xc5: {  	v36 =	vld [tilespmem:s10+$0xFFFFFF20];
	v43 =	vmul.f32 v16, v12;
	[tilespmem:s10+$0xFFFFFF60] =	vst v1  }
0xc6: {  	v40 =	vld [tilespmem:s10+$0x40];
	v10 =	vmul.f32 v10, v37;
	[tilespmem:s10+$0xFFFFFF90] =	vst v2  }
0xc7: {  	v38 =	vld [tilespmem:s10+$0xFFFFFFE0];
	v39 =	vmul.f32 v31, v12;
	[tilespmem:s10+$0xB0] =	vst v43  }
0xc8: {  	v52 =	vbroadcast v3, $0x1;
	v55 =	vld [tilespmem:s10+$0xF0];
	v18 =	vmul.f32 v32, v37;
	[tilespmem:s10+$0x60] =	vst v10  }
0xc9: {  	v49 =	vld [tilespmem:s10+$0xFFFFFF70];
	v56 =	vbroadcast v3, $0xA;
	v53 =	vmul.f32 v34, v45;
	[tilespmem:s10+$0xA0] =	vst v39  }
0xca: {  	v46 =	vld [tilespmem:s10+$0x30];
	v14 =	vmul.f32 v36, v52;
	[tilespmem:s10+$0x70] =	vst v18  }
0xcb: {  	v50 =	vld [tilespmem:s10+$0xFFFFFF80];
	v58 =	vmul.f32 v40, v56;
	[tilespmem:s10+$0xFFFFFFB0] =	vst v53  }
0xcc: {  	v44 =	vld [tilespmem:s10+$0x20];
	v8 =	vmul.f32 v38, v47;
	[tilespmem:s10+$0xFFFFFF20] =	vst v14  }
0xcd: {  	v57 =	vld [tilespmem:s10+$0xFFFFFF30];
	v60 =	vbroadcast v3, $0x9;
	v1 =	vmul.f32 v55, v5;
	[tilespmem:s10+$0x40] =	vst v58  }
0xce: {  	v42 =	vld [tilespmem:s10+$0x50];
	v61 =	vmul.f32 v49, v54;
	[tilespmem:s10+$0xFFFFFFE0] =	vst v8  }
0xcf: {  	v48 =	vld [tilespmem:s10+$0x0];
	v2 =	vmul.f32 v46, v60;
	[tilespmem:s10+$0xF0] =	vst v1  }
0xd0: {  	v51 =	vld [tilespmem:s10+$0x10];
	v62 =	vmul.f32 v50, v59;
	[tilespmem:s10+$0xFFFFFF70] =	vst v61  }
0xd1: {  	v1 =	vmul.f32 v44, v60;
	[tilespmem:s10+$0x30] =	vst v2  }
0xd2: {  	v3 =	vbroadcast v3, $0x8;
	v63 =	vmul.f32 v57, v52;
	[tilespmem:s10+$0xFFFFFF80] =	vst v62  }
0xd3: {  	[tilespmem:s10+$0x20] =	vst v1;
	v1 =	vmul.f32 v42, v56  }
0xd4: {  	v2 =	vmul.f32 v48, v3;
	[tilespmem:s10+$0xFFFFFF30] =	vst v63  }
0xd5: {  	[tilespmem:s10+$0x50] =	vst v1;
	v1 =	vmul.f32 v51, v3  }
0xd6: {  	[tilespmem:s10+$0x0] =	vst v2  }
0xd7: {  	[tilespmem:s10+$0x10] =	vst v1  }
0xd8: {  	[spmem:s3] =	stream.indirect.scatter.add.f32 [tilespmem:s17], [sflag:$0x3], $0x20, s19, s18, $0xb8;
	[tilespmem:$0x1F270] =	vst v63  }
0xd9: {  	_ =	swait.ge [sflag:s8], $0x3200  }
0xda: {  	[sflag:s8] =	ssyncset.done $0x0  }
0xdb: {  	[sflag:s8] =	ssyncadd.s32 $0xFFFFCE00  }
0xdc: {  	_ =	swait.ge [sflag:s8], $0x190  }
0xdd: {  	[sflag:s8] =	ssyncset.done $0x0  }
0xde: {  	[sflag:s8] =	ssyncadd.s32 $0xFFFFFE70  }
0xdf: {  	p0 =	seq.s32 s25, $0x18;
	_ =	swait.ge [sflag:s8], $0x190  }
0xe0: {  	s2 =	sadd.s32 @!p0 s29, s23;
	s26 =	simm.s32 @!p0 $0x100;
	[sflag:s8] =	ssyncset.done $0x0  }
0xe1: {  	s11 =	sshll.u32 @!p0 s2, $0x8;
	s10 =	simm.s32 @!p0 $0x3;
	[sflag:s8] =	ssyncadd.s32 $0xFFFFFE70  }
0xe2: {  	s29 =	simm.s32 @!p0 $0x13880;
	s11 =	sor.u32 @!p0 s9, s11;
	_ =	swait.ge @!p0 [sflag:s10], $0x3200  }
0xe3: {  	s2 =	sshrl.u32 @!p0 s2, $0x3;
	s11 =	sshrl.u32 @!p0 s11, $0x3;
	[sflag:s10] =	ssyncset.done @!p0 $0x0  }
0xe4: {  	[sflag:s10] =	ssyncadd.s32 @!p0 $0xFFFFCE00;
	s10 =	sadd.s32 @!p0 s1, s11;
	s11 =	simm.s32 @!p0 $0x20  }
0xe5: {  	[tilespmem:s29], [sflag:$0x1] =	stream.strided.gather @!p0 [hbm4b:s10+s11], $0x3200, s26, s11, $0x38;
	[tilespmem:$0x1F270] =	vst v63  }
0xe6: {  	s10 =	sadd.s32 @!p0 s6, s2;
	s11 =	simm.s32 @!p0 $0x0;
	s26 =	simm.s32 @!p0 $0x19FA0  }
0xe7: {  	[tilespmem:s26], [sflag:$0x1] =	stream.linear.gather @!p0 [hbm4b:s10+s11], $0x190, $0x38;
	[tilespmem:$0x1F270] =	vst v63  }
0xe8: {  	s2 =	sadd.s32 @!p0 s5, s2;
	s10 =	simm.s32 @!p0 $0x19C80;
	s26 =	simm.s32 $0x0  }
0xe9: {  	[tilespmem:s10], [sflag:$0x1] =	stream.linear.gather @!p0 [hbm4b:s2+s11], $0x190, $0x38;
	[tilespmem:$0x1F270] =	vst v63  }
0xea: {  	v1 =	vld [tilespmem:s26+$0x19E10];
	_ =	sdelay $0x4  }
0xeb: {  	v1 =	vshll.u32 v1, $0x3;
	_ =	sdelay $0x1  }
0xec: {  	s10 =	simm.s32 $0x10  }
0xed: {  	v2 =	vld [tilespmem:s10+$0x19E10]  }
0xee: {  	s2 =	simm.s32 $0x0  }
0xef: {  	v3 =	vld.idx.msk [tilespmem:v1+s2+$0x0], $0xffff;
	_ =	sdelay $0x2  }
0xf0: {  	v1 =	vshll.u32 v2, $0x3;
	_ =	sdelay $0x1  }
0xf1: {  	v2 =	vmul.f32 $9.499999880e-01, v3  }
0xf2: {  	s30 =	simm.s32 $0x20;
	s29 =	simm.s32 $0x40;
	s11 =	simm.s32 $0xC0  }
.LBB2_7:
0xf3: {  	p0 =	sne.s32 s11, $0x600;
	v3 =	vld [tilespmem:s30+$0x19E10];
	[tilespmem:s26+$0x1A2C0] =	vst v2;
	s26 =	smov.u32 s10;
	s10 =	smov.u32 s30  }
0xf4: {  	v2 =	vld.idx.msk [tilespmem:v1+s2+$0x0], $0xffff;
	_ =	sdelay $0x2  }
.Ltmp2:
0xf5: {  	(pc) =	sbr.rel @p0 .LBB2_7-.Ltmp2, $3  }
0xf6: {  	v1 =	vshll.u32 v3, $0x3;
	_ =	sdelay $0x1  }
0xf7: {  	v2 =	vmul.f32 $9.499999880e-01, v2  }
0xf8: {  	s30 =	sshra.s32 s11, $0x2;
	s11 =	sadd.s32 $0x40, s11  }
0xf9: {  	_ =	sdelay $0x1  }
0xfa: {  	v3 =	vld [tilespmem:s30+$0x19E10]  }
0xfb: {  	[tilespmem:s26+$0x1A2C0] =	vst v2  }
0xfc: {  	v1 =	vld.idx.msk [tilespmem:v1+s2+$0x0], $0xffff;
	_ =	sdelay $0x2  }
0xfd: {  	v2 =	vshll.u32 v3, $0x3;
	_ =	sdelay $0x1  }
0xfe: {  	v1 =	vmul.f32 $9.499999880e-01, v1;
	_ =	sdelay $0x1  }
0xff: {  	[tilespmem:s10+$0x1A2C0] =	vst v1  }
0x100: {  	v1 =	vld.idx.msk [tilespmem:v2+s2+$0x0], $0xffff;
	_ =	sdelay $0x4  }
0x101: {  	v1 =	vmul.f32 $9.499999880e-01, v1;
	_ =	sdelay $0x1  }
0x102: {  	s10 =	simm.s32 $0x16B80;
	[tilespmem:s30+$0x1A2C0] =	vst v1  }
0x103: {  	v6 =	vld [tilespmem:s10+$0xFFFFFFA0]  }
0x104: {  	v4 =	vld [tilespmem:s10+$0xFFFFFFF0]  }
0x105: {  	v1 =	vld [tilespmem:s10+$0xFFFFFF60]  }
0x106: {  	v7 =	vld [tilespmem:s10+$0xFFFFFFD0]  }
0x107: {  	v8 =	vld [tilespmem:s10+$0x80]  }
0x108: {  	v11 =	vld [tilespmem:s10+$0xFFFFFF10]  }
0x109: {  	v15 =	vld [tilespmem:s10+$0xE0]  }
0x10a: {  	v10 =	vld [tilespmem:s10+$0xFFFFFF40]  }
0x10b: {  	s31 =	simm.s32 $0x0;
	v2 =	vld [tilespmem:s10+$0xFFFFFF90]  }
0x10c: {  	v3 =	vld [tilespmem:s31+$0x1A2C0]  }
0x10d: {  	v9 =	vld [tilespmem:s10+$0xFFFFFFC0]  }
0x10e: {  	v12 =	vld [tilespmem:s10+$0xFFFFFF00]  }
0x10f: {  	v14 =	vld [tilespmem:s10+$0xD0]  }
0x110: {  	v22 =	vld [tilespmem:s10+$0xC0]  }
0x111: {  	v20 =	vld [tilespmem:s10+$0x90];
	v18 =	vbroadcast v3, $0x0;
	v5 =	vbroadcast v3, $0xF  }
0x112: {  	v21 =	vld [tilespmem:s10+$0xFFFFFF50];
	v19 =	vbroadcast v3, $0x2;
	v17 =	vbroadcast v3, $0xE  }
0x113: {  	v16 =	vld [tilespmem:s10+$0xB0];
	v13 =	vbroadcast v3, $0xC;
	v24 =	vmul.f32 v12, v18  }
0x114: {  	s26 =	simm.s32 $0x16B80;
	v12 =	vbroadcast v3, $0xD;
	v23 =	vmul.f32 v10, v19;
	v10 =	vld [tilespmem:s10+$0x60]  }
.LBB2_9:
0x115: {  	p0 =	sne.s32 s29, $0x600  }
0x116: {  	[tilespmem:s10+$0xFFFFFF00] =	vst v24;
	v24 =	vld [tilespmem:s10+$0xFFFFFFB0];
	v22 =	vmul.f32 v22, v17;
	v15 =	vmul.f32 v15, v5;
	s26 =	sadd.s32 $0x200, s26;
	s30 =	smov.u32 s29;
	s29 =	sadd.s32 $0x40, s29  }
0x117: {  	[tilespmem:s10+$0xFFFFFF40] =	vst v23;
	v23 =	vbroadcast v3, $0xA;
	v20 =	vmul.f32 v20, v13;
	v25 =	vld [tilespmem:s10+$0xA0]  }
0x118: {  	v11 =	vmul.f32 v11, v18;
	v18 =	vmul.f32 v21, v19;
	v19 =	vld [tilespmem:s10+$0x70];
	[tilespmem:s10+$0xE0] =	vst v15  }
0x119: {  	v15 =	vbroadcast v3, $0x5;
	v21 =	vld [tilespmem:s10+$0xFFFFFFE0];
	v16 =	vmul.f32 v16, v12;
	[tilespmem:s10+$0xC0] =	vst v22  }
0x11a: {  	v14 =	vmul.f32 v14, v17;
	[tilespmem:s10+$0xFFFFFF10] =	vst v11;
	v11 =	vbroadcast v3, $0x6;
	v22 =	vld [tilespmem:s10+$0x40]  }
0x11b: {  	v26 =	vbroadcast v3, $0xB;
	v6 =	vmul.f32 v6, v15;
	v17 =	vld [tilespmem:s10+$0xFFFFFF20];
	[tilespmem:s10+$0x90] =	vst v20  }
0x11c: {  	v20 =	vbroadcast v3, $0x9;
	[tilespmem:s10+$0xFFFFFF50] =	vst v18;
	v18 =	vld [tilespmem:s10+$0x20];
	v12 =	vmul.f32 v25, v12  }
0x11d: {  	v15 =	vmul.f32 v24, v15;
	v24 =	vld [tilespmem:s10+$0x50];
	v19 =	vmul.f32 v19, v26;
	[tilespmem:s10+$0xD0] =	vst v14  }
0x11e: {  	v8 =	vmul.f32 v8, v13;
	v14 =	vbroadcast v3, $0x7;
	v25 =	vld [tilespmem:s10+$0x30];
	[tilespmem:s10+$0xA0] =	vst v12  }
0x11f: {  	v9 =	vmul.f32 v9, v11;
	v12 =	vbroadcast v3, $0x3;
	v13 =	vld [tilespmem:s10+$0x0];
	[tilespmem:s10+$0x70] =	vst v19  }
0x120: {  	v10 =	vmul.f32 v10, v26;
	v7 =	vmul.f32 v7, v11;
	v11 =	vld [tilespmem:s10+$0x10];
	[tilespmem:s10+$0x80] =	vst v8  }
0x121: {  	v19 =	vbroadcast v3, $0x8;
	v22 =	vmul.f32 v22, v23;
	v8 =	vld [tilespmem:s10+$0xFFFFFF30];
	[tilespmem:s10+$0xB0] =	vst v16  }
0x122: {  	v16 =	vbroadcast v3, $0x1;
	v26 =	vld [tilespmem:s10+$0xFFFFFF70];
	[tilespmem:s10+$0xFFFFFFD0] =	vst v7;
	v23 =	vmul.f32 v24, v23  }
0x123: {  	v4 =	vmul.f32 v4, v14;
	v7 =	vmul.f32 v21, v14;
	[tilespmem:s10+$0xFFFFFFC0] =	vst v9;
	v9 =	vld [tilespmem:s10+$0xF0]  }
0x124: {  	v21 =	vmul.f32 v25, v20;
	v14 =	vld [tilespmem:s10+$0xFFFFFF80];
	[tilespmem:s10+$0xFFFFFFA0] =	vst v6;
	v13 =	vmul.f32 v13, v19  }
0x125: {  	v6 =	vld [tilespmem:s26+$0xFFFFFFA0];
	[tilespmem:s10+$0xFFFFFFF0] =	vst v4;
	v19 =	vmul.f32 v11, v19;
	v11 =	vmul.f32 v18, v20  }
0x126: {  	v4 =	vmul.f32 v17, v16;
	v16 =	vmul.f32 v8, v16;
	[tilespmem:s10+$0x60] =	vst v10  }
0x127: {  	v1 =	vmul.f32 v1, v12;
	v8 =	vmul.f32 v26, v12;
	[tilespmem:s10+$0xFFFFFFB0] =	vst v15  }
0x128: {  	v3 =	vbroadcast v3, $0x4;
	[tilespmem:s10+$0xFFFFFF20] =	vst v4;
	v4 =	vmul.f32 v9, v5  }
0x129: {  	[tilespmem:s10+$0xFFFFFF60] =	vst v1  }
0x12a: {  	v5 =	vmul.f32 v14, v3;
	v1 =	vmul.f32 v2, v3;
	[tilespmem:s10+$0x40] =	vst v22  }
0x12b: {  	[tilespmem:s10+$0xFFFFFFE0] =	vst v7  }
0x12c: {  	[tilespmem:s10+$0xF0] =	vst v4  }
0x12d: {  	[tilespmem:s10+$0xFFFFFF90] =	vst v1  }
0x12e: {  	v4 =	vld [tilespmem:s26+$0xFFFFFFF0];
	[tilespmem:s10+$0xFFFFFF70] =	vst v8  }
0x12f: {  	v1 =	vld [tilespmem:s26+$0xFFFFFF60];
	[tilespmem:s10+$0x20] =	vst v11  }
0x130: {  	v7 =	vld [tilespmem:s26+$0xFFFFFFD0];
	[tilespmem:s10+$0x30] =	vst v21  }
0x131: {  	v8 =	vld [tilespmem:s26+$0x80];
	[tilespmem:s10+$0xFFFFFF80] =	vst v5  }
0x132: {  	v11 =	vld [tilespmem:s26+$0xFFFFFF10];
	[tilespmem:s10+$0x50] =	vst v23  }
0x133: {  	v15 =	vld [tilespmem:s26+$0xE0];
	[tilespmem:s10+$0x0] =	vst v13  }
0x134: {  	v10 =	vld [tilespmem:s26+$0xFFFFFF40];
	[tilespmem:s10+$0xFFFFFF30] =	vst v16  }
0x135: {  	s2 =	sshra.s32 s30, $0x2;
	v2 =	vld [tilespmem:s26+$0xFFFFFF90];
	[tilespmem:s10+$0x10] =	vst v19;
	s10 =	smov.u32 s26  }
0x136: {  	v3 =	vld [tilespmem:s2+$0x1A2C0]  }
0x137: {  	v9 =	vld [tilespmem:s26+$0xFFFFFFC0]  }
0x138: {  	v12 =	vld [tilespmem:s26+$0xFFFFFF00]  }
0x139: {  	v14 =	vld [tilespmem:s26+$0xD0]  }
.Ltmp3:
0x13a: {  	v22 =	vld [tilespmem:s26+$0xC0];
	(pc) =	sbr.rel @p0 .LBB2_9-.Ltmp3, $4  }
0x13b: {  	v18 =	vbroadcast v3, $0x0;
	v20 =	vld [tilespmem:s26+$0x90];
	v5 =	vbroadcast v3, $0xF  }
0x13c: {  	v19 =	vbroadcast v3, $0x2;
	v17 =	vbroadcast v3, $0xE;
	v21 =	vld [tilespmem:s26+$0xFFFFFF50]  }
0x13d: {  	v24 =	vmul.f32 v12, v18;
	v12 =	vbroadcast v3, $0xD;
	v16 =	vld [tilespmem:s26+$0xB0]  }
0x13e: {  	v13 =	vbroadcast v3, $0xC;
	v23 =	vmul.f32 v10, v19;
	v10 =	vld [tilespmem:s26+$0x60]  }
0x13f: {  	[tilespmem:s10+$0xFFFFFF00] =	vst v24;
	v15 =	vmul.f32 v15, v5  }
0x140: {  	v22 =	vmul.f32 v22, v17;
	[tilespmem:s10+$0xFFFFFF40] =	vst v23  }
0x141: {  	v11 =	vmul.f32 v11, v18;
	[tilespmem:s10+$0xE0] =	vst v15  }
0x142: {  	v35 =	vmul.f32 v14, v17;
	[tilespmem:s10+$0xC0] =	vst v22  }
0x143: {  	v33 =	vmul.f32 v20, v13;
	[tilespmem:s10+$0xFFFFFF10] =	vst v11  }
0x144: {  	v41 =	vbroadcast v3, $0x6;
	v8 =	vmul.f32 v8, v13;
	[tilespmem:s10+$0xD0] =	vst v35  }
0x145: {  	v19 =	vmul.f32 v21, v19;
	[tilespmem:s10+$0x90] =	vst v33  }
0x146: {  	v45 =	vbroadcast v3, $0x5;
	v7 =	vmul.f32 v7, v41;
	[tilespmem:s10+$0x80] =	vst v8  }
0x147: {  	v47 =	vbroadcast v3, $0x7;
	v9 =	vmul.f32 v9, v41;
	[tilespmem:s10+$0xFFFFFF50] =	vst v19  }
0x148: {  	v54 =	vbroadcast v3, $0x3;
	v6 =	vmul.f32 v6, v45;
	[tilespmem:s10+$0xFFFFFFD0] =	vst v7  }
0x149: {  	v31 =	vld [tilespmem:s10+$0xA0];
	v59 =	vbroadcast v3, $0x4;
	v4 =	vmul.f32 v4, v47;
	[tilespmem:s10+$0xFFFFFFC0] =	vst v9  }
0x14a: {  	v32 =	vld [tilespmem:s10+$0x70];
	v1 =	vmul.f32 v1, v54;
	[tilespmem:s10+$0xFFFFFFA0] =	vst v6  }
0x14b: {  	v34 =	vld [tilespmem:s10+$0xFFFFFFB0];
	v37 =	vbroadcast v3, $0xB;
	v2 =	vmul.f32 v2, v59;
	[tilespmem:s10+$0xFFFFFFF0] =	vst v4  }
0x14c: {  	v36 =	vld [tilespmem:s10+$0xFFFFFF20];
	v43 =	vmul.f32 v16, v12;
	[tilespmem:s10+$0xFFFFFF60] =	vst v1  }
0x14d: {  	v40 =	vld [tilespmem:s10+$0x40];
	v10 =	vmul.f32 v10, v37;
	[tilespmem:s10+$0xFFFFFF90] =	vst v2  }
0x14e: {  	v38 =	vld [tilespmem:s10+$0xFFFFFFE0];
	v39 =	vmul.f32 v31, v12;
	[tilespmem:s10+$0xB0] =	vst v43  }
0x14f: {  	v52 =	vbroadcast v3, $0x1;
	v55 =	vld [tilespmem:s10+$0xF0];
	v18 =	vmul.f32 v32, v37;
	[tilespmem:s10+$0x60] =	vst v10  }
0x150: {  	v49 =	vld [tilespmem:s10+$0xFFFFFF70];
	v56 =	vbroadcast v3, $0xA;
	v53 =	vmul.f32 v34, v45;
	[tilespmem:s10+$0xA0] =	vst v39  }
0x151: {  	v46 =	vld [tilespmem:s10+$0x30];
	v14 =	vmul.f32 v36, v52;
	[tilespmem:s10+$0x70] =	vst v18  }
0x152: {  	v50 =	vld [tilespmem:s10+$0xFFFFFF80];
	v58 =	vmul.f32 v40, v56;
	[tilespmem:s10+$0xFFFFFFB0] =	vst v53  }
0x153: {  	v44 =	vld [tilespmem:s10+$0x20];
	v8 =	vmul.f32 v38, v47;
	[tilespmem:s10+$0xFFFFFF20] =	vst v14  }
0x154: {  	v57 =	vld [tilespmem:s10+$0xFFFFFF30];
	v60 =	vbroadcast v3, $0x9;
	v1 =	vmul.f32 v55, v5;
	[tilespmem:s10+$0x40] =	vst v58  }
0x155: {  	v42 =	vld [tilespmem:s10+$0x50];
	v61 =	vmul.f32 v49, v54;
	[tilespmem:s10+$0xFFFFFFE0] =	vst v8  }
0x156: {  	v48 =	vld [tilespmem:s10+$0x0];
	v2 =	vmul.f32 v46, v60;
	[tilespmem:s10+$0xF0] =	vst v1  }
0x157: {  	v51 =	vld [tilespmem:s10+$0x10];
	v62 =	vmul.f32 v50, v59;
	[tilespmem:s10+$0xFFFFFF70] =	vst v61  }
0x158: {  	v1 =	vmul.f32 v44, v60;
	[tilespmem:s10+$0x30] =	vst v2  }
0x159: {  	v3 =	vbroadcast v3, $0x8;
	s25 =	sadd.s32 $0x1, s25;
	v63 =	vmul.f32 v57, v52;
	[tilespmem:s10+$0xFFFFFF80] =	vst v62  }
0x15a: {  	p0 =	sne.s32 s25, $0x19;
	[tilespmem:s10+$0x20] =	vst v1;
	v1 =	vmul.f32 v42, v56  }
.Ltmp4:
0x15b: {  	v2 =	vmul.f32 v48, v3;
	[tilespmem:s10+$0xFFFFFF30] =	vst v63;
	(pc) =	sbr.rel @p0 .LBB2_2-.Ltmp4, $4  }
0x15c: {  	[tilespmem:s10+$0x50] =	vst v1;
	v1 =	vmul.f32 v51, v3  }
0x15d: {  	[tilespmem:s10+$0x0] =	vst v2  }
0x15e: {  	[tilespmem:s10+$0x10] =	vst v1  }
0x15f: {  	[spmem:s3] =	stream.indirect.scatter.add.f32 [tilespmem:s0], [sflag:$0x4], $0x20, s7, s18, $0xb8;
	[tilespmem:$0x1F270] =	vst v63  }
0x160: {  	_ =	swait.ge [sflag:s16], $0x3200  }
0x161: {  	[sflag:s16] =	ssyncset.done $0x0  }
0x162: {  	[sflag:s16] =	ssyncadd.s32 $0xFFFFCE00  }
0x163: {  	_ =	swait.ge [sflag:s14], $0x3200  }
0x164: {  	[sflag:s14] =	ssyncset.done $0x0  }
0x165: {  	[sflag:s14] =	ssyncadd.s32 $0xFFFFCE00  }
0x166: {  	[bflag:$0x0] =	sbarrier.arrive $0xFFFF  }
0x167: {  	s25 =	sld [smem:$0x7F0]  }
0x168: {  	s2 =	rddreg [dreg:$0x7]  }
0x169: {  	s11 =	simm.s32 $0x10;
	s30 =	simm.s32 $0x5;
	s10 =	rddreg [dreg:$0xd]  }
0x16a: {  	[hbm:s2@s11], [sflag:s10] =	dma.strided [spmem:s25@s14], $0x9C4, s24, $0x4   }
0x16b: {  	_ =	swait.ge [sflag:s30], $0x9C4  }
0x16c: {  	[sflag:s30] =	ssyncset.done $0x0  }
0x16d: {  	s31 =	rddreg [dreg:$0x6];
	[sflag:s30] =	ssyncadd.s32 $0xFFFFF63C  }
0x16e: {  	[spmem:s25], [sflag:s10] =	dma.local [hbm:s31], $0x9C4  }
0x16f: {  	_ =	swait.ge [sflag:s30], $0x9C4  }
0x170: {  	[sflag:s30] =	ssyncset.done $0x0  }
0x171: {  	[sflag:s30] =	ssyncadd.s32 $0xFFFFF63C  }
0x172: {  	[bflag:$0x0] =	sbarrier.arrive $0xFFFF  }
0x173: {  	s25 =	rddreg [dreg:$0x12]  }
0x174: {  	[tilespmem:s17], [sflag:$0x1] =	stream.strided.gather [hbm4b:s25+s15], $0x3200, s28, s15, $0x38;
	[tilespmem:$0x1F270] =	vst v63  }
0x175: {  	s26 =	rddreg [dreg:$0xf];
	s25 =	simm.s32 $0x0  }
0x176: {  	[tilespmem:s19], [sflag:$0x1] =	stream.linear.gather [hbm4b:s26+s25], $0x190, $0x38;
	[tilespmem:$0x1F270] =	vst v63  }
0x177: {  	s29 =	simm.s32 $0x0;
	s31 =	simm.s32 $0x19C80;
	s30 =	rddreg [dreg:$0x10]  }
0x178: {  	[tilespmem:s31], [sflag:$0x1] =	stream.linear.gather [hbm4b:s30+s25], $0x190, $0x38;
	[tilespmem:$0x1F270] =	vst v63  }
.LBB2_12:
0x179: {  	_ =	swait.ge [sflag:s24], $0x3200  }
0x17a: {  	[sflag:s24] =	ssyncset.done $0x0  }
0x17b: {  	[sflag:s24] =	ssyncadd.s32 $0xFFFFCE00  }
0x17c: {  	_ =	swait.ge [sflag:s24], $0x190  }
0x17d: {  	[sflag:s24] =	ssyncset.done $0x0  }
0x17e: {  	s31 =	smul.u32 $0x320, s29;
	[sflag:s24] =	ssyncadd.s32 $0xFFFFFE70  }
0x17f: {  	_ =	swait.ge [sflag:s24], $0x190  }
0x180: {  	p0 =	seq.s32 s29, $0x0;
	s2 =	sadd.s32 s31, s22;
	[sflag:s24] =	ssyncset.done $0x0  }
0x181: {  	s10 =	simm.s32 @!p0 $0x4;
	s11 =	sshll.u32 s2, $0x8;
	[sflag:s24] =	ssyncadd.s32 $0xFFFFFE70  }
0x182: {  	s11 =	sor.u32 s21, s11;
	_ =	swait.ge @!p0 [sflag:s10], $0x3200  }
0x183: {  	s11 =	sshrl.u32 s11, $0x3;
	[sflag:s10] =	ssyncset.done @!p0 $0x0  }
0x184: {  	s2 =	sshrl.u32 s2, $0x3;
	s11 =	sadd.s32 s1, s11;
	[sflag:s10] =	ssyncadd.s32 @!p0 $0xFFFFCE00  }
0x185: {  	[tilespmem:s0], [sflag:$0x2] =	stream.strided.gather [hbm4b:s11+s15], $0x3200, s28, s15, $0x38;
	[tilespmem:$0x1F270] =	vst v63  }
0x186: {  	s26 =	sadd.s32 s6, s2  }
0x187: {  	[tilespmem:s7], [sflag:$0x2] =	stream.linear.gather [hbm4b:s26+s25], $0x190, $0x38;
	[tilespmem:$0x1F270] =	vst v63  }
0x188: {  	s2 =	sadd.s32 s5, s2  }
0x189: {  	[tilespmem:s20], [sflag:$0x2] =	stream.linear.gather [hbm4b:s2+s25], $0x190, $0x38;
	[tilespmem:$0x1F270] =	vst v63  }
0x18a: {  	s2 =	simm.s32 $0x0  }
0x18b: {  	v1 =	vld [tilespmem:s2+$0x19C80];
	_ =	sdelay $0x4  }
0x18c: {  	v1 =	vshll.u32 v1, $0x3;
	_ =	sdelay $0x1  }
0x18d: {  	s10 =	simm.s32 $0x10  }
0x18e: {  	v2 =	vld [tilespmem:s10+$0x19C80];
	_ =	sdelay $0x1  }
0x18f: {  	v3 =	vld.idx.msk [tilespmem:v1+s25+$0x0], $0xffff;
	_ =	sdelay $0x2  }
0x190: {  	v1 =	vshll.u32 v2, $0x3;
	_ =	sdelay $0x1  }
0x191: {  	v2 =	vmul.f32 $9.499999880e-01, v3  }
0x192: {  	s30 =	simm.s32 $0x20;
	s11 =	simm.s32 $0xC0  }
.LBB2_13:
0x193: {  	p0 =	sne.s32 s11, $0x600;
	v3 =	vld [tilespmem:s30+$0x19C80];
	s26 =	simm.s32 $0x0;
	[tilespmem:s2+$0x1A2C0] =	vst v2;
	s2 =	smov.u32 s10  }
0x194: {  	s10 =	smov.u32 s30;
	v2 =	vld.idx.msk [tilespmem:v1+s26+$0x0], $0xffff;
	_ =	sdelay $0x2  }
.Ltmp5:
0x195: {  	(pc) =	sbr.rel @p0 .LBB2_13-.Ltmp5, $3  }
0x196: {  	v1 =	vshll.u32 v3, $0x3;
	_ =	sdelay $0x1  }
0x197: {  	v2 =	vmul.f32 $9.499999880e-01, v2  }
0x198: {  	s30 =	sshra.s32 s11, $0x2;
	s11 =	sadd.s32 $0x40, s11  }
0x199: {  	_ =	sdelay $0x1  }
0x19a: {  	v3 =	vld [tilespmem:s30+$0x19C80]  }
0x19b: {  	[tilespmem:s2+$0x1A2C0] =	vst v2  }
0x19c: {  	v1 =	vld.idx.msk [tilespmem:v1+s26+$0x0], $0xffff;
	_ =	sdelay $0x2  }
0x19d: {  	v2 =	vshll.u32 v3, $0x3;
	_ =	sdelay $0x1  }
0x19e: {  	v1 =	vmul.f32 $9.499999880e-01, v1;
	_ =	sdelay $0x1  }
0x19f: {  	[tilespmem:s10+$0x1A2C0] =	vst v1  }
0x1a0: {  	v1 =	vld.idx.msk [tilespmem:v2+s26+$0x0], $0xffff;
	_ =	sdelay $0x4  }
0x1a1: {  	v1 =	vmul.f32 $9.499999880e-01, v1;
	_ =	sdelay $0x1  }
0x1a2: {  	s10 =	simm.s32 $0x13980;
	[tilespmem:s30+$0x1A2C0] =	vst v1  }
0x1a3: {  	v6 =	vld [tilespmem:s10+$0xFFFFFFA0]  }
0x1a4: {  	v4 =	vld [tilespmem:s10+$0xFFFFFFF0]  }
0x1a5: {  	v1 =	vld [tilespmem:s10+$0xFFFFFF60]  }
0x1a6: {  	v7 =	vld [tilespmem:s10+$0xFFFFFFD0]  }
0x1a7: {  	v8 =	vld [tilespmem:s10+$0x80]  }
0x1a8: {  	v11 =	vld [tilespmem:s10+$0xFFFFFF10]  }
0x1a9: {  	v15 =	vld [tilespmem:s10+$0xE0]  }
0x1aa: {  	v10 =	vld [tilespmem:s10+$0xFFFFFF40]  }
0x1ab: {  	s26 =	simm.s32 $0x0;
	v2 =	vld [tilespmem:s10+$0xFFFFFF90]  }
0x1ac: {  	v3 =	vld [tilespmem:s26+$0x1A2C0]  }
0x1ad: {  	v9 =	vld [tilespmem:s10+$0xFFFFFFC0]  }
0x1ae: {  	v12 =	vld [tilespmem:s10+$0xFFFFFF00]  }
0x1af: {  	p0 =	por $0x1, $0x1;
	v13 =	vld [tilespmem:s10+$0xD0]  }
.Ltmp6:
0x1b0: {  	v22 =	vld [tilespmem:s10+$0xC0];
	(pc) =	sbr.rel @!p0 .LBB2_16-.Ltmp6, $4  }
0x1b1: {  	v20 =	vld [tilespmem:s10+$0x90];
	v18 =	vbroadcast v3, $0x0;
	v5 =	vbroadcast v3, $0xF  }
0x1b2: {  	v21 =	vld [tilespmem:s10+$0xFFFFFF50];
	v19 =	vbroadcast v3, $0x2;
	v16 =	vbroadcast v3, $0xE  }
0x1b3: {  	v17 =	vld [tilespmem:s10+$0xB0];
	v14 =	vbroadcast v3, $0xC;
	v24 =	vmul.f32 v12, v18  }
0x1b4: {  	s30 =	simm.s32 $0x13980;
	s26 =	simm.s32 $0x40;
	v12 =	vbroadcast v3, $0xD;
	v23 =	vmul.f32 v10, v19;
	v10 =	vld [tilespmem:s10+$0x60]  }
.LBB2_15:
0x1b5: {  	p0 =	sne.s32 s26, $0x600  }
0x1b6: {  	[tilespmem:s10+$0xFFFFFF00] =	vst v24;
	v24 =	vld [tilespmem:s10+$0xFFFFFFB0];
	v22 =	vmul.f32 v22, v16;
	v15 =	vmul.f32 v15, v5;
	s30 =	sadd.s32 $0x200, s30;
	s2 =	smov.u32 s26;
	s26 =	sadd.s32 $0x40, s26  }
0x1b7: {  	[tilespmem:s10+$0xFFFFFF40] =	vst v23;
	v23 =	vbroadcast v3, $0xA;
	v20 =	vmul.f32 v20, v14;
	v25 =	vld [tilespmem:s10+$0xA0]  }
0x1b8: {  	v11 =	vmul.f32 v11, v18;
	v18 =	vmul.f32 v21, v19;
	v19 =	vld [tilespmem:s10+$0x70];
	[tilespmem:s10+$0xE0] =	vst v15  }
0x1b9: {  	v15 =	vbroadcast v3, $0x5;
	v21 =	vld [tilespmem:s10+$0xFFFFFFE0];
	v17 =	vmul.f32 v17, v12;
	[tilespmem:s10+$0xC0] =	vst v22  }
0x1ba: {  	v13 =	vmul.f32 v13, v16;
	[tilespmem:s10+$0xFFFFFF10] =	vst v11;
	v11 =	vbroadcast v3, $0x6;
	v22 =	vld [tilespmem:s10+$0x40]  }
0x1bb: {  	v26 =	vbroadcast v3, $0xB;
	v6 =	vmul.f32 v6, v15;
	v16 =	vld [tilespmem:s10+$0xFFFFFF20];
	[tilespmem:s10+$0x90] =	vst v20  }
0x1bc: {  	v20 =	vbroadcast v3, $0x9;
	[tilespmem:s10+$0xFFFFFF50] =	vst v18;
	v18 =	vld [tilespmem:s10+$0x20];
	v12 =	vmul.f32 v25, v12  }
0x1bd: {  	v15 =	vmul.f32 v24, v15;
	v24 =	vld [tilespmem:s10+$0x50];
	v19 =	vmul.f32 v19, v26;
	[tilespmem:s10+$0xD0] =	vst v13  }
0x1be: {  	v8 =	vmul.f32 v8, v14;
	v13 =	vbroadcast v3, $0x7;
	v25 =	vld [tilespmem:s10+$0x30];
	[tilespmem:s10+$0xA0] =	vst v12  }
0x1bf: {  	v9 =	vmul.f32 v9, v11;
	v12 =	vbroadcast v3, $0x3;
	v14 =	vld [tilespmem:s10+$0x0];
	[tilespmem:s10+$0x70] =	vst v19  }
0x1c0: {  	v10 =	vmul.f32 v10, v26;
	v7 =	vmul.f32 v7, v11;
	v11 =	vld [tilespmem:s10+$0x10];
	[tilespmem:s10+$0x80] =	vst v8  }
0x1c1: {  	v19 =	vbroadcast v3, $0x8;
	v22 =	vmul.f32 v22, v23;
	v8 =	vld [tilespmem:s10+$0xFFFFFF30];
	[tilespmem:s10+$0xB0] =	vst v17  }
0x1c2: {  	v17 =	vbroadcast v3, $0x1;
	v26 =	vld [tilespmem:s10+$0xFFFFFF70];
	[tilespmem:s10+$0xFFFFFFD0] =	vst v7;
	v23 =	vmul.f32 v24, v23  }
0x1c3: {  	v4 =	vmul.f32 v4, v13;
	v7 =	vmul.f32 v21, v13;
	[tilespmem:s10+$0xFFFFFFC0] =	vst v9;
	v9 =	vld [tilespmem:s10+$0xF0]  }
0x1c4: {  	v21 =	vmul.f32 v25, v20;
	v13 =	vld [tilespmem:s10+$0xFFFFFF80];
	[tilespmem:s10+$0xFFFFFFA0] =	vst v6;
	v14 =	vmul.f32 v14, v19  }
0x1c5: {  	v6 =	vld [tilespmem:s30+$0xFFFFFFA0];
	[tilespmem:s10+$0xFFFFFFF0] =	vst v4;
	v19 =	vmul.f32 v11, v19;
	v11 =	vmul.f32 v18, v20  }
0x1c6: {  	v4 =	vmul.f32 v16, v17;
	v16 =	vmul.f32 v8, v17;
	[tilespmem:s10+$0x60] =	vst v10  }
0x1c7: {  	v1 =	vmul.f32 v1, v12;
	v8 =	vmul.f32 v26, v12;
	[tilespmem:s10+$0xFFFFFFB0] =	vst v15  }
0x1c8: {  	v3 =	vbroadcast v3, $0x4;
	[tilespmem:s10+$0xFFFFFF20] =	vst v4;
	v4 =	vmul.f32 v9, v5  }
0x1c9: {  	[tilespmem:s10+$0xFFFFFF60] =	vst v1  }
0x1ca: {  	v5 =	vmul.f32 v13, v3;
	v1 =	vmul.f32 v2, v3;
	[tilespmem:s10+$0x40] =	vst v22  }
0x1cb: {  	[tilespmem:s10+$0xFFFFFFE0] =	vst v7  }
0x1cc: {  	[tilespmem:s10+$0xF0] =	vst v4  }
0x1cd: {  	[tilespmem:s10+$0xFFFFFF90] =	vst v1  }
0x1ce: {  	v4 =	vld [tilespmem:s30+$0xFFFFFFF0];
	[tilespmem:s10+$0xFFFFFF70] =	vst v8  }
0x1cf: {  	v1 =	vld [tilespmem:s30+$0xFFFFFF60];
	[tilespmem:s10+$0x20] =	vst v11  }
0x1d0: {  	v7 =	vld [tilespmem:s30+$0xFFFFFFD0];
	[tilespmem:s10+$0x30] =	vst v21  }
0x1d1: {  	v8 =	vld [tilespmem:s30+$0x80];
	[tilespmem:s10+$0xFFFFFF80] =	vst v5  }
0x1d2: {  	v11 =	vld [tilespmem:s30+$0xFFFFFF10];
	[tilespmem:s10+$0x50] =	vst v23  }
0x1d3: {  	v15 =	vld [tilespmem:s30+$0xE0];
	[tilespmem:s10+$0x0] =	vst v14  }
0x1d4: {  	v10 =	vld [tilespmem:s30+$0xFFFFFF40];
	[tilespmem:s10+$0xFFFFFF30] =	vst v16  }
0x1d5: {  	s2 =	sshra.s32 s2, $0x2;
	v2 =	vld [tilespmem:s30+$0xFFFFFF90];
	[tilespmem:s10+$0x10] =	vst v19;
	s10 =	smov.u32 s30  }
0x1d6: {  	v3 =	vld [tilespmem:s2+$0x1A2C0]  }
0x1d7: {  	v9 =	vld [tilespmem:s30+$0xFFFFFFC0]  }
0x1d8: {  	v12 =	vld [tilespmem:s30+$0xFFFFFF00]  }
0x1d9: {  	v13 =	vld [tilespmem:s30+$0xD0]  }
.Ltmp7:
0x1da: {  	v22 =	vld [tilespmem:s30+$0xC0];
	(pc) =	sbr.rel @p0 .LBB2_15-.Ltmp7, $4  }
0x1db: {  	v18 =	vbroadcast v3, $0x0;
	v20 =	vld [tilespmem:s30+$0x90];
	v5 =	vbroadcast v3, $0xF  }
0x1dc: {  	v19 =	vbroadcast v3, $0x2;
	v16 =	vbroadcast v3, $0xE;
	v21 =	vld [tilespmem:s30+$0xFFFFFF50]  }
0x1dd: {  	v24 =	vmul.f32 v12, v18;
	v12 =	vbroadcast v3, $0xD;
	v17 =	vld [tilespmem:s30+$0xB0]  }
0x1de: {  	v14 =	vbroadcast v3, $0xC;
	v23 =	vmul.f32 v10, v19;
	v10 =	vld [tilespmem:s30+$0x60]  }
.LBB2_16:
0x1df: {  	[tilespmem:s10+$0xFFFFFF00] =	vst v24;
	v15 =	vmul.f32 v15, v5  }
0x1e0: {  	v22 =	vmul.f32 v22, v16;
	[tilespmem:s10+$0xFFFFFF40] =	vst v23  }
0x1e1: {  	v11 =	vmul.f32 v11, v18;
	[tilespmem:s10+$0xE0] =	vst v15  }
0x1e2: {  	v35 =	vmul.f32 v13, v16;
	[tilespmem:s10+$0xC0] =	vst v22  }
0x1e3: {  	v33 =	vmul.f32 v20, v14;
	[tilespmem:s10+$0xFFFFFF10] =	vst v11  }
0x1e4: {  	v41 =	vbroadcast v3, $0x6;
	v8 =	vmul.f32 v8, v14;
	[tilespmem:s10+$0xD0] =	vst v35  }
0x1e5: {  	v19 =	vmul.f32 v21, v19;
	[tilespmem:s10+$0x90] =	vst v33  }
0x1e6: {  	v45 =	vbroadcast v3, $0x5;
	v7 =	vmul.f32 v7, v41;
	[tilespmem:s10+$0x80] =	vst v8  }
0x1e7: {  	v47 =	vbroadcast v3, $0x7;
	v9 =	vmul.f32 v9, v41;
	[tilespmem:s10+$0xFFFFFF50] =	vst v19  }
0x1e8: {  	v54 =	vbroadcast v3, $0x3;
	v6 =	vmul.f32 v6, v45;
	[tilespmem:s10+$0xFFFFFFD0] =	vst v7  }
0x1e9: {  	v31 =	vld [tilespmem:s10+$0xA0];
	v59 =	vbroadcast v3, $0x4;
	v4 =	vmul.f32 v4, v47;
	[tilespmem:s10+$0xFFFFFFC0] =	vst v9  }
0x1ea: {  	v32 =	vld [tilespmem:s10+$0x70];
	v1 =	vmul.f32 v1, v54;
	[tilespmem:s10+$0xFFFFFFA0] =	vst v6  }
0x1eb: {  	v34 =	vld [tilespmem:s10+$0xFFFFFFB0];
	v37 =	vbroadcast v3, $0xB;
	v2 =	vmul.f32 v2, v59;
	[tilespmem:s10+$0xFFFFFFF0] =	vst v4  }
0x1ec: {  	v36 =	vld [tilespmem:s10+$0xFFFFFF20];
	v43 =	vmul.f32 v17, v12;
	[tilespmem:s10+$0xFFFFFF60] =	vst v1  }
0x1ed: {  	v40 =	vld [tilespmem:s10+$0x40];
	v10 =	vmul.f32 v10, v37;
	[tilespmem:s10+$0xFFFFFF90] =	vst v2  }
0x1ee: {  	v38 =	vld [tilespmem:s10+$0xFFFFFFE0];
	v39 =	vmul.f32 v31, v12;
	[tilespmem:s10+$0xB0] =	vst v43  }
0x1ef: {  	v52 =	vbroadcast v3, $0x1;
	v55 =	vld [tilespmem:s10+$0xF0];
	v18 =	vmul.f32 v32, v37;
	[tilespmem:s10+$0x60] =	vst v10  }
0x1f0: {  	v49 =	vld [tilespmem:s10+$0xFFFFFF70];
	v56 =	vbroadcast v3, $0xA;
	v53 =	vmul.f32 v34, v45;
	[tilespmem:s10+$0xA0] =	vst v39  }
0x1f1: {  	v46 =	vld [tilespmem:s10+$0x30];
	v13 =	vmul.f32 v36, v52;
	[tilespmem:s10+$0x70] =	vst v18  }
0x1f2: {  	v50 =	vld [tilespmem:s10+$0xFFFFFF80];
	v58 =	vmul.f32 v40, v56;
	[tilespmem:s10+$0xFFFFFFB0] =	vst v53  }
0x1f3: {  	v44 =	vld [tilespmem:s10+$0x20];
	v8 =	vmul.f32 v38, v47;
	[tilespmem:s10+$0xFFFFFF20] =	vst v13  }
0x1f4: {  	v57 =	vld [tilespmem:s10+$0xFFFFFF30];
	v60 =	vbroadcast v3, $0x9;
	v1 =	vmul.f32 v55, v5;
	[tilespmem:s10+$0x40] =	vst v58  }
0x1f5: {  	v42 =	vld [tilespmem:s10+$0x50];
	v61 =	vmul.f32 v49, v54;
	[tilespmem:s10+$0xFFFFFFE0] =	vst v8  }
0x1f6: {  	v48 =	vld [tilespmem:s10+$0x0];
	v2 =	vmul.f32 v46, v60;
	[tilespmem:s10+$0xF0] =	vst v1  }
0x1f7: {  	v51 =	vld [tilespmem:s10+$0x10];
	v62 =	vmul.f32 v50, v59;
	[tilespmem:s10+$0xFFFFFF70] =	vst v61  }
0x1f8: {  	v1 =	vmul.f32 v44, v60;
	[tilespmem:s10+$0x30] =	vst v2  }
0x1f9: {  	v3 =	vbroadcast v3, $0x8;
	v63 =	vmul.f32 v57, v52;
	[tilespmem:s10+$0xFFFFFF80] =	vst v62  }
0x1fa: {  	[tilespmem:s10+$0x20] =	vst v1;
	v1 =	vmul.f32 v42, v56  }
0x1fb: {  	v2 =	vmul.f32 v48, v3;
	[tilespmem:s10+$0xFFFFFF30] =	vst v63  }
0x1fc: {  	[tilespmem:s10+$0x50] =	vst v1;
	v1 =	vmul.f32 v51, v3  }
0x1fd: {  	[tilespmem:s10+$0x0] =	vst v2  }
0x1fe: {  	[tilespmem:s10+$0x10] =	vst v1  }
0x1ff: {  	[spmem:s3] =	stream.indirect.scatter.add.f32 [tilespmem:s17], [sflag:$0x3], $0x20, s19, s18, $0xb8;
	[tilespmem:$0x1F270] =	vst v63  }
0x200: {  	_ =	swait.ge [sflag:s8], $0x3200  }
0x201: {  	[sflag:s8] =	ssyncset.done $0x0  }
0x202: {  	[sflag:s8] =	ssyncadd.s32 $0xFFFFCE00  }
0x203: {  	_ =	swait.ge [sflag:s8], $0x190  }
0x204: {  	[sflag:s8] =	ssyncset.done $0x0  }
0x205: {  	[sflag:s8] =	ssyncadd.s32 $0xFFFFFE70  }
0x206: {  	p0 =	seq.s32 s29, $0x18;
	_ =	swait.ge [sflag:s8], $0x190  }
0x207: {  	s2 =	sadd.s32 @!p0 s31, s23;
	s26 =	simm.s32 @!p0 $0x100;
	[sflag:s8] =	ssyncset.done $0x0  }
0x208: {  	s11 =	sshll.u32 @!p0 s2, $0x8;
	s10 =	simm.s32 @!p0 $0x3;
	[sflag:s8] =	ssyncadd.s32 $0xFFFFFE70  }
0x209: {  	s30 =	simm.s32 @!p0 $0x13880;
	s11 =	sor.u32 @!p0 s21, s11;
	_ =	swait.ge @!p0 [sflag:s10], $0x3200  }
0x20a: {  	s2 =	sshrl.u32 @!p0 s2, $0x3;
	s11 =	sshrl.u32 @!p0 s11, $0x3;
	[sflag:s10] =	ssyncset.done @!p0 $0x0  }
0x20b: {  	[sflag:s10] =	ssyncadd.s32 @!p0 $0xFFFFCE00;
	s10 =	sadd.s32 @!p0 s1, s11;
	s11 =	simm.s32 @!p0 $0x20  }
0x20c: {  	[tilespmem:s30], [sflag:$0x1] =	stream.strided.gather @!p0 [hbm4b:s10+s11], $0x3200, s26, s11, $0x38;
	[tilespmem:$0x1F270] =	vst v63  }
0x20d: {  	s10 =	sadd.s32 @!p0 s6, s2;
	s11 =	simm.s32 @!p0 $0x0;
	s26 =	simm.s32 @!p0 $0x19FA0  }
0x20e: {  	[tilespmem:s26], [sflag:$0x1] =	stream.linear.gather @!p0 [hbm4b:s10+s11], $0x190, $0x38;
	[tilespmem:$0x1F270] =	vst v63  }
0x20f: {  	s2 =	sadd.s32 @!p0 s5, s2;
	s10 =	simm.s32 @!p0 $0x19C80;
	s26 =	simm.s32 $0x0  }
0x210: {  	[tilespmem:s10], [sflag:$0x1] =	stream.linear.gather @!p0 [hbm4b:s2+s11], $0x190, $0x38;
	[tilespmem:$0x1F270] =	vst v63  }
0x211: {  	v1 =	vld [tilespmem:s26+$0x19E10];
	_ =	sdelay $0x4  }
0x212: {  	v1 =	vshll.u32 v1, $0x3;
	_ =	sdelay $0x1  }
0x213: {  	s10 =	simm.s32 $0x10  }
0x214: {  	v2 =	vld [tilespmem:s10+$0x19E10]  }
0x215: {  	s2 =	simm.s32 $0x0  }
0x216: {  	v3 =	vld.idx.msk [tilespmem:v1+s2+$0x0], $0xffff;
	_ =	sdelay $0x2  }
0x217: {  	v1 =	vshll.u32 v2, $0x3;
	_ =	sdelay $0x1  }
0x218: {  	v2 =	vmul.f32 $9.499999880e-01, v3  }
0x219: {  	s31 =	simm.s32 $0x40;
	s30 =	simm.s32 $0x20;
	s11 =	simm.s32 $0xC0  }
.LBB2_17:
0x21a: {  	p0 =	sne.s32 s11, $0x600;
	v3 =	vld [tilespmem:s30+$0x19E10];
	[tilespmem:s26+$0x1A2C0] =	vst v2;
	s26 =	smov.u32 s10;
	s10 =	smov.u32 s30  }
0x21b: {  	v2 =	vld.idx.msk [tilespmem:v1+s2+$0x0], $0xffff;
	_ =	sdelay $0x2  }
.Ltmp8:
0x21c: {  	(pc) =	sbr.rel @p0 .LBB2_17-.Ltmp8, $3  }
0x21d: {  	v1 =	vshll.u32 v3, $0x3;
	_ =	sdelay $0x1  }
0x21e: {  	v2 =	vmul.f32 $9.499999880e-01, v2  }
0x21f: {  	s30 =	sshra.s32 s11, $0x2;
	s11 =	sadd.s32 $0x40, s11  }
0x220: {  	_ =	sdelay $0x1  }
0x221: {  	v3 =	vld [tilespmem:s30+$0x19E10]  }
0x222: {  	[tilespmem:s26+$0x1A2C0] =	vst v2  }
0x223: {  	v1 =	vld.idx.msk [tilespmem:v1+s2+$0x0], $0xffff;
	_ =	sdelay $0x2  }
0x224: {  	v2 =	vshll.u32 v3, $0x3;
	_ =	sdelay $0x1  }
0x225: {  	v1 =	vmul.f32 $9.499999880e-01, v1;
	_ =	sdelay $0x1  }
0x226: {  	[tilespmem:s10+$0x1A2C0] =	vst v1  }
0x227: {  	v1 =	vld.idx.msk [tilespmem:v2+s2+$0x0], $0xffff;
	_ =	sdelay $0x4  }
0x228: {  	v1 =	vmul.f32 $9.499999880e-01, v1;
	_ =	sdelay $0x1  }
0x229: {  	s10 =	simm.s32 $0x16B80;
	[tilespmem:s30+$0x1A2C0] =	vst v1  }
0x22a: {  	v6 =	vld [tilespmem:s10+$0xFFFFFFA0]  }
0x22b: {  	v4 =	vld [tilespmem:s10+$0xFFFFFFF0]  }
0x22c: {  	v1 =	vld [tilespmem:s10+$0xFFFFFF60]  }
0x22d: {  	v7 =	vld [tilespmem:s10+$0xFFFFFFD0]  }
0x22e: {  	v8 =	vld [tilespmem:s10+$0x80]  }
0x22f: {  	v11 =	vld [tilespmem:s10+$0xFFFFFF10]  }
0x230: {  	v15 =	vld [tilespmem:s10+$0xE0]  }
0x231: {  	v10 =	vld [tilespmem:s10+$0xFFFFFF40]  }
0x232: {  	s30 =	simm.s32 $0x0;
	v2 =	vld [tilespmem:s10+$0xFFFFFF90]  }
0x233: {  	v3 =	vld [tilespmem:s30+$0x1A2C0]  }
0x234: {  	v9 =	vld [tilespmem:s10+$0xFFFFFFC0]  }
0x235: {  	v12 =	vld [tilespmem:s10+$0xFFFFFF00]  }
0x236: {  	v14 =	vld [tilespmem:s10+$0xD0]  }
0x237: {  	v22 =	vld [tilespmem:s10+$0xC0]  }
0x238: {  	v20 =	vld [tilespmem:s10+$0x90];
	v18 =	vbroadcast v3, $0x0;
	v5 =	vbroadcast v3, $0xF  }
0x239: {  	v21 =	vld [tilespmem:s10+$0xFFFFFF50];
	v19 =	vbroadcast v3, $0x2;
	v17 =	vbroadcast v3, $0xE  }
0x23a: {  	v16 =	vld [tilespmem:s10+$0xB0];
	v13 =	vbroadcast v3, $0xC;
	v24 =	vmul.f32 v12, v18  }
0x23b: {  	s26 =	simm.s32 $0x16B80;
	v12 =	vbroadcast v3, $0xD;
	v23 =	vmul.f32 v10, v19;
	v10 =	vld [tilespmem:s10+$0x60]  }
.LBB2_19:
0x23c: {  	p0 =	sne.s32 s31, $0x600  }
0x23d: {  	[tilespmem:s10+$0xFFFFFF00] =	vst v24;
	v24 =	vld [tilespmem:s10+$0xFFFFFFB0];
	v22 =	vmul.f32 v22, v17;
	v15 =	vmul.f32 v15, v5;
	s26 =	sadd.s32 $0x200, s26;
	s2 =	smov.u32 s31;
	s31 =	sadd.s32 $0x40, s31  }
0x23e: {  	[tilespmem:s10+$0xFFFFFF40] =	vst v23;
	v23 =	vbroadcast v3, $0xA;
	v20 =	vmul.f32 v20, v13;
	v25 =	vld [tilespmem:s10+$0xA0]  }
0x23f: {  	v11 =	vmul.f32 v11, v18;
	v18 =	vmul.f32 v21, v19;
	v19 =	vld [tilespmem:s10+$0x70];
	[tilespmem:s10+$0xE0] =	vst v15  }
0x240: {  	v15 =	vbroadcast v3, $0x5;
	v21 =	vld [tilespmem:s10+$0xFFFFFFE0];
	v16 =	vmul.f32 v16, v12;
	[tilespmem:s10+$0xC0] =	vst v22  }
0x241: {  	v14 =	vmul.f32 v14, v17;
	[tilespmem:s10+$0xFFFFFF10] =	vst v11;
	v11 =	vbroadcast v3, $0x6;
	v22 =	vld [tilespmem:s10+$0x40]  }
0x242: {  	v26 =	vbroadcast v3, $0xB;
	v6 =	vmul.f32 v6, v15;
	v17 =	vld [tilespmem:s10+$0xFFFFFF20];
	[tilespmem:s10+$0x90] =	vst v20  }
0x243: {  	v20 =	vbroadcast v3, $0x9;
	[tilespmem:s10+$0xFFFFFF50] =	vst v18;
	v18 =	vld [tilespmem:s10+$0x20];
	v12 =	vmul.f32 v25, v12  }
0x244: {  	v15 =	vmul.f32 v24, v15;
	v24 =	vld [tilespmem:s10+$0x50];
	v19 =	vmul.f32 v19, v26;
	[tilespmem:s10+$0xD0] =	vst v14  }
0x245: {  	v8 =	vmul.f32 v8, v13;
	v14 =	vbroadcast v3, $0x7;
	v25 =	vld [tilespmem:s10+$0x30];
	[tilespmem:s10+$0xA0] =	vst v12  }
0x246: {  	v9 =	vmul.f32 v9, v11;
	v12 =	vbroadcast v3, $0x3;
	v13 =	vld [tilespmem:s10+$0x0];
	[tilespmem:s10+$0x70] =	vst v19  }
0x247: {  	v10 =	vmul.f32 v10, v26;
	v7 =	vmul.f32 v7, v11;
	v11 =	vld [tilespmem:s10+$0x10];
	[tilespmem:s10+$0x80] =	vst v8  }
0x248: {  	v19 =	vbroadcast v3, $0x8;
	v22 =	vmul.f32 v22, v23;
	v8 =	vld [tilespmem:s10+$0xFFFFFF30];
	[tilespmem:s10+$0xB0] =	vst v16  }
0x249: {  	v16 =	vbroadcast v3, $0x1;
	v26 =	vld [tilespmem:s10+$0xFFFFFF70];
	[tilespmem:s10+$0xFFFFFFD0] =	vst v7;
	v23 =	vmul.f32 v24, v23  }
0x24a: {  	v4 =	vmul.f32 v4, v14;
	v7 =	vmul.f32 v21, v14;
	[tilespmem:s10+$0xFFFFFFC0] =	vst v9;
	v9 =	vld [tilespmem:s10+$0xF0]  }
0x24b: {  	v21 =	vmul.f32 v25, v20;
	v14 =	vld [tilespmem:s10+$0xFFFFFF80];
	[tilespmem:s10+$0xFFFFFFA0] =	vst v6;
	v13 =	vmul.f32 v13, v19  }
0x24c: {  	v6 =	vld [tilespmem:s26+$0xFFFFFFA0];
	[tilespmem:s10+$0xFFFFFFF0] =	vst v4;
	v19 =	vmul.f32 v11, v19;
	v11 =	vmul.f32 v18, v20  }
0x24d: {  	v4 =	vmul.f32 v17, v16;
	v16 =	vmul.f32 v8, v16;
	[tilespmem:s10+$0x60] =	vst v10  }
0x24e: {  	v1 =	vmul.f32 v1, v12;
	v8 =	vmul.f32 v26, v12;
	[tilespmem:s10+$0xFFFFFFB0] =	vst v15  }
0x24f: {  	v3 =	vbroadcast v3, $0x4;
	[tilespmem:s10+$0xFFFFFF20] =	vst v4;
	v4 =	vmul.f32 v9, v5  }
0x250: {  	[tilespmem:s10+$0xFFFFFF60] =	vst v1  }
0x251: {  	v5 =	vmul.f32 v14, v3;
	v1 =	vmul.f32 v2, v3;
	[tilespmem:s10+$0x40] =	vst v22  }
0x252: {  	[tilespmem:s10+$0xFFFFFFE0] =	vst v7  }
0x253: {  	[tilespmem:s10+$0xF0] =	vst v4  }
0x254: {  	[tilespmem:s10+$0xFFFFFF90] =	vst v1  }
0x255: {  	v4 =	vld [tilespmem:s26+$0xFFFFFFF0];
	[tilespmem:s10+$0xFFFFFF70] =	vst v8  }
0x256: {  	v1 =	vld [tilespmem:s26+$0xFFFFFF60];
	[tilespmem:s10+$0x20] =	vst v11  }
0x257: {  	v7 =	vld [tilespmem:s26+$0xFFFFFFD0];
	[tilespmem:s10+$0x30] =	vst v21  }
0x258: {  	v8 =	vld [tilespmem:s26+$0x80];
	[tilespmem:s10+$0xFFFFFF80] =	vst v5  }
0x259: {  	v11 =	vld [tilespmem:s26+$0xFFFFFF10];
	[tilespmem:s10+$0x50] =	vst v23  }
0x25a: {  	v15 =	vld [tilespmem:s26+$0xE0];
	[tilespmem:s10+$0x0] =	vst v13  }
0x25b: {  	v10 =	vld [tilespmem:s26+$0xFFFFFF40];
	[tilespmem:s10+$0xFFFFFF30] =	vst v16  }
0x25c: {  	s2 =	sshra.s32 s2, $0x2;
	v2 =	vld [tilespmem:s26+$0xFFFFFF90];
	[tilespmem:s10+$0x10] =	vst v19;
	s10 =	smov.u32 s26  }
0x25d: {  	v3 =	vld [tilespmem:s2+$0x1A2C0]  }
0x25e: {  	v9 =	vld [tilespmem:s26+$0xFFFFFFC0]  }
0x25f: {  	v12 =	vld [tilespmem:s26+$0xFFFFFF00]  }
0x260: {  	v14 =	vld [tilespmem:s26+$0xD0]  }
.Ltmp9:
0x261: {  	v22 =	vld [tilespmem:s26+$0xC0];
	(pc) =	sbr.rel @p0 .LBB2_19-.Ltmp9, $4  }
0x262: {  	v18 =	vbroadcast v3, $0x0;
	v20 =	vld [tilespmem:s26+$0x90];
	v5 =	vbroadcast v3, $0xF  }
0x263: {  	v19 =	vbroadcast v3, $0x2;
	v17 =	vbroadcast v3, $0xE;
	v21 =	vld [tilespmem:s26+$0xFFFFFF50]  }
0x264: {  	v24 =	vmul.f32 v12, v18;
	v12 =	vbroadcast v3, $0xD;
	v16 =	vld [tilespmem:s26+$0xB0]  }
0x265: {  	v13 =	vbroadcast v3, $0xC;
	v23 =	vmul.f32 v10, v19;
	v10 =	vld [tilespmem:s26+$0x60]  }
0x266: {  	[tilespmem:s10+$0xFFFFFF00] =	vst v24;
	v15 =	vmul.f32 v15, v5  }
0x267: {  	v22 =	vmul.f32 v22, v17;
	[tilespmem:s10+$0xFFFFFF40] =	vst v23  }
0x268: {  	v11 =	vmul.f32 v11, v18;
	[tilespmem:s10+$0xE0] =	vst v15  }
0x269: {  	v35 =	vmul.f32 v14, v17;
	[tilespmem:s10+$0xC0] =	vst v22  }
0x26a: {  	v33 =	vmul.f32 v20, v13;
	[tilespmem:s10+$0xFFFFFF10] =	vst v11  }
0x26b: {  	v41 =	vbroadcast v3, $0x6;
	v8 =	vmul.f32 v8, v13;
	[tilespmem:s10+$0xD0] =	vst v35  }
0x26c: {  	v19 =	vmul.f32 v21, v19;
	[tilespmem:s10+$0x90] =	vst v33  }
0x26d: {  	v45 =	vbroadcast v3, $0x5;
	v7 =	vmul.f32 v7, v41;
	[tilespmem:s10+$0x80] =	vst v8  }
0x26e: {  	v47 =	vbroadcast v3, $0x7;
	v9 =	vmul.f32 v9, v41;
	[tilespmem:s10+$0xFFFFFF50] =	vst v19  }
0x26f: {  	v54 =	vbroadcast v3, $0x3;
	v6 =	vmul.f32 v6, v45;
	[tilespmem:s10+$0xFFFFFFD0] =	vst v7  }
0x270: {  	v31 =	vld [tilespmem:s10+$0xA0];
	v59 =	vbroadcast v3, $0x4;
	v4 =	vmul.f32 v4, v47;
	[tilespmem:s10+$0xFFFFFFC0] =	vst v9  }
0x271: {  	v32 =	vld [tilespmem:s10+$0x70];
	v1 =	vmul.f32 v1, v54;
	[tilespmem:s10+$0xFFFFFFA0] =	vst v6  }
0x272: {  	v34 =	vld [tilespmem:s10+$0xFFFFFFB0];
	v37 =	vbroadcast v3, $0xB;
	v2 =	vmul.f32 v2, v59;
	[tilespmem:s10+$0xFFFFFFF0] =	vst v4  }
0x273: {  	v36 =	vld [tilespmem:s10+$0xFFFFFF20];
	v43 =	vmul.f32 v16, v12;
	[tilespmem:s10+$0xFFFFFF60] =	vst v1  }
0x274: {  	v40 =	vld [tilespmem:s10+$0x40];
	v10 =	vmul.f32 v10, v37;
	[tilespmem:s10+$0xFFFFFF90] =	vst v2  }
0x275: {  	v38 =	vld [tilespmem:s10+$0xFFFFFFE0];
	v39 =	vmul.f32 v31, v12;
	[tilespmem:s10+$0xB0] =	vst v43  }
0x276: {  	v52 =	vbroadcast v3, $0x1;
	v55 =	vld [tilespmem:s10+$0xF0];
	v18 =	vmul.f32 v32, v37;
	[tilespmem:s10+$0x60] =	vst v10  }
0x277: {  	v49 =	vld [tilespmem:s10+$0xFFFFFF70];
	v56 =	vbroadcast v3, $0xA;
	v53 =	vmul.f32 v34, v45;
	[tilespmem:s10+$0xA0] =	vst v39  }
0x278: {  	v46 =	vld [tilespmem:s10+$0x30];
	v14 =	vmul.f32 v36, v52;
	[tilespmem:s10+$0x70] =	vst v18  }
0x279: {  	v50 =	vld [tilespmem:s10+$0xFFFFFF80];
	v58 =	vmul.f32 v40, v56;
	[tilespmem:s10+$0xFFFFFFB0] =	vst v53  }
0x27a: {  	v44 =	vld [tilespmem:s10+$0x20];
	v8 =	vmul.f32 v38, v47;
	[tilespmem:s10+$0xFFFFFF20] =	vst v14  }
0x27b: {  	v57 =	vld [tilespmem:s10+$0xFFFFFF30];
	v60 =	vbroadcast v3, $0x9;
	v1 =	vmul.f32 v55, v5;
	[tilespmem:s10+$0x40] =	vst v58  }
0x27c: {  	v42 =	vld [tilespmem:s10+$0x50];
	v61 =	vmul.f32 v49, v54;
	[tilespmem:s10+$0xFFFFFFE0] =	vst v8  }
0x27d: {  	v48 =	vld [tilespmem:s10+$0x0];
	v2 =	vmul.f32 v46, v60;
	[tilespmem:s10+$0xF0] =	vst v1  }
0x27e: {  	v51 =	vld [tilespmem:s10+$0x10];
	v62 =	vmul.f32 v50, v59;
	[tilespmem:s10+$0xFFFFFF70] =	vst v61  }
0x27f: {  	v1 =	vmul.f32 v44, v60;
	[tilespmem:s10+$0x30] =	vst v2  }
0x280: {  	v3 =	vbroadcast v3, $0x8;
	s29 =	sadd.s32 $0x1, s29;
	v63 =	vmul.f32 v57, v52;
	[tilespmem:s10+$0xFFFFFF80] =	vst v62  }
0x281: {  	p0 =	sne.s32 s29, $0x19;
	[tilespmem:s10+$0x20] =	vst v1;
	v1 =	vmul.f32 v42, v56  }
.Ltmp10:
0x282: {  	v2 =	vmul.f32 v48, v3;
	[tilespmem:s10+$0xFFFFFF30] =	vst v63;
	(pc) =	sbr.rel @p0 .LBB2_12-.Ltmp10, $4  }
0x283: {  	[tilespmem:s10+$0x50] =	vst v1;
	v1 =	vmul.f32 v51, v3  }
0x284: {  	[tilespmem:s10+$0x0] =	vst v2  }
0x285: {  	[tilespmem:s10+$0x10] =	vst v1  }
0x286: {  	[spmem:s3] =	stream.indirect.scatter.add.f32 [tilespmem:s0], [sflag:$0x4], $0x20, s7, s18, $0xb8;
	[tilespmem:$0x1F270] =	vst v63  }
0x287: {  	_ =	swait.ge [sflag:s16], $0x3200  }
0x288: {  	[sflag:s16] =	ssyncset.done $0x0  }
0x289: {  	[sflag:s16] =	ssyncadd.s32 $0xFFFFCE00  }
0x28a: {  	_ =	swait.ge [sflag:s14], $0x3200  }
0x28b: {  	[sflag:s14] =	ssyncset.done $0x0  }
0x28c: {  	[sflag:s14] =	ssyncadd.s32 $0xFFFFCE00  }
0x28d: {  	[bflag:$0x0] =	sbarrier.arrive $0xFFFF  }
0x28e: {  	s11 =	sld [smem:$0x7F0]  }
0x28f: {  	s2 =	rddreg [dreg:$0x8]  }
0x290: {  	s10 =	simm.s32 $0x10;
	s26 =	rddreg [dreg:$0xd]  }
0x291: {  	[hbm:s2@s10], [sflag:s26] =	dma.strided [spmem:s11@s14], $0x9C4, s24, $0x4   }
0x292: {  	s10 =	simm.s32 $0x5  }
0x293: {  	_ =	swait.ge [sflag:s10], $0x9C4  }
0x294: {  	[sflag:s10] =	ssyncset.done $0x0  }
0x295: {  	s25 =	rddreg [dreg:$0x6];
	[sflag:s10] =	ssyncadd.s32 $0xFFFFF63C  }
0x296: {  	[spmem:s11], [sflag:s26] =	dma.local [hbm:s25], $0x9C4  }
0x297: {  	_ =	swait.ge [sflag:s10], $0x9C4  }
0x298: {  	[sflag:s10] =	ssyncset.done $0x0  }
0x299: {  	[sflag:s10] =	ssyncadd.s32 $0xFFFFF63C  }
0x29a: {  	[bflag:$0x0] =	sbarrier.arrive $0xFFFF  }
0x29b: {  	s10 =	rddreg [dreg:$0x13]  }
0x29c: {  	[tilespmem:s17], [sflag:$0x1] =	stream.strided.gather [hbm4b:s10+s15], $0x3200, s28, s15, $0x38;
	[tilespmem:$0x1F270] =	vst v63  }
0x29d: {  	s2 =	simm.s32 $0x0;
	s30 =	rddreg [dreg:$0xf]  }
0x29e: {  	[tilespmem:s19], [sflag:$0x1] =	stream.linear.gather [hbm4b:s30+s2], $0x190, $0x38;
	[tilespmem:$0x1F270] =	vst v63  }
0x29f: {  	_ =	swait.ge [sflag:s24], $0x3200  }
0x2a0: {  	[sflag:s24] =	ssyncset.done $0x0  }
0x2a1: {  	[sflag:s24] =	ssyncadd.s32 $0xFFFFCE00  }
0x2a2: {  	_ =	swait.ge [sflag:s24], $0x190  }
0x2a3: {  	[sflag:s24] =	ssyncset.done $0x0  }
0x2a4: {  	s11 =	rddreg [dreg:$0x18];
	[sflag:s24] =	ssyncadd.s32 $0xFFFFFE70  }
0x2a5: {  	[tilespmem:s0], [sflag:$0x2] =	stream.strided.gather [hbm4b:s11+s15], $0x3200, s28, s15, $0x38;
	[tilespmem:$0x1F270] =	vst v63  }
0x2a6: {  	s31 =	rddreg [dreg:$0x19]  }
0x2a7: {  	[tilespmem:s7], [sflag:$0x2] =	stream.linear.gather [hbm4b:s31+s2], $0x190, $0x38;
	[tilespmem:$0x1F270] =	vst v63  }
0x2a8: {  	_ = 	snop  }
0x2a9: {  	[spmem:s3] =	stream.indirect.scatter.add.f32 [tilespmem:s17], [sflag:$0x3], $0x20, s19, s18, $0xb8;
	[tilespmem:$0x1F270] =	vst v63  }
0x2aa: {  	_ =	swait.ge [sflag:s8], $0x3200  }
0x2ab: {  	[sflag:s8] =	ssyncset.done $0x0  }
0x2ac: {  	[sflag:s8] =	ssyncadd.s32 $0xFFFFCE00  }
0x2ad: {  	_ =	swait.ge [sflag:s8], $0x190  }
0x2ae: {  	[sflag:s8] =	ssyncset.done $0x0  }
0x2af: {  	[sflag:s8] =	ssyncadd.s32 $0xFFFFFE70  }
0x2b0: {  	_ =	swait.ge [sflag:s16], $0x3200  }
0x2b1: {  	[sflag:s16] =	ssyncset.done $0x0;
	s11 =	rddreg [dreg:$0x1a]  }
0x2b2: {  	s10 =	sld [smem:$0x7F3];
	[sflag:s16] =	ssyncadd.s32 $0xFFFFCE00  }
0x2b3: {  	[tilespmem:s17], [sflag:$0x1] =	stream.strided.gather [hbm4b:s11+s15], $0x3200, s28, s15, $0x38;
	[tilespmem:$0x1F270] =	vst v63  }
0x2b4: {  	s11 =	rddreg [dreg:$0x1b]  }
0x2b5: {  	[tilespmem:s19], [sflag:$0x1] =	stream.linear.gather [hbm4b:s11+s2], $0x190, $0x38;
	[tilespmem:$0x1F270] =	vst v63  }
0x2b6: {  	s29 =	rddreg [dreg:$0xe]  }
0x2b7: {  	[spmem:s3] =	stream.indirect.scatter.add.f32 [tilespmem:s0], [sflag:$0x4], $0x20, s7, s18, $0xb8;
	[tilespmem:$0x1F270] =	vst v63  }
.LBB2_22:
0x2b8: {  	_ =	swait.ge [sflag:s24], $0x3200  }
0x2b9: {  	[sflag:s24] =	ssyncset.done $0x0  }
0x2ba: {  	[sflag:s24] =	ssyncadd.s32 $0xFFFFCE00  }
0x2bb: {  	_ =	swait.ge [sflag:s24], $0x190  }
0x2bc: {  	[sflag:s24] =	ssyncset.done $0x0  }
0x2bd: {  	[sflag:s24] =	ssyncadd.s32 $0xFFFFFE70  }
0x2be: {  	_ =	swait.ge [sflag:s14], $0x3200  }
0x2bf: {  	s11 =	sld [smem:$0x7F5];
	_ =	sdelay $0x1  }
0x2c0: {  	[sflag:s14] =	ssyncset.done $0x0  }
0x2c1: {  	[sflag:s14] =	ssyncadd.s32 $0xFFFFCE00;
	s11 =	sadd.s32 s2, s11  }
0x2c2: {  	[tilespmem:s0], [sflag:$0x2] =	stream.strided.gather [hbm4b:s11+s15], $0x3200, s28, s15, $0x38;
	[tilespmem:$0x1F270] =	vst v63  }
0x2c3: {  	s11 =	sadd.s32 $0xFFFFFFCE, s10  }
0x2c4: {  	[tilespmem:s7], [sflag:$0x2] =	stream.linear.gather [hbm4b:s11+s4], $0x190, $0x38;
	[tilespmem:$0x1F270] =	vst v63  }
0x2c5: {  	_ = 	snop  }
0x2c6: {  	[spmem:s3] =	stream.indirect.scatter.add.f32 [tilespmem:s17], [sflag:$0x3], $0x20, s19, s18, $0xb8;
	[tilespmem:$0x1F270] =	vst v63  }
0x2c7: {  	p0 =	seq.s32 s2, $0x8FC00;
	_ =	swait.ge [sflag:s8], $0x3200  }
.Ltmp11:
0x2c8: {  	[sflag:s8] =	ssyncset.done $0x0;
	(pc) =	sbr.rel @p0 .LBB2_24-.Ltmp11, $4  }
0x2c9: {  	[sflag:s8] =	ssyncadd.s32 $0xFFFFCE00  }
0x2ca: {  	_ =	swait.ge [sflag:s8], $0x190  }
0x2cb: {  	[sflag:s8] =	ssyncset.done $0x0  }
0x2cc: {  	[sflag:s8] =	ssyncadd.s32 $0xFFFFFE70  }
0x2cd: {  	_ =	swait.ge [sflag:s16], $0x3200  }
0x2ce: {  	s11 =	sld [smem:$0x7F4];
	_ =	sdelay $0x1  }
0x2cf: {  	[sflag:s16] =	ssyncset.done $0x0  }
0x2d0: {  	[sflag:s16] =	ssyncadd.s32 $0xFFFFCE00;
	s11 =	sadd.s32 s2, s11  }
0x2d1: {  	[tilespmem:s17], [sflag:$0x1] =	stream.strided.gather [hbm4b:s11+s15], $0x3200, s28, s15, $0x38;
	[tilespmem:$0x1F270] =	vst v63  }
.Ltmp12:
0x2d2: {  	_ = 	snop;
	(pc) =	sbr.rel .LBB2_22-.Ltmp12, $4  }
0x2d3: {  	_ = 	snop  }
0x2d4: {  	[tilespmem:s19], [sflag:$0x1] =	stream.linear.gather [hbm4b:s10+s4], $0x190, $0x38;
	[tilespmem:$0x1F270] =	vst v63  }
0x2d5: {  	s2 =	sadd.s32 $0x6400, s2;
	s10 =	sadd.s32 $0x64, s10  }
0x2d6: {  	[spmem:s3] =	stream.indirect.scatter.add.f32 [tilespmem:s0], [sflag:$0x4], $0x20, s7, s18, $0xb8;
	[tilespmem:$0x1F270] =	vst v63  }
.LBB2_24:
0x2d7: {  	[spmem:s3] =	stream.indirect.scatter.add.f32 [tilespmem:s0], [sflag:$0x4], $0x20, s7, s18, $0xb8;
	[tilespmem:$0x1F270] =	vst v63  }
0x2d8: {  	_ =	swait.ge [sflag:s16], $0x3200  }
0x2d9: {  	[sflag:s16] =	ssyncset.done $0x0  }
0x2da: {  	[sflag:s16] =	ssyncadd.s32 $0xFFFFCE00  }
0x2db: {  	_ =	swait.ge [sflag:s14], $0x3200  }
0x2dc: {  	[sflag:s14] =	ssyncset.done $0x0  }
0x2dd: {  	[sflag:s14] =	ssyncadd.s32 $0xFFFFCE00  }
0x2de: {  	[bflag:$0x0] =	sbarrier.arrive $0xFFFF  }
0x2df: {  	s11 =	sld [smem:$0x7F0];
	_ =	sdelay $0x1  }
0x2e0: {  	s10 =	simm.s32 $0x10;
	s2 =	rddreg [dreg:$0x9]  }
0x2e1: {  	[hbm:s2@s10], [sflag:s26] =	dma.strided [spmem:s11@s14], $0x9C4, s24, $0x4   }
0x2e2: {  	s10 =	simm.s32 $0x5  }
0x2e3: {  	_ =	swait.ge [sflag:s10], $0x9C4  }
0x2e4: {  	[sflag:s10] =	ssyncset.done $0x0  }
0x2e5: {  	[sflag:s10] =	ssyncadd.s32 $0xFFFFF63C  }
0x2e6: {  	[spmem:s11], [sflag:s26] =	dma.local [hbm:s25], $0x9C4  }
0x2e7: {  	_ =	swait.ge [sflag:s10], $0x9C4  }
0x2e8: {  	[sflag:s10] =	ssyncset.done $0x0  }
0x2e9: {  	[sflag:s10] =	ssyncadd.s32 $0xFFFFF63C  }
0x2ea: {  	[bflag:$0x0] =	sbarrier.arrive $0xFFFF  }
0x2eb: {  	s10 =	rddreg [dreg:$0x14]  }
0x2ec: {  	[tilespmem:s17], [sflag:$0x1] =	stream.strided.gather [hbm4b:s10+s15], $0x3200, s28, s15, $0x38;
	[tilespmem:$0x1F270] =	vst v63  }
0x2ed: {  	s2 =	simm.s32 $0x0  }
0x2ee: {  	[tilespmem:s19], [sflag:$0x1] =	stream.linear.gather [hbm4b:s30+s2], $0x190, $0x38;
	[tilespmem:$0x1F270] =	vst v63  }
0x2ef: {  	_ =	swait.ge [sflag:s24], $0x3200  }
0x2f0: {  	[sflag:s24] =	ssyncset.done $0x0  }
0x2f1: {  	[sflag:s24] =	ssyncadd.s32 $0xFFFFCE00  }
0x2f2: {  	_ =	swait.ge [sflag:s24], $0x190  }
0x2f3: {  	[sflag:s24] =	ssyncset.done $0x0  }
0x2f4: {  	s11 =	rddreg [dreg:$0x1c];
	[sflag:s24] =	ssyncadd.s32 $0xFFFFFE70  }
0x2f5: {  	[tilespmem:s0], [sflag:$0x2] =	stream.strided.gather [hbm4b:s11+s15], $0x3200, s28, s15, $0x38;
	[tilespmem:$0x1F270] =	vst v63  }
0x2f6: {  	_ = 	snop  }
0x2f7: {  	[tilespmem:s7], [sflag:$0x2] =	stream.linear.gather [hbm4b:s31+s2], $0x190, $0x38;
	[tilespmem:$0x1F270] =	vst v63  }
0x2f8: {  	_ = 	snop  }
0x2f9: {  	[spmem:s3] =	stream.indirect.scatter.add.f32 [tilespmem:s17], [sflag:$0x3], $0x20, s19, s18, $0xb8;
	[tilespmem:$0x1F270] =	vst v63  }
0x2fa: {  	_ =	swait.ge [sflag:s8], $0x3200  }
0x2fb: {  	[sflag:s8] =	ssyncset.done $0x0  }
0x2fc: {  	[sflag:s8] =	ssyncadd.s32 $0xFFFFCE00  }
0x2fd: {  	_ =	swait.ge [sflag:s8], $0x190  }
0x2fe: {  	[sflag:s8] =	ssyncset.done $0x0  }
0x2ff: {  	[sflag:s8] =	ssyncadd.s32 $0xFFFFFE70  }
0x300: {  	_ =	swait.ge [sflag:s16], $0x3200  }
0x301: {  	[sflag:s16] =	ssyncset.done $0x0  }
0x302: {  	s11 =	rddreg [dreg:$0x1d];
	[sflag:s16] =	ssyncadd.s32 $0xFFFFCE00  }
0x303: {  	[tilespmem:s17], [sflag:$0x1] =	stream.strided.gather [hbm4b:s11+s15], $0x3200, s28, s15, $0x38;
	[tilespmem:$0x1F270] =	vst v63  }
0x304: {  	s11 =	rddreg [dreg:$0x1b]  }
0x305: {  	[tilespmem:s19], [sflag:$0x1] =	stream.linear.gather [hbm4b:s11+s2], $0x190, $0x38;
	[tilespmem:$0x1F270] =	vst v63  }
0x306: {  	s10 =	sld [smem:$0x7F3]  }
0x307: {  	[spmem:s3] =	stream.indirect.scatter.add.f32 [tilespmem:s0], [sflag:$0x4], $0x20, s7, s18, $0xb8;
	[tilespmem:$0x1F270] =	vst v63  }
.LBB2_25:
0x308: {  	_ =	swait.ge [sflag:s24], $0x3200  }
0x309: {  	[sflag:s24] =	ssyncset.done $0x0  }
0x30a: {  	[sflag:s24] =	ssyncadd.s32 $0xFFFFCE00  }
0x30b: {  	_ =	swait.ge [sflag:s24], $0x190  }
0x30c: {  	[sflag:s24] =	ssyncset.done $0x0  }
0x30d: {  	[sflag:s24] =	ssyncadd.s32 $0xFFFFFE70  }
0x30e: {  	_ =	swait.ge [sflag:s14], $0x3200  }
0x30f: {  	s11 =	sld [smem:$0x7F7];
	_ =	sdelay $0x1  }
0x310: {  	[sflag:s14] =	ssyncset.done $0x0  }
0x311: {  	[sflag:s14] =	ssyncadd.s32 $0xFFFFCE00;
	s11 =	sadd.s32 s2, s11  }
0x312: {  	[tilespmem:s0], [sflag:$0x2] =	stream.strided.gather [hbm4b:s11+s15], $0x3200, s28, s15, $0x38;
	[tilespmem:$0x1F270] =	vst v63  }
0x313: {  	s11 =	sadd.s32 $0xFFFFFFCE, s10  }
0x314: {  	[tilespmem:s7], [sflag:$0x2] =	stream.linear.gather [hbm4b:s11+s4], $0x190, $0x38;
	[tilespmem:$0x1F270] =	vst v63  }
0x315: {  	_ = 	snop  }
0x316: {  	[spmem:s3] =	stream.indirect.scatter.add.f32 [tilespmem:s17], [sflag:$0x3], $0x20, s19, s18, $0xb8;
	[tilespmem:$0x1F270] =	vst v63  }
0x317: {  	p0 =	seq.s32 s2, $0x8FC00;
	_ =	swait.ge [sflag:s8], $0x3200  }
.Ltmp13:
0x318: {  	[sflag:s8] =	ssyncset.done $0x0;
	(pc) =	sbr.rel @p0 .LBB2_27-.Ltmp13, $4  }
0x319: {  	[sflag:s8] =	ssyncadd.s32 $0xFFFFCE00  }
0x31a: {  	_ =	swait.ge [sflag:s8], $0x190  }
0x31b: {  	[sflag:s8] =	ssyncset.done $0x0  }
0x31c: {  	[sflag:s8] =	ssyncadd.s32 $0xFFFFFE70  }
0x31d: {  	_ =	swait.ge [sflag:s16], $0x3200  }
0x31e: {  	s11 =	sld [smem:$0x7F6];
	_ =	sdelay $0x1  }
0x31f: {  	[sflag:s16] =	ssyncset.done $0x0  }
0x320: {  	[sflag:s16] =	ssyncadd.s32 $0xFFFFCE00;
	s11 =	sadd.s32 s2, s11  }
0x321: {  	[tilespmem:s17], [sflag:$0x1] =	stream.strided.gather [hbm4b:s11+s15], $0x3200, s28, s15, $0x38;
	[tilespmem:$0x1F270] =	vst v63  }
.Ltmp14:
0x322: {  	_ = 	snop;
	(pc) =	sbr.rel .LBB2_25-.Ltmp14, $4  }
0x323: {  	_ = 	snop  }
0x324: {  	[tilespmem:s19], [sflag:$0x1] =	stream.linear.gather [hbm4b:s10+s4], $0x190, $0x38;
	[tilespmem:$0x1F270] =	vst v63  }
0x325: {  	s2 =	sadd.s32 $0x6400, s2;
	s10 =	sadd.s32 $0x64, s10  }
0x326: {  	[spmem:s3] =	stream.indirect.scatter.add.f32 [tilespmem:s0], [sflag:$0x4], $0x20, s7, s18, $0xb8;
	[tilespmem:$0x1F270] =	vst v63  }
.LBB2_27:
0x327: {  	[spmem:s3] =	stream.indirect.scatter.add.f32 [tilespmem:s0], [sflag:$0x4], $0x20, s7, s18, $0xb8;
	[tilespmem:$0x1F270] =	vst v63  }
0x328: {  	_ =	swait.ge [sflag:s16], $0x3200  }
0x329: {  	[sflag:s16] =	ssyncset.done $0x0  }
0x32a: {  	[sflag:s16] =	ssyncadd.s32 $0xFFFFCE00  }
0x32b: {  	_ =	swait.ge [sflag:s14], $0x3200  }
0x32c: {  	[sflag:s14] =	ssyncset.done $0x0  }
0x32d: {  	[sflag:s14] =	ssyncadd.s32 $0xFFFFCE00  }
0x32e: {  	[bflag:$0x0] =	sbarrier.arrive $0xFFFF  }
0x32f: {  	s11 =	sld [smem:$0x7F0];
	_ =	sdelay $0x1  }
0x330: {  	s10 =	simm.s32 $0x10;
	s2 =	rddreg [dreg:$0xa]  }
0x331: {  	[hbm:s2@s10], [sflag:s26] =	dma.strided [spmem:s11@s14], $0x9C4, s24, $0x4   }
0x332: {  	s10 =	simm.s32 $0x5  }
0x333: {  	_ =	swait.ge [sflag:s10], $0x9C4  }
0x334: {  	[sflag:s10] =	ssyncset.done $0x0  }
0x335: {  	[sflag:s10] =	ssyncadd.s32 $0xFFFFF63C  }
0x336: {  	[spmem:s11], [sflag:s26] =	dma.local [hbm:s25], $0x9C4  }
0x337: {  	_ =	swait.ge [sflag:s10], $0x9C4  }
0x338: {  	[sflag:s10] =	ssyncset.done $0x0  }
0x339: {  	[sflag:s10] =	ssyncadd.s32 $0xFFFFF63C  }
0x33a: {  	[bflag:$0x0] =	sbarrier.arrive $0xFFFF  }
0x33b: {  	[tilespmem:s17], [sflag:$0x1] =	stream.strided.gather [hbm4b:s29+s15], $0x3200, s28, s15, $0x38;
	[tilespmem:$0x1F270] =	vst v63  }
0x33c: {  	s2 =	simm.s32 $0x0  }
0x33d: {  	[tilespmem:s19], [sflag:$0x1] =	stream.linear.gather [hbm4b:s30+s2], $0x190, $0x38;
	[tilespmem:$0x1F270] =	vst v63  }
0x33e: {  	_ =	swait.ge [sflag:s24], $0x3200  }
0x33f: {  	[sflag:s24] =	ssyncset.done $0x0  }
0x340: {  	[sflag:s24] =	ssyncadd.s32 $0xFFFFCE00  }
0x341: {  	_ =	swait.ge [sflag:s24], $0x190  }
0x342: {  	[sflag:s24] =	ssyncset.done $0x0  }
0x343: {  	s11 =	rddreg [dreg:$0x1e];
	[sflag:s24] =	ssyncadd.s32 $0xFFFFFE70  }
0x344: {  	[tilespmem:s0], [sflag:$0x2] =	stream.strided.gather [hbm4b:s11+s15], $0x3200, s28, s15, $0x38;
	[tilespmem:$0x1F270] =	vst v63  }
0x345: {  	_ = 	snop  }
0x346: {  	[tilespmem:s7], [sflag:$0x2] =	stream.linear.gather [hbm4b:s31+s2], $0x190, $0x38;
	[tilespmem:$0x1F270] =	vst v63  }
0x347: {  	_ = 	snop  }
0x348: {  	[spmem:s3] =	stream.indirect.scatter.add.f32 [tilespmem:s17], [sflag:$0x3], $0x20, s19, s18, $0xb8;
	[tilespmem:$0x1F270] =	vst v63  }
0x349: {  	_ =	swait.ge [sflag:s8], $0x3200  }
0x34a: {  	[sflag:s8] =	ssyncset.done $0x0  }
0x34b: {  	[sflag:s8] =	ssyncadd.s32 $0xFFFFCE00  }
0x34c: {  	_ =	swait.ge [sflag:s8], $0x190  }
0x34d: {  	[sflag:s8] =	ssyncset.done $0x0  }
0x34e: {  	[sflag:s8] =	ssyncadd.s32 $0xFFFFFE70  }
0x34f: {  	_ =	swait.ge [sflag:s16], $0x3200  }
0x350: {  	[sflag:s16] =	ssyncset.done $0x0  }
0x351: {  	s11 =	rddreg [dreg:$0x1f];
	[sflag:s16] =	ssyncadd.s32 $0xFFFFCE00  }
0x352: {  	[tilespmem:s17], [sflag:$0x1] =	stream.strided.gather [hbm4b:s11+s15], $0x3200, s28, s15, $0x38;
	[tilespmem:$0x1F270] =	vst v63  }
0x353: {  	s11 =	rddreg [dreg:$0x1b]  }
0x354: {  	[tilespmem:s19], [sflag:$0x1] =	stream.linear.gather [hbm4b:s11+s2], $0x190, $0x38;
	[tilespmem:$0x1F270] =	vst v63  }
0x355: {  	s10 =	sld [smem:$0x7F3]  }
0x356: {  	[spmem:s3] =	stream.indirect.scatter.add.f32 [tilespmem:s0], [sflag:$0x4], $0x20, s7, s18, $0xb8;
	[tilespmem:$0x1F270] =	vst v63  }
.LBB2_28:
0x357: {  	_ =	swait.ge [sflag:s24], $0x3200  }
0x358: {  	[sflag:s24] =	ssyncset.done $0x0  }
0x359: {  	[sflag:s24] =	ssyncadd.s32 $0xFFFFCE00  }
0x35a: {  	_ =	swait.ge [sflag:s24], $0x190  }
0x35b: {  	[sflag:s24] =	ssyncset.done $0x0  }
0x35c: {  	[sflag:s24] =	ssyncadd.s32 $0xFFFFFE70  }
0x35d: {  	_ =	swait.ge [sflag:s14], $0x3200  }
0x35e: {  	s11 =	sld [smem:$0x7F9];
	_ =	sdelay $0x1  }
0x35f: {  	[sflag:s14] =	ssyncset.done $0x0  }
0x360: {  	[sflag:s14] =	ssyncadd.s32 $0xFFFFCE00;
	s11 =	sadd.s32 s2, s11  }
0x361: {  	[tilespmem:s0], [sflag:$0x2] =	stream.strided.gather [hbm4b:s11+s15], $0x3200, s28, s15, $0x38;
	[tilespmem:$0x1F270] =	vst v63  }
0x362: {  	s11 =	sadd.s32 $0xFFFFFFCE, s10  }
0x363: {  	[tilespmem:s7], [sflag:$0x2] =	stream.linear.gather [hbm4b:s11+s4], $0x190, $0x38;
	[tilespmem:$0x1F270] =	vst v63  }
0x364: {  	_ = 	snop  }
0x365: {  	[spmem:s3] =	stream.indirect.scatter.add.f32 [tilespmem:s17], [sflag:$0x3], $0x20, s19, s18, $0xb8;
	[tilespmem:$0x1F270] =	vst v63  }
0x366: {  	p0 =	seq.s32 s2, $0x8FC00;
	_ =	swait.ge [sflag:s8], $0x3200  }
.Ltmp15:
0x367: {  	[sflag:s8] =	ssyncset.done $0x0;
	(pc) =	sbr.rel @p0 .LBB2_30-.Ltmp15, $4  }
0x368: {  	[sflag:s8] =	ssyncadd.s32 $0xFFFFCE00  }
0x369: {  	_ =	swait.ge [sflag:s8], $0x190  }
0x36a: {  	[sflag:s8] =	ssyncset.done $0x0  }
0x36b: {  	[sflag:s8] =	ssyncadd.s32 $0xFFFFFE70  }
0x36c: {  	_ =	swait.ge [sflag:s16], $0x3200  }
0x36d: {  	s11 =	sld [smem:$0x7F8];
	_ =	sdelay $0x1  }
0x36e: {  	[sflag:s16] =	ssyncset.done $0x0  }
0x36f: {  	[sflag:s16] =	ssyncadd.s32 $0xFFFFCE00;
	s11 =	sadd.s32 s2, s11  }
0x370: {  	[tilespmem:s17], [sflag:$0x1] =	stream.strided.gather [hbm4b:s11+s15], $0x3200, s28, s15, $0x38;
	[tilespmem:$0x1F270] =	vst v63  }
.Ltmp16:
0x371: {  	_ = 	snop;
	(pc) =	sbr.rel .LBB2_28-.Ltmp16, $4  }
0x372: {  	_ = 	snop  }
0x373: {  	[tilespmem:s19], [sflag:$0x1] =	stream.linear.gather [hbm4b:s10+s4], $0x190, $0x38;
	[tilespmem:$0x1F270] =	vst v63  }
0x374: {  	s2 =	sadd.s32 $0x6400, s2;
	s10 =	sadd.s32 $0x64, s10  }
0x375: {  	[spmem:s3] =	stream.indirect.scatter.add.f32 [tilespmem:s0], [sflag:$0x4], $0x20, s7, s18, $0xb8;
	[tilespmem:$0x1F270] =	vst v63  }
.LBB2_30:
0x376: {  	[spmem:s3] =	stream.indirect.scatter.add.f32 [tilespmem:s0], [sflag:$0x4], $0x20, s7, s18, $0xb8;
	[tilespmem:$0x1F270] =	vst v63  }
0x377: {  	_ =	swait.ge [sflag:s16], $0x3200  }
0x378: {  	[sflag:s16] =	ssyncset.done $0x0  }
0x379: {  	[sflag:s16] =	ssyncadd.s32 $0xFFFFCE00  }
0x37a: {  	_ =	swait.ge [sflag:s14], $0x3200  }
0x37b: {  	[sflag:s14] =	ssyncset.done $0x0  }
0x37c: {  	[sflag:s14] =	ssyncadd.s32 $0xFFFFCE00  }
0x37d: {  	[bflag:$0x0] =	sbarrier.arrive $0xFFFF  }
0x37e: {  	s11 =	sld [smem:$0x7F0];
	_ =	sdelay $0x1  }
0x37f: {  	s10 =	simm.s32 $0x10;
	s2 =	rddreg [dreg:$0xb]  }
0x380: {  	[hbm:s2@s10], [sflag:s26] =	dma.strided [spmem:s11@s14], $0x9C4, s24, $0x4   }
0x381: {  	s10 =	simm.s32 $0x5  }
0x382: {  	_ =	swait.ge [sflag:s10], $0x9C4  }
0x383: {  	[sflag:s10] =	ssyncset.done $0x0  }
0x384: {  	[sflag:s10] =	ssyncadd.s32 $0xFFFFF63C  }
0x385: {  	[spmem:s11], [sflag:s26] =	dma.local [hbm:s25], $0x9C4  }
0x386: {  	_ =	swait.ge [sflag:s10], $0x9C4  }
0x387: {  	[sflag:s10] =	ssyncset.done $0x0  }
0x388: {  	[sflag:s10] =	ssyncadd.s32 $0xFFFFF63C  }
0x389: {  	[bflag:$0x0] =	sbarrier.arrive $0xFFFF  }
0x38a: {  	s10 =	rddreg [dreg:$0x12]  }
0x38b: {  	[tilespmem:s17], [sflag:$0x1] =	stream.strided.gather [hbm4b:s10+s15], $0x3200, s28, s15, $0x38;
	[tilespmem:$0x1F270] =	vst v63  }
0x38c: {  	s2 =	simm.s32 $0x0  }
0x38d: {  	[tilespmem:s19], [sflag:$0x1] =	stream.linear.gather [hbm4b:s30+s2], $0x190, $0x38;
	[tilespmem:$0x1F270] =	vst v63  }
0x38e: {  	_ =	swait.ge [sflag:s24], $0x3200  }
0x38f: {  	[sflag:s24] =	ssyncset.done $0x0  }
0x390: {  	[sflag:s24] =	ssyncadd.s32 $0xFFFFCE00  }
0x391: {  	_ =	swait.ge [sflag:s24], $0x190  }
0x392: {  	s11 =	sld [smem:$0x7F1]  }
0x393: {  	[sflag:s24] =	ssyncset.done $0x0  }
0x394: {  	[sflag:s24] =	ssyncadd.s32 $0xFFFFFE70  }
0x395: {  	[tilespmem:s0], [sflag:$0x2] =	stream.strided.gather [hbm4b:s11+s15], $0x3200, s28, s15, $0x38;
	[tilespmem:$0x1F270] =	vst v63  }
0x396: {  	_ = 	snop  }
0x397: {  	[tilespmem:s7], [sflag:$0x2] =	stream.linear.gather [hbm4b:s31+s2], $0x190, $0x38;
	[tilespmem:$0x1F270] =	vst v63  }
0x398: {  	_ = 	snop  }
0x399: {  	[spmem:s3] =	stream.indirect.scatter.add.f32 [tilespmem:s17], [sflag:$0x3], $0x20, s19, s18, $0xb8;
	[tilespmem:$0x1F270] =	vst v63  }
0x39a: {  	_ =	swait.ge [sflag:s8], $0x3200  }
0x39b: {  	[sflag:s8] =	ssyncset.done $0x0  }
0x39c: {  	[sflag:s8] =	ssyncadd.s32 $0xFFFFCE00  }
0x39d: {  	_ =	swait.ge [sflag:s8], $0x190  }
0x39e: {  	[sflag:s8] =	ssyncset.done $0x0  }
0x39f: {  	[sflag:s8] =	ssyncadd.s32 $0xFFFFFE70  }
0x3a0: {  	_ =	swait.ge [sflag:s16], $0x3200  }
0x3a1: {  	s11 =	sld [smem:$0x7F2]  }
0x3a2: {  	[sflag:s16] =	ssyncset.done $0x0  }
0x3a3: {  	[sflag:s16] =	ssyncadd.s32 $0xFFFFCE00  }
0x3a4: {  	[tilespmem:s17], [sflag:$0x1] =	stream.strided.gather [hbm4b:s11+s15], $0x3200, s28, s15, $0x38;
	[tilespmem:$0x1F270] =	vst v63  }
0x3a5: {  	s31 =	rddreg [dreg:$0x1b]  }
0x3a6: {  	[tilespmem:s19], [sflag:$0x1] =	stream.linear.gather [hbm4b:s31+s2], $0x190, $0x38;
	[tilespmem:$0x1F270] =	vst v63  }
0x3a7: {  	s10 =	sld [smem:$0x7F3]  }
0x3a8: {  	[spmem:s3] =	stream.indirect.scatter.add.f32 [tilespmem:s0], [sflag:$0x4], $0x20, s7, s18, $0xb8;
	[tilespmem:$0x1F270] =	vst v63  }
.LBB2_31:
0x3a9: {  	_ =	swait.ge [sflag:s24], $0x3200  }
0x3aa: {  	[sflag:s24] =	ssyncset.done $0x0  }
0x3ab: {  	[sflag:s24] =	ssyncadd.s32 $0xFFFFCE00  }
0x3ac: {  	_ =	swait.ge [sflag:s24], $0x190  }
0x3ad: {  	[sflag:s24] =	ssyncset.done $0x0  }
0x3ae: {  	[sflag:s24] =	ssyncadd.s32 $0xFFFFFE70  }
0x3af: {  	_ =	swait.ge [sflag:s14], $0x3200  }
0x3b0: {  	s11 =	sld [smem:$0x7FB];
	_ =	sdelay $0x1  }
0x3b1: {  	[sflag:s14] =	ssyncset.done $0x0  }
0x3b2: {  	[sflag:s14] =	ssyncadd.s32 $0xFFFFCE00;
	s11 =	sadd.s32 s2, s11  }
0x3b3: {  	[tilespmem:s0], [sflag:$0x2] =	stream.strided.gather [hbm4b:s11+s15], $0x3200, s28, s15, $0x38;
	[tilespmem:$0x1F270] =	vst v63  }
0x3b4: {  	s31 =	sadd.s32 $0xFFFFFFCE, s10  }
0x3b5: {  	[tilespmem:s7], [sflag:$0x2] =	stream.linear.gather [hbm4b:s31+s4], $0x190, $0x38;
	[tilespmem:$0x1F270] =	vst v63  }
0x3b6: {  	_ = 	snop  }
0x3b7: {  	[spmem:s3] =	stream.indirect.scatter.add.f32 [tilespmem:s17], [sflag:$0x3], $0x20, s19, s18, $0xb8;
	[tilespmem:$0x1F270] =	vst v63  }
0x3b8: {  	p0 =	seq.s32 s2, $0x8FC00;
	_ =	swait.ge [sflag:s8], $0x3200  }
.Ltmp17:
0x3b9: {  	[sflag:s8] =	ssyncset.done $0x0;
	(pc) =	sbr.rel @p0 .LBB2_33-.Ltmp17, $4  }
0x3ba: {  	[sflag:s8] =	ssyncadd.s32 $0xFFFFCE00  }
0x3bb: {  	_ =	swait.ge [sflag:s8], $0x190  }
0x3bc: {  	[sflag:s8] =	ssyncset.done $0x0  }
0x3bd: {  	[sflag:s8] =	ssyncadd.s32 $0xFFFFFE70  }
0x3be: {  	_ =	swait.ge [sflag:s16], $0x3200  }
0x3bf: {  	s11 =	sld [smem:$0x7FA];
	_ =	sdelay $0x1  }
0x3c0: {  	[sflag:s16] =	ssyncset.done $0x0  }
0x3c1: {  	[sflag:s16] =	ssyncadd.s32 $0xFFFFCE00;
	s11 =	sadd.s32 s2, s11  }
0x3c2: {  	[tilespmem:s17], [sflag:$0x1] =	stream.strided.gather [hbm4b:s11+s15], $0x3200, s28, s15, $0x38;
	[tilespmem:$0x1F270] =	vst v63  }
.Ltmp18:
0x3c3: {  	_ = 	snop;
	(pc) =	sbr.rel .LBB2_31-.Ltmp18, $4  }
0x3c4: {  	_ = 	snop  }
0x3c5: {  	[tilespmem:s19], [sflag:$0x1] =	stream.linear.gather [hbm4b:s10+s4], $0x190, $0x38;
	[tilespmem:$0x1F270] =	vst v63  }
0x3c6: {  	s2 =	sadd.s32 $0x6400, s2;
	s10 =	sadd.s32 $0x64, s10  }
0x3c7: {  	[spmem:s3] =	stream.indirect.scatter.add.f32 [tilespmem:s0], [sflag:$0x4], $0x20, s7, s18, $0xb8;
	[tilespmem:$0x1F270] =	vst v63  }
.LBB2_33:
0x3c8: {  	[spmem:s3] =	stream.indirect.scatter.add.f32 [tilespmem:s0], [sflag:$0x4], $0x20, s7, s18, $0xb8;
	[tilespmem:$0x1F270] =	vst v63  }
0x3c9: {  	_ =	swait.ge [sflag:s16], $0x3200  }
0x3ca: {  	[sflag:s16] =	ssyncset.done $0x0  }
0x3cb: {  	[sflag:s16] =	ssyncadd.s32 $0xFFFFCE00  }
0x3cc: {  	_ =	swait.ge [sflag:s14], $0x3200  }
0x3cd: {  	[sflag:s14] =	ssyncset.done $0x0  }
0x3ce: {  	[sflag:s14] =	ssyncadd.s32 $0xFFFFCE00  }
0x3cf: {  	[bflag:$0x0] =	sbarrier.arrive $0xFFFF  }
0x3d0: {  	s11 =	sld [smem:$0x7F0];
	_ =	sdelay $0x1  }
0x3d1: {  	s10 =	simm.s32 $0x10;
	s31 =	simm.s32 $0x5;
	s2 =	rddreg [dreg:$0xc]  }
0x3d2: {  	[hbm:s2@s10], [sflag:s26] =	dma.strided [spmem:s11@s14], $0x9C4, s24, $0x4   }
0x3d3: {  	_ =	swait.ge [sflag:s31], $0x9C4  }
0x3d4: {  	[sflag:s31] =	ssyncset.done $0x0  }
0x3d5: {  	[sflag:s31] =	ssyncadd.s32 $0xFFFFF63C  }
0x3d6: {  	[spmem:s11], [sflag:s26] =	dma.local [hbm:s25], $0x9C4  }
0x3d7: {  	_ =	swait.ge [sflag:s31], $0x9C4  }
0x3d8: {  	[sflag:s31] =	ssyncset.done $0x0  }
0x3d9: {  	[sflag:s31] =	ssyncadd.s32 $0xFFFFF63C  }
0x3da: {  	s2 =	simm.s32 $0x80;
	s10 =	simm.s32 $0x0;
	[bflag:$0x0] =	sbarrier.arrive $0xFFFF  }
.LBB2_34:
0x3db: {  	p0 =	sne.s32 s2, $0xC780;
	[tilespmem:s10+$0x13880] =	vst v0;
	s11 =	smov.u32 s2;
	s2 =	sadd.s32 $0x80, s2  }
.Ltmp19:
0x3dc: {  	[tilespmem:s10+$0x13890] =	vst v0;
	(pc) =	sbr.rel @p0 .LBB2_34-.Ltmp19, $2  }
0x3dd: {  	_ =	sdelay $0x2  }
0x3de: {  	s10 =	sshra.s32 s11, $0x2  }
0x3df: {  	[tilespmem:s10+$0x13880] =	vst v0  }
0x3e0: {  	[tilespmem:s10+$0x13890] =	vst v0;
	s2 =	simm.s32 $0x0;
	s31 =	rddreg [dreg:$0x15]  }
0x3e1: {  	[tilespmem:s19], [sflag:$0x1] =	stream.linear.gather [hbm4b:s31+s2], $0x190, $0x38;
	[tilespmem:$0x1F270] =	vst v63  }
0x3e2: {  	_ =	swait.ge [sflag:s24], $0x190  }
0x3e3: {  	s11 =	sld [smem:$0x7FC]  }
0x3e4: {  	[sflag:s24] =	ssyncset.done $0x0  }
0x3e5: {  	[sflag:s24] =	ssyncadd.s32 $0xFFFFFE70  }
0x3e6: {  	[tilespmem:s7], [sflag:$0x2] =	stream.linear.gather [hbm4b:s11+s2], $0x190, $0x38;
	[tilespmem:$0x1F270] =	vst v63  }
0x3e7: {  	_ = 	snop  }
0x3e8: {  	[spmem:s3] =	stream.indirect.scatter.add.f32 [tilespmem:s17], [sflag:$0x3], $0x20, s19, s18, $0xb8;
	[tilespmem:$0x1F270] =	vst v63  }
0x3e9: {  	_ =	swait.ge [sflag:s8], $0x190  }
0x3ea: {  	[sflag:s8] =	ssyncset.done $0x0  }
0x3eb: {  	[sflag:s8] =	ssyncadd.s32 $0xFFFFFE70  }
0x3ec: {  	_ =	swait.ge [sflag:s16], $0x3200  }
0x3ed: {  	s31 =	sld [smem:$0x7FD]  }
0x3ee: {  	[sflag:s16] =	ssyncset.done $0x0  }
0x3ef: {  	[sflag:s16] =	ssyncadd.s32 $0xFFFFCE00  }
0x3f0: {  	[tilespmem:s19], [sflag:$0x1] =	stream.linear.gather [hbm4b:s31+s2], $0x190, $0x38;
	[tilespmem:$0x1F270] =	vst v63  }
0x3f1: {  	_ = 	snop  }
0x3f2: {  	[spmem:s3] =	stream.indirect.scatter.add.f32 [tilespmem:s17], [sflag:$0x4], $0x20, s7, s18, $0xb8;
	[tilespmem:$0x1F270] =	vst v63  }
0x3f3: {  	_ =	swait.ge [sflag:s24], $0x190  }
0x3f4: {  	[sflag:s24] =	ssyncset.done $0x0  }
0x3f5: {  	[sflag:s24] =	ssyncadd.s32 $0xFFFFFE70  }
0x3f6: {  	_ =	swait.ge [sflag:s14], $0x3200  }
0x3f7: {  	[sflag:s14] =	ssyncset.done $0x0  }
0x3f8: {  	s11 =	sadd.s32 $0x0, s13;
	[sflag:s14] =	ssyncadd.s32 $0xFFFFCE00  }
0x3f9: {  	[tilespmem:s7], [sflag:$0x2] =	stream.linear.gather [hbm4b:s11+s4], $0x190, $0x38;
	[tilespmem:$0x1F270] =	vst v63  }
0x3fa: {  	_ = 	snop  }
0x3fb: {  	[spmem:s3] =	stream.indirect.scatter.add.f32 [tilespmem:s17], [sflag:$0x3], $0x20, s19, s18, $0xb8;
	[tilespmem:$0x1F270] =	vst v63  }
0x3fc: {  	_ =	swait.ge [sflag:s8], $0x190  }
0x3fd: {  	[sflag:s8] =	ssyncset.done $0x0  }
0x3fe: {  	[sflag:s8] =	ssyncadd.s32 $0xFFFFFE70  }
0x3ff: {  	_ =	swait.ge [sflag:s16], $0x3200  }
0x400: {  	[sflag:s16] =	ssyncset.done $0x0  }
0x401: {  	s31 =	sadd.s32 $0x0, s12;
	s2 =	simm.s32 $0x64;
	[sflag:s16] =	ssyncadd.s32 $0xFFFFCE00  }
0x402: {  	[tilespmem:s19], [sflag:$0x1] =	stream.linear.gather [hbm4b:s31+s4], $0x190, $0x38;
	[tilespmem:$0x1F270] =	vst v63  }
.LBB2_36:
0x403: {  	[spmem:s3] =	stream.indirect.scatter.add.f32 [tilespmem:s17], [sflag:$0x4], $0x20, s7, s18, $0xb8;
	[tilespmem:$0x1F270] =	vst v63  }
0x404: {  	s10 =	smov.u32 s2  }
0x405: {  	p0 =	sne.s32 s2, $0x3E8;
	s2 =	sadd.s32 $0x64, s2;
	_ =	swait.ge [sflag:s24], $0x190  }
0x406: {  	[sflag:s24] =	ssyncset.done $0x0  }
0x407: {  	[sflag:s24] =	ssyncadd.s32 $0xFFFFFE70  }
0x408: {  	_ =	swait.ge [sflag:s14], $0x3200  }
0x409: {  	[sflag:s14] =	ssyncset.done $0x0  }
0x40a: {  	s11 =	sadd.s32 s10, s13;
	[sflag:s14] =	ssyncadd.s32 $0xFFFFCE00  }
0x40b: {  	[tilespmem:s7], [sflag:$0x2] =	stream.linear.gather [hbm4b:s11+s4], $0x190, $0x38;
	[tilespmem:$0x1F270] =	vst v63  }
0x40c: {  	_ = 	snop  }
0x40d: {  	[spmem:s3] =	stream.indirect.scatter.add.f32 [tilespmem:s17], [sflag:$0x3], $0x20, s19, s18, $0xb8;
	[tilespmem:$0x1F270] =	vst v63  }
0x40e: {  	_ =	swait.ge [sflag:s8], $0x190  }
0x40f: {  	[sflag:s8] =	ssyncset.done $0x0  }
.Ltmp20:
0x410: {  	[sflag:s8] =	ssyncadd.s32 $0xFFFFFE70;
	(pc) =	sbr.rel @p0 .LBB2_36-.Ltmp20, $4  }
0x411: {  	_ =	swait.ge [sflag:s16], $0x3200  }
0x412: {  	[sflag:s16] =	ssyncset.done $0x0  }
0x413: {  	s10 =	sadd.s32 s10, s12;
	[sflag:s16] =	ssyncadd.s32 $0xFFFFCE00  }
0x414: {  	[tilespmem:s19], [sflag:$0x1] =	stream.linear.gather [hbm4b:s10+s4], $0x190, $0x38;
	[tilespmem:$0x1F270] =	vst v63  }
0x415: {  	[spmem:s3] =	stream.indirect.scatter.add.f32 [tilespmem:s17], [sflag:$0x4], $0x20, s7, s18, $0xb8;
	[tilespmem:$0x1F270] =	vst v63  }
0x416: {  	_ =	swait.ge [sflag:s24], $0x190  }
0x417: {  	[sflag:s24] =	ssyncset.done $0x0  }
0x418: {  	[sflag:s24] =	ssyncadd.s32 $0xFFFFFE70  }
0x419: {  	[spmem:s3] =	stream.indirect.scatter.add.f32 [tilespmem:s17], [sflag:$0x3], $0x20, s19, s18, $0xb8;
	[tilespmem:$0x1F270] =	vst v63  }
0x41a: {  	_ =	swait.ge [sflag:s16], $0x3200  }
0x41b: {  	[sflag:s16] =	ssyncset.done $0x0  }
0x41c: {  	[sflag:s16] =	ssyncadd.s32 $0xFFFFCE00  }
0x41d: {  	_ =	swait.ge [sflag:s14], $0x3200  }
0x41e: {  	[sflag:s14] =	ssyncset.done $0x0  }
0x41f: {  	[sflag:s14] =	ssyncadd.s32 $0xFFFFCE00  }
0x420: {  	[bflag:$0x0] =	sbarrier.arrive $0xFFFF  }
0x421: {  	s10 =	sld [smem:$0x7F0];
	_ =	sdelay $0x1  }
0x422: {  	s2 =	rddreg [dreg:$0x16]  }
0x423: {  	[hbm:s2], [sflag:s26] =	dma.local [spmem:s10], $0x9C4  }
0x424: {  	s10 =	simm.s32 $0x5  }
0x425: {  	_ =	swait.ge [sflag:s10], $0x9C4  }
0x426: {  	s11 =	sld [smem:$0x7EF];
	_ =	sdelay $0x2  }
0x427: {  	s31 =	rddreg [dreg:$0x17];
	s11 =	sadd.s32 $0x1, s11  }
0x428: {  	p0 =	sne.s32 s11, s31  }
.Ltmp21:
0x429: {  	_ = 	snop;
	(pc) =	sbr.rel @p0 .LBB2_1-.Ltmp21, $3  }
0x42a: {  	_ =	sdelay $0x1  }
0x42b: {  	[sflag:s10] =	ssyncset.done $0x0  }
0x42c: {  	[sflag:s10] =	ssyncadd.s32 $0xFFFFF63C  }
0x42d: {  	_ =	sfence.sel $0x180000  }
0x42e: {  	[bflag:$0x0] =	sbarrier.arrive $0xFFFF  }
0x42f: {  	_ =	strace $0x90000047  }
0x430: {  	s0 =	stileid.u32;
	[bflag:$0x2] =	sbarrier.arrive $0xFFFF  }
0x431: {  	p0 =	sne.s32 s0, $0x0;
	s0 =	rddreg [dreg:$0x4]  }
0x432: {  	s0 =	sadd.s32 @!p0 $0x100000, s0  }
0x433: {  	[sflag:s0] =	ssyncadd.tile.s32 @!p0 $0x1;
	_ =	shalt  }
.Lfunc_end2:
_tile_overlayer_lowered:
.L_overlay_start_2:
0x434: {  	(tag) =	ssettag $0x2  }
0x435: {  	s0 =	rddreg [dreg:$0x0];
	s2 =	stileid.u32  }
0x436: {  	s1 =	rddreg [dreg:$0x1];
	p0 =	sne.s32 s2, $0x0  }
0x437: {  	s3 =	rddreg [dreg:$0x2];
	[bflag:$0x3] =	sbarrier.arrive $0xFFFF;
	s2 =	simm.s32 @!p0 $0x1C05  }
0x438: {  	[timem:s3], [sflag:s2] =	dma.local @!p0 [hbm:s0], s1  }
0x439: {  	s0 =	simm.s32 @!p0 $0x5  }
0x43a: {  	_ =	swait.ge @!p0 [sflag:s0], s1  }
0x43b: {  	s1 =	ssub.s32 @!p0 $0x0, s1;
	[sflag:s0] =	ssyncset.done @!p0 $0x0  }
0x43c: {  	[sflag:s0] =	ssyncadd.s32 @!p0 s1  }
0x43d: {  	[bflag:$0x3] =	sbarrier.arrive $0xFFFF  }
0x43e: {  	_ =	shalt  }

</sc_bundles>
